<compile_context>
chip_gen: v7x
topology: tpu7x:2x2x1
jax: 0.10.2.dev20260603
libtpu: 0.0.44.dev20260713+nightly
codegen_flags: <defaults>
</compile_context>

<pallas_src>
import numpy as np

import jax
import jax.numpy as jnp
from jax import lax
from jax.experimental import pallas as pl
from jax.experimental.pallas import tpu as pltpu
from jax.experimental.pallas import tpu_sc as plsc

R = 128
N = 32768
L = 16
NC = 2
NS = 16
NW = NC * NS
ROWS_PER_W = R // NW
SEG = N // L
NCHUNK = N // L
NST0 = 3 * NCHUNK // 4
NST1 = NCHUNK - NST0
SEG_SHIFT = 11
NBITS = 8
NBUCKET = 1 << NBITS
NPASS = 32 // NBITS
HIST = NBUCKET * L
INT_MIN = np.int32(-2147483648)


def _body(x_hbm, val_hbm, idx_hbm, key_v, pa, pb, hist, abuf, sums, sem):
    wid = lax.axis_index("s") * NC + lax.axis_index("c")
    lane = lax.iota(jnp.int32, L)
    ones = jnp.ones((L,), jnp.int32)
    dmask = np.int32(NBUCKET - 1)

    def do_row(r, row_carry):
        row = wid * ROWS_PER_W + r
        pltpu.sync_copy(x_hbm.at[row], key_v)

        @plsc.parallel_loop(0, NBUCKET, unroll=8)
        def zero0(i):
            hist[pl.ds(i * L, L)] = jnp.zeros((L,), jnp.int32)

        @plsc.parallel_loop(0, NCHUNK, unroll=8)
        def tx(c):
            b = key_v[pl.ds(c * L, L)]
            b = jnp.where(b == INT_MIN, np.int32(0), b)
            k = jnp.where(b < 0, ~b, b ^ INT_MIN)
            key_v[pl.ds(c * L, L)] = k
            addr = (k & dmask) * L + lax.shift_right_logical(c, 7)
            plsc.addupdate_scatter(hist, [addr], ones)

        for p in range(NPASS):
            shift = np.int32(NBITS * p)
            src = (None, pb, pa, pb)[p]
            dst = (pb, pa, pb, pa)[p]

            def iv_at(c):
                if p == 0:
                    return lane * SEG + c
                return src[pl.ds(c * L, L)]

            def addr_at(c):
                kb = plsc.load_gather(key_v, [iv_at(c)])
                d = lax.shift_right_logical(kb, shift) & dmask
                return d * L + lane

            if p > 0:
                @plsc.parallel_loop(0, NBUCKET, unroll=8)
                def zero(i):
                    hist[pl.ds(i * L, L)] = jnp.zeros((L,), jnp.int32)

                @plsc.parallel_loop(0, NST0, unroll=8)
                def aloop0(c):
                    a = addr_at(c)
                    plsc.addupdate_scatter(hist, [a], ones)
                    abuf[pl.ds(c * L, L)] = a

                @plsc.parallel_loop(NST0, NCHUNK, unroll=8)
                def aloop1(c):
                    plsc.addupdate_scatter(hist, [addr_at(c)], ones)

            @plsc.parallel_loop(0, NBUCKET, unroll=8)
            def s1(i):
                sums[i] = jnp.sum(hist[pl.ds(i * L, L)])

            def s2(i, carry):
                t = sums[i]
                sums[i] = carry
                return carry + t
            lax.fori_loop(0, NBUCKET, s2, np.int32(0))

            @plsc.parallel_loop(0, NBUCKET, unroll=8)
            def s3(i):
                v = hist[pl.ds(i * L, L)]
                hist[pl.ds(i * L, L)] = plsc.cumsum(v) - v + sums[i]

            for base, nch in ((0, NST0), (NST0, NST1)):
                if p == 0 or base > 0:
                    @plsc.parallel_loop(0, nch, unroll=8)
                    def stage(g):
                        abuf[pl.ds(g * L, L)] = addr_at(base + g)

                def bstep(g):
                    a = abuf[pl.ds(g * L, L)]
                    pos = plsc.load_gather(hist, [a])
                    plsc.addupdate_scatter(hist, [a], ones)
                    if p < NPASS - 1:
                        pos = ((pos & np.int32(SEG - 1)) << 4) | lax.shift_right_logical(pos, np.int32(SEG_SHIFT))
                    abuf[pl.ds(g * L, L)] = pos

                def bloop(g4, _):
                    for u in range(8):
                        bstep(g4 * 8 + u)
                    return _
                lax.fori_loop(0, nch // 8, bloop, 0)

                @plsc.parallel_loop(0, nch, unroll=8)
                def cloop(g):
                    ph = abuf[pl.ds(g * L, L)]
                    plsc.store_scatter(dst, [ph], iv_at(base + g))

        idx_dma = pltpu.async_copy(pa, idx_hbm.at[row], sem)

        @plsc.parallel_loop(0, NCHUNK, unroll=8)
        def ochunk(c):
            iv = pa[pl.ds(c * L, L)]
            kb = plsc.load_gather(key_v, [iv])
            pb[pl.ds(c * L, L)] = jnp.where(kb < 0, kb ^ INT_MIN, ~kb)

        idx_dma.wait()
        pltpu.sync_copy(pb, val_hbm.at[row])
        return row_carry

    lax.fori_loop(0, ROWS_PER_W, do_row, 0)


@jax.jit
def kernel(x):
    mesh = plsc.VectorSubcoreMesh(
        core_axis_name="c", subcore_axis_name="s", num_cores=NC, num_subcores=NS
    )
    run = pl.kernel(
        _body,
        out_type=(
            jax.ShapeDtypeStruct((R, N), jnp.int32),
            jax.ShapeDtypeStruct((R, N), jnp.int32),
        ),
        mesh=mesh,
        compiler_params=pltpu.CompilerParams(needs_layout_passes=False),
        scratch_types=[
            pltpu.VMEM((N,), jnp.int32),
            pltpu.VMEM((N,), jnp.int32),
            pltpu.VMEM((N,), jnp.int32),
            pltpu.VMEM((HIST,), jnp.int32),
            pltpu.VMEM((NST0 * L,), jnp.int32),
            pltpu.SMEM((NBUCKET,), jnp.int32),
            pltpu.SemaphoreType.DMA,
        ],
    )
    val_bits, idx = run(lax.bitcast_convert_type(x, jnp.int32))
    return lax.bitcast_convert_type(val_bits, jnp.float32), idx

# --- scband reference (transcript-rebuilt; emitter-appended) ---
"""Pipeline reference for scband-sort-stable-model-44985487458773 (READ-ONLY COPY).

The authoritative reference and input builder live on the scoring server;
editing this copy changes nothing except your own understanding.
"""

import jax, jax.numpy as jnp
import numpy as np

def setup_inputs(seed: int = 0) -> dict:
    key = jax.random.key(seed)
    x = jax.random.normal(key, (128, 32768), dtype=jnp.float32)
    return {"x": x}

def reference(x):
    # torch.sort(x, dim=-1, stable=True) -> (values, indices)
    indices = jnp.argsort(x, axis=-1, stable=True)
    values = jnp.take_along_axis(x, indices, axis=-1)
    return (values, indices)

if __name__ == "__main__":
    import jax
    _d = setup_inputs()
    print(jax.jit(kernel)(*tuple(_d.values())))

</pallas_src>

<mosaic_0001>
#map = affine_map<(d0, d1) -> (0, 0)>
module attributes {stable_mosaic.version = 14 : i64} {
  func.func @_body(%arg0: i32, %arg1: i32, %arg2: memref<128x32768xi32, #tpu.memory_space<hbm>>, %arg3: memref<128x32768xi32, #tpu.memory_space<hbm>>, %arg4: memref<128x32768xi32, #tpu.memory_space<hbm>>, %arg5: memref<32768xi32, #tpu.memory_space<vmem>>, %arg6: memref<32768xi32, #tpu.memory_space<vmem>>, %arg7: memref<32768xi32, #tpu.memory_space<vmem>>, %arg8: memref<4096xi32, #tpu.memory_space<vmem>>, %arg9: memref<24576xi32, #tpu.memory_space<vmem>>, %arg10: memref<256xi32, #tpu.memory_space<smem>>, %arg11: memref<!tpu.dma_semaphore, #tpu.memory_space<semaphore_mem>>) attributes {dimension_semantics = [#tpu.dimension_semantics<core_parallel>, #tpu.dimension_semantics<subcore_parallel>], iteration_bounds = array<i64: 2, 16>, scalar_prefetch = 0 : i64, scratch_operands = 7 : i64, tpu.core_type = #tpu.core_type<sc_vector_subcore>, window_params = [{transform_indices = #map}, {transform_indices = #map}, {transform_indices = #map}]} {
    %mul3A = arith.constant 2 : i32
    %mul3A_0 = arith.muli %arg1, %mul3A : i32
    %add3A = arith.addi %mul3A_0, %arg0 : i32
    %iota3A = tpu.iota {dimensions = array<i32: 0>} : vector<16xi32>
    %broadcast_in_dim3A = arith.constant 1 : i32
    %broadcast_in_dim3A_1 = vector.broadcast %broadcast_in_dim3A : i32 to vector<16xi32>
    %scan3A = arith.constant 0 : i32
    %scan3A_2 = arith.constant 0 : i32
    %scan3A_3 = arith.constant 4 : i32
    %scan3A_4 = arith.addi %scan3A_2, %scan3A_3 : i32
    %scan3A_5 = arith.constant 1 : i32
    scf.for %scan3A_7 = %scan3A_2 to %scan3A_4 step %scan3A_5  : i32 {
      %mul3A_8 = arith.constant 4 : i32
      %mul3A_9 = arith.muli %add3A, %mul3A_8 : i32
      %add3A_10 = arith.addi %mul3A_9, %scan3A_7 : i32
      "tpu.region"() ({
        %run_scoped3A = tpu.sem_alloc : memref<!tpu.dma_semaphore, #tpu.memory_space<semaphore_mem>>
        %dma_start3A_195 = arith.constant 0 : i32
        %dma_start3A_196 = tpu.memref_slice %arg2[%add3A_10, %dma_start3A_195] : memref<128x32768xi32, #tpu.memory_space<hbm>> -> memref<1x32768xi32, #tpu.memory_space<hbm>>
        %dma_start3A_197 = tpu.memref_squeeze %dma_start3A_196 : memref<1x32768xi32, #tpu.memory_space<hbm>> -> memref<32768xi32, #tpu.memory_space<hbm>>
        %dma_start3A_198 = arith.constant 0 : i32
        %dma_start3A_199 = tpu.memref_slice %arg2[%add3A_10, %dma_start3A_198] : memref<128x32768xi32, #tpu.memory_space<hbm>> -> memref<1x32768xi32, #tpu.memory_space<hbm>>
        %dma_start3A_200 = tpu.memref_squeeze %dma_start3A_199 : memref<1x32768xi32, #tpu.memory_space<hbm>> -> memref<32768xi32, #tpu.memory_space<hbm>>
        tpu.enqueue_dma source(%dma_start3A_200 : memref<32768xi32, #tpu.memory_space<hbm>>) target(%arg5 : memref<32768xi32, #tpu.memory_space<vmem>>) target_semaphore(%run_scoped3A : memref<!tpu.dma_semaphore, #tpu.memory_space<semaphore_mem>>)
        %dma_wait3A_201 = arith.constant 0 : i32
        %dma_wait3A_202 = tpu.memref_slice %arg2[%add3A_10, %dma_wait3A_201] : memref<128x32768xi32, #tpu.memory_space<hbm>> -> memref<1x32768xi32, #tpu.memory_space<hbm>>
        %dma_wait3A_203 = tpu.memref_squeeze %dma_wait3A_202 : memref<1x32768xi32, #tpu.memory_space<hbm>> -> memref<32768xi32, #tpu.memory_space<hbm>>
        %dma_wait3A_204 = arith.constant 0 : i32
        %dma_wait3A_205 = tpu.memref_slice %arg2[%add3A_10, %dma_wait3A_204] : memref<128x32768xi32, #tpu.memory_space<hbm>> -> memref<1x32768xi32, #tpu.memory_space<hbm>>
        %dma_wait3A_206 = tpu.memref_squeeze %dma_wait3A_205 : memref<1x32768xi32, #tpu.memory_space<hbm>> -> memref<32768xi32, #tpu.memory_space<hbm>>
        tpu.wait_dma2 semaphore(%run_scoped3A : memref<!tpu.dma_semaphore, #tpu.memory_space<semaphore_mem>>) src(%dma_wait3A_206 : memref<32768xi32, #tpu.memory_space<hbm>>) dst(%arg5 : memref<32768xi32, #tpu.memory_space<vmem>>)
        tpu.yield
      }) : () -> ()
      %parallel_loop3A = arith.constant 0 : i32
      %parallel_loop3A_11 = arith.constant 256 : i32
      %parallel_loop3A_12 = arith.constant 1 : i32
      scf.for %parallel_loop3A_195 = %parallel_loop3A to %parallel_loop3A_11 step %parallel_loop3A_12  : i32 {
        %parallel_loop3A_196 = arith.constant 0 : i32
        %parallel_loop3A_197 = vector.broadcast %parallel_loop3A_196 : i32 to vector<16xi32>
        %parallel_loop3A_198 = arith.constant 16 : i32
        %parallel_loop3A_199 = arith.muli %parallel_loop3A_195, %parallel_loop3A_198 : i32
        %parallel_loop3A_200 = arith.index_cast %parallel_loop3A_199 : i32 to index
        %parallel_loop3A_201 = tpu.vector_load %arg8[%parallel_loop3A_200] {strides = array<i32>} : memref<4096xi32, #tpu.memory_space<vmem>>, vector<16xi32>,
        tpu.vector_store %arg8[%parallel_loop3A_200], %parallel_loop3A_197 {strides = array<i32>} : memref<4096xi32, #tpu.memory_space<vmem>>, vector<16xi32>,
      } {sc.loop_unroll_factor = 8 : i64, sc.parallel_access}
      %parallel_loop3A_13 = arith.constant 0 : i32
      %parallel_loop3A_14 = arith.constant 2048 : i32
      %parallel_loop3A_15 = arith.constant 1 : i32
      scf.for %parallel_loop3A_195 = %parallel_loop3A_13 to %parallel_loop3A_14 step %parallel_loop3A_15  : i32 {
        %parallel_loop3A_196 = arith.constant 16 : i32
        %parallel_loop3A_197 = arith.muli %parallel_loop3A_195, %parallel_loop3A_196 : i32
        %parallel_loop3A_198 = arith.index_cast %parallel_loop3A_197 : i32 to index
        %parallel_loop3A_199 = tpu.vector_load %arg5[%parallel_loop3A_198] {strides = array<i32>} : memref<32768xi32, #tpu.memory_space<vmem>>, vector<16xi32>,
        %parallel_loop3A_200 = arith.constant -2147483648 : i32
        %parallel_loop3A_201 = vector.broadcast %parallel_loop3A_200 : i32 to vector<16xi32>
        %parallel_loop3A_202 = arith.cmpi eq, %parallel_loop3A_199, %parallel_loop3A_201 : vector<16xi32>
        %parallel_loop3A_203 = arith.constant 0 : i32
        %parallel_loop3A_204 = vector.broadcast %parallel_loop3A_203 : i32 to vector<16xi32>
        %parallel_loop3A_205 = arith.select %parallel_loop3A_202, %parallel_loop3A_204, %parallel_loop3A_199 : vector<16xi1>, vector<16xi32>
        %parallel_loop3A_206 = arith.constant 0 : i32
        %parallel_loop3A_207 = vector.broadcast %parallel_loop3A_206 : i32 to vector<16xi32>
        %parallel_loop3A_208 = arith.cmpi slt, %parallel_loop3A_205, %parallel_loop3A_207 : vector<16xi32>
        %parallel_loop3A_209 = arith.constant dense<-1> : vector<16xi32>
        %parallel_loop3A_210 = arith.xori %parallel_loop3A_205, %parallel_loop3A_209 : vector<16xi32>
        %parallel_loop3A_211 = arith.constant -2147483648 : i32
        %parallel_loop3A_212 = vector.broadcast %parallel_loop3A_211 : i32 to vector<16xi32>
        %parallel_loop3A_213 = arith.xori %parallel_loop3A_205, %parallel_loop3A_212 : vector<16xi32>
        %parallel_loop3A_214 = arith.select %parallel_loop3A_208, %parallel_loop3A_210, %parallel_loop3A_213 : vector<16xi1>, vector<16xi32>
        %parallel_loop3A_215 = arith.constant 16 : i32
        %parallel_loop3A_216 = arith.muli %parallel_loop3A_195, %parallel_loop3A_215 : i32
        %parallel_loop3A_217 = arith.index_cast %parallel_loop3A_216 : i32 to index
        %parallel_loop3A_218 = tpu.vector_load %arg5[%parallel_loop3A_217] {strides = array<i32>} : memref<32768xi32, #tpu.memory_space<vmem>>, vector<16xi32>,
        tpu.vector_store %arg5[%parallel_loop3A_217], %parallel_loop3A_214 {strides = array<i32>} : memref<32768xi32, #tpu.memory_space<vmem>>, vector<16xi32>,
        %parallel_loop3A_219 = arith.constant 255 : i32
        %parallel_loop3A_220 = vector.broadcast %parallel_loop3A_219 : i32 to vector<16xi32>
        %parallel_loop3A_221 = arith.andi %parallel_loop3A_214, %parallel_loop3A_220 : vector<16xi32>
        %parallel_loop3A_222 = arith.constant 16 : i32
        %parallel_loop3A_223 = vector.broadcast %parallel_loop3A_222 : i32 to vector<16xi32>
        %parallel_loop3A_224 = arith.muli %parallel_loop3A_221, %parallel_loop3A_223 : vector<16xi32>
        %parallel_loop3A_225 = arith.constant 7 : i32
        %parallel_loop3A_226 = arith.shrui %parallel_loop3A_195, %parallel_loop3A_225 : i32
        %parallel_loop3A_227 = vector.broadcast %parallel_loop3A_226 : i32 to vector<16xi32>
        %parallel_loop3A_228 = arith.addi %parallel_loop3A_224, %parallel_loop3A_227 : vector<16xi32>
        tpu.vector_store_idx %arg8[%parallel_loop3A_228], %broadcast_in_dim3A_1 {add = true} : memref<4096xi32, #tpu.memory_space<vmem>>[vector<16xi32>], vector<16xi32>,
      } {sc.loop_unroll_factor = 8 : i64, sc.parallel_access}
      %parallel_loop3A_16 = arith.constant 0 : i32
      %parallel_loop3A_17 = arith.constant 256 : i32
      %parallel_loop3A_18 = arith.constant 1 : i32
      scf.for %parallel_loop3A_195 = %parallel_loop3A_16 to %parallel_loop3A_17 step %parallel_loop3A_18  : i32 {
        %parallel_loop3A_196 = arith.constant 16 : i32
        %parallel_loop3A_197 = arith.muli %parallel_loop3A_195, %parallel_loop3A_196 : i32
        %parallel_loop3A_198 = arith.index_cast %parallel_loop3A_197 : i32 to index
        %parallel_loop3A_199 = tpu.vector_load %arg8[%parallel_loop3A_198] {strides = array<i32>} : memref<4096xi32, #tpu.memory_space<vmem>>, vector<16xi32>,
        %parallel_loop3A_200 = arith.constant true
        %parallel_loop3A_201 = vector.broadcast %parallel_loop3A_200 : i1 to vector<16xi1>
        %parallel_loop3A_202 = tpu.scan <sum>, %parallel_loop3A_199 masked %parallel_loop3A_201 : vector<16xi32>, vector<16xi1> -> vector<16xi32>
        %parallel_loop3A_203 = vector.extract %parallel_loop3A_202[15] : i32 from vector<16xi32>
        %parallel_loop3A_204 = arith.index_cast %parallel_loop3A_195 : i32 to index
        %parallel_loop3A_205 = memref.load %arg10[%parallel_loop3A_204] : memref<256xi32, #tpu.memory_space<smem>>
        memref.store %parallel_loop3A_203, %arg10[%parallel_loop3A_204] : memref<256xi32, #tpu.memory_space<smem>>
      } {sc.loop_unroll_factor = 8 : i64, sc.parallel_access}
      %scan3A_19 = arith.constant 0 : i32
      %scan3A_20 = arith.constant 0 : i32
      %scan3A_21 = arith.constant 256 : i32
      %scan3A_22 = arith.addi %scan3A_20, %scan3A_21 : i32
      %scan3A_23 = arith.constant 1 : i32
      %scan3A_24 = scf.for %scan3A_195 = %scan3A_20 to %scan3A_22 step %scan3A_23 iter_args(%scan3A_196 = %scan3A_19) -> (i32)  : i32 {
        %get3A = arith.index_cast %scan3A_195 : i32 to index
        %get3A_197 = memref.load %arg10[%get3A] : memref<256xi32, #tpu.memory_space<smem>>
        %swap3A = arith.index_cast %scan3A_195 : i32 to index
        %swap3A_198 = memref.load %arg10[%swap3A] : memref<256xi32, #tpu.memory_space<smem>>
        memref.store %scan3A_196, %arg10[%swap3A] : memref<256xi32, #tpu.memory_space<smem>>
        %add3A_199 = arith.addi %scan3A_196, %get3A_197 : i32
        scf.yield %add3A_199 : i32
      }
      %scan3A_25 = arith.constant 256 : i32
      %parallel_loop3A_26 = arith.constant 0 : i32
      %parallel_loop3A_27 = arith.constant 256 : i32
      %parallel_loop3A_28 = arith.constant 1 : i32
      scf.for %parallel_loop3A_195 = %parallel_loop3A_26 to %parallel_loop3A_27 step %parallel_loop3A_28  : i32 {
        %parallel_loop3A_196 = arith.constant 16 : i32
        %parallel_loop3A_197 = arith.muli %parallel_loop3A_195, %parallel_loop3A_196 : i32
        %parallel_loop3A_198 = arith.index_cast %parallel_loop3A_197 : i32 to index
        %parallel_loop3A_199 = tpu.vector_load %arg8[%parallel_loop3A_198] {strides = array<i32>} : memref<4096xi32, #tpu.memory_space<vmem>>, vector<16xi32>,
        %parallel_loop3A_200 = arith.constant true
        %parallel_loop3A_201 = vector.broadcast %parallel_loop3A_200 : i1 to vector<16xi1>
        %parallel_loop3A_202 = tpu.scan <sum>, %parallel_loop3A_199 masked %parallel_loop3A_201 : vector<16xi32>, vector<16xi1> -> vector<16xi32>
        %parallel_loop3A_203 = arith.subi %parallel_loop3A_202, %parallel_loop3A_199 : vector<16xi32>
        %parallel_loop3A_204 = arith.index_cast %parallel_loop3A_195 : i32 to index
        %parallel_loop3A_205 = memref.load %arg10[%parallel_loop3A_204] : memref<256xi32, #tpu.memory_space<smem>>
        %parallel_loop3A_206 = vector.broadcast %parallel_loop3A_205 : i32 to vector<16xi32>
        %parallel_loop3A_207 = arith.addi %parallel_loop3A_203, %parallel_loop3A_206 : vector<16xi32>
        %parallel_loop3A_208 = arith.constant 16 : i32
        %parallel_loop3A_209 = arith.muli %parallel_loop3A_195, %parallel_loop3A_208 : i32
        %parallel_loop3A_210 = arith.index_cast %parallel_loop3A_209 : i32 to index
        %parallel_loop3A_211 = tpu.vector_load %arg8[%parallel_loop3A_210] {strides = array<i32>} : memref<4096xi32, #tpu.memory_space<vmem>>, vector<16xi32>,
        tpu.vector_store %arg8[%parallel_loop3A_210], %parallel_loop3A_207 {strides = array<i32>} : memref<4096xi32, #tpu.memory_space<vmem>>, vector<16xi32>,
      } {sc.loop_unroll_factor = 8 : i64, sc.parallel_access}
      %parallel_loop3A_29 = arith.constant 0 : i32
      %parallel_loop3A_30 = arith.constant 1536 : i32
      %parallel_loop3A_31 = arith.constant 1 : i32
      scf.for %parallel_loop3A_195 = %parallel_loop3A_29 to %parallel_loop3A_30 step %parallel_loop3A_31  : i32 {
        %parallel_loop3A_196 = arith.constant 0 : i32
        %parallel_loop3A_197 = arith.addi %parallel_loop3A_196, %parallel_loop3A_195 : i32
        %parallel_loop3A_198 = arith.constant 2048 : i32
        %parallel_loop3A_199 = vector.broadcast %parallel_loop3A_198 : i32 to vector<16xi32>
        %parallel_loop3A_200 = arith.muli %iota3A, %parallel_loop3A_199 : vector<16xi32>
        %parallel_loop3A_201 = vector.broadcast %parallel_loop3A_197 : i32 to vector<16xi32>
        %parallel_loop3A_202 = arith.addi %parallel_loop3A_200, %parallel_loop3A_201 : vector<16xi32>
        %parallel_loop3A_203 = tpu.vector_load_idx %arg5[%parallel_loop3A_202] : memref<32768xi32, #tpu.memory_space<vmem>>[vector<16xi32>], vector<16xi32>,
        %parallel_loop3A_204 = arith.constant 0 : i32
        %parallel_loop3A_205 = vector.broadcast %parallel_loop3A_204 : i32 to vector<16xi32>
        %parallel_loop3A_206 = arith.shrui %parallel_loop3A_203, %parallel_loop3A_205 : vector<16xi32>
        %parallel_loop3A_207 = arith.constant 255 : i32
        %parallel_loop3A_208 = vector.broadcast %parallel_loop3A_207 : i32 to vector<16xi32>
        %parallel_loop3A_209 = arith.andi %parallel_loop3A_206, %parallel_loop3A_208 : vector<16xi32>
        %parallel_loop3A_210 = arith.constant 16 : i32
        %parallel_loop3A_211 = vector.broadcast %parallel_loop3A_210 : i32 to vector<16xi32>
        %parallel_loop3A_212 = arith.muli %parallel_loop3A_209, %parallel_loop3A_211 : vector<16xi32>
        %parallel_loop3A_213 = arith.addi %parallel_loop3A_212, %iota3A : vector<16xi32>
        %parallel_loop3A_214 = arith.constant 16 : i32
        %parallel_loop3A_215 = arith.muli %parallel_loop3A_195, %parallel_loop3A_214 : i32
        %parallel_loop3A_216 = arith.index_cast %parallel_loop3A_215 : i32 to index
        %parallel_loop3A_217 = tpu.vector_load %arg9[%parallel_loop3A_216] {strides = array<i32>} : memref<24576xi32, #tpu.memory_space<vmem>>, vector<16xi32>,
        tpu.vector_store %arg9[%parallel_loop3A_216], %parallel_loop3A_213 {strides = array<i32>} : memref<24576xi32, #tpu.memory_space<vmem>>, vector<16xi32>,
      } {sc.loop_unroll_factor = 8 : i64, sc.parallel_access}
      %scan3A_32 = arith.constant 0 : i32
      %scan3A_33 = arith.constant 0 : i32
      %scan3A_34 = arith.constant 192 : i32
      %scan3A_35 = arith.addi %scan3A_33, %scan3A_34 : i32
      %scan3A_36 = arith.constant 1 : i32
      scf.for %scan3A_195 = %scan3A_33 to %scan3A_35 step %scan3A_36  : i32 {
        %mul3A_196 = arith.constant 8 : i32
        %mul3A_197 = arith.muli %scan3A_195, %mul3A_196 : i32
        %add3A_198 = arith.constant 0 : i32
        %add3A_199 = arith.addi %mul3A_197, %add3A_198 : i32
        %mul3A_200 = arith.constant 16 : i32
        %mul3A_201 = arith.muli %add3A_199, %mul3A_200 : i32
        %get3A = arith.index_cast %mul3A_201 : i32 to index
        %get3A_202 = tpu.vector_load %arg9[%get3A] {strides = array<i32>} : memref<24576xi32, #tpu.memory_space<vmem>>, vector<16xi32>,
        %gather3A = tpu.vector_load_idx %arg8[%get3A_202] : memref<4096xi32, #tpu.memory_space<vmem>>[vector<16xi32>], vector<16xi32>,
        tpu.vector_store_idx %arg8[%get3A_202], %broadcast_in_dim3A_1 {add = true} : memref<4096xi32, #tpu.memory_space<vmem>>[vector<16xi32>], vector<16xi32>,
        %and3A = arith.constant 2047 : i32
        %and3A_203 = vector.broadcast %and3A : i32 to vector<16xi32>
        %and3A_204 = arith.andi %gather3A, %and3A_203 : vector<16xi32>
        %shift_left3A = arith.constant 4 : i32
        %shift_left3A_205 = vector.broadcast %shift_left3A : i32 to vector<16xi32>
        %shift_left3A_206 = arith.shli %and3A_204, %shift_left3A_205 : vector<16xi32>
        %shift_right_logical3A = arith.constant 11 : i32
        %shift_right_logical3A_207 = vector.broadcast %shift_right_logical3A : i32 to vector<16xi32>
        %shift_right_logical3A_208 = arith.shrui %gather3A, %shift_right_logical3A_207 : vector<16xi32>
        %or3A = arith.ori %shift_left3A_206, %shift_right_logical3A_208 : vector<16xi32>
        %mul3A_209 = arith.constant 16 : i32
        %mul3A_210 = arith.muli %add3A_199, %mul3A_209 : i32
        %swap3A = arith.index_cast %mul3A_210 : i32 to index
        %swap3A_211 = tpu.vector_load %arg9[%swap3A] {strides = array<i32>} : memref<24576xi32, #tpu.memory_space<vmem>>, vector<16xi32>,
        tpu.vector_store %arg9[%swap3A], %or3A {strides = array<i32>} : memref<24576xi32, #tpu.memory_space<vmem>>, vector<16xi32>,
        %mul3A_212 = arith.constant 8 : i32
        %mul3A_213 = arith.muli %scan3A_195, %mul3A_212 : i32
        %add3A_214 = arith.constant 1 : i32
        %add3A_215 = arith.addi %mul3A_213, %add3A_214 : i32
        %mul3A_216 = arith.constant 16 : i32
        %mul3A_217 = arith.muli %add3A_215, %mul3A_216 : i32
        %get3A_218 = arith.index_cast %mul3A_217 : i32 to index
        %get3A_219 = tpu.vector_load %arg9[%get3A_218] {strides = array<i32>} : memref<24576xi32, #tpu.memory_space<vmem>>, vector<16xi32>,
        %gather3A_220 = tpu.vector_load_idx %arg8[%get3A_219] : memref<4096xi32, #tpu.memory_space<vmem>>[vector<16xi32>], vector<16xi32>,
        tpu.vector_store_idx %arg8[%get3A_219], %broadcast_in_dim3A_1 {add = true} : memref<4096xi32, #tpu.memory_space<vmem>>[vector<16xi32>], vector<16xi32>,
        %and3A_221 = arith.constant 2047 : i32
        %and3A_222 = vector.broadcast %and3A_221 : i32 to vector<16xi32>
        %and3A_223 = arith.andi %gather3A_220, %and3A_222 : vector<16xi32>
        %shift_left3A_224 = arith.constant 4 : i32
        %shift_left3A_225 = vector.broadcast %shift_left3A_224 : i32 to vector<16xi32>
        %shift_left3A_226 = arith.shli %and3A_223, %shift_left3A_225 : vector<16xi32>
        %shift_right_logical3A_227 = arith.constant 11 : i32
        %shift_right_logical3A_228 = vector.broadcast %shift_right_logical3A_227 : i32 to vector<16xi32>
        %shift_right_logical3A_229 = arith.shrui %gather3A_220, %shift_right_logical3A_228 : vector<16xi32>
        %or3A_230 = arith.ori %shift_left3A_226, %shift_right_logical3A_229 : vector<16xi32>
        %mul3A_231 = arith.constant 16 : i32
        %mul3A_232 = arith.muli %add3A_215, %mul3A_231 : i32
        %swap3A_233 = arith.index_cast %mul3A_232 : i32 to index
        %swap3A_234 = tpu.vector_load %arg9[%swap3A_233] {strides = array<i32>} : memref<24576xi32, #tpu.memory_space<vmem>>, vector<16xi32>,
        tpu.vector_store %arg9[%swap3A_233], %or3A_230 {strides = array<i32>} : memref<24576xi32, #tpu.memory_space<vmem>>, vector<16xi32>,
        %mul3A_235 = arith.constant 8 : i32
        %mul3A_236 = arith.muli %scan3A_195, %mul3A_235 : i32
        %add3A_237 = arith.constant 2 : i32
        %add3A_238 = arith.addi %mul3A_236, %add3A_237 : i32
        %mul3A_239 = arith.constant 16 : i32
        %mul3A_240 = arith.muli %add3A_238, %mul3A_239 : i32
        %get3A_241 = arith.index_cast %mul3A_240 : i32 to index
        %get3A_242 = tpu.vector_load %arg9[%get3A_241] {strides = array<i32>} : memref<24576xi32, #tpu.memory_space<vmem>>, vector<16xi32>,
        %gather3A_243 = tpu.vector_load_idx %arg8[%get3A_242] : memref<4096xi32, #tpu.memory_space<vmem>>[vector<16xi32>], vector<16xi32>,
        tpu.vector_store_idx %arg8[%get3A_242], %broadcast_in_dim3A_1 {add = true} : memref<4096xi32, #tpu.memory_space<vmem>>[vector<16xi32>], vector<16xi32>,
        %and3A_244 = arith.constant 2047 : i32
        %and3A_245 = vector.broadcast %and3A_244 : i32 to vector<16xi32>
        %and3A_246 = arith.andi %gather3A_243, %and3A_245 : vector<16xi32>
        %shift_left3A_247 = arith.constant 4 : i32
        %shift_left3A_248 = vector.broadcast %shift_left3A_247 : i32 to vector<16xi32>
        %shift_left3A_249 = arith.shli %and3A_246, %shift_left3A_248 : vector<16xi32>
        %shift_right_logical3A_250 = arith.constant 11 : i32
        %shift_right_logical3A_251 = vector.broadcast %shift_right_logical3A_250 : i32 to vector<16xi32>
        %shift_right_logical3A_252 = arith.shrui %gather3A_243, %shift_right_logical3A_251 : vector<16xi32>
        %or3A_253 = arith.ori %shift_left3A_249, %shift_right_logical3A_252 : vector<16xi32>
        %mul3A_254 = arith.constant 16 : i32
        %mul3A_255 = arith.muli %add3A_238, %mul3A_254 : i32
        %swap3A_256 = arith.index_cast %mul3A_255 : i32 to index
        %swap3A_257 = tpu.vector_load %arg9[%swap3A_256] {strides = array<i32>} : memref<24576xi32, #tpu.memory_space<vmem>>, vector<16xi32>,
        tpu.vector_store %arg9[%swap3A_256], %or3A_253 {strides = array<i32>} : memref<24576xi32, #tpu.memory_space<vmem>>, vector<16xi32>,
        %mul3A_258 = arith.constant 8 : i32
        %mul3A_259 = arith.muli %scan3A_195, %mul3A_258 : i32
        %add3A_260 = arith.constant 3 : i32
        %add3A_261 = arith.addi %mul3A_259, %add3A_260 : i32
        %mul3A_262 = arith.constant 16 : i32
        %mul3A_263 = arith.muli %add3A_261, %mul3A_262 : i32
        %get3A_264 = arith.index_cast %mul3A_263 : i32 to index
        %get3A_265 = tpu.vector_load %arg9[%get3A_264] {strides = array<i32>} : memref<24576xi32, #tpu.memory_space<vmem>>, vector<16xi32>,
        %gather3A_266 = tpu.vector_load_idx %arg8[%get3A_265] : memref<4096xi32, #tpu.memory_space<vmem>>[vector<16xi32>], vector<16xi32>,
        tpu.vector_store_idx %arg8[%get3A_265], %broadcast_in_dim3A_1 {add = true} : memref<4096xi32, #tpu.memory_space<vmem>>[vector<16xi32>], vector<16xi32>,
        %and3A_267 = arith.constant 2047 : i32
        %and3A_268 = vector.broadcast %and3A_267 : i32 to vector<16xi32>
        %and3A_269 = arith.andi %gather3A_266, %and3A_268 : vector<16xi32>
        %shift_left3A_270 = arith.constant 4 : i32
        %shift_left3A_271 = vector.broadcast %shift_left3A_270 : i32 to vector<16xi32>
        %shift_left3A_272 = arith.shli %and3A_269, %shift_left3A_271 : vector<16xi32>
        %shift_right_logical3A_273 = arith.constant 11 : i32
        %shift_right_logical3A_274 = vector.broadcast %shift_right_logical3A_273 : i32 to vector<16xi32>
        %shift_right_logical3A_275 = arith.shrui %gather3A_266, %shift_right_logical3A_274 : vector<16xi32>
        %or3A_276 = arith.ori %shift_left3A_272, %shift_right_logical3A_275 : vector<16xi32>
        %mul3A_277 = arith.constant 16 : i32
        %mul3A_278 = arith.muli %add3A_261, %mul3A_277 : i32
        %swap3A_279 = arith.index_cast %mul3A_278 : i32 to index
        %swap3A_280 = tpu.vector_load %arg9[%swap3A_279] {strides = array<i32>} : memref<24576xi32, #tpu.memory_space<vmem>>, vector<16xi32>,
        tpu.vector_store %arg9[%swap3A_279], %or3A_276 {strides = array<i32>} : memref<24576xi32, #tpu.memory_space<vmem>>, vector<16xi32>,
        %mul3A_281 = arith.constant 8 : i32
        %mul3A_282 = arith.muli %scan3A_195, %mul3A_281 : i32
        %add3A_283 = arith.constant 4 : i32
        %add3A_284 = arith.addi %mul3A_282, %add3A_283 : i32
        %mul3A_285 = arith.constant 16 : i32
        %mul3A_286 = arith.muli %add3A_284, %mul3A_285 : i32
        %get3A_287 = arith.index_cast %mul3A_286 : i32 to index
        %get3A_288 = tpu.vector_load %arg9[%get3A_287] {strides = array<i32>} : memref<24576xi32, #tpu.memory_space<vmem>>, vector<16xi32>,
        %gather3A_289 = tpu.vector_load_idx %arg8[%get3A_288] : memref<4096xi32, #tpu.memory_space<vmem>>[vector<16xi32>], vector<16xi32>,
        tpu.vector_store_idx %arg8[%get3A_288], %broadcast_in_dim3A_1 {add = true} : memref<4096xi32, #tpu.memory_space<vmem>>[vector<16xi32>], vector<16xi32>,
        %and3A_290 = arith.constant 2047 : i32
        %and3A_291 = vector.broadcast %and3A_290 : i32 to vector<16xi32>
        %and3A_292 = arith.andi %gather3A_289, %and3A_291 : vector<16xi32>
        %shift_left3A_293 = arith.constant 4 : i32
        %shift_left3A_294 = vector.broadcast %shift_left3A_293 : i32 to vector<16xi32>
        %shift_left3A_295 = arith.shli %and3A_292, %shift_left3A_294 : vector<16xi32>
        %shift_right_logical3A_296 = arith.constant 11 : i32
        %shift_right_logical3A_297 = vector.broadcast %shift_right_logical3A_296 : i32 to vector<16xi32>
        %shift_right_logical3A_298 = arith.shrui %gather3A_289, %shift_right_logical3A_297 : vector<16xi32>
        %or3A_299 = arith.ori %shift_left3A_295, %shift_right_logical3A_298 : vector<16xi32>
        %mul3A_300 = arith.constant 16 : i32
        %mul3A_301 = arith.muli %add3A_284, %mul3A_300 : i32
        %swap3A_302 = arith.index_cast %mul3A_301 : i32 to index
        %swap3A_303 = tpu.vector_load %arg9[%swap3A_302] {strides = array<i32>} : memref<24576xi32, #tpu.memory_space<vmem>>, vector<16xi32>,
        tpu.vector_store %arg9[%swap3A_302], %or3A_299 {strides = array<i32>} : memref<24576xi32, #tpu.memory_space<vmem>>, vector<16xi32>,
        %mul3A_304 = arith.constant 8 : i32
        %mul3A_305 = arith.muli %scan3A_195, %mul3A_304 : i32
        %add3A_306 = arith.constant 5 : i32
        %add3A_307 = arith.addi %mul3A_305, %add3A_306 : i32
        %mul3A_308 = arith.constant 16 : i32
        %mul3A_309 = arith.muli %add3A_307, %mul3A_308 : i32
        %get3A_310 = arith.index_cast %mul3A_309 : i32 to index
        %get3A_311 = tpu.vector_load %arg9[%get3A_310] {strides = array<i32>} : memref<24576xi32, #tpu.memory_space<vmem>>, vector<16xi32>,
        %gather3A_312 = tpu.vector_load_idx %arg8[%get3A_311] : memref<4096xi32, #tpu.memory_space<vmem>>[vector<16xi32>], vector<16xi32>,
        tpu.vector_store_idx %arg8[%get3A_311], %broadcast_in_dim3A_1 {add = true} : memref<4096xi32, #tpu.memory_space<vmem>>[vector<16xi32>], vector<16xi32>,
        %and3A_313 = arith.constant 2047 : i32
        %and3A_314 = vector.broadcast %and3A_313 : i32 to vector<16xi32>
        %and3A_315 = arith.andi %gather3A_312, %and3A_314 : vector<16xi32>
        %shift_left3A_316 = arith.constant 4 : i32
        %shift_left3A_317 = vector.broadcast %shift_left3A_316 : i32 to vector<16xi32>
        %shift_left3A_318 = arith.shli %and3A_315, %shift_left3A_317 : vector<16xi32>
        %shift_right_logical3A_319 = arith.constant 11 : i32
        %shift_right_logical3A_320 = vector.broadcast %shift_right_logical3A_319 : i32 to vector<16xi32>
        %shift_right_logical3A_321 = arith.shrui %gather3A_312, %shift_right_logical3A_320 : vector<16xi32>
        %or3A_322 = arith.ori %shift_left3A_318, %shift_right_logical3A_321 : vector<16xi32>
        %mul3A_323 = arith.constant 16 : i32
        %mul3A_324 = arith.muli %add3A_307, %mul3A_323 : i32
        %swap3A_325 = arith.index_cast %mul3A_324 : i32 to index
        %swap3A_326 = tpu.vector_load %arg9[%swap3A_325] {strides = array<i32>} : memref<24576xi32, #tpu.memory_space<vmem>>, vector<16xi32>,
        tpu.vector_store %arg9[%swap3A_325], %or3A_322 {strides = array<i32>} : memref<24576xi32, #tpu.memory_space<vmem>>, vector<16xi32>,
        %mul3A_327 = arith.constant 8 : i32
        %mul3A_328 = arith.muli %scan3A_195, %mul3A_327 : i32
        %add3A_329 = arith.constant 6 : i32
        %add3A_330 = arith.addi %mul3A_328, %add3A_329 : i32
        %mul3A_331 = arith.constant 16 : i32
        %mul3A_332 = arith.muli %add3A_330, %mul3A_331 : i32
        %get3A_333 = arith.index_cast %mul3A_332 : i32 to index
        %get3A_334 = tpu.vector_load %arg9[%get3A_333] {strides = array<i32>} : memref<24576xi32, #tpu.memory_space<vmem>>, vector<16xi32>,
        %gather3A_335 = tpu.vector_load_idx %arg8[%get3A_334] : memref<4096xi32, #tpu.memory_space<vmem>>[vector<16xi32>], vector<16xi32>,
        tpu.vector_store_idx %arg8[%get3A_334], %broadcast_in_dim3A_1 {add = true} : memref<4096xi32, #tpu.memory_space<vmem>>[vector<16xi32>], vector<16xi32>,
        %and3A_336 = arith.constant 2047 : i32
        %and3A_337 = vector.broadcast %and3A_336 : i32 to vector<16xi32>
        %and3A_338 = arith.andi %gather3A_335, %and3A_337 : vector<16xi32>
        %shift_left3A_339 = arith.constant 4 : i32
        %shift_left3A_340 = vector.broadcast %shift_left3A_339 : i32 to vector<16xi32>
        %shift_left3A_341 = arith.shli %and3A_338, %shift_left3A_340 : vector<16xi32>
        %shift_right_logical3A_342 = arith.constant 11 : i32
        %shift_right_logical3A_343 = vector.broadcast %shift_right_logical3A_342 : i32 to vector<16xi32>
        %shift_right_logical3A_344 = arith.shrui %gather3A_335, %shift_right_logical3A_343 : vector<16xi32>
        %or3A_345 = arith.ori %shift_left3A_341, %shift_right_logical3A_344 : vector<16xi32>
        %mul3A_346 = arith.constant 16 : i32
        %mul3A_347 = arith.muli %add3A_330, %mul3A_346 : i32
        %swap3A_348 = arith.index_cast %mul3A_347 : i32 to index
        %swap3A_349 = tpu.vector_load %arg9[%swap3A_348] {strides = array<i32>} : memref<24576xi32, #tpu.memory_space<vmem>>, vector<16xi32>,
        tpu.vector_store %arg9[%swap3A_348], %or3A_345 {strides = array<i32>} : memref<24576xi32, #tpu.memory_space<vmem>>, vector<16xi32>,
        %mul3A_350 = arith.constant 8 : i32
        %mul3A_351 = arith.muli %scan3A_195, %mul3A_350 : i32
        %add3A_352 = arith.constant 7 : i32
        %add3A_353 = arith.addi %mul3A_351, %add3A_352 : i32
        %mul3A_354 = arith.constant 16 : i32
        %mul3A_355 = arith.muli %add3A_353, %mul3A_354 : i32
        %get3A_356 = arith.index_cast %mul3A_355 : i32 to index
        %get3A_357 = tpu.vector_load %arg9[%get3A_356] {strides = array<i32>} : memref<24576xi32, #tpu.memory_space<vmem>>, vector<16xi32>,
        %gather3A_358 = tpu.vector_load_idx %arg8[%get3A_357] : memref<4096xi32, #tpu.memory_space<vmem>>[vector<16xi32>], vector<16xi32>,
        tpu.vector_store_idx %arg8[%get3A_357], %broadcast_in_dim3A_1 {add = true} : memref<4096xi32, #tpu.memory_space<vmem>>[vector<16xi32>], vector<16xi32>,
        %and3A_359 = arith.constant 2047 : i32
        %and3A_360 = vector.broadcast %and3A_359 : i32 to vector<16xi32>
        %and3A_361 = arith.andi %gather3A_358, %and3A_360 : vector<16xi32>
        %shift_left3A_362 = arith.constant 4 : i32
        %shift_left3A_363 = vector.broadcast %shift_left3A_362 : i32 to vector<16xi32>
        %shift_left3A_364 = arith.shli %and3A_361, %shift_left3A_363 : vector<16xi32>
        %shift_right_logical3A_365 = arith.constant 11 : i32
        %shift_right_logical3A_366 = vector.broadcast %shift_right_logical3A_365 : i32 to vector<16xi32>
        %shift_right_logical3A_367 = arith.shrui %gather3A_358, %shift_right_logical3A_366 : vector<16xi32>
        %or3A_368 = arith.ori %shift_left3A_364, %shift_right_logical3A_367 : vector<16xi32>
        %mul3A_369 = arith.constant 16 : i32
        %mul3A_370 = arith.muli %add3A_353, %mul3A_369 : i32
        %swap3A_371 = arith.index_cast %mul3A_370 : i32 to index
        %swap3A_372 = tpu.vector_load %arg9[%swap3A_371] {strides = array<i32>} : memref<24576xi32, #tpu.memory_space<vmem>>, vector<16xi32>,
        tpu.vector_store %arg9[%swap3A_371], %or3A_368 {strides = array<i32>} : memref<24576xi32, #tpu.memory_space<vmem>>, vector<16xi32>,
      }
      %scan3A_37 = arith.constant 192 : i32
      %parallel_loop3A_38 = arith.constant 0 : i32
      %parallel_loop3A_39 = arith.constant 1536 : i32
      %parallel_loop3A_40 = arith.constant 1 : i32
      scf.for %parallel_loop3A_195 = %parallel_loop3A_38 to %parallel_loop3A_39 step %parallel_loop3A_40  : i32 {
        %parallel_loop3A_196 = arith.constant 16 : i32
        %parallel_loop3A_197 = arith.muli %parallel_loop3A_195, %parallel_loop3A_196 : i32
        %parallel_loop3A_198 = arith.index_cast %parallel_loop3A_197 : i32 to index
        %parallel_loop3A_199 = tpu.vector_load %arg9[%parallel_loop3A_198] {strides = array<i32>} : memref<24576xi32, #tpu.memory_space<vmem>>, vector<16xi32>,
        %parallel_loop3A_200 = arith.constant 0 : i32
        %parallel_loop3A_201 = arith.addi %parallel_loop3A_200, %parallel_loop3A_195 : i32
        %parallel_loop3A_202 = arith.constant 2048 : i32
        %parallel_loop3A_203 = vector.broadcast %parallel_loop3A_202 : i32 to vector<16xi32>
        %parallel_loop3A_204 = arith.muli %iota3A, %parallel_loop3A_203 : vector<16xi32>
        %parallel_loop3A_205 = vector.broadcast %parallel_loop3A_201 : i32 to vector<16xi32>
        %parallel_loop3A_206 = arith.addi %parallel_loop3A_204, %parallel_loop3A_205 : vector<16xi32>
        tpu.vector_store_idx %arg7[%parallel_loop3A_199], %parallel_loop3A_206 : memref<32768xi32, #tpu.memory_space<vmem>>[vector<16xi32>], vector<16xi32>,
      } {sc.loop_unroll_factor = 8 : i64, sc.parallel_access}
      %parallel_loop3A_41 = arith.constant 0 : i32
      %parallel_loop3A_42 = arith.constant 512 : i32
      %parallel_loop3A_43 = arith.constant 1 : i32
      scf.for %parallel_loop3A_195 = %parallel_loop3A_41 to %parallel_loop3A_42 step %parallel_loop3A_43  : i32 {
        %parallel_loop3A_196 = arith.constant 1536 : i32
        %parallel_loop3A_197 = arith.addi %parallel_loop3A_196, %parallel_loop3A_195 : i32
        %parallel_loop3A_198 = arith.constant 2048 : i32
        %parallel_loop3A_199 = vector.broadcast %parallel_loop3A_198 : i32 to vector<16xi32>
        %parallel_loop3A_200 = arith.muli %iota3A, %parallel_loop3A_199 : vector<16xi32>
        %parallel_loop3A_201 = vector.broadcast %parallel_loop3A_197 : i32 to vector<16xi32>
        %parallel_loop3A_202 = arith.addi %parallel_loop3A_200, %parallel_loop3A_201 : vector<16xi32>
        %parallel_loop3A_203 = tpu.vector_load_idx %arg5[%parallel_loop3A_202] : memref<32768xi32, #tpu.memory_space<vmem>>[vector<16xi32>], vector<16xi32>,
        %parallel_loop3A_204 = arith.constant 0 : i32
        %parallel_loop3A_205 = vector.broadcast %parallel_loop3A_204 : i32 to vector<16xi32>
        %parallel_loop3A_206 = arith.shrui %parallel_loop3A_203, %parallel_loop3A_205 : vector<16xi32>
        %parallel_loop3A_207 = arith.constant 255 : i32
        %parallel_loop3A_208 = vector.broadcast %parallel_loop3A_207 : i32 to vector<16xi32>
        %parallel_loop3A_209 = arith.andi %parallel_loop3A_206, %parallel_loop3A_208 : vector<16xi32>
        %parallel_loop3A_210 = arith.constant 16 : i32
        %parallel_loop3A_211 = vector.broadcast %parallel_loop3A_210 : i32 to vector<16xi32>
        %parallel_loop3A_212 = arith.muli %parallel_loop3A_209, %parallel_loop3A_211 : vector<16xi32>
        %parallel_loop3A_213 = arith.addi %parallel_loop3A_212, %iota3A : vector<16xi32>
        %parallel_loop3A_214 = arith.constant 16 : i32
        %parallel_loop3A_215 = arith.muli %parallel_loop3A_195, %parallel_loop3A_214 : i32
        %parallel_loop3A_216 = arith.index_cast %parallel_loop3A_215 : i32 to index
        %parallel_loop3A_217 = tpu.vector_load %arg9[%parallel_loop3A_216] {strides = array<i32>} : memref<24576xi32, #tpu.memory_space<vmem>>, vector<16xi32>,
        tpu.vector_store %arg9[%parallel_loop3A_216], %parallel_loop3A_213 {strides = array<i32>} : memref<24576xi32, #tpu.memory_space<vmem>>, vector<16xi32>,
      } {sc.loop_unroll_factor = 8 : i64, sc.parallel_access}
      %scan3A_44 = arith.constant 0 : i32
      %scan3A_45 = arith.constant 0 : i32
      %scan3A_46 = arith.constant 64 : i32
      %scan3A_47 = arith.addi %scan3A_45, %scan3A_46 : i32
      %scan3A_48 = arith.constant 1 : i32
      scf.for %scan3A_195 = %scan3A_45 to %scan3A_47 step %scan3A_48  : i32 {
        %mul3A_196 = arith.constant 8 : i32
        %mul3A_197 = arith.muli %scan3A_195, %mul3A_196 : i32
        %add3A_198 = arith.constant 0 : i32
        %add3A_199 = arith.addi %mul3A_197, %add3A_198 : i32
        %mul3A_200 = arith.constant 16 : i32
        %mul3A_201 = arith.muli %add3A_199, %mul3A_200 : i32
        %get3A = arith.index_cast %mul3A_201 : i32 to index
        %get3A_202 = tpu.vector_load %arg9[%get3A] {strides = array<i32>} : memref<24576xi32, #tpu.memory_space<vmem>>, vector<16xi32>,
        %gather3A = tpu.vector_load_idx %arg8[%get3A_202] : memref<4096xi32, #tpu.memory_space<vmem>>[vector<16xi32>], vector<16xi32>,
        tpu.vector_store_idx %arg8[%get3A_202], %broadcast_in_dim3A_1 {add = true} : memref<4096xi32, #tpu.memory_space<vmem>>[vector<16xi32>], vector<16xi32>,
        %and3A = arith.constant 2047 : i32
        %and3A_203 = vector.broadcast %and3A : i32 to vector<16xi32>
        %and3A_204 = arith.andi %gather3A, %and3A_203 : vector<16xi32>
        %shift_left3A = arith.constant 4 : i32
        %shift_left3A_205 = vector.broadcast %shift_left3A : i32 to vector<16xi32>
        %shift_left3A_206 = arith.shli %and3A_204, %shift_left3A_205 : vector<16xi32>
        %shift_right_logical3A = arith.constant 11 : i32
        %shift_right_logical3A_207 = vector.broadcast %shift_right_logical3A : i32 to vector<16xi32>
        %shift_right_logical3A_208 = arith.shrui %gather3A, %shift_right_logical3A_207 : vector<16xi32>
        %or3A = arith.ori %shift_left3A_206, %shift_right_logical3A_208 : vector<16xi32>
        %mul3A_209 = arith.constant 16 : i32
        %mul3A_210 = arith.muli %add3A_199, %mul3A_209 : i32
        %swap3A = arith.index_cast %mul3A_210 : i32 to index
        %swap3A_211 = tpu.vector_load %arg9[%swap3A] {strides = array<i32>} : memref<24576xi32, #tpu.memory_space<vmem>>, vector<16xi32>,
        tpu.vector_store %arg9[%swap3A], %or3A {strides = array<i32>} : memref<24576xi32, #tpu.memory_space<vmem>>, vector<16xi32>,
        %mul3A_212 = arith.constant 8 : i32
        %mul3A_213 = arith.muli %scan3A_195, %mul3A_212 : i32
        %add3A_214 = arith.constant 1 : i32
        %add3A_215 = arith.addi %mul3A_213, %add3A_214 : i32
        %mul3A_216 = arith.constant 16 : i32
        %mul3A_217 = arith.muli %add3A_215, %mul3A_216 : i32
        %get3A_218 = arith.index_cast %mul3A_217 : i32 to index
        %get3A_219 = tpu.vector_load %arg9[%get3A_218] {strides = array<i32>} : memref<24576xi32, #tpu.memory_space<vmem>>, vector<16xi32>,
        %gather3A_220 = tpu.vector_load_idx %arg8[%get3A_219] : memref<4096xi32, #tpu.memory_space<vmem>>[vector<16xi32>], vector<16xi32>,
        tpu.vector_store_idx %arg8[%get3A_219], %broadcast_in_dim3A_1 {add = true} : memref<4096xi32, #tpu.memory_space<vmem>>[vector<16xi32>], vector<16xi32>,
        %and3A_221 = arith.constant 2047 : i32
        %and3A_222 = vector.broadcast %and3A_221 : i32 to vector<16xi32>
        %and3A_223 = arith.andi %gather3A_220, %and3A_222 : vector<16xi32>
        %shift_left3A_224 = arith.constant 4 : i32
        %shift_left3A_225 = vector.broadcast %shift_left3A_224 : i32 to vector<16xi32>
        %shift_left3A_226 = arith.shli %and3A_223, %shift_left3A_225 : vector<16xi32>
        %shift_right_logical3A_227 = arith.constant 11 : i32
        %shift_right_logical3A_228 = vector.broadcast %shift_right_logical3A_227 : i32 to vector<16xi32>
        %shift_right_logical3A_229 = arith.shrui %gather3A_220, %shift_right_logical3A_228 : vector<16xi32>
        %or3A_230 = arith.ori %shift_left3A_226, %shift_right_logical3A_229 : vector<16xi32>
        %mul3A_231 = arith.constant 16 : i32
        %mul3A_232 = arith.muli %add3A_215, %mul3A_231 : i32
        %swap3A_233 = arith.index_cast %mul3A_232 : i32 to index
        %swap3A_234 = tpu.vector_load %arg9[%swap3A_233] {strides = array<i32>} : memref<24576xi32, #tpu.memory_space<vmem>>, vector<16xi32>,
        tpu.vector_store %arg9[%swap3A_233], %or3A_230 {strides = array<i32>} : memref<24576xi32, #tpu.memory_space<vmem>>, vector<16xi32>,
        %mul3A_235 = arith.constant 8 : i32
        %mul3A_236 = arith.muli %scan3A_195, %mul3A_235 : i32
        %add3A_237 = arith.constant 2 : i32
        %add3A_238 = arith.addi %mul3A_236, %add3A_237 : i32
        %mul3A_239 = arith.constant 16 : i32
        %mul3A_240 = arith.muli %add3A_238, %mul3A_239 : i32
        %get3A_241 = arith.index_cast %mul3A_240 : i32 to index
        %get3A_242 = tpu.vector_load %arg9[%get3A_241] {strides = array<i32>} : memref<24576xi32, #tpu.memory_space<vmem>>, vector<16xi32>,
        %gather3A_243 = tpu.vector_load_idx %arg8[%get3A_242] : memref<4096xi32, #tpu.memory_space<vmem>>[vector<16xi32>], vector<16xi32>,
        tpu.vector_store_idx %arg8[%get3A_242], %broadcast_in_dim3A_1 {add = true} : memref<4096xi32, #tpu.memory_space<vmem>>[vector<16xi32>], vector<16xi32>,
        %and3A_244 = arith.constant 2047 : i32
        %and3A_245 = vector.broadcast %and3A_244 : i32 to vector<16xi32>
        %and3A_246 = arith.andi %gather3A_243, %and3A_245 : vector<16xi32>
        %shift_left3A_247 = arith.constant 4 : i32
        %shift_left3A_248 = vector.broadcast %shift_left3A_247 : i32 to vector<16xi32>
        %shift_left3A_249 = arith.shli %and3A_246, %shift_left3A_248 : vector<16xi32>
        %shift_right_logical3A_250 = arith.constant 11 : i32
        %shift_right_logical3A_251 = vector.broadcast %shift_right_logical3A_250 : i32 to vector<16xi32>
        %shift_right_logical3A_252 = arith.shrui %gather3A_243, %shift_right_logical3A_251 : vector<16xi32>
        %or3A_253 = arith.ori %shift_left3A_249, %shift_right_logical3A_252 : vector<16xi32>
        %mul3A_254 = arith.constant 16 : i32
        %mul3A_255 = arith.muli %add3A_238, %mul3A_254 : i32
        %swap3A_256 = arith.index_cast %mul3A_255 : i32 to index
        %swap3A_257 = tpu.vector_load %arg9[%swap3A_256] {strides = array<i32>} : memref<24576xi32, #tpu.memory_space<vmem>>, vector<16xi32>,
        tpu.vector_store %arg9[%swap3A_256], %or3A_253 {strides = array<i32>} : memref<24576xi32, #tpu.memory_space<vmem>>, vector<16xi32>,
        %mul3A_258 = arith.constant 8 : i32
        %mul3A_259 = arith.muli %scan3A_195, %mul3A_258 : i32
        %add3A_260 = arith.constant 3 : i32
        %add3A_261 = arith.addi %mul3A_259, %add3A_260 : i32
        %mul3A_262 = arith.constant 16 : i32
        %mul3A_263 = arith.muli %add3A_261, %mul3A_262 : i32
        %get3A_264 = arith.index_cast %mul3A_263 : i32 to index
        %get3A_265 = tpu.vector_load %arg9[%get3A_264] {strides = array<i32>} : memref<24576xi32, #tpu.memory_space<vmem>>, vector<16xi32>,
        %gather3A_266 = tpu.vector_load_idx %arg8[%get3A_265] : memref<4096xi32, #tpu.memory_space<vmem>>[vector<16xi32>], vector<16xi32>,
        tpu.vector_store_idx %arg8[%get3A_265], %broadcast_in_dim3A_1 {add = true} : memref<4096xi32, #tpu.memory_space<vmem>>[vector<16xi32>], vector<16xi32>,
        %and3A_267 = arith.constant 2047 : i32
        %and3A_268 = vector.broadcast %and3A_267 : i32 to vector<16xi32>
        %and3A_269 = arith.andi %gather3A_266, %and3A_268 : vector<16xi32>
        %shift_left3A_270 = arith.constant 4 : i32
        %shift_left3A_271 = vector.broadcast %shift_left3A_270 : i32 to vector<16xi32>
        %shift_left3A_272 = arith.shli %and3A_269, %shift_left3A_271 : vector<16xi32>
        %shift_right_logical3A_273 = arith.constant 11 : i32
        %shift_right_logical3A_274 = vector.broadcast %shift_right_logical3A_273 : i32 to vector<16xi32>
        %shift_right_logical3A_275 = arith.shrui %gather3A_266, %shift_right_logical3A_274 : vector<16xi32>
        %or3A_276 = arith.ori %shift_left3A_272, %shift_right_logical3A_275 : vector<16xi32>
        %mul3A_277 = arith.constant 16 : i32
        %mul3A_278 = arith.muli %add3A_261, %mul3A_277 : i32
        %swap3A_279 = arith.index_cast %mul3A_278 : i32 to index
        %swap3A_280 = tpu.vector_load %arg9[%swap3A_279] {strides = array<i32>} : memref<24576xi32, #tpu.memory_space<vmem>>, vector<16xi32>,
        tpu.vector_store %arg9[%swap3A_279], %or3A_276 {strides = array<i32>} : memref<24576xi32, #tpu.memory_space<vmem>>, vector<16xi32>,
        %mul3A_281 = arith.constant 8 : i32
        %mul3A_282 = arith.muli %scan3A_195, %mul3A_281 : i32
        %add3A_283 = arith.constant 4 : i32
        %add3A_284 = arith.addi %mul3A_282, %add3A_283 : i32
        %mul3A_285 = arith.constant 16 : i32
        %mul3A_286 = arith.muli %add3A_284, %mul3A_285 : i32
        %get3A_287 = arith.index_cast %mul3A_286 : i32 to index
        %get3A_288 = tpu.vector_load %arg9[%get3A_287] {strides = array<i32>} : memref<24576xi32, #tpu.memory_space<vmem>>, vector<16xi32>,
        %gather3A_289 = tpu.vector_load_idx %arg8[%get3A_288] : memref<4096xi32, #tpu.memory_space<vmem>>[vector<16xi32>], vector<16xi32>,
        tpu.vector_store_idx %arg8[%get3A_288], %broadcast_in_dim3A_1 {add = true} : memref<4096xi32, #tpu.memory_space<vmem>>[vector<16xi32>], vector<16xi32>,
        %and3A_290 = arith.constant 2047 : i32
        %and3A_291 = vector.broadcast %and3A_290 : i32 to vector<16xi32>
        %and3A_292 = arith.andi %gather3A_289, %and3A_291 : vector<16xi32>
        %shift_left3A_293 = arith.constant 4 : i32
        %shift_left3A_294 = vector.broadcast %shift_left3A_293 : i32 to vector<16xi32>
        %shift_left3A_295 = arith.shli %and3A_292, %shift_left3A_294 : vector<16xi32>
        %shift_right_logical3A_296 = arith.constant 11 : i32
        %shift_right_logical3A_297 = vector.broadcast %shift_right_logical3A_296 : i32 to vector<16xi32>
        %shift_right_logical3A_298 = arith.shrui %gather3A_289, %shift_right_logical3A_297 : vector<16xi32>
        %or3A_299 = arith.ori %shift_left3A_295, %shift_right_logical3A_298 : vector<16xi32>
        %mul3A_300 = arith.constant 16 : i32
        %mul3A_301 = arith.muli %add3A_284, %mul3A_300 : i32
        %swap3A_302 = arith.index_cast %mul3A_301 : i32 to index
        %swap3A_303 = tpu.vector_load %arg9[%swap3A_302] {strides = array<i32>} : memref<24576xi32, #tpu.memory_space<vmem>>, vector<16xi32>,
        tpu.vector_store %arg9[%swap3A_302], %or3A_299 {strides = array<i32>} : memref<24576xi32, #tpu.memory_space<vmem>>, vector<16xi32>,
        %mul3A_304 = arith.constant 8 : i32
        %mul3A_305 = arith.muli %scan3A_195, %mul3A_304 : i32
        %add3A_306 = arith.constant 5 : i32
        %add3A_307 = arith.addi %mul3A_305, %add3A_306 : i32
        %mul3A_308 = arith.constant 16 : i32
        %mul3A_309 = arith.muli %add3A_307, %mul3A_308 : i32
        %get3A_310 = arith.index_cast %mul3A_309 : i32 to index
        %get3A_311 = tpu.vector_load %arg9[%get3A_310] {strides = array<i32>} : memref<24576xi32, #tpu.memory_space<vmem>>, vector<16xi32>,
        %gather3A_312 = tpu.vector_load_idx %arg8[%get3A_311] : memref<4096xi32, #tpu.memory_space<vmem>>[vector<16xi32>], vector<16xi32>,
        tpu.vector_store_idx %arg8[%get3A_311], %broadcast_in_dim3A_1 {add = true} : memref<4096xi32, #tpu.memory_space<vmem>>[vector<16xi32>], vector<16xi32>,
        %and3A_313 = arith.constant 2047 : i32
        %and3A_314 = vector.broadcast %and3A_313 : i32 to vector<16xi32>
        %and3A_315 = arith.andi %gather3A_312, %and3A_314 : vector<16xi32>
        %shift_left3A_316 = arith.constant 4 : i32
        %shift_left3A_317 = vector.broadcast %shift_left3A_316 : i32 to vector<16xi32>
        %shift_left3A_318 = arith.shli %and3A_315, %shift_left3A_317 : vector<16xi32>
        %shift_right_logical3A_319 = arith.constant 11 : i32
        %shift_right_logical3A_320 = vector.broadcast %shift_right_logical3A_319 : i32 to vector<16xi32>
        %shift_right_logical3A_321 = arith.shrui %gather3A_312, %shift_right_logical3A_320 : vector<16xi32>
        %or3A_322 = arith.ori %shift_left3A_318, %shift_right_logical3A_321 : vector<16xi32>
        %mul3A_323 = arith.constant 16 : i32
        %mul3A_324 = arith.muli %add3A_307, %mul3A_323 : i32
        %swap3A_325 = arith.index_cast %mul3A_324 : i32 to index
        %swap3A_326 = tpu.vector_load %arg9[%swap3A_325] {strides = array<i32>} : memref<24576xi32, #tpu.memory_space<vmem>>, vector<16xi32>,
        tpu.vector_store %arg9[%swap3A_325], %or3A_322 {strides = array<i32>} : memref<24576xi32, #tpu.memory_space<vmem>>, vector<16xi32>,
        %mul3A_327 = arith.constant 8 : i32
        %mul3A_328 = arith.muli %scan3A_195, %mul3A_327 : i32
        %add3A_329 = arith.constant 6 : i32
        %add3A_330 = arith.addi %mul3A_328, %add3A_329 : i32
        %mul3A_331 = arith.constant 16 : i32
        %mul3A_332 = arith.muli %add3A_330, %mul3A_331 : i32
        %get3A_333 = arith.index_cast %mul3A_332 : i32 to index
        %get3A_334 = tpu.vector_load %arg9[%get3A_333] {strides = array<i32>} : memref<24576xi32, #tpu.memory_space<vmem>>, vector<16xi32>,
        %gather3A_335 = tpu.vector_load_idx %arg8[%get3A_334] : memref<4096xi32, #tpu.memory_space<vmem>>[vector<16xi32>], vector<16xi32>,
        tpu.vector_store_idx %arg8[%get3A_334], %broadcast_in_dim3A_1 {add = true} : memref<4096xi32, #tpu.memory_space<vmem>>[vector<16xi32>], vector<16xi32>,
        %and3A_336 = arith.constant 2047 : i32
        %and3A_337 = vector.broadcast %and3A_336 : i32 to vector<16xi32>
        %and3A_338 = arith.andi %gather3A_335, %and3A_337 : vector<16xi32>
        %shift_left3A_339 = arith.constant 4 : i32
        %shift_left3A_340 = vector.broadcast %shift_left3A_339 : i32 to vector<16xi32>
        %shift_left3A_341 = arith.shli %and3A_338, %shift_left3A_340 : vector<16xi32>
        %shift_right_logical3A_342 = arith.constant 11 : i32
        %shift_right_logical3A_343 = vector.broadcast %shift_right_logical3A_342 : i32 to vector<16xi32>
        %shift_right_logical3A_344 = arith.shrui %gather3A_335, %shift_right_logical3A_343 : vector<16xi32>
        %or3A_345 = arith.ori %shift_left3A_341, %shift_right_logical3A_344 : vector<16xi32>
        %mul3A_346 = arith.constant 16 : i32
        %mul3A_347 = arith.muli %add3A_330, %mul3A_346 : i32
        %swap3A_348 = arith.index_cast %mul3A_347 : i32 to index
        %swap3A_349 = tpu.vector_load %arg9[%swap3A_348] {strides = array<i32>} : memref<24576xi32, #tpu.memory_space<vmem>>, vector<16xi32>,
        tpu.vector_store %arg9[%swap3A_348], %or3A_345 {strides = array<i32>} : memref<24576xi32, #tpu.memory_space<vmem>>, vector<16xi32>,
        %mul3A_350 = arith.constant 8 : i32
        %mul3A_351 = arith.muli %scan3A_195, %mul3A_350 : i32
        %add3A_352 = arith.constant 7 : i32
        %add3A_353 = arith.addi %mul3A_351, %add3A_352 : i32
        %mul3A_354 = arith.constant 16 : i32
        %mul3A_355 = arith.muli %add3A_353, %mul3A_354 : i32
        %get3A_356 = arith.index_cast %mul3A_355 : i32 to index
        %get3A_357 = tpu.vector_load %arg9[%get3A_356] {strides = array<i32>} : memref<24576xi32, #tpu.memory_space<vmem>>, vector<16xi32>,
        %gather3A_358 = tpu.vector_load_idx %arg8[%get3A_357] : memref<4096xi32, #tpu.memory_space<vmem>>[vector<16xi32>], vector<16xi32>,
        tpu.vector_store_idx %arg8[%get3A_357], %broadcast_in_dim3A_1 {add = true} : memref<4096xi32, #tpu.memory_space<vmem>>[vector<16xi32>], vector<16xi32>,
        %and3A_359 = arith.constant 2047 : i32
        %and3A_360 = vector.broadcast %and3A_359 : i32 to vector<16xi32>
        %and3A_361 = arith.andi %gather3A_358, %and3A_360 : vector<16xi32>
        %shift_left3A_362 = arith.constant 4 : i32
        %shift_left3A_363 = vector.broadcast %shift_left3A_362 : i32 to vector<16xi32>
        %shift_left3A_364 = arith.shli %and3A_361, %shift_left3A_363 : vector<16xi32>
        %shift_right_logical3A_365 = arith.constant 11 : i32
        %shift_right_logical3A_366 = vector.broadcast %shift_right_logical3A_365 : i32 to vector<16xi32>
        %shift_right_logical3A_367 = arith.shrui %gather3A_358, %shift_right_logical3A_366 : vector<16xi32>
        %or3A_368 = arith.ori %shift_left3A_364, %shift_right_logical3A_367 : vector<16xi32>
        %mul3A_369 = arith.constant 16 : i32
        %mul3A_370 = arith.muli %add3A_353, %mul3A_369 : i32
        %swap3A_371 = arith.index_cast %mul3A_370 : i32 to index
        %swap3A_372 = tpu.vector_load %arg9[%swap3A_371] {strides = array<i32>} : memref<24576xi32, #tpu.memory_space<vmem>>, vector<16xi32>,
        tpu.vector_store %arg9[%swap3A_371], %or3A_368 {strides = array<i32>} : memref<24576xi32, #tpu.memory_space<vmem>>, vector<16xi32>,
      }
      %scan3A_49 = arith.constant 64 : i32
      %parallel_loop3A_50 = arith.constant 0 : i32
      %parallel_loop3A_51 = arith.constant 512 : i32
      %parallel_loop3A_52 = arith.constant 1 : i32
      scf.for %parallel_loop3A_195 = %parallel_loop3A_50 to %parallel_loop3A_51 step %parallel_loop3A_52  : i32 {
        %parallel_loop3A_196 = arith.constant 16 : i32
        %parallel_loop3A_197 = arith.muli %parallel_loop3A_195, %parallel_loop3A_196 : i32
        %parallel_loop3A_198 = arith.index_cast %parallel_loop3A_197 : i32 to index
        %parallel_loop3A_199 = tpu.vector_load %arg9[%parallel_loop3A_198] {strides = array<i32>} : memref<24576xi32, #tpu.memory_space<vmem>>, vector<16xi32>,
        %parallel_loop3A_200 = arith.constant 1536 : i32
        %parallel_loop3A_201 = arith.addi %parallel_loop3A_200, %parallel_loop3A_195 : i32
        %parallel_loop3A_202 = arith.constant 2048 : i32
        %parallel_loop3A_203 = vector.broadcast %parallel_loop3A_202 : i32 to vector<16xi32>
        %parallel_loop3A_204 = arith.muli %iota3A, %parallel_loop3A_203 : vector<16xi32>
        %parallel_loop3A_205 = vector.broadcast %parallel_loop3A_201 : i32 to vector<16xi32>
        %parallel_loop3A_206 = arith.addi %parallel_loop3A_204, %parallel_loop3A_205 : vector<16xi32>
        tpu.vector_store_idx %arg7[%parallel_loop3A_199], %parallel_loop3A_206 : memref<32768xi32, #tpu.memory_space<vmem>>[vector<16xi32>], vector<16xi32>,
      } {sc.loop_unroll_factor = 8 : i64, sc.parallel_access}
      %parallel_loop3A_53 = arith.constant 0 : i32
      %parallel_loop3A_54 = arith.constant 256 : i32
      %parallel_loop3A_55 = arith.constant 1 : i32
      scf.for %parallel_loop3A_195 = %parallel_loop3A_53 to %parallel_loop3A_54 step %parallel_loop3A_55  : i32 {
        %parallel_loop3A_196 = arith.constant 0 : i32
        %parallel_loop3A_197 = vector.broadcast %parallel_loop3A_196 : i32 to vector<16xi32>
        %parallel_loop3A_198 = arith.constant 16 : i32
        %parallel_loop3A_199 = arith.muli %parallel_loop3A_195, %parallel_loop3A_198 : i32
        %parallel_loop3A_200 = arith.index_cast %parallel_loop3A_199 : i32 to index
        %parallel_loop3A_201 = tpu.vector_load %arg8[%parallel_loop3A_200] {strides = array<i32>} : memref<4096xi32, #tpu.memory_space<vmem>>, vector<16xi32>,
        tpu.vector_store %arg8[%parallel_loop3A_200], %parallel_loop3A_197 {strides = array<i32>} : memref<4096xi32, #tpu.memory_space<vmem>>, vector<16xi32>,
      } {sc.loop_unroll_factor = 8 : i64, sc.parallel_access}
      %parallel_loop3A_56 = arith.constant 0 : i32
      %parallel_loop3A_57 = arith.constant 1536 : i32
      %parallel_loop3A_58 = arith.constant 1 : i32
      scf.for %parallel_loop3A_195 = %parallel_loop3A_56 to %parallel_loop3A_57 step %parallel_loop3A_58  : i32 {
        %parallel_loop3A_196 = arith.constant 16 : i32
        %parallel_loop3A_197 = arith.muli %parallel_loop3A_195, %parallel_loop3A_196 : i32
        %parallel_loop3A_198 = arith.index_cast %parallel_loop3A_197 : i32 to index
        %parallel_loop3A_199 = tpu.vector_load %arg7[%parallel_loop3A_198] {strides = array<i32>} : memref<32768xi32, #tpu.memory_space<vmem>>, vector<16xi32>,
        %parallel_loop3A_200 = tpu.vector_load_idx %arg5[%parallel_loop3A_199] : memref<32768xi32, #tpu.memory_space<vmem>>[vector<16xi32>], vector<16xi32>,
        %parallel_loop3A_201 = arith.constant 8 : i32
        %parallel_loop3A_202 = vector.broadcast %parallel_loop3A_201 : i32 to vector<16xi32>
        %parallel_loop3A_203 = arith.shrui %parallel_loop3A_200, %parallel_loop3A_202 : vector<16xi32>
        %parallel_loop3A_204 = arith.constant 255 : i32
        %parallel_loop3A_205 = vector.broadcast %parallel_loop3A_204 : i32 to vector<16xi32>
        %parallel_loop3A_206 = arith.andi %parallel_loop3A_203, %parallel_loop3A_205 : vector<16xi32>
        %parallel_loop3A_207 = arith.constant 16 : i32
        %parallel_loop3A_208 = vector.broadcast %parallel_loop3A_207 : i32 to vector<16xi32>
        %parallel_loop3A_209 = arith.muli %parallel_loop3A_206, %parallel_loop3A_208 : vector<16xi32>
        %parallel_loop3A_210 = arith.addi %parallel_loop3A_209, %iota3A : vector<16xi32>
        tpu.vector_store_idx %arg8[%parallel_loop3A_210], %broadcast_in_dim3A_1 {add = true} : memref<4096xi32, #tpu.memory_space<vmem>>[vector<16xi32>], vector<16xi32>,
        %parallel_loop3A_211 = arith.constant 16 : i32
        %parallel_loop3A_212 = arith.muli %parallel_loop3A_195, %parallel_loop3A_211 : i32
        %parallel_loop3A_213 = arith.index_cast %parallel_loop3A_212 : i32 to index
        %parallel_loop3A_214 = tpu.vector_load %arg9[%parallel_loop3A_213] {strides = array<i32>} : memref<24576xi32, #tpu.memory_space<vmem>>, vector<16xi32>,
        tpu.vector_store %arg9[%parallel_loop3A_213], %parallel_loop3A_210 {strides = array<i32>} : memref<24576xi32, #tpu.memory_space<vmem>>, vector<16xi32>,
      } {sc.loop_unroll_factor = 8 : i64, sc.parallel_access}
      %parallel_loop3A_59 = arith.constant 1536 : i32
      %parallel_loop3A_60 = arith.constant 2048 : i32
      %parallel_loop3A_61 = arith.constant 1 : i32
      scf.for %parallel_loop3A_195 = %parallel_loop3A_59 to %parallel_loop3A_60 step %parallel_loop3A_61  : i32 {
        %parallel_loop3A_196 = arith.constant 16 : i32
        %parallel_loop3A_197 = arith.muli %parallel_loop3A_195, %parallel_loop3A_196 : i32
        %parallel_loop3A_198 = arith.index_cast %parallel_loop3A_197 : i32 to index
        %parallel_loop3A_199 = tpu.vector_load %arg7[%parallel_loop3A_198] {strides = array<i32>} : memref<32768xi32, #tpu.memory_space<vmem>>, vector<16xi32>,
        %parallel_loop3A_200 = tpu.vector_load_idx %arg5[%parallel_loop3A_199] : memref<32768xi32, #tpu.memory_space<vmem>>[vector<16xi32>], vector<16xi32>,
        %parallel_loop3A_201 = arith.constant 8 : i32
        %parallel_loop3A_202 = vector.broadcast %parallel_loop3A_201 : i32 to vector<16xi32>
        %parallel_loop3A_203 = arith.shrui %parallel_loop3A_200, %parallel_loop3A_202 : vector<16xi32>
        %parallel_loop3A_204 = arith.constant 255 : i32
        %parallel_loop3A_205 = vector.broadcast %parallel_loop3A_204 : i32 to vector<16xi32>
        %parallel_loop3A_206 = arith.andi %parallel_loop3A_203, %parallel_loop3A_205 : vector<16xi32>
        %parallel_loop3A_207 = arith.constant 16 : i32
        %parallel_loop3A_208 = vector.broadcast %parallel_loop3A_207 : i32 to vector<16xi32>
        %parallel_loop3A_209 = arith.muli %parallel_loop3A_206, %parallel_loop3A_208 : vector<16xi32>
        %parallel_loop3A_210 = arith.addi %parallel_loop3A_209, %iota3A : vector<16xi32>
        tpu.vector_store_idx %arg8[%parallel_loop3A_210], %broadcast_in_dim3A_1 {add = true} : memref<4096xi32, #tpu.memory_space<vmem>>[vector<16xi32>], vector<16xi32>,
      } {sc.loop_unroll_factor = 8 : i64, sc.parallel_access}
      %parallel_loop3A_62 = arith.constant 0 : i32
      %parallel_loop3A_63 = arith.constant 256 : i32
      %parallel_loop3A_64 = arith.constant 1 : i32
      scf.for %parallel_loop3A_195 = %parallel_loop3A_62 to %parallel_loop3A_63 step %parallel_loop3A_64  : i32 {
        %parallel_loop3A_196 = arith.constant 16 : i32
        %parallel_loop3A_197 = arith.muli %parallel_loop3A_195, %parallel_loop3A_196 : i32
        %parallel_loop3A_198 = arith.index_cast %parallel_loop3A_197 : i32 to index
        %parallel_loop3A_199 = tpu.vector_load %arg8[%parallel_loop3A_198] {strides = array<i32>} : memref<4096xi32, #tpu.memory_space<vmem>>, vector<16xi32>,
        %parallel_loop3A_200 = arith.constant true
        %parallel_loop3A_201 = vector.broadcast %parallel_loop3A_200 : i1 to vector<16xi1>
        %parallel_loop3A_202 = tpu.scan <sum>, %parallel_loop3A_199 masked %parallel_loop3A_201 : vector<16xi32>, vector<16xi1> -> vector<16xi32>
        %parallel_loop3A_203 = vector.extract %parallel_loop3A_202[15] : i32 from vector<16xi32>
        %parallel_loop3A_204 = arith.index_cast %parallel_loop3A_195 : i32 to index
        %parallel_loop3A_205 = memref.load %arg10[%parallel_loop3A_204] : memref<256xi32, #tpu.memory_space<smem>>
        memref.store %parallel_loop3A_203, %arg10[%parallel_loop3A_204] : memref<256xi32, #tpu.memory_space<smem>>
      } {sc.loop_unroll_factor = 8 : i64, sc.parallel_access}
      %scan3A_65 = arith.constant 0 : i32
      %scan3A_66 = arith.constant 0 : i32
      %scan3A_67 = arith.constant 256 : i32
      %scan3A_68 = arith.addi %scan3A_66, %scan3A_67 : i32
      %scan3A_69 = arith.constant 1 : i32
      %scan3A_70 = scf.for %scan3A_195 = %scan3A_66 to %scan3A_68 step %scan3A_69 iter_args(%scan3A_196 = %scan3A_65) -> (i32)  : i32 {
        %get3A = arith.index_cast %scan3A_195 : i32 to index
        %get3A_197 = memref.load %arg10[%get3A] : memref<256xi32, #tpu.memory_space<smem>>
        %swap3A = arith.index_cast %scan3A_195 : i32 to index
        %swap3A_198 = memref.load %arg10[%swap3A] : memref<256xi32, #tpu.memory_space<smem>>
        memref.store %scan3A_196, %arg10[%swap3A] : memref<256xi32, #tpu.memory_space<smem>>
        %add3A_199 = arith.addi %scan3A_196, %get3A_197 : i32
        scf.yield %add3A_199 : i32
      }
      %scan3A_71 = arith.constant 256 : i32
      %parallel_loop3A_72 = arith.constant 0 : i32
      %parallel_loop3A_73 = arith.constant 256 : i32
      %parallel_loop3A_74 = arith.constant 1 : i32
      scf.for %parallel_loop3A_195 = %parallel_loop3A_72 to %parallel_loop3A_73 step %parallel_loop3A_74  : i32 {
        %parallel_loop3A_196 = arith.constant 16 : i32
        %parallel_loop3A_197 = arith.muli %parallel_loop3A_195, %parallel_loop3A_196 : i32
        %parallel_loop3A_198 = arith.index_cast %parallel_loop3A_197 : i32 to index
        %parallel_loop3A_199 = tpu.vector_load %arg8[%parallel_loop3A_198] {strides = array<i32>} : memref<4096xi32, #tpu.memory_space<vmem>>, vector<16xi32>,
        %parallel_loop3A_200 = arith.constant true
        %parallel_loop3A_201 = vector.broadcast %parallel_loop3A_200 : i1 to vector<16xi1>
        %parallel_loop3A_202 = tpu.scan <sum>, %parallel_loop3A_199 masked %parallel_loop3A_201 : vector<16xi32>, vector<16xi1> -> vector<16xi32>
        %parallel_loop3A_203 = arith.subi %parallel_loop3A_202, %parallel_loop3A_199 : vector<16xi32>
        %parallel_loop3A_204 = arith.index_cast %parallel_loop3A_195 : i32 to index
        %parallel_loop3A_205 = memref.load %arg10[%parallel_loop3A_204] : memref<256xi32, #tpu.memory_space<smem>>
        %parallel_loop3A_206 = vector.broadcast %parallel_loop3A_205 : i32 to vector<16xi32>
        %parallel_loop3A_207 = arith.addi %parallel_loop3A_203, %parallel_loop3A_206 : vector<16xi32>
        %parallel_loop3A_208 = arith.constant 16 : i32
        %parallel_loop3A_209 = arith.muli %parallel_loop3A_195, %parallel_loop3A_208 : i32
        %parallel_loop3A_210 = arith.index_cast %parallel_loop3A_209 : i32 to index
        %parallel_loop3A_211 = tpu.vector_load %arg8[%parallel_loop3A_210] {strides = array<i32>} : memref<4096xi32, #tpu.memory_space<vmem>>, vector<16xi32>,
        tpu.vector_store %arg8[%parallel_loop3A_210], %parallel_loop3A_207 {strides = array<i32>} : memref<4096xi32, #tpu.memory_space<vmem>>, vector<16xi32>,
      } {sc.loop_unroll_factor = 8 : i64, sc.parallel_access}
      %scan3A_75 = arith.constant 0 : i32
      %scan3A_76 = arith.constant 0 : i32
      %scan3A_77 = arith.constant 192 : i32
      %scan3A_78 = arith.addi %scan3A_76, %scan3A_77 : i32
      %scan3A_79 = arith.constant 1 : i32
      scf.for %scan3A_195 = %scan3A_76 to %scan3A_78 step %scan3A_79  : i32 {
        %mul3A_196 = arith.constant 8 : i32
        %mul3A_197 = arith.muli %scan3A_195, %mul3A_196 : i32
        %add3A_198 = arith.constant 0 : i32
        %add3A_199 = arith.addi %mul3A_197, %add3A_198 : i32
        %mul3A_200 = arith.constant 16 : i32
        %mul3A_201 = arith.muli %add3A_199, %mul3A_200 : i32
        %get3A = arith.index_cast %mul3A_201 : i32 to index
        %get3A_202 = tpu.vector_load %arg9[%get3A] {strides = array<i32>} : memref<24576xi32, #tpu.memory_space<vmem>>, vector<16xi32>,
        %gather3A = tpu.vector_load_idx %arg8[%get3A_202] : memref<4096xi32, #tpu.memory_space<vmem>>[vector<16xi32>], vector<16xi32>,
        tpu.vector_store_idx %arg8[%get3A_202], %broadcast_in_dim3A_1 {add = true} : memref<4096xi32, #tpu.memory_space<vmem>>[vector<16xi32>], vector<16xi32>,
        %and3A = arith.constant 2047 : i32
        %and3A_203 = vector.broadcast %and3A : i32 to vector<16xi32>
        %and3A_204 = arith.andi %gather3A, %and3A_203 : vector<16xi32>
        %shift_left3A = arith.constant 4 : i32
        %shift_left3A_205 = vector.broadcast %shift_left3A : i32 to vector<16xi32>
        %shift_left3A_206 = arith.shli %and3A_204, %shift_left3A_205 : vector<16xi32>
        %shift_right_logical3A = arith.constant 11 : i32
        %shift_right_logical3A_207 = vector.broadcast %shift_right_logical3A : i32 to vector<16xi32>
        %shift_right_logical3A_208 = arith.shrui %gather3A, %shift_right_logical3A_207 : vector<16xi32>
        %or3A = arith.ori %shift_left3A_206, %shift_right_logical3A_208 : vector<16xi32>
        %mul3A_209 = arith.constant 16 : i32
        %mul3A_210 = arith.muli %add3A_199, %mul3A_209 : i32
        %swap3A = arith.index_cast %mul3A_210 : i32 to index
        %swap3A_211 = tpu.vector_load %arg9[%swap3A] {strides = array<i32>} : memref<24576xi32, #tpu.memory_space<vmem>>, vector<16xi32>,
        tpu.vector_store %arg9[%swap3A], %or3A {strides = array<i32>} : memref<24576xi32, #tpu.memory_space<vmem>>, vector<16xi32>,
        %mul3A_212 = arith.constant 8 : i32
        %mul3A_213 = arith.muli %scan3A_195, %mul3A_212 : i32
        %add3A_214 = arith.constant 1 : i32
        %add3A_215 = arith.addi %mul3A_213, %add3A_214 : i32
        %mul3A_216 = arith.constant 16 : i32
        %mul3A_217 = arith.muli %add3A_215, %mul3A_216 : i32
        %get3A_218 = arith.index_cast %mul3A_217 : i32 to index
        %get3A_219 = tpu.vector_load %arg9[%get3A_218] {strides = array<i32>} : memref<24576xi32, #tpu.memory_space<vmem>>, vector<16xi32>,
        %gather3A_220 = tpu.vector_load_idx %arg8[%get3A_219] : memref<4096xi32, #tpu.memory_space<vmem>>[vector<16xi32>], vector<16xi32>,
        tpu.vector_store_idx %arg8[%get3A_219], %broadcast_in_dim3A_1 {add = true} : memref<4096xi32, #tpu.memory_space<vmem>>[vector<16xi32>], vector<16xi32>,
        %and3A_221 = arith.constant 2047 : i32
        %and3A_222 = vector.broadcast %and3A_221 : i32 to vector<16xi32>
        %and3A_223 = arith.andi %gather3A_220, %and3A_222 : vector<16xi32>
        %shift_left3A_224 = arith.constant 4 : i32
        %shift_left3A_225 = vector.broadcast %shift_left3A_224 : i32 to vector<16xi32>
        %shift_left3A_226 = arith.shli %and3A_223, %shift_left3A_225 : vector<16xi32>
        %shift_right_logical3A_227 = arith.constant 11 : i32
        %shift_right_logical3A_228 = vector.broadcast %shift_right_logical3A_227 : i32 to vector<16xi32>
        %shift_right_logical3A_229 = arith.shrui %gather3A_220, %shift_right_logical3A_228 : vector<16xi32>
        %or3A_230 = arith.ori %shift_left3A_226, %shift_right_logical3A_229 : vector<16xi32>
        %mul3A_231 = arith.constant 16 : i32
        %mul3A_232 = arith.muli %add3A_215, %mul3A_231 : i32
        %swap3A_233 = arith.index_cast %mul3A_232 : i32 to index
        %swap3A_234 = tpu.vector_load %arg9[%swap3A_233] {strides = array<i32>} : memref<24576xi32, #tpu.memory_space<vmem>>, vector<16xi32>,
        tpu.vector_store %arg9[%swap3A_233], %or3A_230 {strides = array<i32>} : memref<24576xi32, #tpu.memory_space<vmem>>, vector<16xi32>,
        %mul3A_235 = arith.constant 8 : i32
        %mul3A_236 = arith.muli %scan3A_195, %mul3A_235 : i32
        %add3A_237 = arith.constant 2 : i32
        %add3A_238 = arith.addi %mul3A_236, %add3A_237 : i32
        %mul3A_239 = arith.constant 16 : i32
        %mul3A_240 = arith.muli %add3A_238, %mul3A_239 : i32
        %get3A_241 = arith.index_cast %mul3A_240 : i32 to index
        %get3A_242 = tpu.vector_load %arg9[%get3A_241] {strides = array<i32>} : memref<24576xi32, #tpu.memory_space<vmem>>, vector<16xi32>,
        %gather3A_243 = tpu.vector_load_idx %arg8[%get3A_242] : memref<4096xi32, #tpu.memory_space<vmem>>[vector<16xi32>], vector<16xi32>,
        tpu.vector_store_idx %arg8[%get3A_242], %broadcast_in_dim3A_1 {add = true} : memref<4096xi32, #tpu.memory_space<vmem>>[vector<16xi32>], vector<16xi32>,
        %and3A_244 = arith.constant 2047 : i32
        %and3A_245 = vector.broadcast %and3A_244 : i32 to vector<16xi32>
        %and3A_246 = arith.andi %gather3A_243, %and3A_245 : vector<16xi32>
        %shift_left3A_247 = arith.constant 4 : i32
        %shift_left3A_248 = vector.broadcast %shift_left3A_247 : i32 to vector<16xi32>
        %shift_left3A_249 = arith.shli %and3A_246, %shift_left3A_248 : vector<16xi32>
        %shift_right_logical3A_250 = arith.constant 11 : i32
        %shift_right_logical3A_251 = vector.broadcast %shift_right_logical3A_250 : i32 to vector<16xi32>
        %shift_right_logical3A_252 = arith.shrui %gather3A_243, %shift_right_logical3A_251 : vector<16xi32>
        %or3A_253 = arith.ori %shift_left3A_249, %shift_right_logical3A_252 : vector<16xi32>
        %mul3A_254 = arith.constant 16 : i32
        %mul3A_255 = arith.muli %add3A_238, %mul3A_254 : i32
        %swap3A_256 = arith.index_cast %mul3A_255 : i32 to index
        %swap3A_257 = tpu.vector_load %arg9[%swap3A_256] {strides = array<i32>} : memref<24576xi32, #tpu.memory_space<vmem>>, vector<16xi32>,
        tpu.vector_store %arg9[%swap3A_256], %or3A_253 {strides = array<i32>} : memref<24576xi32, #tpu.memory_space<vmem>>, vector<16xi32>,
        %mul3A_258 = arith.constant 8 : i32
        %mul3A_259 = arith.muli %scan3A_195, %mul3A_258 : i32
        %add3A_260 = arith.constant 3 : i32
        %add3A_261 = arith.addi %mul3A_259, %add3A_260 : i32
        %mul3A_262 = arith.constant 16 : i32
        %mul3A_263 = arith.muli %add3A_261, %mul3A_262 : i32
        %get3A_264 = arith.index_cast %mul3A_263 : i32 to index
        %get3A_265 = tpu.vector_load %arg9[%get3A_264] {strides = array<i32>} : memref<24576xi32, #tpu.memory_space<vmem>>, vector<16xi32>,
        %gather3A_266 = tpu.vector_load_idx %arg8[%get3A_265] : memref<4096xi32, #tpu.memory_space<vmem>>[vector<16xi32>], vector<16xi32>,
        tpu.vector_store_idx %arg8[%get3A_265], %broadcast_in_dim3A_1 {add = true} : memref<4096xi32, #tpu.memory_space<vmem>>[vector<16xi32>], vector<16xi32>,
        %and3A_267 = arith.constant 2047 : i32
        %and3A_268 = vector.broadcast %and3A_267 : i32 to vector<16xi32>
        %and3A_269 = arith.andi %gather3A_266, %and3A_268 : vector<16xi32>
        %shift_left3A_270 = arith.constant 4 : i32
        %shift_left3A_271 = vector.broadcast %shift_left3A_270 : i32 to vector<16xi32>
        %shift_left3A_272 = arith.shli %and3A_269, %shift_left3A_271 : vector<16xi32>
        %shift_right_logical3A_273 = arith.constant 11 : i32
        %shift_right_logical3A_274 = vector.broadcast %shift_right_logical3A_273 : i32 to vector<16xi32>
        %shift_right_logical3A_275 = arith.shrui %gather3A_266, %shift_right_logical3A_274 : vector<16xi32>
        %or3A_276 = arith.ori %shift_left3A_272, %shift_right_logical3A_275 : vector<16xi32>
        %mul3A_277 = arith.constant 16 : i32
        %mul3A_278 = arith.muli %add3A_261, %mul3A_277 : i32
        %swap3A_279 = arith.index_cast %mul3A_278 : i32 to index
        %swap3A_280 = tpu.vector_load %arg9[%swap3A_279] {strides = array<i32>} : memref<24576xi32, #tpu.memory_space<vmem>>, vector<16xi32>,
        tpu.vector_store %arg9[%swap3A_279], %or3A_276 {strides = array<i32>} : memref<24576xi32, #tpu.memory_space<vmem>>, vector<16xi32>,
        %mul3A_281 = arith.constant 8 : i32
        %mul3A_282 = arith.muli %scan3A_195, %mul3A_281 : i32
        %add3A_283 = arith.constant 4 : i32
        %add3A_284 = arith.addi %mul3A_282, %add3A_283 : i32
        %mul3A_285 = arith.constant 16 : i32
        %mul3A_286 = arith.muli %add3A_284, %mul3A_285 : i32
        %get3A_287 = arith.index_cast %mul3A_286 : i32 to index
        %get3A_288 = tpu.vector_load %arg9[%get3A_287] {strides = array<i32>} : memref<24576xi32, #tpu.memory_space<vmem>>, vector<16xi32>,
        %gather3A_289 = tpu.vector_load_idx %arg8[%get3A_288] : memref<4096xi32, #tpu.memory_space<vmem>>[vector<16xi32>], vector<16xi32>,
        tpu.vector_store_idx %arg8[%get3A_288], %broadcast_in_dim3A_1 {add = true} : memref<4096xi32, #tpu.memory_space<vmem>>[vector<16xi32>], vector<16xi32>,
        %and3A_290 = arith.constant 2047 : i32
        %and3A_291 = vector.broadcast %and3A_290 : i32 to vector<16xi32>
        %and3A_292 = arith.andi %gather3A_289, %and3A_291 : vector<16xi32>
        %shift_left3A_293 = arith.constant 4 : i32
        %shift_left3A_294 = vector.broadcast %shift_left3A_293 : i32 to vector<16xi32>
        %shift_left3A_295 = arith.shli %and3A_292, %shift_left3A_294 : vector<16xi32>
        %shift_right_logical3A_296 = arith.constant 11 : i32
        %shift_right_logical3A_297 = vector.broadcast %shift_right_logical3A_296 : i32 to vector<16xi32>
        %shift_right_logical3A_298 = arith.shrui %gather3A_289, %shift_right_logical3A_297 : vector<16xi32>
        %or3A_299 = arith.ori %shift_left3A_295, %shift_right_logical3A_298 : vector<16xi32>
        %mul3A_300 = arith.constant 16 : i32
        %mul3A_301 = arith.muli %add3A_284, %mul3A_300 : i32
        %swap3A_302 = arith.index_cast %mul3A_301 : i32 to index
        %swap3A_303 = tpu.vector_load %arg9[%swap3A_302] {strides = array<i32>} : memref<24576xi32, #tpu.memory_space<vmem>>, vector<16xi32>,
        tpu.vector_store %arg9[%swap3A_302], %or3A_299 {strides = array<i32>} : memref<24576xi32, #tpu.memory_space<vmem>>, vector<16xi32>,
        %mul3A_304 = arith.constant 8 : i32
        %mul3A_305 = arith.muli %scan3A_195, %mul3A_304 : i32
        %add3A_306 = arith.constant 5 : i32
        %add3A_307 = arith.addi %mul3A_305, %add3A_306 : i32
        %mul3A_308 = arith.constant 16 : i32
        %mul3A_309 = arith.muli %add3A_307, %mul3A_308 : i32
        %get3A_310 = arith.index_cast %mul3A_309 : i32 to index
        %get3A_311 = tpu.vector_load %arg9[%get3A_310] {strides = array<i32>} : memref<24576xi32, #tpu.memory_space<vmem>>, vector<16xi32>,
        %gather3A_312 = tpu.vector_load_idx %arg8[%get3A_311] : memref<4096xi32, #tpu.memory_space<vmem>>[vector<16xi32>], vector<16xi32>,
        tpu.vector_store_idx %arg8[%get3A_311], %broadcast_in_dim3A_1 {add = true} : memref<4096xi32, #tpu.memory_space<vmem>>[vector<16xi32>], vector<16xi32>,
        %and3A_313 = arith.constant 2047 : i32
        %and3A_314 = vector.broadcast %and3A_313 : i32 to vector<16xi32>
        %and3A_315 = arith.andi %gather3A_312, %and3A_314 : vector<16xi32>
        %shift_left3A_316 = arith.constant 4 : i32
        %shift_left3A_317 = vector.broadcast %shift_left3A_316 : i32 to vector<16xi32>
        %shift_left3A_318 = arith.shli %and3A_315, %shift_left3A_317 : vector<16xi32>
        %shift_right_logical3A_319 = arith.constant 11 : i32
        %shift_right_logical3A_320 = vector.broadcast %shift_right_logical3A_319 : i32 to vector<16xi32>
        %shift_right_logical3A_321 = arith.shrui %gather3A_312, %shift_right_logical3A_320 : vector<16xi32>
        %or3A_322 = arith.ori %shift_left3A_318, %shift_right_logical3A_321 : vector<16xi32>
        %mul3A_323 = arith.constant 16 : i32
        %mul3A_324 = arith.muli %add3A_307, %mul3A_323 : i32
        %swap3A_325 = arith.index_cast %mul3A_324 : i32 to index
        %swap3A_326 = tpu.vector_load %arg9[%swap3A_325] {strides = array<i32>} : memref<24576xi32, #tpu.memory_space<vmem>>, vector<16xi32>,
        tpu.vector_store %arg9[%swap3A_325], %or3A_322 {strides = array<i32>} : memref<24576xi32, #tpu.memory_space<vmem>>, vector<16xi32>,
        %mul3A_327 = arith.constant 8 : i32
        %mul3A_328 = arith.muli %scan3A_195, %mul3A_327 : i32
        %add3A_329 = arith.constant 6 : i32
        %add3A_330 = arith.addi %mul3A_328, %add3A_329 : i32
        %mul3A_331 = arith.constant 16 : i32
        %mul3A_332 = arith.muli %add3A_330, %mul3A_331 : i32
        %get3A_333 = arith.index_cast %mul3A_332 : i32 to index
        %get3A_334 = tpu.vector_load %arg9[%get3A_333] {strides = array<i32>} : memref<24576xi32, #tpu.memory_space<vmem>>, vector<16xi32>,
        %gather3A_335 = tpu.vector_load_idx %arg8[%get3A_334] : memref<4096xi32, #tpu.memory_space<vmem>>[vector<16xi32>], vector<16xi32>,
        tpu.vector_store_idx %arg8[%get3A_334], %broadcast_in_dim3A_1 {add = true} : memref<4096xi32, #tpu.memory_space<vmem>>[vector<16xi32>], vector<16xi32>,
        %and3A_336 = arith.constant 2047 : i32
        %and3A_337 = vector.broadcast %and3A_336 : i32 to vector<16xi32>
        %and3A_338 = arith.andi %gather3A_335, %and3A_337 : vector<16xi32>
        %shift_left3A_339 = arith.constant 4 : i32
        %shift_left3A_340 = vector.broadcast %shift_left3A_339 : i32 to vector<16xi32>
        %shift_left3A_341 = arith.shli %and3A_338, %shift_left3A_340 : vector<16xi32>
        %shift_right_logical3A_342 = arith.constant 11 : i32
        %shift_right_logical3A_343 = vector.broadcast %shift_right_logical3A_342 : i32 to vector<16xi32>
        %shift_right_logical3A_344 = arith.shrui %gather3A_335, %shift_right_logical3A_343 : vector<16xi32>
        %or3A_345 = arith.ori %shift_left3A_341, %shift_right_logical3A_344 : vector<16xi32>
        %mul3A_346 = arith.constant 16 : i32
        %mul3A_347 = arith.muli %add3A_330, %mul3A_346 : i32
        %swap3A_348 = arith.index_cast %mul3A_347 : i32 to index
        %swap3A_349 = tpu.vector_load %arg9[%swap3A_348] {strides = array<i32>} : memref<24576xi32, #tpu.memory_space<vmem>>, vector<16xi32>,
        tpu.vector_store %arg9[%swap3A_348], %or3A_345 {strides = array<i32>} : memref<24576xi32, #tpu.memory_space<vmem>>, vector<16xi32>,
        %mul3A_350 = arith.constant 8 : i32
        %mul3A_351 = arith.muli %scan3A_195, %mul3A_350 : i32
        %add3A_352 = arith.constant 7 : i32
        %add3A_353 = arith.addi %mul3A_351, %add3A_352 : i32
        %mul3A_354 = arith.constant 16 : i32
        %mul3A_355 = arith.muli %add3A_353, %mul3A_354 : i32
        %get3A_356 = arith.index_cast %mul3A_355 : i32 to index
        %get3A_357 = tpu.vector_load %arg9[%get3A_356] {strides = array<i32>} : memref<24576xi32, #tpu.memory_space<vmem>>, vector<16xi32>,
        %gather3A_358 = tpu.vector_load_idx %arg8[%get3A_357] : memref<4096xi32, #tpu.memory_space<vmem>>[vector<16xi32>], vector<16xi32>,
        tpu.vector_store_idx %arg8[%get3A_357], %broadcast_in_dim3A_1 {add = true} : memref<4096xi32, #tpu.memory_space<vmem>>[vector<16xi32>], vector<16xi32>,
        %and3A_359 = arith.constant 2047 : i32
        %and3A_360 = vector.broadcast %and3A_359 : i32 to vector<16xi32>
        %and3A_361 = arith.andi %gather3A_358, %and3A_360 : vector<16xi32>
        %shift_left3A_362 = arith.constant 4 : i32
        %shift_left3A_363 = vector.broadcast %shift_left3A_362 : i32 to vector<16xi32>
        %shift_left3A_364 = arith.shli %and3A_361, %shift_left3A_363 : vector<16xi32>
        %shift_right_logical3A_365 = arith.constant 11 : i32
        %shift_right_logical3A_366 = vector.broadcast %shift_right_logical3A_365 : i32 to vector<16xi32>
        %shift_right_logical3A_367 = arith.shrui %gather3A_358, %shift_right_logical3A_366 : vector<16xi32>
        %or3A_368 = arith.ori %shift_left3A_364, %shift_right_logical3A_367 : vector<16xi32>
        %mul3A_369 = arith.constant 16 : i32
        %mul3A_370 = arith.muli %add3A_353, %mul3A_369 : i32
        %swap3A_371 = arith.index_cast %mul3A_370 : i32 to index
        %swap3A_372 = tpu.vector_load %arg9[%swap3A_371] {strides = array<i32>} : memref<24576xi32, #tpu.memory_space<vmem>>, vector<16xi32>,
        tpu.vector_store %arg9[%swap3A_371], %or3A_368 {strides = array<i32>} : memref<24576xi32, #tpu.memory_space<vmem>>, vector<16xi32>,
      }
      %scan3A_80 = arith.constant 192 : i32
      %parallel_loop3A_81 = arith.constant 0 : i32
      %parallel_loop3A_82 = arith.constant 1536 : i32
      %parallel_loop3A_83 = arith.constant 1 : i32
      scf.for %parallel_loop3A_195 = %parallel_loop3A_81 to %parallel_loop3A_82 step %parallel_loop3A_83  : i32 {
        %parallel_loop3A_196 = arith.constant 16 : i32
        %parallel_loop3A_197 = arith.muli %parallel_loop3A_195, %parallel_loop3A_196 : i32
        %parallel_loop3A_198 = arith.index_cast %parallel_loop3A_197 : i32 to index
        %parallel_loop3A_199 = tpu.vector_load %arg9[%parallel_loop3A_198] {strides = array<i32>} : memref<24576xi32, #tpu.memory_space<vmem>>, vector<16xi32>,
        %parallel_loop3A_200 = arith.constant 0 : i32
        %parallel_loop3A_201 = arith.addi %parallel_loop3A_200, %parallel_loop3A_195 : i32
        %parallel_loop3A_202 = arith.constant 16 : i32
        %parallel_loop3A_203 = arith.muli %parallel_loop3A_201, %parallel_loop3A_202 : i32
        %parallel_loop3A_204 = arith.index_cast %parallel_loop3A_203 : i32 to index
        %parallel_loop3A_205 = tpu.vector_load %arg7[%parallel_loop3A_204] {strides = array<i32>} : memref<32768xi32, #tpu.memory_space<vmem>>, vector<16xi32>,
        tpu.vector_store_idx %arg6[%parallel_loop3A_199], %parallel_loop3A_205 : memref<32768xi32, #tpu.memory_space<vmem>>[vector<16xi32>], vector<16xi32>,
      } {sc.loop_unroll_factor = 8 : i64, sc.parallel_access}
      %parallel_loop3A_84 = arith.constant 0 : i32
      %parallel_loop3A_85 = arith.constant 512 : i32
      %parallel_loop3A_86 = arith.constant 1 : i32
      scf.for %parallel_loop3A_195 = %parallel_loop3A_84 to %parallel_loop3A_85 step %parallel_loop3A_86  : i32 {
        %parallel_loop3A_196 = arith.constant 1536 : i32
        %parallel_loop3A_197 = arith.addi %parallel_loop3A_196, %parallel_loop3A_195 : i32
        %parallel_loop3A_198 = arith.constant 16 : i32
        %parallel_loop3A_199 = arith.muli %parallel_loop3A_197, %parallel_loop3A_198 : i32
        %parallel_loop3A_200 = arith.index_cast %parallel_loop3A_199 : i32 to index
        %parallel_loop3A_201 = tpu.vector_load %arg7[%parallel_loop3A_200] {strides = array<i32>} : memref<32768xi32, #tpu.memory_space<vmem>>, vector<16xi32>,
        %parallel_loop3A_202 = tpu.vector_load_idx %arg5[%parallel_loop3A_201] : memref<32768xi32, #tpu.memory_space<vmem>>[vector<16xi32>], vector<16xi32>,
        %parallel_loop3A_203 = arith.constant 8 : i32
        %parallel_loop3A_204 = vector.broadcast %parallel_loop3A_203 : i32 to vector<16xi32>
        %parallel_loop3A_205 = arith.shrui %parallel_loop3A_202, %parallel_loop3A_204 : vector<16xi32>
        %parallel_loop3A_206 = arith.constant 255 : i32
        %parallel_loop3A_207 = vector.broadcast %parallel_loop3A_206 : i32 to vector<16xi32>
        %parallel_loop3A_208 = arith.andi %parallel_loop3A_205, %parallel_loop3A_207 : vector<16xi32>
        %parallel_loop3A_209 = arith.constant 16 : i32
        %parallel_loop3A_210 = vector.broadcast %parallel_loop3A_209 : i32 to vector<16xi32>
        %parallel_loop3A_211 = arith.muli %parallel_loop3A_208, %parallel_loop3A_210 : vector<16xi32>
        %parallel_loop3A_212 = arith.addi %parallel_loop3A_211, %iota3A : vector<16xi32>
        %parallel_loop3A_213 = arith.constant 16 : i32
        %parallel_loop3A_214 = arith.muli %parallel_loop3A_195, %parallel_loop3A_213 : i32
        %parallel_loop3A_215 = arith.index_cast %parallel_loop3A_214 : i32 to index
        %parallel_loop3A_216 = tpu.vector_load %arg9[%parallel_loop3A_215] {strides = array<i32>} : memref<24576xi32, #tpu.memory_space<vmem>>, vector<16xi32>,
        tpu.vector_store %arg9[%parallel_loop3A_215], %parallel_loop3A_212 {strides = array<i32>} : memref<24576xi32, #tpu.memory_space<vmem>>, vector<16xi32>,
      } {sc.loop_unroll_factor = 8 : i64, sc.parallel_access}
      %scan3A_87 = arith.constant 0 : i32
      %scan3A_88 = arith.constant 0 : i32
      %scan3A_89 = arith.constant 64 : i32
      %scan3A_90 = arith.addi %scan3A_88, %scan3A_89 : i32
      %scan3A_91 = arith.constant 1 : i32
      scf.for %scan3A_195 = %scan3A_88 to %scan3A_90 step %scan3A_91  : i32 {
        %mul3A_196 = arith.constant 8 : i32
        %mul3A_197 = arith.muli %scan3A_195, %mul3A_196 : i32
        %add3A_198 = arith.constant 0 : i32
        %add3A_199 = arith.addi %mul3A_197, %add3A_198 : i32
        %mul3A_200 = arith.constant 16 : i32
        %mul3A_201 = arith.muli %add3A_199, %mul3A_200 : i32
        %get3A = arith.index_cast %mul3A_201 : i32 to index
        %get3A_202 = tpu.vector_load %arg9[%get3A] {strides = array<i32>} : memref<24576xi32, #tpu.memory_space<vmem>>, vector<16xi32>,
        %gather3A = tpu.vector_load_idx %arg8[%get3A_202] : memref<4096xi32, #tpu.memory_space<vmem>>[vector<16xi32>], vector<16xi32>,
        tpu.vector_store_idx %arg8[%get3A_202], %broadcast_in_dim3A_1 {add = true} : memref<4096xi32, #tpu.memory_space<vmem>>[vector<16xi32>], vector<16xi32>,
        %and3A = arith.constant 2047 : i32
        %and3A_203 = vector.broadcast %and3A : i32 to vector<16xi32>
        %and3A_204 = arith.andi %gather3A, %and3A_203 : vector<16xi32>
        %shift_left3A = arith.constant 4 : i32
        %shift_left3A_205 = vector.broadcast %shift_left3A : i32 to vector<16xi32>
        %shift_left3A_206 = arith.shli %and3A_204, %shift_left3A_205 : vector<16xi32>
        %shift_right_logical3A = arith.constant 11 : i32
        %shift_right_logical3A_207 = vector.broadcast %shift_right_logical3A : i32 to vector<16xi32>
        %shift_right_logical3A_208 = arith.shrui %gather3A, %shift_right_logical3A_207 : vector<16xi32>
        %or3A = arith.ori %shift_left3A_206, %shift_right_logical3A_208 : vector<16xi32>
        %mul3A_209 = arith.constant 16 : i32
        %mul3A_210 = arith.muli %add3A_199, %mul3A_209 : i32
        %swap3A = arith.index_cast %mul3A_210 : i32 to index
        %swap3A_211 = tpu.vector_load %arg9[%swap3A] {strides = array<i32>} : memref<24576xi32, #tpu.memory_space<vmem>>, vector<16xi32>,
        tpu.vector_store %arg9[%swap3A], %or3A {strides = array<i32>} : memref<24576xi32, #tpu.memory_space<vmem>>, vector<16xi32>,
        %mul3A_212 = arith.constant 8 : i32
        %mul3A_213 = arith.muli %scan3A_195, %mul3A_212 : i32
        %add3A_214 = arith.constant 1 : i32
        %add3A_215 = arith.addi %mul3A_213, %add3A_214 : i32
        %mul3A_216 = arith.constant 16 : i32
        %mul3A_217 = arith.muli %add3A_215, %mul3A_216 : i32
        %get3A_218 = arith.index_cast %mul3A_217 : i32 to index
        %get3A_219 = tpu.vector_load %arg9[%get3A_218] {strides = array<i32>} : memref<24576xi32, #tpu.memory_space<vmem>>, vector<16xi32>,
        %gather3A_220 = tpu.vector_load_idx %arg8[%get3A_219] : memref<4096xi32, #tpu.memory_space<vmem>>[vector<16xi32>], vector<16xi32>,
        tpu.vector_store_idx %arg8[%get3A_219], %broadcast_in_dim3A_1 {add = true} : memref<4096xi32, #tpu.memory_space<vmem>>[vector<16xi32>], vector<16xi32>,
        %and3A_221 = arith.constant 2047 : i32
        %and3A_222 = vector.broadcast %and3A_221 : i32 to vector<16xi32>
        %and3A_223 = arith.andi %gather3A_220, %and3A_222 : vector<16xi32>
        %shift_left3A_224 = arith.constant 4 : i32
        %shift_left3A_225 = vector.broadcast %shift_left3A_224 : i32 to vector<16xi32>
        %shift_left3A_226 = arith.shli %and3A_223, %shift_left3A_225 : vector<16xi32>
        %shift_right_logical3A_227 = arith.constant 11 : i32
        %shift_right_logical3A_228 = vector.broadcast %shift_right_logical3A_227 : i32 to vector<16xi32>
        %shift_right_logical3A_229 = arith.shrui %gather3A_220, %shift_right_logical3A_228 : vector<16xi32>
        %or3A_230 = arith.ori %shift_left3A_226, %shift_right_logical3A_229 : vector<16xi32>
        %mul3A_231 = arith.constant 16 : i32
        %mul3A_232 = arith.muli %add3A_215, %mul3A_231 : i32
        %swap3A_233 = arith.index_cast %mul3A_232 : i32 to index
        %swap3A_234 = tpu.vector_load %arg9[%swap3A_233] {strides = array<i32>} : memref<24576xi32, #tpu.memory_space<vmem>>, vector<16xi32>,
        tpu.vector_store %arg9[%swap3A_233], %or3A_230 {strides = array<i32>} : memref<24576xi32, #tpu.memory_space<vmem>>, vector<16xi32>,
        %mul3A_235 = arith.constant 8 : i32
        %mul3A_236 = arith.muli %scan3A_195, %mul3A_235 : i32
        %add3A_237 = arith.constant 2 : i32
        %add3A_238 = arith.addi %mul3A_236, %add3A_237 : i32
        %mul3A_239 = arith.constant 16 : i32
        %mul3A_240 = arith.muli %add3A_238, %mul3A_239 : i32
        %get3A_241 = arith.index_cast %mul3A_240 : i32 to index
        %get3A_242 = tpu.vector_load %arg9[%get3A_241] {strides = array<i32>} : memref<24576xi32, #tpu.memory_space<vmem>>, vector<16xi32>,
        %gather3A_243 = tpu.vector_load_idx %arg8[%get3A_242] : memref<4096xi32, #tpu.memory_space<vmem>>[vector<16xi32>], vector<16xi32>,
        tpu.vector_store_idx %arg8[%get3A_242], %broadcast_in_dim3A_1 {add = true} : memref<4096xi32, #tpu.memory_space<vmem>>[vector<16xi32>], vector<16xi32>,
        %and3A_244 = arith.constant 2047 : i32
        %and3A_245 = vector.broadcast %and3A_244 : i32 to vector<16xi32>
        %and3A_246 = arith.andi %gather3A_243, %and3A_245 : vector<16xi32>
        %shift_left3A_247 = arith.constant 4 : i32
        %shift_left3A_248 = vector.broadcast %shift_left3A_247 : i32 to vector<16xi32>
        %shift_left3A_249 = arith.shli %and3A_246, %shift_left3A_248 : vector<16xi32>
        %shift_right_logical3A_250 = arith.constant 11 : i32
        %shift_right_logical3A_251 = vector.broadcast %shift_right_logical3A_250 : i32 to vector<16xi32>
        %shift_right_logical3A_252 = arith.shrui %gather3A_243, %shift_right_logical3A_251 : vector<16xi32>
        %or3A_253 = arith.ori %shift_left3A_249, %shift_right_logical3A_252 : vector<16xi32>
        %mul3A_254 = arith.constant 16 : i32
        %mul3A_255 = arith.muli %add3A_238, %mul3A_254 : i32
        %swap3A_256 = arith.index_cast %mul3A_255 : i32 to index
        %swap3A_257 = tpu.vector_load %arg9[%swap3A_256] {strides = array<i32>} : memref<24576xi32, #tpu.memory_space<vmem>>, vector<16xi32>,
        tpu.vector_store %arg9[%swap3A_256], %or3A_253 {strides = array<i32>} : memref<24576xi32, #tpu.memory_space<vmem>>, vector<16xi32>,
        %mul3A_258 = arith.constant 8 : i32
        %mul3A_259 = arith.muli %scan3A_195, %mul3A_258 : i32
        %add3A_260 = arith.constant 3 : i32
        %add3A_261 = arith.addi %mul3A_259, %add3A_260 : i32
        %mul3A_262 = arith.constant 16 : i32
        %mul3A_263 = arith.muli %add3A_261, %mul3A_262 : i32
        %get3A_264 = arith.index_cast %mul3A_263 : i32 to index
        %get3A_265 = tpu.vector_load %arg9[%get3A_264] {strides = array<i32>} : memref<24576xi32, #tpu.memory_space<vmem>>, vector<16xi32>,
        %gather3A_266 = tpu.vector_load_idx %arg8[%get3A_265] : memref<4096xi32, #tpu.memory_space<vmem>>[vector<16xi32>], vector<16xi32>,
        tpu.vector_store_idx %arg8[%get3A_265], %broadcast_in_dim3A_1 {add = true} : memref<4096xi32, #tpu.memory_space<vmem>>[vector<16xi32>], vector<16xi32>,
        %and3A_267 = arith.constant 2047 : i32
        %and3A_268 = vector.broadcast %and3A_267 : i32 to vector<16xi32>
        %and3A_269 = arith.andi %gather3A_266, %and3A_268 : vector<16xi32>
        %shift_left3A_270 = arith.constant 4 : i32
        %shift_left3A_271 = vector.broadcast %shift_left3A_270 : i32 to vector<16xi32>
        %shift_left3A_272 = arith.shli %and3A_269, %shift_left3A_271 : vector<16xi32>
        %shift_right_logical3A_273 = arith.constant 11 : i32
        %shift_right_logical3A_274 = vector.broadcast %shift_right_logical3A_273 : i32 to vector<16xi32>
        %shift_right_logical3A_275 = arith.shrui %gather3A_266, %shift_right_logical3A_274 : vector<16xi32>
        %or3A_276 = arith.ori %shift_left3A_272, %shift_right_logical3A_275 : vector<16xi32>
        %mul3A_277 = arith.constant 16 : i32
        %mul3A_278 = arith.muli %add3A_261, %mul3A_277 : i32
        %swap3A_279 = arith.index_cast %mul3A_278 : i32 to index
        %swap3A_280 = tpu.vector_load %arg9[%swap3A_279] {strides = array<i32>} : memref<24576xi32, #tpu.memory_space<vmem>>, vector<16xi32>,
        tpu.vector_store %arg9[%swap3A_279], %or3A_276 {strides = array<i32>} : memref<24576xi32, #tpu.memory_space<vmem>>, vector<16xi32>,
        %mul3A_281 = arith.constant 8 : i32
        %mul3A_282 = arith.muli %scan3A_195, %mul3A_281 : i32
        %add3A_283 = arith.constant 4 : i32
        %add3A_284 = arith.addi %mul3A_282, %add3A_283 : i32
        %mul3A_285 = arith.constant 16 : i32
        %mul3A_286 = arith.muli %add3A_284, %mul3A_285 : i32
        %get3A_287 = arith.index_cast %mul3A_286 : i32 to index
        %get3A_288 = tpu.vector_load %arg9[%get3A_287] {strides = array<i32>} : memref<24576xi32, #tpu.memory_space<vmem>>, vector<16xi32>,
        %gather3A_289 = tpu.vector_load_idx %arg8[%get3A_288] : memref<4096xi32, #tpu.memory_space<vmem>>[vector<16xi32>], vector<16xi32>,
        tpu.vector_store_idx %arg8[%get3A_288], %broadcast_in_dim3A_1 {add = true} : memref<4096xi32, #tpu.memory_space<vmem>>[vector<16xi32>], vector<16xi32>,
        %and3A_290 = arith.constant 2047 : i32
        %and3A_291 = vector.broadcast %and3A_290 : i32 to vector<16xi32>
        %and3A_292 = arith.andi %gather3A_289, %and3A_291 : vector<16xi32>
        %shift_left3A_293 = arith.constant 4 : i32
        %shift_left3A_294 = vector.broadcast %shift_left3A_293 : i32 to vector<16xi32>
        %shift_left3A_295 = arith.shli %and3A_292, %shift_left3A_294 : vector<16xi32>
        %shift_right_logical3A_296 = arith.constant 11 : i32
        %shift_right_logical3A_297 = vector.broadcast %shift_right_logical3A_296 : i32 to vector<16xi32>
        %shift_right_logical3A_298 = arith.shrui %gather3A_289, %shift_right_logical3A_297 : vector<16xi32>
        %or3A_299 = arith.ori %shift_left3A_295, %shift_right_logical3A_298 : vector<16xi32>
        %mul3A_300 = arith.constant 16 : i32
        %mul3A_301 = arith.muli %add3A_284, %mul3A_300 : i32
        %swap3A_302 = arith.index_cast %mul3A_301 : i32 to index
        %swap3A_303 = tpu.vector_load %arg9[%swap3A_302] {strides = array<i32>} : memref<24576xi32, #tpu.memory_space<vmem>>, vector<16xi32>,
        tpu.vector_store %arg9[%swap3A_302], %or3A_299 {strides = array<i32>} : memref<24576xi32, #tpu.memory_space<vmem>>, vector<16xi32>,
        %mul3A_304 = arith.constant 8 : i32
        %mul3A_305 = arith.muli %scan3A_195, %mul3A_304 : i32
        %add3A_306 = arith.constant 5 : i32
        %add3A_307 = arith.addi %mul3A_305, %add3A_306 : i32
        %mul3A_308 = arith.constant 16 : i32
        %mul3A_309 = arith.muli %add3A_307, %mul3A_308 : i32
        %get3A_310 = arith.index_cast %mul3A_309 : i32 to index
        %get3A_311 = tpu.vector_load %arg9[%get3A_310] {strides = array<i32>} : memref<24576xi32, #tpu.memory_space<vmem>>, vector<16xi32>,
        %gather3A_312 = tpu.vector_load_idx %arg8[%get3A_311] : memref<4096xi32, #tpu.memory_space<vmem>>[vector<16xi32>], vector<16xi32>,
        tpu.vector_store_idx %arg8[%get3A_311], %broadcast_in_dim3A_1 {add = true} : memref<4096xi32, #tpu.memory_space<vmem>>[vector<16xi32>], vector<16xi32>,
        %and3A_313 = arith.constant 2047 : i32
        %and3A_314 = vector.broadcast %and3A_313 : i32 to vector<16xi32>
        %and3A_315 = arith.andi %gather3A_312, %and3A_314 : vector<16xi32>
        %shift_left3A_316 = arith.constant 4 : i32
        %shift_left3A_317 = vector.broadcast %shift_left3A_316 : i32 to vector<16xi32>
        %shift_left3A_318 = arith.shli %and3A_315, %shift_left3A_317 : vector<16xi32>
        %shift_right_logical3A_319 = arith.constant 11 : i32
        %shift_right_logical3A_320 = vector.broadcast %shift_right_logical3A_319 : i32 to vector<16xi32>
        %shift_right_logical3A_321 = arith.shrui %gather3A_312, %shift_right_logical3A_320 : vector<16xi32>
        %or3A_322 = arith.ori %shift_left3A_318, %shift_right_logical3A_321 : vector<16xi32>
        %mul3A_323 = arith.constant 16 : i32
        %mul3A_324 = arith.muli %add3A_307, %mul3A_323 : i32
        %swap3A_325 = arith.index_cast %mul3A_324 : i32 to index
        %swap3A_326 = tpu.vector_load %arg9[%swap3A_325] {strides = array<i32>} : memref<24576xi32, #tpu.memory_space<vmem>>, vector<16xi32>,
        tpu.vector_store %arg9[%swap3A_325], %or3A_322 {strides = array<i32>} : memref<24576xi32, #tpu.memory_space<vmem>>, vector<16xi32>,
        %mul3A_327 = arith.constant 8 : i32
        %mul3A_328 = arith.muli %scan3A_195, %mul3A_327 : i32
        %add3A_329 = arith.constant 6 : i32
        %add3A_330 = arith.addi %mul3A_328, %add3A_329 : i32
        %mul3A_331 = arith.constant 16 : i32
        %mul3A_332 = arith.muli %add3A_330, %mul3A_331 : i32
        %get3A_333 = arith.index_cast %mul3A_332 : i32 to index
        %get3A_334 = tpu.vector_load %arg9[%get3A_333] {strides = array<i32>} : memref<24576xi32, #tpu.memory_space<vmem>>, vector<16xi32>,
        %gather3A_335 = tpu.vector_load_idx %arg8[%get3A_334] : memref<4096xi32, #tpu.memory_space<vmem>>[vector<16xi32>], vector<16xi32>,
        tpu.vector_store_idx %arg8[%get3A_334], %broadcast_in_dim3A_1 {add = true} : memref<4096xi32, #tpu.memory_space<vmem>>[vector<16xi32>], vector<16xi32>,
        %and3A_336 = arith.constant 2047 : i32
        %and3A_337 = vector.broadcast %and3A_336 : i32 to vector<16xi32>
        %and3A_338 = arith.andi %gather3A_335, %and3A_337 : vector<16xi32>
        %shift_left3A_339 = arith.constant 4 : i32
        %shift_left3A_340 = vector.broadcast %shift_left3A_339 : i32 to vector<16xi32>
        %shift_left3A_341 = arith.shli %and3A_338, %shift_left3A_340 : vector<16xi32>
        %shift_right_logical3A_342 = arith.constant 11 : i32
        %shift_right_logical3A_343 = vector.broadcast %shift_right_logical3A_342 : i32 to vector<16xi32>
        %shift_right_logical3A_344 = arith.shrui %gather3A_335, %shift_right_logical3A_343 : vector<16xi32>
        %or3A_345 = arith.ori %shift_left3A_341, %shift_right_logical3A_344 : vector<16xi32>
        %mul3A_346 = arith.constant 16 : i32
        %mul3A_347 = arith.muli %add3A_330, %mul3A_346 : i32
        %swap3A_348 = arith.index_cast %mul3A_347 : i32 to index
        %swap3A_349 = tpu.vector_load %arg9[%swap3A_348] {strides = array<i32>} : memref<24576xi32, #tpu.memory_space<vmem>>, vector<16xi32>,
        tpu.vector_store %arg9[%swap3A_348], %or3A_345 {strides = array<i32>} : memref<24576xi32, #tpu.memory_space<vmem>>, vector<16xi32>,
        %mul3A_350 = arith.constant 8 : i32
        %mul3A_351 = arith.muli %scan3A_195, %mul3A_350 : i32
        %add3A_352 = arith.constant 7 : i32
        %add3A_353 = arith.addi %mul3A_351, %add3A_352 : i32
        %mul3A_354 = arith.constant 16 : i32
        %mul3A_355 = arith.muli %add3A_353, %mul3A_354 : i32
        %get3A_356 = arith.index_cast %mul3A_355 : i32 to index
        %get3A_357 = tpu.vector_load %arg9[%get3A_356] {strides = array<i32>} : memref<24576xi32, #tpu.memory_space<vmem>>, vector<16xi32>,
        %gather3A_358 = tpu.vector_load_idx %arg8[%get3A_357] : memref<4096xi32, #tpu.memory_space<vmem>>[vector<16xi32>], vector<16xi32>,
        tpu.vector_store_idx %arg8[%get3A_357], %broadcast_in_dim3A_1 {add = true} : memref<4096xi32, #tpu.memory_space<vmem>>[vector<16xi32>], vector<16xi32>,
        %and3A_359 = arith.constant 2047 : i32
        %and3A_360 = vector.broadcast %and3A_359 : i32 to vector<16xi32>
        %and3A_361 = arith.andi %gather3A_358, %and3A_360 : vector<16xi32>
        %shift_left3A_362 = arith.constant 4 : i32
        %shift_left3A_363 = vector.broadcast %shift_left3A_362 : i32 to vector<16xi32>
        %shift_left3A_364 = arith.shli %and3A_361, %shift_left3A_363 : vector<16xi32>
        %shift_right_logical3A_365 = arith.constant 11 : i32
        %shift_right_logical3A_366 = vector.broadcast %shift_right_logical3A_365 : i32 to vector<16xi32>
        %shift_right_logical3A_367 = arith.shrui %gather3A_358, %shift_right_logical3A_366 : vector<16xi32>
        %or3A_368 = arith.ori %shift_left3A_364, %shift_right_logical3A_367 : vector<16xi32>
        %mul3A_369 = arith.constant 16 : i32
        %mul3A_370 = arith.muli %add3A_353, %mul3A_369 : i32
        %swap3A_371 = arith.index_cast %mul3A_370 : i32 to index
        %swap3A_372 = tpu.vector_load %arg9[%swap3A_371] {strides = array<i32>} : memref<24576xi32, #tpu.memory_space<vmem>>, vector<16xi32>,
        tpu.vector_store %arg9[%swap3A_371], %or3A_368 {strides = array<i32>} : memref<24576xi32, #tpu.memory_space<vmem>>, vector<16xi32>,
      }
      %scan3A_92 = arith.constant 64 : i32
      %parallel_loop3A_93 = arith.constant 0 : i32
      %parallel_loop3A_94 = arith.constant 512 : i32
      %parallel_loop3A_95 = arith.constant 1 : i32
      scf.for %parallel_loop3A_195 = %parallel_loop3A_93 to %parallel_loop3A_94 step %parallel_loop3A_95  : i32 {
        %parallel_loop3A_196 = arith.constant 16 : i32
        %parallel_loop3A_197 = arith.muli %parallel_loop3A_195, %parallel_loop3A_196 : i32
        %parallel_loop3A_198 = arith.index_cast %parallel_loop3A_197 : i32 to index
        %parallel_loop3A_199 = tpu.vector_load %arg9[%parallel_loop3A_198] {strides = array<i32>} : memref<24576xi32, #tpu.memory_space<vmem>>, vector<16xi32>,
        %parallel_loop3A_200 = arith.constant 1536 : i32
        %parallel_loop3A_201 = arith.addi %parallel_loop3A_200, %parallel_loop3A_195 : i32
        %parallel_loop3A_202 = arith.constant 16 : i32
        %parallel_loop3A_203 = arith.muli %parallel_loop3A_201, %parallel_loop3A_202 : i32
        %parallel_loop3A_204 = arith.index_cast %parallel_loop3A_203 : i32 to index
        %parallel_loop3A_205 = tpu.vector_load %arg7[%parallel_loop3A_204] {strides = array<i32>} : memref<32768xi32, #tpu.memory_space<vmem>>, vector<16xi32>,
        tpu.vector_store_idx %arg6[%parallel_loop3A_199], %parallel_loop3A_205 : memref<32768xi32, #tpu.memory_space<vmem>>[vector<16xi32>], vector<16xi32>,
      } {sc.loop_unroll_factor = 8 : i64, sc.parallel_access}
      %parallel_loop3A_96 = arith.constant 0 : i32
      %parallel_loop3A_97 = arith.constant 256 : i32
      %parallel_loop3A_98 = arith.constant 1 : i32
      scf.for %parallel_loop3A_195 = %parallel_loop3A_96 to %parallel_loop3A_97 step %parallel_loop3A_98  : i32 {
        %parallel_loop3A_196 = arith.constant 0 : i32
        %parallel_loop3A_197 = vector.broadcast %parallel_loop3A_196 : i32 to vector<16xi32>
        %parallel_loop3A_198 = arith.constant 16 : i32
        %parallel_loop3A_199 = arith.muli %parallel_loop3A_195, %parallel_loop3A_198 : i32
        %parallel_loop3A_200 = arith.index_cast %parallel_loop3A_199 : i32 to index
        %parallel_loop3A_201 = tpu.vector_load %arg8[%parallel_loop3A_200] {strides = array<i32>} : memref<4096xi32, #tpu.memory_space<vmem>>, vector<16xi32>,
        tpu.vector_store %arg8[%parallel_loop3A_200], %parallel_loop3A_197 {strides = array<i32>} : memref<4096xi32, #tpu.memory_space<vmem>>, vector<16xi32>,
      } {sc.loop_unroll_factor = 8 : i64, sc.parallel_access}
      %parallel_loop3A_99 = arith.constant 0 : i32
      %parallel_loop3A_100 = arith.constant 1536 : i32
      %parallel_loop3A_101 = arith.constant 1 : i32
      scf.for %parallel_loop3A_195 = %parallel_loop3A_99 to %parallel_loop3A_100 step %parallel_loop3A_101  : i32 {
        %parallel_loop3A_196 = arith.constant 16 : i32
        %parallel_loop3A_197 = arith.muli %parallel_loop3A_195, %parallel_loop3A_196 : i32
        %parallel_loop3A_198 = arith.index_cast %parallel_loop3A_197 : i32 to index
        %parallel_loop3A_199 = tpu.vector_load %arg6[%parallel_loop3A_198] {strides = array<i32>} : memref<32768xi32, #tpu.memory_space<vmem>>, vector<16xi32>,
        %parallel_loop3A_200 = tpu.vector_load_idx %arg5[%parallel_loop3A_199] : memref<32768xi32, #tpu.memory_space<vmem>>[vector<16xi32>], vector<16xi32>,
        %parallel_loop3A_201 = arith.constant 16 : i32
        %parallel_loop3A_202 = vector.broadcast %parallel_loop3A_201 : i32 to vector<16xi32>
        %parallel_loop3A_203 = arith.shrui %parallel_loop3A_200, %parallel_loop3A_202 : vector<16xi32>
        %parallel_loop3A_204 = arith.constant 255 : i32
        %parallel_loop3A_205 = vector.broadcast %parallel_loop3A_204 : i32 to vector<16xi32>
        %parallel_loop3A_206 = arith.andi %parallel_loop3A_203, %parallel_loop3A_205 : vector<16xi32>
        %parallel_loop3A_207 = arith.constant 16 : i32
        %parallel_loop3A_208 = vector.broadcast %parallel_loop3A_207 : i32 to vector<16xi32>
        %parallel_loop3A_209 = arith.muli %parallel_loop3A_206, %parallel_loop3A_208 : vector<16xi32>
        %parallel_loop3A_210 = arith.addi %parallel_loop3A_209, %iota3A : vector<16xi32>
        tpu.vector_store_idx %arg8[%parallel_loop3A_210], %broadcast_in_dim3A_1 {add = true} : memref<4096xi32, #tpu.memory_space<vmem>>[vector<16xi32>], vector<16xi32>,
        %parallel_loop3A_211 = arith.constant 16 : i32
        %parallel_loop3A_212 = arith.muli %parallel_loop3A_195, %parallel_loop3A_211 : i32
        %parallel_loop3A_213 = arith.index_cast %parallel_loop3A_212 : i32 to index
        %parallel_loop3A_214 = tpu.vector_load %arg9[%parallel_loop3A_213] {strides = array<i32>} : memref<24576xi32, #tpu.memory_space<vmem>>, vector<16xi32>,
        tpu.vector_store %arg9[%parallel_loop3A_213], %parallel_loop3A_210 {strides = array<i32>} : memref<24576xi32, #tpu.memory_space<vmem>>, vector<16xi32>,
      } {sc.loop_unroll_factor = 8 : i64, sc.parallel_access}
      %parallel_loop3A_102 = arith.constant 1536 : i32
      %parallel_loop3A_103 = arith.constant 2048 : i32
      %parallel_loop3A_104 = arith.constant 1 : i32
      scf.for %parallel_loop3A_195 = %parallel_loop3A_102 to %parallel_loop3A_103 step %parallel_loop3A_104  : i32 {
        %parallel_loop3A_196 = arith.constant 16 : i32
        %parallel_loop3A_197 = arith.muli %parallel_loop3A_195, %parallel_loop3A_196 : i32
        %parallel_loop3A_198 = arith.index_cast %parallel_loop3A_197 : i32 to index
        %parallel_loop3A_199 = tpu.vector_load %arg6[%parallel_loop3A_198] {strides = array<i32>} : memref<32768xi32, #tpu.memory_space<vmem>>, vector<16xi32>,
        %parallel_loop3A_200 = tpu.vector_load_idx %arg5[%parallel_loop3A_199] : memref<32768xi32, #tpu.memory_space<vmem>>[vector<16xi32>], vector<16xi32>,
        %parallel_loop3A_201 = arith.constant 16 : i32
        %parallel_loop3A_202 = vector.broadcast %parallel_loop3A_201 : i32 to vector<16xi32>
        %parallel_loop3A_203 = arith.shrui %parallel_loop3A_200, %parallel_loop3A_202 : vector<16xi32>
        %parallel_loop3A_204 = arith.constant 255 : i32
        %parallel_loop3A_205 = vector.broadcast %parallel_loop3A_204 : i32 to vector<16xi32>
        %parallel_loop3A_206 = arith.andi %parallel_loop3A_203, %parallel_loop3A_205 : vector<16xi32>
        %parallel_loop3A_207 = arith.constant 16 : i32
        %parallel_loop3A_208 = vector.broadcast %parallel_loop3A_207 : i32 to vector<16xi32>
        %parallel_loop3A_209 = arith.muli %parallel_loop3A_206, %parallel_loop3A_208 : vector<16xi32>
        %parallel_loop3A_210 = arith.addi %parallel_loop3A_209, %iota3A : vector<16xi32>
        tpu.vector_store_idx %arg8[%parallel_loop3A_210], %broadcast_in_dim3A_1 {add = true} : memref<4096xi32, #tpu.memory_space<vmem>>[vector<16xi32>], vector<16xi32>,
      } {sc.loop_unroll_factor = 8 : i64, sc.parallel_access}
      %parallel_loop3A_105 = arith.constant 0 : i32
      %parallel_loop3A_106 = arith.constant 256 : i32
      %parallel_loop3A_107 = arith.constant 1 : i32
      scf.for %parallel_loop3A_195 = %parallel_loop3A_105 to %parallel_loop3A_106 step %parallel_loop3A_107  : i32 {
        %parallel_loop3A_196 = arith.constant 16 : i32
        %parallel_loop3A_197 = arith.muli %parallel_loop3A_195, %parallel_loop3A_196 : i32
        %parallel_loop3A_198 = arith.index_cast %parallel_loop3A_197 : i32 to index
        %parallel_loop3A_199 = tpu.vector_load %arg8[%parallel_loop3A_198] {strides = array<i32>} : memref<4096xi32, #tpu.memory_space<vmem>>, vector<16xi32>,
        %parallel_loop3A_200 = arith.constant true
        %parallel_loop3A_201 = vector.broadcast %parallel_loop3A_200 : i1 to vector<16xi1>
        %parallel_loop3A_202 = tpu.scan <sum>, %parallel_loop3A_199 masked %parallel_loop3A_201 : vector<16xi32>, vector<16xi1> -> vector<16xi32>
        %parallel_loop3A_203 = vector.extract %parallel_loop3A_202[15] : i32 from vector<16xi32>
        %parallel_loop3A_204 = arith.index_cast %parallel_loop3A_195 : i32 to index
        %parallel_loop3A_205 = memref.load %arg10[%parallel_loop3A_204] : memref<256xi32, #tpu.memory_space<smem>>
        memref.store %parallel_loop3A_203, %arg10[%parallel_loop3A_204] : memref<256xi32, #tpu.memory_space<smem>>
      } {sc.loop_unroll_factor = 8 : i64, sc.parallel_access}
      %scan3A_108 = arith.constant 0 : i32
      %scan3A_109 = arith.constant 0 : i32
      %scan3A_110 = arith.constant 256 : i32
      %scan3A_111 = arith.addi %scan3A_109, %scan3A_110 : i32
      %scan3A_112 = arith.constant 1 : i32
      %scan3A_113 = scf.for %scan3A_195 = %scan3A_109 to %scan3A_111 step %scan3A_112 iter_args(%scan3A_196 = %scan3A_108) -> (i32)  : i32 {
        %get3A = arith.index_cast %scan3A_195 : i32 to index
        %get3A_197 = memref.load %arg10[%get3A] : memref<256xi32, #tpu.memory_space<smem>>
        %swap3A = arith.index_cast %scan3A_195 : i32 to index
        %swap3A_198 = memref.load %arg10[%swap3A] : memref<256xi32, #tpu.memory_space<smem>>
        memref.store %scan3A_196, %arg10[%swap3A] : memref<256xi32, #tpu.memory_space<smem>>
        %add3A_199 = arith.addi %scan3A_196, %get3A_197 : i32
        scf.yield %add3A_199 : i32
      }
      %scan3A_114 = arith.constant 256 : i32
      %parallel_loop3A_115 = arith.constant 0 : i32
      %parallel_loop3A_116 = arith.constant 256 : i32
      %parallel_loop3A_117 = arith.constant 1 : i32
      scf.for %parallel_loop3A_195 = %parallel_loop3A_115 to %parallel_loop3A_116 step %parallel_loop3A_117  : i32 {
        %parallel_loop3A_196 = arith.constant 16 : i32
        %parallel_loop3A_197 = arith.muli %parallel_loop3A_195, %parallel_loop3A_196 : i32
        %parallel_loop3A_198 = arith.index_cast %parallel_loop3A_197 : i32 to index
        %parallel_loop3A_199 = tpu.vector_load %arg8[%parallel_loop3A_198] {strides = array<i32>} : memref<4096xi32, #tpu.memory_space<vmem>>, vector<16xi32>,
        %parallel_loop3A_200 = arith.constant true
        %parallel_loop3A_201 = vector.broadcast %parallel_loop3A_200 : i1 to vector<16xi1>
        %parallel_loop3A_202 = tpu.scan <sum>, %parallel_loop3A_199 masked %parallel_loop3A_201 : vector<16xi32>, vector<16xi1> -> vector<16xi32>
        %parallel_loop3A_203 = arith.subi %parallel_loop3A_202, %parallel_loop3A_199 : vector<16xi32>
        %parallel_loop3A_204 = arith.index_cast %parallel_loop3A_195 : i32 to index
        %parallel_loop3A_205 = memref.load %arg10[%parallel_loop3A_204] : memref<256xi32, #tpu.memory_space<smem>>
        %parallel_loop3A_206 = vector.broadcast %parallel_loop3A_205 : i32 to vector<16xi32>
        %parallel_loop3A_207 = arith.addi %parallel_loop3A_203, %parallel_loop3A_206 : vector<16xi32>
        %parallel_loop3A_208 = arith.constant 16 : i32
        %parallel_loop3A_209 = arith.muli %parallel_loop3A_195, %parallel_loop3A_208 : i32
        %parallel_loop3A_210 = arith.index_cast %parallel_loop3A_209 : i32 to index
        %parallel_loop3A_211 = tpu.vector_load %arg8[%parallel_loop3A_210] {strides = array<i32>} : memref<4096xi32, #tpu.memory_space<vmem>>, vector<16xi32>,
        tpu.vector_store %arg8[%parallel_loop3A_210], %parallel_loop3A_207 {strides = array<i32>} : memref<4096xi32, #tpu.memory_space<vmem>>, vector<16xi32>,
      } {sc.loop_unroll_factor = 8 : i64, sc.parallel_access}
      %scan3A_118 = arith.constant 0 : i32
      %scan3A_119 = arith.constant 0 : i32
      %scan3A_120 = arith.constant 192 : i32
      %scan3A_121 = arith.addi %scan3A_119, %scan3A_120 : i32
      %scan3A_122 = arith.constant 1 : i32
      scf.for %scan3A_195 = %scan3A_119 to %scan3A_121 step %scan3A_122  : i32 {
        %mul3A_196 = arith.constant 8 : i32
        %mul3A_197 = arith.muli %scan3A_195, %mul3A_196 : i32
        %add3A_198 = arith.constant 0 : i32
        %add3A_199 = arith.addi %mul3A_197, %add3A_198 : i32
        %mul3A_200 = arith.constant 16 : i32
        %mul3A_201 = arith.muli %add3A_199, %mul3A_200 : i32
        %get3A = arith.index_cast %mul3A_201 : i32 to index
        %get3A_202 = tpu.vector_load %arg9[%get3A] {strides = array<i32>} : memref<24576xi32, #tpu.memory_space<vmem>>, vector<16xi32>,
        %gather3A = tpu.vector_load_idx %arg8[%get3A_202] : memref<4096xi32, #tpu.memory_space<vmem>>[vector<16xi32>], vector<16xi32>,
        tpu.vector_store_idx %arg8[%get3A_202], %broadcast_in_dim3A_1 {add = true} : memref<4096xi32, #tpu.memory_space<vmem>>[vector<16xi32>], vector<16xi32>,
        %and3A = arith.constant 2047 : i32
        %and3A_203 = vector.broadcast %and3A : i32 to vector<16xi32>
        %and3A_204 = arith.andi %gather3A, %and3A_203 : vector<16xi32>
        %shift_left3A = arith.constant 4 : i32
        %shift_left3A_205 = vector.broadcast %shift_left3A : i32 to vector<16xi32>
        %shift_left3A_206 = arith.shli %and3A_204, %shift_left3A_205 : vector<16xi32>
        %shift_right_logical3A = arith.constant 11 : i32
        %shift_right_logical3A_207 = vector.broadcast %shift_right_logical3A : i32 to vector<16xi32>
        %shift_right_logical3A_208 = arith.shrui %gather3A, %shift_right_logical3A_207 : vector<16xi32>
        %or3A = arith.ori %shift_left3A_206, %shift_right_logical3A_208 : vector<16xi32>
        %mul3A_209 = arith.constant 16 : i32
        %mul3A_210 = arith.muli %add3A_199, %mul3A_209 : i32
        %swap3A = arith.index_cast %mul3A_210 : i32 to index
        %swap3A_211 = tpu.vector_load %arg9[%swap3A] {strides = array<i32>} : memref<24576xi32, #tpu.memory_space<vmem>>, vector<16xi32>,
        tpu.vector_store %arg9[%swap3A], %or3A {strides = array<i32>} : memref<24576xi32, #tpu.memory_space<vmem>>, vector<16xi32>,
        %mul3A_212 = arith.constant 8 : i32
        %mul3A_213 = arith.muli %scan3A_195, %mul3A_212 : i32
        %add3A_214 = arith.constant 1 : i32
        %add3A_215 = arith.addi %mul3A_213, %add3A_214 : i32
        %mul3A_216 = arith.constant 16 : i32
        %mul3A_217 = arith.muli %add3A_215, %mul3A_216 : i32
        %get3A_218 = arith.index_cast %mul3A_217 : i32 to index
        %get3A_219 = tpu.vector_load %arg9[%get3A_218] {strides = array<i32>} : memref<24576xi32, #tpu.memory_space<vmem>>, vector<16xi32>,
        %gather3A_220 = tpu.vector_load_idx %arg8[%get3A_219] : memref<4096xi32, #tpu.memory_space<vmem>>[vector<16xi32>], vector<16xi32>,
        tpu.vector_store_idx %arg8[%get3A_219], %broadcast_in_dim3A_1 {add = true} : memref<4096xi32, #tpu.memory_space<vmem>>[vector<16xi32>], vector<16xi32>,
        %and3A_221 = arith.constant 2047 : i32
        %and3A_222 = vector.broadcast %and3A_221 : i32 to vector<16xi32>
        %and3A_223 = arith.andi %gather3A_220, %and3A_222 : vector<16xi32>
        %shift_left3A_224 = arith.constant 4 : i32
        %shift_left3A_225 = vector.broadcast %shift_left3A_224 : i32 to vector<16xi32>
        %shift_left3A_226 = arith.shli %and3A_223, %shift_left3A_225 : vector<16xi32>
        %shift_right_logical3A_227 = arith.constant 11 : i32
        %shift_right_logical3A_228 = vector.broadcast %shift_right_logical3A_227 : i32 to vector<16xi32>
        %shift_right_logical3A_229 = arith.shrui %gather3A_220, %shift_right_logical3A_228 : vector<16xi32>
        %or3A_230 = arith.ori %shift_left3A_226, %shift_right_logical3A_229 : vector<16xi32>
        %mul3A_231 = arith.constant 16 : i32
        %mul3A_232 = arith.muli %add3A_215, %mul3A_231 : i32
        %swap3A_233 = arith.index_cast %mul3A_232 : i32 to index
        %swap3A_234 = tpu.vector_load %arg9[%swap3A_233] {strides = array<i32>} : memref<24576xi32, #tpu.memory_space<vmem>>, vector<16xi32>,
        tpu.vector_store %arg9[%swap3A_233], %or3A_230 {strides = array<i32>} : memref<24576xi32, #tpu.memory_space<vmem>>, vector<16xi32>,
        %mul3A_235 = arith.constant 8 : i32
        %mul3A_236 = arith.muli %scan3A_195, %mul3A_235 : i32
        %add3A_237 = arith.constant 2 : i32
        %add3A_238 = arith.addi %mul3A_236, %add3A_237 : i32
        %mul3A_239 = arith.constant 16 : i32
        %mul3A_240 = arith.muli %add3A_238, %mul3A_239 : i32
        %get3A_241 = arith.index_cast %mul3A_240 : i32 to index
        %get3A_242 = tpu.vector_load %arg9[%get3A_241] {strides = array<i32>} : memref<24576xi32, #tpu.memory_space<vmem>>, vector<16xi32>,
        %gather3A_243 = tpu.vector_load_idx %arg8[%get3A_242] : memref<4096xi32, #tpu.memory_space<vmem>>[vector<16xi32>], vector<16xi32>,
        tpu.vector_store_idx %arg8[%get3A_242], %broadcast_in_dim3A_1 {add = true} : memref<4096xi32, #tpu.memory_space<vmem>>[vector<16xi32>], vector<16xi32>,
        %and3A_244 = arith.constant 2047 : i32
        %and3A_245 = vector.broadcast %and3A_244 : i32 to vector<16xi32>
        %and3A_246 = arith.andi %gather3A_243, %and3A_245 : vector<16xi32>
        %shift_left3A_247 = arith.constant 4 : i32
        %shift_left3A_248 = vector.broadcast %shift_left3A_247 : i32 to vector<16xi32>
        %shift_left3A_249 = arith.shli %and3A_246, %shift_left3A_248 : vector<16xi32>
        %shift_right_logical3A_250 = arith.constant 11 : i32
        %shift_right_logical3A_251 = vector.broadcast %shift_right_logical3A_250 : i32 to vector<16xi32>
        %shift_right_logical3A_252 = arith.shrui %gather3A_243, %shift_right_logical3A_251 : vector<16xi32>
        %or3A_253 = arith.ori %shift_left3A_249, %shift_right_logical3A_252 : vector<16xi32>
        %mul3A_254 = arith.constant 16 : i32
        %mul3A_255 = arith.muli %add3A_238, %mul3A_254 : i32
        %swap3A_256 = arith.index_cast %mul3A_255 : i32 to index
        %swap3A_257 = tpu.vector_load %arg9[%swap3A_256] {strides = array<i32>} : memref<24576xi32, #tpu.memory_space<vmem>>, vector<16xi32>,
        tpu.vector_store %arg9[%swap3A_256], %or3A_253 {strides = array<i32>} : memref<24576xi32, #tpu.memory_space<vmem>>, vector<16xi32>,
        %mul3A_258 = arith.constant 8 : i32
        %mul3A_259 = arith.muli %scan3A_195, %mul3A_258 : i32
        %add3A_260 = arith.constant 3 : i32
        %add3A_261 = arith.addi %mul3A_259, %add3A_260 : i32
        %mul3A_262 = arith.constant 16 : i32
        %mul3A_263 = arith.muli %add3A_261, %mul3A_262 : i32
        %get3A_264 = arith.index_cast %mul3A_263 : i32 to index
        %get3A_265 = tpu.vector_load %arg9[%get3A_264] {strides = array<i32>} : memref<24576xi32, #tpu.memory_space<vmem>>, vector<16xi32>,
        %gather3A_266 = tpu.vector_load_idx %arg8[%get3A_265] : memref<4096xi32, #tpu.memory_space<vmem>>[vector<16xi32>], vector<16xi32>,
        tpu.vector_store_idx %arg8[%get3A_265], %broadcast_in_dim3A_1 {add = true} : memref<4096xi32, #tpu.memory_space<vmem>>[vector<16xi32>], vector<16xi32>,
        %and3A_267 = arith.constant 2047 : i32
        %and3A_268 = vector.broadcast %and3A_267 : i32 to vector<16xi32>
        %and3A_269 = arith.andi %gather3A_266, %and3A_268 : vector<16xi32>
        %shift_left3A_270 = arith.constant 4 : i32
        %shift_left3A_271 = vector.broadcast %shift_left3A_270 : i32 to vector<16xi32>
        %shift_left3A_272 = arith.shli %and3A_269, %shift_left3A_271 : vector<16xi32>
        %shift_right_logical3A_273 = arith.constant 11 : i32
        %shift_right_logical3A_274 = vector.broadcast %shift_right_logical3A_273 : i32 to vector<16xi32>
        %shift_right_logical3A_275 = arith.shrui %gather3A_266, %shift_right_logical3A_274 : vector<16xi32>
        %or3A_276 = arith.ori %shift_left3A_272, %shift_right_logical3A_275 : vector<16xi32>
        %mul3A_277 = arith.constant 16 : i32
        %mul3A_278 = arith.muli %add3A_261, %mul3A_277 : i32
        %swap3A_279 = arith.index_cast %mul3A_278 : i32 to index
        %swap3A_280 = tpu.vector_load %arg9[%swap3A_279] {strides = array<i32>} : memref<24576xi32, #tpu.memory_space<vmem>>, vector<16xi32>,
        tpu.vector_store %arg9[%swap3A_279], %or3A_276 {strides = array<i32>} : memref<24576xi32, #tpu.memory_space<vmem>>, vector<16xi32>,
        %mul3A_281 = arith.constant 8 : i32
        %mul3A_282 = arith.muli %scan3A_195, %mul3A_281 : i32
        %add3A_283 = arith.constant 4 : i32
        %add3A_284 = arith.addi %mul3A_282, %add3A_283 : i32
        %mul3A_285 = arith.constant 16 : i32
        %mul3A_286 = arith.muli %add3A_284, %mul3A_285 : i32
        %get3A_287 = arith.index_cast %mul3A_286 : i32 to index
        %get3A_288 = tpu.vector_load %arg9[%get3A_287] {strides = array<i32>} : memref<24576xi32, #tpu.memory_space<vmem>>, vector<16xi32>,
        %gather3A_289 = tpu.vector_load_idx %arg8[%get3A_288] : memref<4096xi32, #tpu.memory_space<vmem>>[vector<16xi32>], vector<16xi32>,
        tpu.vector_store_idx %arg8[%get3A_288], %broadcast_in_dim3A_1 {add = true} : memref<4096xi32, #tpu.memory_space<vmem>>[vector<16xi32>], vector<16xi32>,
        %and3A_290 = arith.constant 2047 : i32
        %and3A_291 = vector.broadcast %and3A_290 : i32 to vector<16xi32>
        %and3A_292 = arith.andi %gather3A_289, %and3A_291 : vector<16xi32>
        %shift_left3A_293 = arith.constant 4 : i32
        %shift_left3A_294 = vector.broadcast %shift_left3A_293 : i32 to vector<16xi32>
        %shift_left3A_295 = arith.shli %and3A_292, %shift_left3A_294 : vector<16xi32>
        %shift_right_logical3A_296 = arith.constant 11 : i32
        %shift_right_logical3A_297 = vector.broadcast %shift_right_logical3A_296 : i32 to vector<16xi32>
        %shift_right_logical3A_298 = arith.shrui %gather3A_289, %shift_right_logical3A_297 : vector<16xi32>
        %or3A_299 = arith.ori %shift_left3A_295, %shift_right_logical3A_298 : vector<16xi32>
        %mul3A_300 = arith.constant 16 : i32
        %mul3A_301 = arith.muli %add3A_284, %mul3A_300 : i32
        %swap3A_302 = arith.index_cast %mul3A_301 : i32 to index
        %swap3A_303 = tpu.vector_load %arg9[%swap3A_302] {strides = array<i32>} : memref<24576xi32, #tpu.memory_space<vmem>>, vector<16xi32>,
        tpu.vector_store %arg9[%swap3A_302], %or3A_299 {strides = array<i32>} : memref<24576xi32, #tpu.memory_space<vmem>>, vector<16xi32>,
        %mul3A_304 = arith.constant 8 : i32
        %mul3A_305 = arith.muli %scan3A_195, %mul3A_304 : i32
        %add3A_306 = arith.constant 5 : i32
        %add3A_307 = arith.addi %mul3A_305, %add3A_306 : i32
        %mul3A_308 = arith.constant 16 : i32
        %mul3A_309 = arith.muli %add3A_307, %mul3A_308 : i32
        %get3A_310 = arith.index_cast %mul3A_309 : i32 to index
        %get3A_311 = tpu.vector_load %arg9[%get3A_310] {strides = array<i32>} : memref<24576xi32, #tpu.memory_space<vmem>>, vector<16xi32>,
        %gather3A_312 = tpu.vector_load_idx %arg8[%get3A_311] : memref<4096xi32, #tpu.memory_space<vmem>>[vector<16xi32>], vector<16xi32>,
        tpu.vector_store_idx %arg8[%get3A_311], %broadcast_in_dim3A_1 {add = true} : memref<4096xi32, #tpu.memory_space<vmem>>[vector<16xi32>], vector<16xi32>,
        %and3A_313 = arith.constant 2047 : i32
        %and3A_314 = vector.broadcast %and3A_313 : i32 to vector<16xi32>
        %and3A_315 = arith.andi %gather3A_312, %and3A_314 : vector<16xi32>
        %shift_left3A_316 = arith.constant 4 : i32
        %shift_left3A_317 = vector.broadcast %shift_left3A_316 : i32 to vector<16xi32>
        %shift_left3A_318 = arith.shli %and3A_315, %shift_left3A_317 : vector<16xi32>
        %shift_right_logical3A_319 = arith.constant 11 : i32
        %shift_right_logical3A_320 = vector.broadcast %shift_right_logical3A_319 : i32 to vector<16xi32>
        %shift_right_logical3A_321 = arith.shrui %gather3A_312, %shift_right_logical3A_320 : vector<16xi32>
        %or3A_322 = arith.ori %shift_left3A_318, %shift_right_logical3A_321 : vector<16xi32>
        %mul3A_323 = arith.constant 16 : i32
        %mul3A_324 = arith.muli %add3A_307, %mul3A_323 : i32
        %swap3A_325 = arith.index_cast %mul3A_324 : i32 to index
        %swap3A_326 = tpu.vector_load %arg9[%swap3A_325] {strides = array<i32>} : memref<24576xi32, #tpu.memory_space<vmem>>, vector<16xi32>,
        tpu.vector_store %arg9[%swap3A_325], %or3A_322 {strides = array<i32>} : memref<24576xi32, #tpu.memory_space<vmem>>, vector<16xi32>,
        %mul3A_327 = arith.constant 8 : i32
        %mul3A_328 = arith.muli %scan3A_195, %mul3A_327 : i32
        %add3A_329 = arith.constant 6 : i32
        %add3A_330 = arith.addi %mul3A_328, %add3A_329 : i32
        %mul3A_331 = arith.constant 16 : i32
        %mul3A_332 = arith.muli %add3A_330, %mul3A_331 : i32
        %get3A_333 = arith.index_cast %mul3A_332 : i32 to index
        %get3A_334 = tpu.vector_load %arg9[%get3A_333] {strides = array<i32>} : memref<24576xi32, #tpu.memory_space<vmem>>, vector<16xi32>,
        %gather3A_335 = tpu.vector_load_idx %arg8[%get3A_334] : memref<4096xi32, #tpu.memory_space<vmem>>[vector<16xi32>], vector<16xi32>,
        tpu.vector_store_idx %arg8[%get3A_334], %broadcast_in_dim3A_1 {add = true} : memref<4096xi32, #tpu.memory_space<vmem>>[vector<16xi32>], vector<16xi32>,
        %and3A_336 = arith.constant 2047 : i32
        %and3A_337 = vector.broadcast %and3A_336 : i32 to vector<16xi32>
        %and3A_338 = arith.andi %gather3A_335, %and3A_337 : vector<16xi32>
        %shift_left3A_339 = arith.constant 4 : i32
        %shift_left3A_340 = vector.broadcast %shift_left3A_339 : i32 to vector<16xi32>
        %shift_left3A_341 = arith.shli %and3A_338, %shift_left3A_340 : vector<16xi32>
        %shift_right_logical3A_342 = arith.constant 11 : i32
        %shift_right_logical3A_343 = vector.broadcast %shift_right_logical3A_342 : i32 to vector<16xi32>
        %shift_right_logical3A_344 = arith.shrui %gather3A_335, %shift_right_logical3A_343 : vector<16xi32>
        %or3A_345 = arith.ori %shift_left3A_341, %shift_right_logical3A_344 : vector<16xi32>
        %mul3A_346 = arith.constant 16 : i32
        %mul3A_347 = arith.muli %add3A_330, %mul3A_346 : i32
        %swap3A_348 = arith.index_cast %mul3A_347 : i32 to index
        %swap3A_349 = tpu.vector_load %arg9[%swap3A_348] {strides = array<i32>} : memref<24576xi32, #tpu.memory_space<vmem>>, vector<16xi32>,
        tpu.vector_store %arg9[%swap3A_348], %or3A_345 {strides = array<i32>} : memref<24576xi32, #tpu.memory_space<vmem>>, vector<16xi32>,
        %mul3A_350 = arith.constant 8 : i32
        %mul3A_351 = arith.muli %scan3A_195, %mul3A_350 : i32
        %add3A_352 = arith.constant 7 : i32
        %add3A_353 = arith.addi %mul3A_351, %add3A_352 : i32
        %mul3A_354 = arith.constant 16 : i32
        %mul3A_355 = arith.muli %add3A_353, %mul3A_354 : i32
        %get3A_356 = arith.index_cast %mul3A_355 : i32 to index
        %get3A_357 = tpu.vector_load %arg9[%get3A_356] {strides = array<i32>} : memref<24576xi32, #tpu.memory_space<vmem>>, vector<16xi32>,
        %gather3A_358 = tpu.vector_load_idx %arg8[%get3A_357] : memref<4096xi32, #tpu.memory_space<vmem>>[vector<16xi32>], vector<16xi32>,
        tpu.vector_store_idx %arg8[%get3A_357], %broadcast_in_dim3A_1 {add = true} : memref<4096xi32, #tpu.memory_space<vmem>>[vector<16xi32>], vector<16xi32>,
        %and3A_359 = arith.constant 2047 : i32
        %and3A_360 = vector.broadcast %and3A_359 : i32 to vector<16xi32>
        %and3A_361 = arith.andi %gather3A_358, %and3A_360 : vector<16xi32>
        %shift_left3A_362 = arith.constant 4 : i32
        %shift_left3A_363 = vector.broadcast %shift_left3A_362 : i32 to vector<16xi32>
        %shift_left3A_364 = arith.shli %and3A_361, %shift_left3A_363 : vector<16xi32>
        %shift_right_logical3A_365 = arith.constant 11 : i32
        %shift_right_logical3A_366 = vector.broadcast %shift_right_logical3A_365 : i32 to vector<16xi32>
        %shift_right_logical3A_367 = arith.shrui %gather3A_358, %shift_right_logical3A_366 : vector<16xi32>
        %or3A_368 = arith.ori %shift_left3A_364, %shift_right_logical3A_367 : vector<16xi32>
        %mul3A_369 = arith.constant 16 : i32
        %mul3A_370 = arith.muli %add3A_353, %mul3A_369 : i32
        %swap3A_371 = arith.index_cast %mul3A_370 : i32 to index
        %swap3A_372 = tpu.vector_load %arg9[%swap3A_371] {strides = array<i32>} : memref<24576xi32, #tpu.memory_space<vmem>>, vector<16xi32>,
        tpu.vector_store %arg9[%swap3A_371], %or3A_368 {strides = array<i32>} : memref<24576xi32, #tpu.memory_space<vmem>>, vector<16xi32>,
      }
      %scan3A_123 = arith.constant 192 : i32
      %parallel_loop3A_124 = arith.constant 0 : i32
      %parallel_loop3A_125 = arith.constant 1536 : i32
      %parallel_loop3A_126 = arith.constant 1 : i32
      scf.for %parallel_loop3A_195 = %parallel_loop3A_124 to %parallel_loop3A_125 step %parallel_loop3A_126  : i32 {
        %parallel_loop3A_196 = arith.constant 16 : i32
        %parallel_loop3A_197 = arith.muli %parallel_loop3A_195, %parallel_loop3A_196 : i32
        %parallel_loop3A_198 = arith.index_cast %parallel_loop3A_197 : i32 to index
        %parallel_loop3A_199 = tpu.vector_load %arg9[%parallel_loop3A_198] {strides = array<i32>} : memref<24576xi32, #tpu.memory_space<vmem>>, vector<16xi32>,
        %parallel_loop3A_200 = arith.constant 0 : i32
        %parallel_loop3A_201 = arith.addi %parallel_loop3A_200, %parallel_loop3A_195 : i32
        %parallel_loop3A_202 = arith.constant 16 : i32
        %parallel_loop3A_203 = arith.muli %parallel_loop3A_201, %parallel_loop3A_202 : i32
        %parallel_loop3A_204 = arith.index_cast %parallel_loop3A_203 : i32 to index
        %parallel_loop3A_205 = tpu.vector_load %arg6[%parallel_loop3A_204] {strides = array<i32>} : memref<32768xi32, #tpu.memory_space<vmem>>, vector<16xi32>,
        tpu.vector_store_idx %arg7[%parallel_loop3A_199], %parallel_loop3A_205 : memref<32768xi32, #tpu.memory_space<vmem>>[vector<16xi32>], vector<16xi32>,
      } {sc.loop_unroll_factor = 8 : i64, sc.parallel_access}
      %parallel_loop3A_127 = arith.constant 0 : i32
      %parallel_loop3A_128 = arith.constant 512 : i32
      %parallel_loop3A_129 = arith.constant 1 : i32
      scf.for %parallel_loop3A_195 = %parallel_loop3A_127 to %parallel_loop3A_128 step %parallel_loop3A_129  : i32 {
        %parallel_loop3A_196 = arith.constant 1536 : i32
        %parallel_loop3A_197 = arith.addi %parallel_loop3A_196, %parallel_loop3A_195 : i32
        %parallel_loop3A_198 = arith.constant 16 : i32
        %parallel_loop3A_199 = arith.muli %parallel_loop3A_197, %parallel_loop3A_198 : i32
        %parallel_loop3A_200 = arith.index_cast %parallel_loop3A_199 : i32 to index
        %parallel_loop3A_201 = tpu.vector_load %arg6[%parallel_loop3A_200] {strides = array<i32>} : memref<32768xi32, #tpu.memory_space<vmem>>, vector<16xi32>,
        %parallel_loop3A_202 = tpu.vector_load_idx %arg5[%parallel_loop3A_201] : memref<32768xi32, #tpu.memory_space<vmem>>[vector<16xi32>], vector<16xi32>,
        %parallel_loop3A_203 = arith.constant 16 : i32
        %parallel_loop3A_204 = vector.broadcast %parallel_loop3A_203 : i32 to vector<16xi32>
        %parallel_loop3A_205 = arith.shrui %parallel_loop3A_202, %parallel_loop3A_204 : vector<16xi32>
        %parallel_loop3A_206 = arith.constant 255 : i32
        %parallel_loop3A_207 = vector.broadcast %parallel_loop3A_206 : i32 to vector<16xi32>
        %parallel_loop3A_208 = arith.andi %parallel_loop3A_205, %parallel_loop3A_207 : vector<16xi32>
        %parallel_loop3A_209 = arith.constant 16 : i32
        %parallel_loop3A_210 = vector.broadcast %parallel_loop3A_209 : i32 to vector<16xi32>
        %parallel_loop3A_211 = arith.muli %parallel_loop3A_208, %parallel_loop3A_210 : vector<16xi32>
        %parallel_loop3A_212 = arith.addi %parallel_loop3A_211, %iota3A : vector<16xi32>
        %parallel_loop3A_213 = arith.constant 16 : i32
        %parallel_loop3A_214 = arith.muli %parallel_loop3A_195, %parallel_loop3A_213 : i32
        %parallel_loop3A_215 = arith.index_cast %parallel_loop3A_214 : i32 to index
        %parallel_loop3A_216 = tpu.vector_load %arg9[%parallel_loop3A_215] {strides = array<i32>} : memref<24576xi32, #tpu.memory_space<vmem>>, vector<16xi32>,
        tpu.vector_store %arg9[%parallel_loop3A_215], %parallel_loop3A_212 {strides = array<i32>} : memref<24576xi32, #tpu.memory_space<vmem>>, vector<16xi32>,
      } {sc.loop_unroll_factor = 8 : i64, sc.parallel_access}
      %scan3A_130 = arith.constant 0 : i32
      %scan3A_131 = arith.constant 0 : i32
      %scan3A_132 = arith.constant 64 : i32
      %scan3A_133 = arith.addi %scan3A_131, %scan3A_132 : i32
      %scan3A_134 = arith.constant 1 : i32
      scf.for %scan3A_195 = %scan3A_131 to %scan3A_133 step %scan3A_134  : i32 {
        %mul3A_196 = arith.constant 8 : i32
        %mul3A_197 = arith.muli %scan3A_195, %mul3A_196 : i32
        %add3A_198 = arith.constant 0 : i32
        %add3A_199 = arith.addi %mul3A_197, %add3A_198 : i32
        %mul3A_200 = arith.constant 16 : i32
        %mul3A_201 = arith.muli %add3A_199, %mul3A_200 : i32
        %get3A = arith.index_cast %mul3A_201 : i32 to index
        %get3A_202 = tpu.vector_load %arg9[%get3A] {strides = array<i32>} : memref<24576xi32, #tpu.memory_space<vmem>>, vector<16xi32>,
        %gather3A = tpu.vector_load_idx %arg8[%get3A_202] : memref<4096xi32, #tpu.memory_space<vmem>>[vector<16xi32>], vector<16xi32>,
        tpu.vector_store_idx %arg8[%get3A_202], %broadcast_in_dim3A_1 {add = true} : memref<4096xi32, #tpu.memory_space<vmem>>[vector<16xi32>], vector<16xi32>,
        %and3A = arith.constant 2047 : i32
        %and3A_203 = vector.broadcast %and3A : i32 to vector<16xi32>
        %and3A_204 = arith.andi %gather3A, %and3A_203 : vector<16xi32>
        %shift_left3A = arith.constant 4 : i32
        %shift_left3A_205 = vector.broadcast %shift_left3A : i32 to vector<16xi32>
        %shift_left3A_206 = arith.shli %and3A_204, %shift_left3A_205 : vector<16xi32>
        %shift_right_logical3A = arith.constant 11 : i32
        %shift_right_logical3A_207 = vector.broadcast %shift_right_logical3A : i32 to vector<16xi32>
        %shift_right_logical3A_208 = arith.shrui %gather3A, %shift_right_logical3A_207 : vector<16xi32>
        %or3A = arith.ori %shift_left3A_206, %shift_right_logical3A_208 : vector<16xi32>
        %mul3A_209 = arith.constant 16 : i32
        %mul3A_210 = arith.muli %add3A_199, %mul3A_209 : i32
        %swap3A = arith.index_cast %mul3A_210 : i32 to index
        %swap3A_211 = tpu.vector_load %arg9[%swap3A] {strides = array<i32>} : memref<24576xi32, #tpu.memory_space<vmem>>, vector<16xi32>,
        tpu.vector_store %arg9[%swap3A], %or3A {strides = array<i32>} : memref<24576xi32, #tpu.memory_space<vmem>>, vector<16xi32>,
        %mul3A_212 = arith.constant 8 : i32
        %mul3A_213 = arith.muli %scan3A_195, %mul3A_212 : i32
        %add3A_214 = arith.constant 1 : i32
        %add3A_215 = arith.addi %mul3A_213, %add3A_214 : i32
        %mul3A_216 = arith.constant 16 : i32
        %mul3A_217 = arith.muli %add3A_215, %mul3A_216 : i32
        %get3A_218 = arith.index_cast %mul3A_217 : i32 to index
        %get3A_219 = tpu.vector_load %arg9[%get3A_218] {strides = array<i32>} : memref<24576xi32, #tpu.memory_space<vmem>>, vector<16xi32>,
        %gather3A_220 = tpu.vector_load_idx %arg8[%get3A_219] : memref<4096xi32, #tpu.memory_space<vmem>>[vector<16xi32>], vector<16xi32>,
        tpu.vector_store_idx %arg8[%get3A_219], %broadcast_in_dim3A_1 {add = true} : memref<4096xi32, #tpu.memory_space<vmem>>[vector<16xi32>], vector<16xi32>,
        %and3A_221 = arith.constant 2047 : i32
        %and3A_222 = vector.broadcast %and3A_221 : i32 to vector<16xi32>
        %and3A_223 = arith.andi %gather3A_220, %and3A_222 : vector<16xi32>
        %shift_left3A_224 = arith.constant 4 : i32
        %shift_left3A_225 = vector.broadcast %shift_left3A_224 : i32 to vector<16xi32>
        %shift_left3A_226 = arith.shli %and3A_223, %shift_left3A_225 : vector<16xi32>
        %shift_right_logical3A_227 = arith.constant 11 : i32
        %shift_right_logical3A_228 = vector.broadcast %shift_right_logical3A_227 : i32 to vector<16xi32>
        %shift_right_logical3A_229 = arith.shrui %gather3A_220, %shift_right_logical3A_228 : vector<16xi32>
        %or3A_230 = arith.ori %shift_left3A_226, %shift_right_logical3A_229 : vector<16xi32>
        %mul3A_231 = arith.constant 16 : i32
        %mul3A_232 = arith.muli %add3A_215, %mul3A_231 : i32
        %swap3A_233 = arith.index_cast %mul3A_232 : i32 to index
        %swap3A_234 = tpu.vector_load %arg9[%swap3A_233] {strides = array<i32>} : memref<24576xi32, #tpu.memory_space<vmem>>, vector<16xi32>,
        tpu.vector_store %arg9[%swap3A_233], %or3A_230 {strides = array<i32>} : memref<24576xi32, #tpu.memory_space<vmem>>, vector<16xi32>,
        %mul3A_235 = arith.constant 8 : i32
        %mul3A_236 = arith.muli %scan3A_195, %mul3A_235 : i32
        %add3A_237 = arith.constant 2 : i32
        %add3A_238 = arith.addi %mul3A_236, %add3A_237 : i32
        %mul3A_239 = arith.constant 16 : i32
        %mul3A_240 = arith.muli %add3A_238, %mul3A_239 : i32
        %get3A_241 = arith.index_cast %mul3A_240 : i32 to index
        %get3A_242 = tpu.vector_load %arg9[%get3A_241] {strides = array<i32>} : memref<24576xi32, #tpu.memory_space<vmem>>, vector<16xi32>,
        %gather3A_243 = tpu.vector_load_idx %arg8[%get3A_242] : memref<4096xi32, #tpu.memory_space<vmem>>[vector<16xi32>], vector<16xi32>,
        tpu.vector_store_idx %arg8[%get3A_242], %broadcast_in_dim3A_1 {add = true} : memref<4096xi32, #tpu.memory_space<vmem>>[vector<16xi32>], vector<16xi32>,
        %and3A_244 = arith.constant 2047 : i32
        %and3A_245 = vector.broadcast %and3A_244 : i32 to vector<16xi32>
        %and3A_246 = arith.andi %gather3A_243, %and3A_245 : vector<16xi32>
        %shift_left3A_247 = arith.constant 4 : i32
        %shift_left3A_248 = vector.broadcast %shift_left3A_247 : i32 to vector<16xi32>
        %shift_left3A_249 = arith.shli %and3A_246, %shift_left3A_248 : vector<16xi32>
        %shift_right_logical3A_250 = arith.constant 11 : i32
        %shift_right_logical3A_251 = vector.broadcast %shift_right_logical3A_250 : i32 to vector<16xi32>
        %shift_right_logical3A_252 = arith.shrui %gather3A_243, %shift_right_logical3A_251 : vector<16xi32>
        %or3A_253 = arith.ori %shift_left3A_249, %shift_right_logical3A_252 : vector<16xi32>
        %mul3A_254 = arith.constant 16 : i32
        %mul3A_255 = arith.muli %add3A_238, %mul3A_254 : i32
        %swap3A_256 = arith.index_cast %mul3A_255 : i32 to index
        %swap3A_257 = tpu.vector_load %arg9[%swap3A_256] {strides = array<i32>} : memref<24576xi32, #tpu.memory_space<vmem>>, vector<16xi32>,
        tpu.vector_store %arg9[%swap3A_256], %or3A_253 {strides = array<i32>} : memref<24576xi32, #tpu.memory_space<vmem>>, vector<16xi32>,
        %mul3A_258 = arith.constant 8 : i32
        %mul3A_259 = arith.muli %scan3A_195, %mul3A_258 : i32
        %add3A_260 = arith.constant 3 : i32
        %add3A_261 = arith.addi %mul3A_259, %add3A_260 : i32
        %mul3A_262 = arith.constant 16 : i32
        %mul3A_263 = arith.muli %add3A_261, %mul3A_262 : i32
        %get3A_264 = arith.index_cast %mul3A_263 : i32 to index
        %get3A_265 = tpu.vector_load %arg9[%get3A_264] {strides = array<i32>} : memref<24576xi32, #tpu.memory_space<vmem>>, vector<16xi32>,
        %gather3A_266 = tpu.vector_load_idx %arg8[%get3A_265] : memref<4096xi32, #tpu.memory_space<vmem>>[vector<16xi32>], vector<16xi32>,
        tpu.vector_store_idx %arg8[%get3A_265], %broadcast_in_dim3A_1 {add = true} : memref<4096xi32, #tpu.memory_space<vmem>>[vector<16xi32>], vector<16xi32>,
        %and3A_267 = arith.constant 2047 : i32
        %and3A_268 = vector.broadcast %and3A_267 : i32 to vector<16xi32>
        %and3A_269 = arith.andi %gather3A_266, %and3A_268 : vector<16xi32>
        %shift_left3A_270 = arith.constant 4 : i32
        %shift_left3A_271 = vector.broadcast %shift_left3A_270 : i32 to vector<16xi32>
        %shift_left3A_272 = arith.shli %and3A_269, %shift_left3A_271 : vector<16xi32>
        %shift_right_logical3A_273 = arith.constant 11 : i32
        %shift_right_logical3A_274 = vector.broadcast %shift_right_logical3A_273 : i32 to vector<16xi32>
        %shift_right_logical3A_275 = arith.shrui %gather3A_266, %shift_right_logical3A_274 : vector<16xi32>
        %or3A_276 = arith.ori %shift_left3A_272, %shift_right_logical3A_275 : vector<16xi32>
        %mul3A_277 = arith.constant 16 : i32
        %mul3A_278 = arith.muli %add3A_261, %mul3A_277 : i32
        %swap3A_279 = arith.index_cast %mul3A_278 : i32 to index
        %swap3A_280 = tpu.vector_load %arg9[%swap3A_279] {strides = array<i32>} : memref<24576xi32, #tpu.memory_space<vmem>>, vector<16xi32>,
        tpu.vector_store %arg9[%swap3A_279], %or3A_276 {strides = array<i32>} : memref<24576xi32, #tpu.memory_space<vmem>>, vector<16xi32>,
        %mul3A_281 = arith.constant 8 : i32
        %mul3A_282 = arith.muli %scan3A_195, %mul3A_281 : i32
        %add3A_283 = arith.constant 4 : i32
        %add3A_284 = arith.addi %mul3A_282, %add3A_283 : i32
        %mul3A_285 = arith.constant 16 : i32
        %mul3A_286 = arith.muli %add3A_284, %mul3A_285 : i32
        %get3A_287 = arith.index_cast %mul3A_286 : i32 to index
        %get3A_288 = tpu.vector_load %arg9[%get3A_287] {strides = array<i32>} : memref<24576xi32, #tpu.memory_space<vmem>>, vector<16xi32>,
        %gather3A_289 = tpu.vector_load_idx %arg8[%get3A_288] : memref<4096xi32, #tpu.memory_space<vmem>>[vector<16xi32>], vector<16xi32>,
        tpu.vector_store_idx %arg8[%get3A_288], %broadcast_in_dim3A_1 {add = true} : memref<4096xi32, #tpu.memory_space<vmem>>[vector<16xi32>], vector<16xi32>,
        %and3A_290 = arith.constant 2047 : i32
        %and3A_291 = vector.broadcast %and3A_290 : i32 to vector<16xi32>
        %and3A_292 = arith.andi %gather3A_289, %and3A_291 : vector<16xi32>
        %shift_left3A_293 = arith.constant 4 : i32
        %shift_left3A_294 = vector.broadcast %shift_left3A_293 : i32 to vector<16xi32>
        %shift_left3A_295 = arith.shli %and3A_292, %shift_left3A_294 : vector<16xi32>
        %shift_right_logical3A_296 = arith.constant 11 : i32
        %shift_right_logical3A_297 = vector.broadcast %shift_right_logical3A_296 : i32 to vector<16xi32>
        %shift_right_logical3A_298 = arith.shrui %gather3A_289, %shift_right_logical3A_297 : vector<16xi32>
        %or3A_299 = arith.ori %shift_left3A_295, %shift_right_logical3A_298 : vector<16xi32>
        %mul3A_300 = arith.constant 16 : i32
        %mul3A_301 = arith.muli %add3A_284, %mul3A_300 : i32
        %swap3A_302 = arith.index_cast %mul3A_301 : i32 to index
        %swap3A_303 = tpu.vector_load %arg9[%swap3A_302] {strides = array<i32>} : memref<24576xi32, #tpu.memory_space<vmem>>, vector<16xi32>,
        tpu.vector_store %arg9[%swap3A_302], %or3A_299 {strides = array<i32>} : memref<24576xi32, #tpu.memory_space<vmem>>, vector<16xi32>,
        %mul3A_304 = arith.constant 8 : i32
        %mul3A_305 = arith.muli %scan3A_195, %mul3A_304 : i32
        %add3A_306 = arith.constant 5 : i32
        %add3A_307 = arith.addi %mul3A_305, %add3A_306 : i32
        %mul3A_308 = arith.constant 16 : i32
        %mul3A_309 = arith.muli %add3A_307, %mul3A_308 : i32
        %get3A_310 = arith.index_cast %mul3A_309 : i32 to index
        %get3A_311 = tpu.vector_load %arg9[%get3A_310] {strides = array<i32>} : memref<24576xi32, #tpu.memory_space<vmem>>, vector<16xi32>,
        %gather3A_312 = tpu.vector_load_idx %arg8[%get3A_311] : memref<4096xi32, #tpu.memory_space<vmem>>[vector<16xi32>], vector<16xi32>,
        tpu.vector_store_idx %arg8[%get3A_311], %broadcast_in_dim3A_1 {add = true} : memref<4096xi32, #tpu.memory_space<vmem>>[vector<16xi32>], vector<16xi32>,
        %and3A_313 = arith.constant 2047 : i32
        %and3A_314 = vector.broadcast %and3A_313 : i32 to vector<16xi32>
        %and3A_315 = arith.andi %gather3A_312, %and3A_314 : vector<16xi32>
        %shift_left3A_316 = arith.constant 4 : i32
        %shift_left3A_317 = vector.broadcast %shift_left3A_316 : i32 to vector<16xi32>
        %shift_left3A_318 = arith.shli %and3A_315, %shift_left3A_317 : vector<16xi32>
        %shift_right_logical3A_319 = arith.constant 11 : i32
        %shift_right_logical3A_320 = vector.broadcast %shift_right_logical3A_319 : i32 to vector<16xi32>
        %shift_right_logical3A_321 = arith.shrui %gather3A_312, %shift_right_logical3A_320 : vector<16xi32>
        %or3A_322 = arith.ori %shift_left3A_318, %shift_right_logical3A_321 : vector<16xi32>
        %mul3A_323 = arith.constant 16 : i32
        %mul3A_324 = arith.muli %add3A_307, %mul3A_323 : i32
        %swap3A_325 = arith.index_cast %mul3A_324 : i32 to index
        %swap3A_326 = tpu.vector_load %arg9[%swap3A_325] {strides = array<i32>} : memref<24576xi32, #tpu.memory_space<vmem>>, vector<16xi32>,
        tpu.vector_store %arg9[%swap3A_325], %or3A_322 {strides = array<i32>} : memref<24576xi32, #tpu.memory_space<vmem>>, vector<16xi32>,
        %mul3A_327 = arith.constant 8 : i32
        %mul3A_328 = arith.muli %scan3A_195, %mul3A_327 : i32
        %add3A_329 = arith.constant 6 : i32
        %add3A_330 = arith.addi %mul3A_328, %add3A_329 : i32
        %mul3A_331 = arith.constant 16 : i32
        %mul3A_332 = arith.muli %add3A_330, %mul3A_331 : i32
        %get3A_333 = arith.index_cast %mul3A_332 : i32 to index
        %get3A_334 = tpu.vector_load %arg9[%get3A_333] {strides = array<i32>} : memref<24576xi32, #tpu.memory_space<vmem>>, vector<16xi32>,
        %gather3A_335 = tpu.vector_load_idx %arg8[%get3A_334] : memref<4096xi32, #tpu.memory_space<vmem>>[vector<16xi32>], vector<16xi32>,
        tpu.vector_store_idx %arg8[%get3A_334], %broadcast_in_dim3A_1 {add = true} : memref<4096xi32, #tpu.memory_space<vmem>>[vector<16xi32>], vector<16xi32>,
        %and3A_336 = arith.constant 2047 : i32
        %and3A_337 = vector.broadcast %and3A_336 : i32 to vector<16xi32>
        %and3A_338 = arith.andi %gather3A_335, %and3A_337 : vector<16xi32>
        %shift_left3A_339 = arith.constant 4 : i32
        %shift_left3A_340 = vector.broadcast %shift_left3A_339 : i32 to vector<16xi32>
        %shift_left3A_341 = arith.shli %and3A_338, %shift_left3A_340 : vector<16xi32>
        %shift_right_logical3A_342 = arith.constant 11 : i32
        %shift_right_logical3A_343 = vector.broadcast %shift_right_logical3A_342 : i32 to vector<16xi32>
        %shift_right_logical3A_344 = arith.shrui %gather3A_335, %shift_right_logical3A_343 : vector<16xi32>
        %or3A_345 = arith.ori %shift_left3A_341, %shift_right_logical3A_344 : vector<16xi32>
        %mul3A_346 = arith.constant 16 : i32
        %mul3A_347 = arith.muli %add3A_330, %mul3A_346 : i32
        %swap3A_348 = arith.index_cast %mul3A_347 : i32 to index
        %swap3A_349 = tpu.vector_load %arg9[%swap3A_348] {strides = array<i32>} : memref<24576xi32, #tpu.memory_space<vmem>>, vector<16xi32>,
        tpu.vector_store %arg9[%swap3A_348], %or3A_345 {strides = array<i32>} : memref<24576xi32, #tpu.memory_space<vmem>>, vector<16xi32>,
        %mul3A_350 = arith.constant 8 : i32
        %mul3A_351 = arith.muli %scan3A_195, %mul3A_350 : i32
        %add3A_352 = arith.constant 7 : i32
        %add3A_353 = arith.addi %mul3A_351, %add3A_352 : i32
        %mul3A_354 = arith.constant 16 : i32
        %mul3A_355 = arith.muli %add3A_353, %mul3A_354 : i32
        %get3A_356 = arith.index_cast %mul3A_355 : i32 to index
        %get3A_357 = tpu.vector_load %arg9[%get3A_356] {strides = array<i32>} : memref<24576xi32, #tpu.memory_space<vmem>>, vector<16xi32>,
        %gather3A_358 = tpu.vector_load_idx %arg8[%get3A_357] : memref<4096xi32, #tpu.memory_space<vmem>>[vector<16xi32>], vector<16xi32>,
        tpu.vector_store_idx %arg8[%get3A_357], %broadcast_in_dim3A_1 {add = true} : memref<4096xi32, #tpu.memory_space<vmem>>[vector<16xi32>], vector<16xi32>,
        %and3A_359 = arith.constant 2047 : i32
        %and3A_360 = vector.broadcast %and3A_359 : i32 to vector<16xi32>
        %and3A_361 = arith.andi %gather3A_358, %and3A_360 : vector<16xi32>
        %shift_left3A_362 = arith.constant 4 : i32
        %shift_left3A_363 = vector.broadcast %shift_left3A_362 : i32 to vector<16xi32>
        %shift_left3A_364 = arith.shli %and3A_361, %shift_left3A_363 : vector<16xi32>
        %shift_right_logical3A_365 = arith.constant 11 : i32
        %shift_right_logical3A_366 = vector.broadcast %shift_right_logical3A_365 : i32 to vector<16xi32>
        %shift_right_logical3A_367 = arith.shrui %gather3A_358, %shift_right_logical3A_366 : vector<16xi32>
        %or3A_368 = arith.ori %shift_left3A_364, %shift_right_logical3A_367 : vector<16xi32>
        %mul3A_369 = arith.constant 16 : i32
        %mul3A_370 = arith.muli %add3A_353, %mul3A_369 : i32
        %swap3A_371 = arith.index_cast %mul3A_370 : i32 to index
        %swap3A_372 = tpu.vector_load %arg9[%swap3A_371] {strides = array<i32>} : memref<24576xi32, #tpu.memory_space<vmem>>, vector<16xi32>,
        tpu.vector_store %arg9[%swap3A_371], %or3A_368 {strides = array<i32>} : memref<24576xi32, #tpu.memory_space<vmem>>, vector<16xi32>,
      }
      %scan3A_135 = arith.constant 64 : i32
      %parallel_loop3A_136 = arith.constant 0 : i32
      %parallel_loop3A_137 = arith.constant 512 : i32
      %parallel_loop3A_138 = arith.constant 1 : i32
      scf.for %parallel_loop3A_195 = %parallel_loop3A_136 to %parallel_loop3A_137 step %parallel_loop3A_138  : i32 {
        %parallel_loop3A_196 = arith.constant 16 : i32
        %parallel_loop3A_197 = arith.muli %parallel_loop3A_195, %parallel_loop3A_196 : i32
        %parallel_loop3A_198 = arith.index_cast %parallel_loop3A_197 : i32 to index
        %parallel_loop3A_199 = tpu.vector_load %arg9[%parallel_loop3A_198] {strides = array<i32>} : memref<24576xi32, #tpu.memory_space<vmem>>, vector<16xi32>,
        %parallel_loop3A_200 = arith.constant 1536 : i32
        %parallel_loop3A_201 = arith.addi %parallel_loop3A_200, %parallel_loop3A_195 : i32
        %parallel_loop3A_202 = arith.constant 16 : i32
        %parallel_loop3A_203 = arith.muli %parallel_loop3A_201, %parallel_loop3A_202 : i32
        %parallel_loop3A_204 = arith.index_cast %parallel_loop3A_203 : i32 to index
        %parallel_loop3A_205 = tpu.vector_load %arg6[%parallel_loop3A_204] {strides = array<i32>} : memref<32768xi32, #tpu.memory_space<vmem>>, vector<16xi32>,
        tpu.vector_store_idx %arg7[%parallel_loop3A_199], %parallel_loop3A_205 : memref<32768xi32, #tpu.memory_space<vmem>>[vector<16xi32>], vector<16xi32>,
      } {sc.loop_unroll_factor = 8 : i64, sc.parallel_access}
      %parallel_loop3A_139 = arith.constant 0 : i32
      %parallel_loop3A_140 = arith.constant 256 : i32
      %parallel_loop3A_141 = arith.constant 1 : i32
      scf.for %parallel_loop3A_195 = %parallel_loop3A_139 to %parallel_loop3A_140 step %parallel_loop3A_141  : i32 {
        %parallel_loop3A_196 = arith.constant 0 : i32
        %parallel_loop3A_197 = vector.broadcast %parallel_loop3A_196 : i32 to vector<16xi32>
        %parallel_loop3A_198 = arith.constant 16 : i32
        %parallel_loop3A_199 = arith.muli %parallel_loop3A_195, %parallel_loop3A_198 : i32
        %parallel_loop3A_200 = arith.index_cast %parallel_loop3A_199 : i32 to index
        %parallel_loop3A_201 = tpu.vector_load %arg8[%parallel_loop3A_200] {strides = array<i32>} : memref<4096xi32, #tpu.memory_space<vmem>>, vector<16xi32>,
        tpu.vector_store %arg8[%parallel_loop3A_200], %parallel_loop3A_197 {strides = array<i32>} : memref<4096xi32, #tpu.memory_space<vmem>>, vector<16xi32>,
      } {sc.loop_unroll_factor = 8 : i64, sc.parallel_access}
      %parallel_loop3A_142 = arith.constant 0 : i32
      %parallel_loop3A_143 = arith.constant 1536 : i32
      %parallel_loop3A_144 = arith.constant 1 : i32
      scf.for %parallel_loop3A_195 = %parallel_loop3A_142 to %parallel_loop3A_143 step %parallel_loop3A_144  : i32 {
        %parallel_loop3A_196 = arith.constant 16 : i32
        %parallel_loop3A_197 = arith.muli %parallel_loop3A_195, %parallel_loop3A_196 : i32
        %parallel_loop3A_198 = arith.index_cast %parallel_loop3A_197 : i32 to index
        %parallel_loop3A_199 = tpu.vector_load %arg7[%parallel_loop3A_198] {strides = array<i32>} : memref<32768xi32, #tpu.memory_space<vmem>>, vector<16xi32>,
        %parallel_loop3A_200 = tpu.vector_load_idx %arg5[%parallel_loop3A_199] : memref<32768xi32, #tpu.memory_space<vmem>>[vector<16xi32>], vector<16xi32>,
        %parallel_loop3A_201 = arith.constant 24 : i32
        %parallel_loop3A_202 = vector.broadcast %parallel_loop3A_201 : i32 to vector<16xi32>
        %parallel_loop3A_203 = arith.shrui %parallel_loop3A_200, %parallel_loop3A_202 : vector<16xi32>
        %parallel_loop3A_204 = arith.constant 255 : i32
        %parallel_loop3A_205 = vector.broadcast %parallel_loop3A_204 : i32 to vector<16xi32>
        %parallel_loop3A_206 = arith.andi %parallel_loop3A_203, %parallel_loop3A_205 : vector<16xi32>
        %parallel_loop3A_207 = arith.constant 16 : i32
        %parallel_loop3A_208 = vector.broadcast %parallel_loop3A_207 : i32 to vector<16xi32>
        %parallel_loop3A_209 = arith.muli %parallel_loop3A_206, %parallel_loop3A_208 : vector<16xi32>
        %parallel_loop3A_210 = arith.addi %parallel_loop3A_209, %iota3A : vector<16xi32>
        tpu.vector_store_idx %arg8[%parallel_loop3A_210], %broadcast_in_dim3A_1 {add = true} : memref<4096xi32, #tpu.memory_space<vmem>>[vector<16xi32>], vector<16xi32>,
        %parallel_loop3A_211 = arith.constant 16 : i32
        %parallel_loop3A_212 = arith.muli %parallel_loop3A_195, %parallel_loop3A_211 : i32
        %parallel_loop3A_213 = arith.index_cast %parallel_loop3A_212 : i32 to index
        %parallel_loop3A_214 = tpu.vector_load %arg9[%parallel_loop3A_213] {strides = array<i32>} : memref<24576xi32, #tpu.memory_space<vmem>>, vector<16xi32>,
        tpu.vector_store %arg9[%parallel_loop3A_213], %parallel_loop3A_210 {strides = array<i32>} : memref<24576xi32, #tpu.memory_space<vmem>>, vector<16xi32>,
      } {sc.loop_unroll_factor = 8 : i64, sc.parallel_access}
      %parallel_loop3A_145 = arith.constant 1536 : i32
      %parallel_loop3A_146 = arith.constant 2048 : i32
      %parallel_loop3A_147 = arith.constant 1 : i32
      scf.for %parallel_loop3A_195 = %parallel_loop3A_145 to %parallel_loop3A_146 step %parallel_loop3A_147  : i32 {
        %parallel_loop3A_196 = arith.constant 16 : i32
        %parallel_loop3A_197 = arith.muli %parallel_loop3A_195, %parallel_loop3A_196 : i32
        %parallel_loop3A_198 = arith.index_cast %parallel_loop3A_197 : i32 to index
        %parallel_loop3A_199 = tpu.vector_load %arg7[%parallel_loop3A_198] {strides = array<i32>} : memref<32768xi32, #tpu.memory_space<vmem>>, vector<16xi32>,
        %parallel_loop3A_200 = tpu.vector_load_idx %arg5[%parallel_loop3A_199] : memref<32768xi32, #tpu.memory_space<vmem>>[vector<16xi32>], vector<16xi32>,
        %parallel_loop3A_201 = arith.constant 24 : i32
        %parallel_loop3A_202 = vector.broadcast %parallel_loop3A_201 : i32 to vector<16xi32>
        %parallel_loop3A_203 = arith.shrui %parallel_loop3A_200, %parallel_loop3A_202 : vector<16xi32>
        %parallel_loop3A_204 = arith.constant 255 : i32
        %parallel_loop3A_205 = vector.broadcast %parallel_loop3A_204 : i32 to vector<16xi32>
        %parallel_loop3A_206 = arith.andi %parallel_loop3A_203, %parallel_loop3A_205 : vector<16xi32>
        %parallel_loop3A_207 = arith.constant 16 : i32
        %parallel_loop3A_208 = vector.broadcast %parallel_loop3A_207 : i32 to vector<16xi32>
        %parallel_loop3A_209 = arith.muli %parallel_loop3A_206, %parallel_loop3A_208 : vector<16xi32>
        %parallel_loop3A_210 = arith.addi %parallel_loop3A_209, %iota3A : vector<16xi32>
        tpu.vector_store_idx %arg8[%parallel_loop3A_210], %broadcast_in_dim3A_1 {add = true} : memref<4096xi32, #tpu.memory_space<vmem>>[vector<16xi32>], vector<16xi32>,
      } {sc.loop_unroll_factor = 8 : i64, sc.parallel_access}
      %parallel_loop3A_148 = arith.constant 0 : i32
      %parallel_loop3A_149 = arith.constant 256 : i32
      %parallel_loop3A_150 = arith.constant 1 : i32
      scf.for %parallel_loop3A_195 = %parallel_loop3A_148 to %parallel_loop3A_149 step %parallel_loop3A_150  : i32 {
        %parallel_loop3A_196 = arith.constant 16 : i32
        %parallel_loop3A_197 = arith.muli %parallel_loop3A_195, %parallel_loop3A_196 : i32
        %parallel_loop3A_198 = arith.index_cast %parallel_loop3A_197 : i32 to index
        %parallel_loop3A_199 = tpu.vector_load %arg8[%parallel_loop3A_198] {strides = array<i32>} : memref<4096xi32, #tpu.memory_space<vmem>>, vector<16xi32>,
        %parallel_loop3A_200 = arith.constant true
        %parallel_loop3A_201 = vector.broadcast %parallel_loop3A_200 : i1 to vector<16xi1>
        %parallel_loop3A_202 = tpu.scan <sum>, %parallel_loop3A_199 masked %parallel_loop3A_201 : vector<16xi32>, vector<16xi1> -> vector<16xi32>
        %parallel_loop3A_203 = vector.extract %parallel_loop3A_202[15] : i32 from vector<16xi32>
        %parallel_loop3A_204 = arith.index_cast %parallel_loop3A_195 : i32 to index
        %parallel_loop3A_205 = memref.load %arg10[%parallel_loop3A_204] : memref<256xi32, #tpu.memory_space<smem>>
        memref.store %parallel_loop3A_203, %arg10[%parallel_loop3A_204] : memref<256xi32, #tpu.memory_space<smem>>
      } {sc.loop_unroll_factor = 8 : i64, sc.parallel_access}
      %scan3A_151 = arith.constant 0 : i32
      %scan3A_152 = arith.constant 0 : i32
      %scan3A_153 = arith.constant 256 : i32
      %scan3A_154 = arith.addi %scan3A_152, %scan3A_153 : i32
      %scan3A_155 = arith.constant 1 : i32
      %scan3A_156 = scf.for %scan3A_195 = %scan3A_152 to %scan3A_154 step %scan3A_155 iter_args(%scan3A_196 = %scan3A_151) -> (i32)  : i32 {
        %get3A = arith.index_cast %scan3A_195 : i32 to index
        %get3A_197 = memref.load %arg10[%get3A] : memref<256xi32, #tpu.memory_space<smem>>
        %swap3A = arith.index_cast %scan3A_195 : i32 to index
        %swap3A_198 = memref.load %arg10[%swap3A] : memref<256xi32, #tpu.memory_space<smem>>
        memref.store %scan3A_196, %arg10[%swap3A] : memref<256xi32, #tpu.memory_space<smem>>
        %add3A_199 = arith.addi %scan3A_196, %get3A_197 : i32
        scf.yield %add3A_199 : i32
      }
      %scan3A_157 = arith.constant 256 : i32
      %parallel_loop3A_158 = arith.constant 0 : i32
      %parallel_loop3A_159 = arith.constant 256 : i32
      %parallel_loop3A_160 = arith.constant 1 : i32
      scf.for %parallel_loop3A_195 = %parallel_loop3A_158 to %parallel_loop3A_159 step %parallel_loop3A_160  : i32 {
        %parallel_loop3A_196 = arith.constant 16 : i32
        %parallel_loop3A_197 = arith.muli %parallel_loop3A_195, %parallel_loop3A_196 : i32
        %parallel_loop3A_198 = arith.index_cast %parallel_loop3A_197 : i32 to index
        %parallel_loop3A_199 = tpu.vector_load %arg8[%parallel_loop3A_198] {strides = array<i32>} : memref<4096xi32, #tpu.memory_space<vmem>>, vector<16xi32>,
        %parallel_loop3A_200 = arith.constant true
        %parallel_loop3A_201 = vector.broadcast %parallel_loop3A_200 : i1 to vector<16xi1>
        %parallel_loop3A_202 = tpu.scan <sum>, %parallel_loop3A_199 masked %parallel_loop3A_201 : vector<16xi32>, vector<16xi1> -> vector<16xi32>
        %parallel_loop3A_203 = arith.subi %parallel_loop3A_202, %parallel_loop3A_199 : vector<16xi32>
        %parallel_loop3A_204 = arith.index_cast %parallel_loop3A_195 : i32 to index
        %parallel_loop3A_205 = memref.load %arg10[%parallel_loop3A_204] : memref<256xi32, #tpu.memory_space<smem>>
        %parallel_loop3A_206 = vector.broadcast %parallel_loop3A_205 : i32 to vector<16xi32>
        %parallel_loop3A_207 = arith.addi %parallel_loop3A_203, %parallel_loop3A_206 : vector<16xi32>
        %parallel_loop3A_208 = arith.constant 16 : i32
        %parallel_loop3A_209 = arith.muli %parallel_loop3A_195, %parallel_loop3A_208 : i32
        %parallel_loop3A_210 = arith.index_cast %parallel_loop3A_209 : i32 to index
        %parallel_loop3A_211 = tpu.vector_load %arg8[%parallel_loop3A_210] {strides = array<i32>} : memref<4096xi32, #tpu.memory_space<vmem>>, vector<16xi32>,
        tpu.vector_store %arg8[%parallel_loop3A_210], %parallel_loop3A_207 {strides = array<i32>} : memref<4096xi32, #tpu.memory_space<vmem>>, vector<16xi32>,
      } {sc.loop_unroll_factor = 8 : i64, sc.parallel_access}
      %scan3A_161 = arith.constant 0 : i32
      %scan3A_162 = arith.constant 0 : i32
      %scan3A_163 = arith.constant 192 : i32
      %scan3A_164 = arith.addi %scan3A_162, %scan3A_163 : i32
      %scan3A_165 = arith.constant 1 : i32
      scf.for %scan3A_195 = %scan3A_162 to %scan3A_164 step %scan3A_165  : i32 {
        %mul3A_196 = arith.constant 8 : i32
        %mul3A_197 = arith.muli %scan3A_195, %mul3A_196 : i32
        %add3A_198 = arith.constant 0 : i32
        %add3A_199 = arith.addi %mul3A_197, %add3A_198 : i32
        %mul3A_200 = arith.constant 16 : i32
        %mul3A_201 = arith.muli %add3A_199, %mul3A_200 : i32
        %get3A = arith.index_cast %mul3A_201 : i32 to index
        %get3A_202 = tpu.vector_load %arg9[%get3A] {strides = array<i32>} : memref<24576xi32, #tpu.memory_space<vmem>>, vector<16xi32>,
        %gather3A = tpu.vector_load_idx %arg8[%get3A_202] : memref<4096xi32, #tpu.memory_space<vmem>>[vector<16xi32>], vector<16xi32>,
        tpu.vector_store_idx %arg8[%get3A_202], %broadcast_in_dim3A_1 {add = true} : memref<4096xi32, #tpu.memory_space<vmem>>[vector<16xi32>], vector<16xi32>,
        %mul3A_203 = arith.constant 16 : i32
        %mul3A_204 = arith.muli %add3A_199, %mul3A_203 : i32
        %swap3A = arith.index_cast %mul3A_204 : i32 to index
        %swap3A_205 = tpu.vector_load %arg9[%swap3A] {strides = array<i32>} : memref<24576xi32, #tpu.memory_space<vmem>>, vector<16xi32>,
        tpu.vector_store %arg9[%swap3A], %gather3A {strides = array<i32>} : memref<24576xi32, #tpu.memory_space<vmem>>, vector<16xi32>,
        %mul3A_206 = arith.constant 8 : i32
        %mul3A_207 = arith.muli %scan3A_195, %mul3A_206 : i32
        %add3A_208 = arith.constant 1 : i32
        %add3A_209 = arith.addi %mul3A_207, %add3A_208 : i32
        %mul3A_210 = arith.constant 16 : i32
        %mul3A_211 = arith.muli %add3A_209, %mul3A_210 : i32
        %get3A_212 = arith.index_cast %mul3A_211 : i32 to index
        %get3A_213 = tpu.vector_load %arg9[%get3A_212] {strides = array<i32>} : memref<24576xi32, #tpu.memory_space<vmem>>, vector<16xi32>,
        %gather3A_214 = tpu.vector_load_idx %arg8[%get3A_213] : memref<4096xi32, #tpu.memory_space<vmem>>[vector<16xi32>], vector<16xi32>,
        tpu.vector_store_idx %arg8[%get3A_213], %broadcast_in_dim3A_1 {add = true} : memref<4096xi32, #tpu.memory_space<vmem>>[vector<16xi32>], vector<16xi32>,
        %mul3A_215 = arith.constant 16 : i32
        %mul3A_216 = arith.muli %add3A_209, %mul3A_215 : i32
        %swap3A_217 = arith.index_cast %mul3A_216 : i32 to index
        %swap3A_218 = tpu.vector_load %arg9[%swap3A_217] {strides = array<i32>} : memref<24576xi32, #tpu.memory_space<vmem>>, vector<16xi32>,
        tpu.vector_store %arg9[%swap3A_217], %gather3A_214 {strides = array<i32>} : memref<24576xi32, #tpu.memory_space<vmem>>, vector<16xi32>,
        %mul3A_219 = arith.constant 8 : i32
        %mul3A_220 = arith.muli %scan3A_195, %mul3A_219 : i32
        %add3A_221 = arith.constant 2 : i32
        %add3A_222 = arith.addi %mul3A_220, %add3A_221 : i32
        %mul3A_223 = arith.constant 16 : i32
        %mul3A_224 = arith.muli %add3A_222, %mul3A_223 : i32
        %get3A_225 = arith.index_cast %mul3A_224 : i32 to index
        %get3A_226 = tpu.vector_load %arg9[%get3A_225] {strides = array<i32>} : memref<24576xi32, #tpu.memory_space<vmem>>, vector<16xi32>,
        %gather3A_227 = tpu.vector_load_idx %arg8[%get3A_226] : memref<4096xi32, #tpu.memory_space<vmem>>[vector<16xi32>], vector<16xi32>,
        tpu.vector_store_idx %arg8[%get3A_226], %broadcast_in_dim3A_1 {add = true} : memref<4096xi32, #tpu.memory_space<vmem>>[vector<16xi32>], vector<16xi32>,
        %mul3A_228 = arith.constant 16 : i32
        %mul3A_229 = arith.muli %add3A_222, %mul3A_228 : i32
        %swap3A_230 = arith.index_cast %mul3A_229 : i32 to index
        %swap3A_231 = tpu.vector_load %arg9[%swap3A_230] {strides = array<i32>} : memref<24576xi32, #tpu.memory_space<vmem>>, vector<16xi32>,
        tpu.vector_store %arg9[%swap3A_230], %gather3A_227 {strides = array<i32>} : memref<24576xi32, #tpu.memory_space<vmem>>, vector<16xi32>,
        %mul3A_232 = arith.constant 8 : i32
        %mul3A_233 = arith.muli %scan3A_195, %mul3A_232 : i32
        %add3A_234 = arith.constant 3 : i32
        %add3A_235 = arith.addi %mul3A_233, %add3A_234 : i32
        %mul3A_236 = arith.constant 16 : i32
        %mul3A_237 = arith.muli %add3A_235, %mul3A_236 : i32
        %get3A_238 = arith.index_cast %mul3A_237 : i32 to index
        %get3A_239 = tpu.vector_load %arg9[%get3A_238] {strides = array<i32>} : memref<24576xi32, #tpu.memory_space<vmem>>, vector<16xi32>,
        %gather3A_240 = tpu.vector_load_idx %arg8[%get3A_239] : memref<4096xi32, #tpu.memory_space<vmem>>[vector<16xi32>], vector<16xi32>,
        tpu.vector_store_idx %arg8[%get3A_239], %broadcast_in_dim3A_1 {add = true} : memref<4096xi32, #tpu.memory_space<vmem>>[vector<16xi32>], vector<16xi32>,
        %mul3A_241 = arith.constant 16 : i32
        %mul3A_242 = arith.muli %add3A_235, %mul3A_241 : i32
        %swap3A_243 = arith.index_cast %mul3A_242 : i32 to index
        %swap3A_244 = tpu.vector_load %arg9[%swap3A_243] {strides = array<i32>} : memref<24576xi32, #tpu.memory_space<vmem>>, vector<16xi32>,
        tpu.vector_store %arg9[%swap3A_243], %gather3A_240 {strides = array<i32>} : memref<24576xi32, #tpu.memory_space<vmem>>, vector<16xi32>,
        %mul3A_245 = arith.constant 8 : i32
        %mul3A_246 = arith.muli %scan3A_195, %mul3A_245 : i32
        %add3A_247 = arith.constant 4 : i32
        %add3A_248 = arith.addi %mul3A_246, %add3A_247 : i32
        %mul3A_249 = arith.constant 16 : i32
        %mul3A_250 = arith.muli %add3A_248, %mul3A_249 : i32
        %get3A_251 = arith.index_cast %mul3A_250 : i32 to index
        %get3A_252 = tpu.vector_load %arg9[%get3A_251] {strides = array<i32>} : memref<24576xi32, #tpu.memory_space<vmem>>, vector<16xi32>,
        %gather3A_253 = tpu.vector_load_idx %arg8[%get3A_252] : memref<4096xi32, #tpu.memory_space<vmem>>[vector<16xi32>], vector<16xi32>,
        tpu.vector_store_idx %arg8[%get3A_252], %broadcast_in_dim3A_1 {add = true} : memref<4096xi32, #tpu.memory_space<vmem>>[vector<16xi32>], vector<16xi32>,
        %mul3A_254 = arith.constant 16 : i32
        %mul3A_255 = arith.muli %add3A_248, %mul3A_254 : i32
        %swap3A_256 = arith.index_cast %mul3A_255 : i32 to index
        %swap3A_257 = tpu.vector_load %arg9[%swap3A_256] {strides = array<i32>} : memref<24576xi32, #tpu.memory_space<vmem>>, vector<16xi32>,
        tpu.vector_store %arg9[%swap3A_256], %gather3A_253 {strides = array<i32>} : memref<24576xi32, #tpu.memory_space<vmem>>, vector<16xi32>,
        %mul3A_258 = arith.constant 8 : i32
        %mul3A_259 = arith.muli %scan3A_195, %mul3A_258 : i32
        %add3A_260 = arith.constant 5 : i32
        %add3A_261 = arith.addi %mul3A_259, %add3A_260 : i32
        %mul3A_262 = arith.constant 16 : i32
        %mul3A_263 = arith.muli %add3A_261, %mul3A_262 : i32
        %get3A_264 = arith.index_cast %mul3A_263 : i32 to index
        %get3A_265 = tpu.vector_load %arg9[%get3A_264] {strides = array<i32>} : memref<24576xi32, #tpu.memory_space<vmem>>, vector<16xi32>,
        %gather3A_266 = tpu.vector_load_idx %arg8[%get3A_265] : memref<4096xi32, #tpu.memory_space<vmem>>[vector<16xi32>], vector<16xi32>,
        tpu.vector_store_idx %arg8[%get3A_265], %broadcast_in_dim3A_1 {add = true} : memref<4096xi32, #tpu.memory_space<vmem>>[vector<16xi32>], vector<16xi32>,
        %mul3A_267 = arith.constant 16 : i32
        %mul3A_268 = arith.muli %add3A_261, %mul3A_267 : i32
        %swap3A_269 = arith.index_cast %mul3A_268 : i32 to index
        %swap3A_270 = tpu.vector_load %arg9[%swap3A_269] {strides = array<i32>} : memref<24576xi32, #tpu.memory_space<vmem>>, vector<16xi32>,
        tpu.vector_store %arg9[%swap3A_269], %gather3A_266 {strides = array<i32>} : memref<24576xi32, #tpu.memory_space<vmem>>, vector<16xi32>,
        %mul3A_271 = arith.constant 8 : i32
        %mul3A_272 = arith.muli %scan3A_195, %mul3A_271 : i32
        %add3A_273 = arith.constant 6 : i32
        %add3A_274 = arith.addi %mul3A_272, %add3A_273 : i32
        %mul3A_275 = arith.constant 16 : i32
        %mul3A_276 = arith.muli %add3A_274, %mul3A_275 : i32
        %get3A_277 = arith.index_cast %mul3A_276 : i32 to index
        %get3A_278 = tpu.vector_load %arg9[%get3A_277] {strides = array<i32>} : memref<24576xi32, #tpu.memory_space<vmem>>, vector<16xi32>,
        %gather3A_279 = tpu.vector_load_idx %arg8[%get3A_278] : memref<4096xi32, #tpu.memory_space<vmem>>[vector<16xi32>], vector<16xi32>,
        tpu.vector_store_idx %arg8[%get3A_278], %broadcast_in_dim3A_1 {add = true} : memref<4096xi32, #tpu.memory_space<vmem>>[vector<16xi32>], vector<16xi32>,
        %mul3A_280 = arith.constant 16 : i32
        %mul3A_281 = arith.muli %add3A_274, %mul3A_280 : i32
        %swap3A_282 = arith.index_cast %mul3A_281 : i32 to index
        %swap3A_283 = tpu.vector_load %arg9[%swap3A_282] {strides = array<i32>} : memref<24576xi32, #tpu.memory_space<vmem>>, vector<16xi32>,
        tpu.vector_store %arg9[%swap3A_282], %gather3A_279 {strides = array<i32>} : memref<24576xi32, #tpu.memory_space<vmem>>, vector<16xi32>,
        %mul3A_284 = arith.constant 8 : i32
        %mul3A_285 = arith.muli %scan3A_195, %mul3A_284 : i32
        %add3A_286 = arith.constant 7 : i32
        %add3A_287 = arith.addi %mul3A_285, %add3A_286 : i32
        %mul3A_288 = arith.constant 16 : i32
        %mul3A_289 = arith.muli %add3A_287, %mul3A_288 : i32
        %get3A_290 = arith.index_cast %mul3A_289 : i32 to index
        %get3A_291 = tpu.vector_load %arg9[%get3A_290] {strides = array<i32>} : memref<24576xi32, #tpu.memory_space<vmem>>, vector<16xi32>,
        %gather3A_292 = tpu.vector_load_idx %arg8[%get3A_291] : memref<4096xi32, #tpu.memory_space<vmem>>[vector<16xi32>], vector<16xi32>,
        tpu.vector_store_idx %arg8[%get3A_291], %broadcast_in_dim3A_1 {add = true} : memref<4096xi32, #tpu.memory_space<vmem>>[vector<16xi32>], vector<16xi32>,
        %mul3A_293 = arith.constant 16 : i32
        %mul3A_294 = arith.muli %add3A_287, %mul3A_293 : i32
        %swap3A_295 = arith.index_cast %mul3A_294 : i32 to index
        %swap3A_296 = tpu.vector_load %arg9[%swap3A_295] {strides = array<i32>} : memref<24576xi32, #tpu.memory_space<vmem>>, vector<16xi32>,
        tpu.vector_store %arg9[%swap3A_295], %gather3A_292 {strides = array<i32>} : memref<24576xi32, #tpu.memory_space<vmem>>, vector<16xi32>,
      }
      %scan3A_166 = arith.constant 192 : i32
      %parallel_loop3A_167 = arith.constant 0 : i32
      %parallel_loop3A_168 = arith.constant 1536 : i32
      %parallel_loop3A_169 = arith.constant 1 : i32
      scf.for %parallel_loop3A_195 = %parallel_loop3A_167 to %parallel_loop3A_168 step %parallel_loop3A_169  : i32 {
        %parallel_loop3A_196 = arith.constant 16 : i32
        %parallel_loop3A_197 = arith.muli %parallel_loop3A_195, %parallel_loop3A_196 : i32
        %parallel_loop3A_198 = arith.index_cast %parallel_loop3A_197 : i32 to index
        %parallel_loop3A_199 = tpu.vector_load %arg9[%parallel_loop3A_198] {strides = array<i32>} : memref<24576xi32, #tpu.memory_space<vmem>>, vector<16xi32>,
        %parallel_loop3A_200 = arith.constant 0 : i32
        %parallel_loop3A_201 = arith.addi %parallel_loop3A_200, %parallel_loop3A_195 : i32
        %parallel_loop3A_202 = arith.constant 16 : i32
        %parallel_loop3A_203 = arith.muli %parallel_loop3A_201, %parallel_loop3A_202 : i32
        %parallel_loop3A_204 = arith.index_cast %parallel_loop3A_203 : i32 to index
        %parallel_loop3A_205 = tpu.vector_load %arg7[%parallel_loop3A_204] {strides = array<i32>} : memref<32768xi32, #tpu.memory_space<vmem>>, vector<16xi32>,
        tpu.vector_store_idx %arg6[%parallel_loop3A_199], %parallel_loop3A_205 : memref<32768xi32, #tpu.memory_space<vmem>>[vector<16xi32>], vector<16xi32>,
      } {sc.loop_unroll_factor = 8 : i64, sc.parallel_access}
      %parallel_loop3A_170 = arith.constant 0 : i32
      %parallel_loop3A_171 = arith.constant 512 : i32
      %parallel_loop3A_172 = arith.constant 1 : i32
      scf.for %parallel_loop3A_195 = %parallel_loop3A_170 to %parallel_loop3A_171 step %parallel_loop3A_172  : i32 {
        %parallel_loop3A_196 = arith.constant 1536 : i32
        %parallel_loop3A_197 = arith.addi %parallel_loop3A_196, %parallel_loop3A_195 : i32
        %parallel_loop3A_198 = arith.constant 16 : i32
        %parallel_loop3A_199 = arith.muli %parallel_loop3A_197, %parallel_loop3A_198 : i32
        %parallel_loop3A_200 = arith.index_cast %parallel_loop3A_199 : i32 to index
        %parallel_loop3A_201 = tpu.vector_load %arg7[%parallel_loop3A_200] {strides = array<i32>} : memref<32768xi32, #tpu.memory_space<vmem>>, vector<16xi32>,
        %parallel_loop3A_202 = tpu.vector_load_idx %arg5[%parallel_loop3A_201] : memref<32768xi32, #tpu.memory_space<vmem>>[vector<16xi32>], vector<16xi32>,
        %parallel_loop3A_203 = arith.constant 24 : i32
        %parallel_loop3A_204 = vector.broadcast %parallel_loop3A_203 : i32 to vector<16xi32>
        %parallel_loop3A_205 = arith.shrui %parallel_loop3A_202, %parallel_loop3A_204 : vector<16xi32>
        %parallel_loop3A_206 = arith.constant 255 : i32
        %parallel_loop3A_207 = vector.broadcast %parallel_loop3A_206 : i32 to vector<16xi32>
        %parallel_loop3A_208 = arith.andi %parallel_loop3A_205, %parallel_loop3A_207 : vector<16xi32>
        %parallel_loop3A_209 = arith.constant 16 : i32
        %parallel_loop3A_210 = vector.broadcast %parallel_loop3A_209 : i32 to vector<16xi32>
        %parallel_loop3A_211 = arith.muli %parallel_loop3A_208, %parallel_loop3A_210 : vector<16xi32>
        %parallel_loop3A_212 = arith.addi %parallel_loop3A_211, %iota3A : vector<16xi32>
        %parallel_loop3A_213 = arith.constant 16 : i32
        %parallel_loop3A_214 = arith.muli %parallel_loop3A_195, %parallel_loop3A_213 : i32
        %parallel_loop3A_215 = arith.index_cast %parallel_loop3A_214 : i32 to index
        %parallel_loop3A_216 = tpu.vector_load %arg9[%parallel_loop3A_215] {strides = array<i32>} : memref<24576xi32, #tpu.memory_space<vmem>>, vector<16xi32>,
        tpu.vector_store %arg9[%parallel_loop3A_215], %parallel_loop3A_212 {strides = array<i32>} : memref<24576xi32, #tpu.memory_space<vmem>>, vector<16xi32>,
      } {sc.loop_unroll_factor = 8 : i64, sc.parallel_access}
      %scan3A_173 = arith.constant 0 : i32
      %scan3A_174 = arith.constant 0 : i32
      %scan3A_175 = arith.constant 64 : i32
      %scan3A_176 = arith.addi %scan3A_174, %scan3A_175 : i32
      %scan3A_177 = arith.constant 1 : i32
      scf.for %scan3A_195 = %scan3A_174 to %scan3A_176 step %scan3A_177  : i32 {
        %mul3A_196 = arith.constant 8 : i32
        %mul3A_197 = arith.muli %scan3A_195, %mul3A_196 : i32
        %add3A_198 = arith.constant 0 : i32
        %add3A_199 = arith.addi %mul3A_197, %add3A_198 : i32
        %mul3A_200 = arith.constant 16 : i32
        %mul3A_201 = arith.muli %add3A_199, %mul3A_200 : i32
        %get3A = arith.index_cast %mul3A_201 : i32 to index
        %get3A_202 = tpu.vector_load %arg9[%get3A] {strides = array<i32>} : memref<24576xi32, #tpu.memory_space<vmem>>, vector<16xi32>,
        %gather3A = tpu.vector_load_idx %arg8[%get3A_202] : memref<4096xi32, #tpu.memory_space<vmem>>[vector<16xi32>], vector<16xi32>,
        tpu.vector_store_idx %arg8[%get3A_202], %broadcast_in_dim3A_1 {add = true} : memref<4096xi32, #tpu.memory_space<vmem>>[vector<16xi32>], vector<16xi32>,
        %mul3A_203 = arith.constant 16 : i32
        %mul3A_204 = arith.muli %add3A_199, %mul3A_203 : i32
        %swap3A = arith.index_cast %mul3A_204 : i32 to index
        %swap3A_205 = tpu.vector_load %arg9[%swap3A] {strides = array<i32>} : memref<24576xi32, #tpu.memory_space<vmem>>, vector<16xi32>,
        tpu.vector_store %arg9[%swap3A], %gather3A {strides = array<i32>} : memref<24576xi32, #tpu.memory_space<vmem>>, vector<16xi32>,
        %mul3A_206 = arith.constant 8 : i32
        %mul3A_207 = arith.muli %scan3A_195, %mul3A_206 : i32
        %add3A_208 = arith.constant 1 : i32
        %add3A_209 = arith.addi %mul3A_207, %add3A_208 : i32
        %mul3A_210 = arith.constant 16 : i32
        %mul3A_211 = arith.muli %add3A_209, %mul3A_210 : i32
        %get3A_212 = arith.index_cast %mul3A_211 : i32 to index
        %get3A_213 = tpu.vector_load %arg9[%get3A_212] {strides = array<i32>} : memref<24576xi32, #tpu.memory_space<vmem>>, vector<16xi32>,
        %gather3A_214 = tpu.vector_load_idx %arg8[%get3A_213] : memref<4096xi32, #tpu.memory_space<vmem>>[vector<16xi32>], vector<16xi32>,
        tpu.vector_store_idx %arg8[%get3A_213], %broadcast_in_dim3A_1 {add = true} : memref<4096xi32, #tpu.memory_space<vmem>>[vector<16xi32>], vector<16xi32>,
        %mul3A_215 = arith.constant 16 : i32
        %mul3A_216 = arith.muli %add3A_209, %mul3A_215 : i32
        %swap3A_217 = arith.index_cast %mul3A_216 : i32 to index
        %swap3A_218 = tpu.vector_load %arg9[%swap3A_217] {strides = array<i32>} : memref<24576xi32, #tpu.memory_space<vmem>>, vector<16xi32>,
        tpu.vector_store %arg9[%swap3A_217], %gather3A_214 {strides = array<i32>} : memref<24576xi32, #tpu.memory_space<vmem>>, vector<16xi32>,
        %mul3A_219 = arith.constant 8 : i32
        %mul3A_220 = arith.muli %scan3A_195, %mul3A_219 : i32
        %add3A_221 = arith.constant 2 : i32
        %add3A_222 = arith.addi %mul3A_220, %add3A_221 : i32
        %mul3A_223 = arith.constant 16 : i32
        %mul3A_224 = arith.muli %add3A_222, %mul3A_223 : i32
        %get3A_225 = arith.index_cast %mul3A_224 : i32 to index
        %get3A_226 = tpu.vector_load %arg9[%get3A_225] {strides = array<i32>} : memref<24576xi32, #tpu.memory_space<vmem>>, vector<16xi32>,
        %gather3A_227 = tpu.vector_load_idx %arg8[%get3A_226] : memref<4096xi32, #tpu.memory_space<vmem>>[vector<16xi32>], vector<16xi32>,
        tpu.vector_store_idx %arg8[%get3A_226], %broadcast_in_dim3A_1 {add = true} : memref<4096xi32, #tpu.memory_space<vmem>>[vector<16xi32>], vector<16xi32>,
        %mul3A_228 = arith.constant 16 : i32
        %mul3A_229 = arith.muli %add3A_222, %mul3A_228 : i32
        %swap3A_230 = arith.index_cast %mul3A_229 : i32 to index
        %swap3A_231 = tpu.vector_load %arg9[%swap3A_230] {strides = array<i32>} : memref<24576xi32, #tpu.memory_space<vmem>>, vector<16xi32>,
        tpu.vector_store %arg9[%swap3A_230], %gather3A_227 {strides = array<i32>} : memref<24576xi32, #tpu.memory_space<vmem>>, vector<16xi32>,
        %mul3A_232 = arith.constant 8 : i32
        %mul3A_233 = arith.muli %scan3A_195, %mul3A_232 : i32
        %add3A_234 = arith.constant 3 : i32
        %add3A_235 = arith.addi %mul3A_233, %add3A_234 : i32
        %mul3A_236 = arith.constant 16 : i32
        %mul3A_237 = arith.muli %add3A_235, %mul3A_236 : i32
        %get3A_238 = arith.index_cast %mul3A_237 : i32 to index
        %get3A_239 = tpu.vector_load %arg9[%get3A_238] {strides = array<i32>} : memref<24576xi32, #tpu.memory_space<vmem>>, vector<16xi32>,
        %gather3A_240 = tpu.vector_load_idx %arg8[%get3A_239] : memref<4096xi32, #tpu.memory_space<vmem>>[vector<16xi32>], vector<16xi32>,
        tpu.vector_store_idx %arg8[%get3A_239], %broadcast_in_dim3A_1 {add = true} : memref<4096xi32, #tpu.memory_space<vmem>>[vector<16xi32>], vector<16xi32>,
        %mul3A_241 = arith.constant 16 : i32
        %mul3A_242 = arith.muli %add3A_235, %mul3A_241 : i32
        %swap3A_243 = arith.index_cast %mul3A_242 : i32 to index
        %swap3A_244 = tpu.vector_load %arg9[%swap3A_243] {strides = array<i32>} : memref<24576xi32, #tpu.memory_space<vmem>>, vector<16xi32>,
        tpu.vector_store %arg9[%swap3A_243], %gather3A_240 {strides = array<i32>} : memref<24576xi32, #tpu.memory_space<vmem>>, vector<16xi32>,
        %mul3A_245 = arith.constant 8 : i32
        %mul3A_246 = arith.muli %scan3A_195, %mul3A_245 : i32
        %add3A_247 = arith.constant 4 : i32
        %add3A_248 = arith.addi %mul3A_246, %add3A_247 : i32
        %mul3A_249 = arith.constant 16 : i32
        %mul3A_250 = arith.muli %add3A_248, %mul3A_249 : i32
        %get3A_251 = arith.index_cast %mul3A_250 : i32 to index
        %get3A_252 = tpu.vector_load %arg9[%get3A_251] {strides = array<i32>} : memref<24576xi32, #tpu.memory_space<vmem>>, vector<16xi32>,
        %gather3A_253 = tpu.vector_load_idx %arg8[%get3A_252] : memref<4096xi32, #tpu.memory_space<vmem>>[vector<16xi32>], vector<16xi32>,
        tpu.vector_store_idx %arg8[%get3A_252], %broadcast_in_dim3A_1 {add = true} : memref<4096xi32, #tpu.memory_space<vmem>>[vector<16xi32>], vector<16xi32>,
        %mul3A_254 = arith.constant 16 : i32
        %mul3A_255 = arith.muli %add3A_248, %mul3A_254 : i32
        %swap3A_256 = arith.index_cast %mul3A_255 : i32 to index
        %swap3A_257 = tpu.vector_load %arg9[%swap3A_256] {strides = array<i32>} : memref<24576xi32, #tpu.memory_space<vmem>>, vector<16xi32>,
        tpu.vector_store %arg9[%swap3A_256], %gather3A_253 {strides = array<i32>} : memref<24576xi32, #tpu.memory_space<vmem>>, vector<16xi32>,
        %mul3A_258 = arith.constant 8 : i32
        %mul3A_259 = arith.muli %scan3A_195, %mul3A_258 : i32
        %add3A_260 = arith.constant 5 : i32
        %add3A_261 = arith.addi %mul3A_259, %add3A_260 : i32
        %mul3A_262 = arith.constant 16 : i32
        %mul3A_263 = arith.muli %add3A_261, %mul3A_262 : i32
        %get3A_264 = arith.index_cast %mul3A_263 : i32 to index
        %get3A_265 = tpu.vector_load %arg9[%get3A_264] {strides = array<i32>} : memref<24576xi32, #tpu.memory_space<vmem>>, vector<16xi32>,
        %gather3A_266 = tpu.vector_load_idx %arg8[%get3A_265] : memref<4096xi32, #tpu.memory_space<vmem>>[vector<16xi32>], vector<16xi32>,
        tpu.vector_store_idx %arg8[%get3A_265], %broadcast_in_dim3A_1 {add = true} : memref<4096xi32, #tpu.memory_space<vmem>>[vector<16xi32>], vector<16xi32>,
        %mul3A_267 = arith.constant 16 : i32
        %mul3A_268 = arith.muli %add3A_261, %mul3A_267 : i32
        %swap3A_269 = arith.index_cast %mul3A_268 : i32 to index
        %swap3A_270 = tpu.vector_load %arg9[%swap3A_269] {strides = array<i32>} : memref<24576xi32, #tpu.memory_space<vmem>>, vector<16xi32>,
        tpu.vector_store %arg9[%swap3A_269], %gather3A_266 {strides = array<i32>} : memref<24576xi32, #tpu.memory_space<vmem>>, vector<16xi32>,
        %mul3A_271 = arith.constant 8 : i32
        %mul3A_272 = arith.muli %scan3A_195, %mul3A_271 : i32
        %add3A_273 = arith.constant 6 : i32
        %add3A_274 = arith.addi %mul3A_272, %add3A_273 : i32
        %mul3A_275 = arith.constant 16 : i32
        %mul3A_276 = arith.muli %add3A_274, %mul3A_275 : i32
        %get3A_277 = arith.index_cast %mul3A_276 : i32 to index
        %get3A_278 = tpu.vector_load %arg9[%get3A_277] {strides = array<i32>} : memref<24576xi32, #tpu.memory_space<vmem>>, vector<16xi32>,
        %gather3A_279 = tpu.vector_load_idx %arg8[%get3A_278] : memref<4096xi32, #tpu.memory_space<vmem>>[vector<16xi32>], vector<16xi32>,
        tpu.vector_store_idx %arg8[%get3A_278], %broadcast_in_dim3A_1 {add = true} : memref<4096xi32, #tpu.memory_space<vmem>>[vector<16xi32>], vector<16xi32>,
        %mul3A_280 = arith.constant 16 : i32
        %mul3A_281 = arith.muli %add3A_274, %mul3A_280 : i32
        %swap3A_282 = arith.index_cast %mul3A_281 : i32 to index
        %swap3A_283 = tpu.vector_load %arg9[%swap3A_282] {strides = array<i32>} : memref<24576xi32, #tpu.memory_space<vmem>>, vector<16xi32>,
        tpu.vector_store %arg9[%swap3A_282], %gather3A_279 {strides = array<i32>} : memref<24576xi32, #tpu.memory_space<vmem>>, vector<16xi32>,
        %mul3A_284 = arith.constant 8 : i32
        %mul3A_285 = arith.muli %scan3A_195, %mul3A_284 : i32
        %add3A_286 = arith.constant 7 : i32
        %add3A_287 = arith.addi %mul3A_285, %add3A_286 : i32
        %mul3A_288 = arith.constant 16 : i32
        %mul3A_289 = arith.muli %add3A_287, %mul3A_288 : i32
        %get3A_290 = arith.index_cast %mul3A_289 : i32 to index
        %get3A_291 = tpu.vector_load %arg9[%get3A_290] {strides = array<i32>} : memref<24576xi32, #tpu.memory_space<vmem>>, vector<16xi32>,
        %gather3A_292 = tpu.vector_load_idx %arg8[%get3A_291] : memref<4096xi32, #tpu.memory_space<vmem>>[vector<16xi32>], vector<16xi32>,
        tpu.vector_store_idx %arg8[%get3A_291], %broadcast_in_dim3A_1 {add = true} : memref<4096xi32, #tpu.memory_space<vmem>>[vector<16xi32>], vector<16xi32>,
        %mul3A_293 = arith.constant 16 : i32
        %mul3A_294 = arith.muli %add3A_287, %mul3A_293 : i32
        %swap3A_295 = arith.index_cast %mul3A_294 : i32 to index
        %swap3A_296 = tpu.vector_load %arg9[%swap3A_295] {strides = array<i32>} : memref<24576xi32, #tpu.memory_space<vmem>>, vector<16xi32>,
        tpu.vector_store %arg9[%swap3A_295], %gather3A_292 {strides = array<i32>} : memref<24576xi32, #tpu.memory_space<vmem>>, vector<16xi32>,
      }
      %scan3A_178 = arith.constant 64 : i32
      %parallel_loop3A_179 = arith.constant 0 : i32
      %parallel_loop3A_180 = arith.constant 512 : i32
      %parallel_loop3A_181 = arith.constant 1 : i32
      scf.for %parallel_loop3A_195 = %parallel_loop3A_179 to %parallel_loop3A_180 step %parallel_loop3A_181  : i32 {
        %parallel_loop3A_196 = arith.constant 16 : i32
        %parallel_loop3A_197 = arith.muli %parallel_loop3A_195, %parallel_loop3A_196 : i32
        %parallel_loop3A_198 = arith.index_cast %parallel_loop3A_197 : i32 to index
        %parallel_loop3A_199 = tpu.vector_load %arg9[%parallel_loop3A_198] {strides = array<i32>} : memref<24576xi32, #tpu.memory_space<vmem>>, vector<16xi32>,
        %parallel_loop3A_200 = arith.constant 1536 : i32
        %parallel_loop3A_201 = arith.addi %parallel_loop3A_200, %parallel_loop3A_195 : i32
        %parallel_loop3A_202 = arith.constant 16 : i32
        %parallel_loop3A_203 = arith.muli %parallel_loop3A_201, %parallel_loop3A_202 : i32
        %parallel_loop3A_204 = arith.index_cast %parallel_loop3A_203 : i32 to index
        %parallel_loop3A_205 = tpu.vector_load %arg7[%parallel_loop3A_204] {strides = array<i32>} : memref<32768xi32, #tpu.memory_space<vmem>>, vector<16xi32>,
        tpu.vector_store_idx %arg6[%parallel_loop3A_199], %parallel_loop3A_205 : memref<32768xi32, #tpu.memory_space<vmem>>[vector<16xi32>], vector<16xi32>,
      } {sc.loop_unroll_factor = 8 : i64, sc.parallel_access}
      %dma_start3A = arith.constant 0 : i32
      %dma_start3A_182 = tpu.memref_slice %arg4[%add3A_10, %dma_start3A] : memref<128x32768xi32, #tpu.memory_space<hbm>> -> memref<1x32768xi32, #tpu.memory_space<hbm>>
      %dma_start3A_183 = tpu.memref_squeeze %dma_start3A_182 : memref<1x32768xi32, #tpu.memory_space<hbm>> -> memref<32768xi32, #tpu.memory_space<hbm>>
      %dma_start3A_184 = arith.constant 0 : i32
      %dma_start3A_185 = tpu.memref_slice %arg4[%add3A_10, %dma_start3A_184] : memref<128x32768xi32, #tpu.memory_space<hbm>> -> memref<1x32768xi32, #tpu.memory_space<hbm>>
      %dma_start3A_186 = tpu.memref_squeeze %dma_start3A_185 : memref<1x32768xi32, #tpu.memory_space<hbm>> -> memref<32768xi32, #tpu.memory_space<hbm>>
      tpu.enqueue_dma source(%arg6 : memref<32768xi32, #tpu.memory_space<vmem>>) target(%dma_start3A_186 : memref<32768xi32, #tpu.memory_space<hbm>>) target_semaphore(%arg11 : memref<!tpu.dma_semaphore, #tpu.memory_space<semaphore_mem>>)
      %parallel_loop3A_187 = arith.constant 0 : i32
      %parallel_loop3A_188 = arith.constant 2048 : i32
      %parallel_loop3A_189 = arith.constant 1 : i32
      scf.for %parallel_loop3A_195 = %parallel_loop3A_187 to %parallel_loop3A_188 step %parallel_loop3A_189  : i32 {
        %parallel_loop3A_196 = arith.constant 16 : i32
        %parallel_loop3A_197 = arith.muli %parallel_loop3A_195, %parallel_loop3A_196 : i32
        %parallel_loop3A_198 = arith.index_cast %parallel_loop3A_197 : i32 to index
        %parallel_loop3A_199 = tpu.vector_load %arg6[%parallel_loop3A_198] {strides = array<i32>} : memref<32768xi32, #tpu.memory_space<vmem>>, vector<16xi32>,
        %parallel_loop3A_200 = tpu.vector_load_idx %arg5[%parallel_loop3A_199] : memref<32768xi32, #tpu.memory_space<vmem>>[vector<16xi32>], vector<16xi32>,
        %parallel_loop3A_201 = arith.constant 0 : i32
        %parallel_loop3A_202 = vector.broadcast %parallel_loop3A_201 : i32 to vector<16xi32>
        %parallel_loop3A_203 = arith.cmpi slt, %parallel_loop3A_200, %parallel_loop3A_202 : vector<16xi32>
        %parallel_loop3A_204 = arith.constant -2147483648 : i32
        %parallel_loop3A_205 = vector.broadcast %parallel_loop3A_204 : i32 to vector<16xi32>
        %parallel_loop3A_206 = arith.xori %parallel_loop3A_200, %parallel_loop3A_205 : vector<16xi32>
        %parallel_loop3A_207 = arith.constant dense<-1> : vector<16xi32>
        %parallel_loop3A_208 = arith.xori %parallel_loop3A_200, %parallel_loop3A_207 : vector<16xi32>
        %parallel_loop3A_209 = arith.select %parallel_loop3A_203, %parallel_loop3A_206, %parallel_loop3A_208 : vector<16xi1>, vector<16xi32>
        %parallel_loop3A_210 = arith.constant 16 : i32
        %parallel_loop3A_211 = arith.muli %parallel_loop3A_195, %parallel_loop3A_210 : i32
        %parallel_loop3A_212 = arith.index_cast %parallel_loop3A_211 : i32 to index
        %parallel_loop3A_213 = tpu.vector_load %arg7[%parallel_loop3A_212] {strides = array<i32>} : memref<32768xi32, #tpu.memory_space<vmem>>, vector<16xi32>,
        tpu.vector_store %arg7[%parallel_loop3A_212], %parallel_loop3A_209 {strides = array<i32>} : memref<32768xi32, #tpu.memory_space<vmem>>, vector<16xi32>,
      } {sc.loop_unroll_factor = 8 : i64, sc.parallel_access}
      %dma_wait3A = arith.constant 0 : i32
      %dma_wait3A_190 = tpu.memref_slice %arg4[%add3A_10, %dma_wait3A] : memref<128x32768xi32, #tpu.memory_space<hbm>> -> memref<1x32768xi32, #tpu.memory_space<hbm>>
      %dma_wait3A_191 = tpu.memref_squeeze %dma_wait3A_190 : memref<1x32768xi32, #tpu.memory_space<hbm>> -> memref<32768xi32, #tpu.memory_space<hbm>>
      %dma_wait3A_192 = arith.constant 0 : i32
      %dma_wait3A_193 = tpu.memref_slice %arg4[%add3A_10, %dma_wait3A_192] : memref<128x32768xi32, #tpu.memory_space<hbm>> -> memref<1x32768xi32, #tpu.memory_space<hbm>>
      %dma_wait3A_194 = tpu.memref_squeeze %dma_wait3A_193 : memref<1x32768xi32, #tpu.memory_space<hbm>> -> memref<32768xi32, #tpu.memory_space<hbm>>
      tpu.wait_dma2 semaphore(%arg11 : memref<!tpu.dma_semaphore, #tpu.memory_space<semaphore_mem>>) src(%arg6 : memref<32768xi32, #tpu.memory_space<vmem>>) dst(%dma_wait3A_194 : memref<32768xi32, #tpu.memory_space<hbm>>)
      "tpu.region"() ({
        %run_scoped3A = tpu.sem_alloc : memref<!tpu.dma_semaphore, #tpu.memory_space<semaphore_mem>>
        %dma_start3A_195 = arith.constant 0 : i32
        %dma_start3A_196 = tpu.memref_slice %arg3[%add3A_10, %dma_start3A_195] : memref<128x32768xi32, #tpu.memory_space<hbm>> -> memref<1x32768xi32, #tpu.memory_space<hbm>>
        %dma_start3A_197 = tpu.memref_squeeze %dma_start3A_196 : memref<1x32768xi32, #tpu.memory_space<hbm>> -> memref<32768xi32, #tpu.memory_space<hbm>>
        %dma_start3A_198 = arith.constant 0 : i32
        %dma_start3A_199 = tpu.memref_slice %arg3[%add3A_10, %dma_start3A_198] : memref<128x32768xi32, #tpu.memory_space<hbm>> -> memref<1x32768xi32, #tpu.memory_space<hbm>>
        %dma_start3A_200 = tpu.memref_squeeze %dma_start3A_199 : memref<1x32768xi32, #tpu.memory_space<hbm>> -> memref<32768xi32, #tpu.memory_space<hbm>>
        tpu.enqueue_dma source(%arg7 : memref<32768xi32, #tpu.memory_space<vmem>>) target(%dma_start3A_200 : memref<32768xi32, #tpu.memory_space<hbm>>) target_semaphore(%run_scoped3A : memref<!tpu.dma_semaphore, #tpu.memory_space<semaphore_mem>>)
        %dma_wait3A_201 = arith.constant 0 : i32
        %dma_wait3A_202 = tpu.memref_slice %arg3[%add3A_10, %dma_wait3A_201] : memref<128x32768xi32, #tpu.memory_space<hbm>> -> memref<1x32768xi32, #tpu.memory_space<hbm>>
        %dma_wait3A_203 = tpu.memref_squeeze %dma_wait3A_202 : memref<1x32768xi32, #tpu.memory_space<hbm>> -> memref<32768xi32, #tpu.memory_space<hbm>>
        %dma_wait3A_204 = arith.constant 0 : i32
        %dma_wait3A_205 = tpu.memref_slice %arg3[%add3A_10, %dma_wait3A_204] : memref<128x32768xi32, #tpu.memory_space<hbm>> -> memref<1x32768xi32, #tpu.memory_space<hbm>>
        %dma_wait3A_206 = tpu.memref_squeeze %dma_wait3A_205 : memref<1x32768xi32, #tpu.memory_space<hbm>> -> memref<32768xi32, #tpu.memory_space<hbm>>
        tpu.wait_dma2 semaphore(%run_scoped3A : memref<!tpu.dma_semaphore, #tpu.memory_space<semaphore_mem>>) src(%arg7 : memref<32768xi32, #tpu.memory_space<vmem>>) dst(%dma_wait3A_206 : memref<32768xi32, #tpu.memory_space<hbm>>)
        tpu.yield
      }) : () -> ()
    }
    %scan3A_6 = arith.constant 4 : i32
    return
  }
}

</mosaic_0001>

<sc_bundles>
// kernel: kernel.3.cloned.1.call-start
scs
__scs_entry_jumppad:
0x0: {  	(pc) =	sbr.rel $0x88, $3  }
0x1: {  	(tag) =	ssettag $0x0;
	lr =	simm.s32 $0x1  }
0x2: {  	[smem:$0x3FA0] =	sst lr;
	_ =	strace $0xD0000000  }
0x3: {  	_ = 	snop  }
0x4: {  	_ = 	snop  }
0x5: {  	_ = 	snop  }
0x6: {  	_ = 	snop  }
0x7: {  	_ = 	snop  }
__scs_overlays_trampoline_lowered:
0x8: {  	[smem:$0x3FAF] =	sst s0  }
0x9: {  	[smem:$0x3FB0] =	sst s1  }
0xa: {  	[smem:$0x3FB1] =	sst s2  }
0xb: {  	[smem:$0x3FB2] =	sst s3  }
0xc: {  	[smem:$0x3FB3] =	sst s4  }
0xd: {  	[smem:$0x3FB4] =	sst s5  }
0xe: {  	[smem:$0x3FB5] =	sst s6  }
0xf: {  	[smem:$0x3FB6] =	sst s7  }
0x10: {  	[smem:$0x3FB7] =	sst s8  }
0x11: {  	[smem:$0x3FB8] =	sst s9;
	s0 =	simm.s32 @!p0 $0x0  }
0x12: {  	s1 =	sld [smem:$0x3F9E];
	s0 =	simm.s32 @p0 $0x1  }
0x13: {  	[smem:$0x3FB9] =	sst s0;
	s0 =	simm.s32 @!p1 $0x0  }
0x14: {  	s2 =	sld [smem:$0x3F9D];
	s0 =	simm.s32 @p1 $0x1  }
0x15: {  	[smem:$0x3FBA] =	sst s0;
	s0 =	simm.s32 @!p2 $0x0  }
0x16: {  	s3 =	sld [smem:$0x3FDB];
	s0 =	simm.s32 @p2 $0x1  }
0x17: {  	s4 =	simm.s32 $0x1BF5;
	[smem:$0x3FBC] =	sst s0  }
0x18: {  	s0 =	sld [smem:$0x3F9F];
	_ =	swait.ge [sflag:s4], $0x0  }
0x19: {  	s7 =	sld [smem:$0x3FA0]  }
0x1a: {  	s8 =	sadd.s32 $0xFFFFE003, lr  }
0x1b: {  	s9 =	sadd.s32 $0xFFFFFEF7, lr;
	s5 =	simm.s32 $0xFFFFFFFF;
	p2 =	slt.u32 s8, $0xFFFFF086  }
0x1c: {  	p1 =	slt.u32 s9, $0xF7A;
	s5 =	simm.s32 @!p2 $0x0  }
0x1d: {  	s5 =	simm.s32 @p1 $0x1;
	p0 =	seq.s32 s7, s2  }
0x1e: {  	s7 =	smul.u32 @!p0 $0xF7A, s2;
	p2 =	seq.s32 @!p0 s5, $0x0  }
0x1f: {  	s9 =	smul.u32 $0xF7A, s1;
	s8 =	simm.s32 @!p0 $0x1BF5;
	p2 =	por !p2, p0  }
0x20: {  	[sflag:s8] =	ssyncset.s32 @!p0 $0xFFFFF086;
	s6 =	sadd.s32 @!p0 s3, s7;
	s7 =	simm.s32 @!p0 $0x108  }
0x21: {  	s3 =	sadd.s32 s3, s9;
	s6 =	sadd.s32 @!p0 $0x88, s6;
	s7 =	simm.s32 @p2 $0x1082  }
0x22: {  	[simem:s7], [sflag:s8] =	dma.local @!p0 [hbm:s6], $0xF7A  }
0x23: {  	s9 =	sor.u32 $0xD0000000, s2;
	s6 =	simm.s32 $0x108;
	_ =	swait.ge @!p0 [sflag:s8], $0x0  }
0x24: {  	s3 =	sadd.s32 $0x88, s3;
	s6 =	simm.s32 @!p1 $0x1082;
	[sflag:s4] =	ssyncset.s32 $0xFFFFF086  }
0x25: {  	[simem:s6], [sflag:s4] =	dma.local [hbm:s3], $0xF7A  }
0x26: {  	[smem:$0x3FA0] =	sst s1;
	(tag) =	ssettag s2;
	_ =	strace s9  }
0x27: {  	s1 =	sld [smem:$0x3FB0]  }
0x28: {  	s2 =	sld [smem:$0x3FB1]  }
0x29: {  	s4 =	sld [smem:$0x3FB3]  }
0x2a: {  	p0 =	seq.s32 s5, $0x0;
	s5 =	sld [smem:$0x3FB4]  }
0x2b: {  	s6 =	sld [smem:$0x3FB5]  }
0x2c: {  	s7 =	sld [smem:$0x3FB6]  }
0x2d: {  	s3 =	simm.s32 $0x108;
	s8 =	sld [smem:$0x3FB7]  }
0x2e: {  	s3 =	simm.s32 @!p0 $0x1082;
	s9 =	sld [smem:$0x3FB8]  }
0x2f: {  	lr =	sadd.s32 s0, s3;
	s0 =	sld [smem:$0x3FAF]  }
0x30: {  	s3 =	sld [smem:$0x3FB2]  }
0x31: {  	[smem:$0x3FBB] =	sst s10  }
0x32: {  	s10 =	sld [smem:$0x3FB9];
	_ =	sdelay $0x3  }
0x33: {  	p0 =	seq.s32 s10, $0x1;
	s10 =	sld [smem:$0x3FBB];
	_ =	sdelay $0x3  }
0x34: {  	[smem:$0x3FBB] =	sst s10  }
0x35: {  	s10 =	sld [smem:$0x3FBA];
	_ =	sdelay $0x3  }
0x36: {  	p1 =	seq.s32 s10, $0x1;
	s10 =	sld [smem:$0x3FBB];
	_ =	sdelay $0x3  }
0x37: {  	[smem:$0x3FBB] =	sst s10  }
0x38: {  	s10 =	sld [smem:$0x3FBC]  }
0x39: {  	_ = 	snop;
	(pc) =	sbr.ind lr, $3  }
0x3a: {  	_ = 	snop  }
0x3b: {  	_ = 	snop  }
0x3c: {  	p2 =	seq.s32 s10, $0x1;
	s10 =	sld [smem:$0x3FBB]  }
0x3d: {  	_ =	shalt  }
0x3e: {  	_ =	shalt  }
0x3f: {  	_ =	shalt  }
0x40: {  	_ =	shalt  }
0x41: {  	_ =	shalt  }
0x42: {  	_ =	shalt  }
0x43: {  	_ =	shalt  }
0x44: {  	_ =	shalt  }
0x45: {  	_ =	shalt  }
0x46: {  	_ =	shalt  }
0x47: {  	_ =	shalt  }
0x48: {  	_ =	shalt  }
0x49: {  	_ =	shalt  }
0x4a: {  	_ =	shalt  }
0x4b: {  	_ =	shalt  }
0x4c: {  	_ =	shalt  }
0x4d: {  	_ =	shalt  }
0x4e: {  	_ =	shalt  }
0x4f: {  	_ =	shalt  }
0x50: {  	_ =	shalt  }
0x51: {  	_ =	shalt  }
0x52: {  	_ =	shalt  }
0x53: {  	_ =	shalt  }
0x54: {  	_ =	shalt  }
0x55: {  	_ =	shalt  }
0x56: {  	_ =	shalt  }
0x57: {  	_ =	shalt  }
0x58: {  	_ =	shalt  }
0x59: {  	_ =	shalt  }
0x5a: {  	_ =	shalt  }
0x5b: {  	_ =	shalt  }
0x5c: {  	_ =	shalt  }
0x5d: {  	_ =	shalt  }
0x5e: {  	_ =	shalt  }
0x5f: {  	_ =	shalt  }
0x60: {  	_ =	shalt  }
0x61: {  	_ =	shalt  }
0x62: {  	_ =	shalt  }
0x63: {  	_ =	shalt  }
0x64: {  	_ =	shalt  }
0x65: {  	_ =	shalt  }
0x66: {  	_ =	shalt  }
0x67: {  	_ =	shalt  }
0x68: {  	_ =	shalt  }
0x69: {  	_ =	shalt  }
0x6a: {  	_ =	shalt  }
0x6b: {  	_ =	shalt  }
0x6c: {  	_ =	shalt  }
0x6d: {  	_ =	shalt  }
0x6e: {  	_ =	shalt  }
0x6f: {  	_ =	shalt  }
0x70: {  	_ =	shalt  }
0x71: {  	_ =	shalt  }
0x72: {  	_ =	shalt  }
0x73: {  	_ =	shalt  }
0x74: {  	_ =	shalt  }
0x75: {  	_ =	shalt  }
0x76: {  	_ =	shalt  }
0x77: {  	_ =	shalt  }
0x78: {  	_ =	shalt  }
0x79: {  	_ =	shalt  }
0x7a: {  	_ =	shalt  }
0x7b: {  	_ =	shalt  }
0x7c: {  	_ =	shalt  }
0x7d: {  	_ =	shalt  }
0x7e: {  	_ =	shalt  }
0x7f: {  	_ =	shalt  }
0x80: {  	_ =	shalt  }
0x81: {  	_ =	shalt  }
0x82: {  	_ =	shalt  }
0x83: {  	_ =	shalt  }
0x84: {  	_ =	shalt  }
0x85: {  	_ =	shalt  }
0x86: {  	_ =	shalt  }
0x87: {  	_ =	shalt  }
.Lfunc_end0:
.L_simem_size_0:
called_computation_lowered:
.L_overlay_start_0:
0x88: {  	s2 =	sld [smem:$0x3FD9]  }
0x89: {  	s3 =	sld [smem:$0x3FFE];
	_ =	sdelay $0x1  }
0x8a: {  	s1 =	srdreg.scid  }
0x8b: {  	s0 =	sand.u32 $0x1, s1  }
0x8c: {  	s14 =	sshll.u32 s0, $0xA;
	s2 =	sadd.s32 s3, s2  }
0x8d: {  	s2 =	sadd.s32 s2, s14  }
0x8e: {  	[smem:$0x3FC7] =	sst s2  }
0x8f: {  	_ = 	snop  }
0x90: {  	s2 =	sld [smem:$0x3FD0];
	_ =	sdelay $0x2  }
0x91: {  	s15 =	simm.s32 $0xA;
	s4 =	simm.s32 $0x10  }
0x92: {  	[smem:s4], [sflag:s15] =	dma.local [hbm:s2], $0x1  }
0x93: {  	_ =	swait.eq [sflag:s15], $0x1  }
0x94: {  	[sflag:s15] =	ssyncset.done $0x0  }
0x95: {  	s16 =	sld [smem:$0x10];
	[sflag:s15] =	ssyncadd.s32 $0xFFFFFFFF  }
0x96: {  	s17 =	sld [smem:$0x11];
	(tm) =	ssettm $0x1  }
0x97: {  	s18 =	sld [smem:$0x3FFB];
	_ =	sdelay $0x3  }
0x98: {  	_ =	strace s18  }
0x99: {  	s4 =	sld [smem:$0x3FFC];
	_ =	sdelay $0x3  }
0x9a: {  	_ =	strace s4  }
0x9b: {  	s4 =	sld [smem:$0x3FFD];
	_ =	sdelay $0x3  }
0x9c: {  	_ =	strace s4  }
0x9d: {  	_ =	strace $0x8FFFFFFF  }
0x9e: {  	s19 =	sld [smem:$0x3FDB];
	_ =	sdelay $0x1  }
0x9f: {  	s5 =	simm.s32 $_scs_section_size  }
0xa0: {  	s6 =	simm.s32 $_size__tile_overlayer_lowered;
	s7 =	simm.s32 $_tile_overlayer_lowered  }
0xa1: {  	s22 =	simm.s32 $0x1BFF;
	s21 =	sshll.u32 s7, $0x1;
	s4 =	sadd.s32 s5, s19  }
0xa2: {  	s8 =	simm.s32 $0x0;
	s20 =	sshll.u32 s6, $0x1;
	s6 =	sadd.s32 s21, s4  }
0xa3: {  	[timem:s8], [sflag:s22] =	dma.local [hbm:s6], s20  }
0xa4: {  	_ =	swait.ge [sflag:s22], s20  }
0xa5: {  	s5 =	ssub.s32 $0x0, s20;
	[sflag:s22] =	ssyncset.done $0x0  }
0xa6: {  	[sflag:s22] =	ssyncadd.s32 s5;
	_ =	sdelay $0x1  }
0xa7: {  	s23 =	simm.s32 $0x1B8B  }
0xa8: {  	_ =	swait.ge [sflag:s23], $0x1  }
0xa9: {  	[sflag:s23] =	ssyncset.done $0x0  }
0xaa: {  	s25 =	simm.s32 $0x1B8E;
	s24 =	sld [smem:$0x3FFE];
	[sflag:s23] =	ssyncadd.s32 $0xFFFFFFFF  }
0xab: {  	s26 =	simm.s32 $execute0_lowered;
	[smem:$0x3FD2] =	sst s25  }
0xac: {  	s6 =	sshll.u32 s26, $0x1;
	_ =	strace $0x80000046;
	[dreg:$0x1] =	wrdreg $0xFFFFFFFF  }
0xad: {  	s28 =	simm.s32 $_size_execute0_lowered;
	s4 =	sadd.s32 s4, s6;
	[dreg:$0x0] =	wrdreg $0x0  }
0xae: {  	s6 =	sshll.u32 s28, $0x1;
	[dreg:$0x2] =	wrdreg s4  }
0xaf: {  	[dreg:$0x3] =	wrdreg s6  }
0xb0: {  	[dreg:$0x4] =	wrdreg $0xC0  }
0xb1: {  	_ =	task [dreg:s8], $0x5FFFF  }
0xb2: {  	[dreg:$0x1] =	wrdreg $0xFFFFFFFF  }
0xb3: {  	[dreg:$0x0] =	wrdreg $0x60  }
0xb4: {  	[dreg:$0x2] =	wrdreg s16  }
0xb5: {  	[dreg:$0x3] =	wrdreg s24  }
0xb6: {  	[dreg:$0x4] =	wrdreg s17  }
0xb7: {  	[dreg:$0x5] =	wrdreg $0x9  }
0xb8: {  	_ =	task.clear_ibuf [dreg:s8], $0x6FFFF;
	_ =	strace $0x90000046  }
0xb9: {  	s29 =	simm.s32 $0x9;
	_ =	strace $0x80000048  }
0xba: {  	_ =	swait.ge [sflag:s29], $0x1  }
0xbb: {  	[sflag:s29] =	ssyncadd.s32 $0xFFFFFFFF  }
0xbc: {  	_ =	strace $0x90000048  }
0xbd: {  	_ =	sfence  }
0xbe: {  	s30 =	sld [smem:$0x0];
	_ =	sdelay $0x2  }
0xbf: {  	s31 =	sshll.u32 s1, $0xD;
	s1 =	sshrl.u32 s1, $0x2  }
0xc0: {  	s3 =	sand.u32 $0x4000, s31;
	s1 =	sadd.s32 s1, s30  }
0xc1: {  	s0 =	sor.u32 s3, s0;
	s1 =	sshll.u32 s1, $0x11  }
0xc2: {  	s0 =	sor.u32 s1, s0  }
0xc3: {  	s0 =	sadd.s32 $0x8F2B, s0  }
0xc4: {  	[sflag:s0] =	ssyncadd.remote.s32 $0x1  }
0xc5: {  	_ =	sfence.sel $0xFFFF  }
0xc6: {  	[dreg:$0x0] =	wrdreg $0xFFFFFFFF;
	(pc) =	sbr.abs _section_cstart, $3  }
0xc7: {  	[dreg:$0x1] =	wrdreg $0xFFFFFFFF  }
0xc8: {  	_ =	task.clear_ibuf [dreg:s8], $0x2FFFF;
	_ =	strace $0x9FFFFFFF  }
0xc9: {  	(tm) =	ssettm $0x7FFFFFFF  }
tec
execute0_lowered:
.L_overlay_start_1:
0x0: {  	(tag) =	ssettag $0x1  }
0x1: {  	s1 =	rddreg [dreg:$0x0]  }
0x2: {  	s5 =	rddreg [dreg:$0x1]  }
0x3: {  	s2 =	rddreg [dreg:$0x2]  }
0x4: {  	s0 =	rddreg [dreg:$0x3];
	s3 =	simm.s32 $0x0;
	s4 =	srdreg.scid  }
0x5: {  	s10 =	simm.s32 $0x2;
	s11 =	simm.s32 $0x18000;
	s12 =	simm.s32 $0x10000  }
0x6: {  	s13 =	simm.s32 $0x8000;
	s14 =	simm.s32 $0x1;
	s15 =	simm.s32 $0x0  }
.Ltmp0:
0x7: {  	[smem:$0x7FF] =	sst s3;
	s6 =	sand.u32 $0x1, s4;
	(pc) =	sbr.rel .LBB2_1-.Ltmp0, $4  }
0x8: {  	s4 =	stileid.u32;
	s5 =	sadd.s32 $0x800, s5;
	s7 =	ssub.s32 $0x2, s6  }
0x9: {  	v1 =	vlaneseq.u32;
	s9 =	sshll.u32 s4, $0xF;
	s6 =	sshll.u32 s6, $0x6;
	s8 =	sshrl.u32 s7, $0x1  }
0xa: {  	v3 =	vmul.u32 $0x800, v1;
	_ =	strace $0x80000047;
	s6 =	sor.u32 s9, s6;
	s7 =	ssub.s32 s7, s8  }
0xb: {  	v0 =	vimm.s32 $0x0;
	v2 =	vimm.s32 $0x1;
	v4 =	vimm.s32 $0x80000000;
	s9 =	simm.s32 $0x400;
	s8 =	simm.s32 $0x80;
	s7 =	smax.u32 s7, $0x1  }
.LBB2_135:
0xc: {  	s15 =	sadd.s32 $0x1, s15  }
0xd: {  	p0 =	sne.s32 s15, s7  }
.Ltmp1:
0xe: {  	_ = 	snop;
	(pc) =	sbr.rel @!p0 .LBB2_136-.Ltmp1, $1  }
0xf: {  	_ =	sdelay $0x3  }
.LBB2_1:
0x10: {  	s16 =	simm.s32 $0x0  }
.LBB2_2:
0x11: {  	s17 =	sshll.u32 s16, $0x4  }
0x12: {  	s17 =	sadd.s32 s6, s17  }
0x13: {  	s18 =	sadd.s32 s1, s17  }
0x14: {  	[tilespmem:s3], [sflag:$0x2] =	stream.strided.gather [hbm4b:s18+s8], $0x8000, s9, s8, $0x38;
	[tilespmem:$0x1F000] =	vst v63  }
0x15: {  	_ =	swait.ge [sflag:s10], $0x8000  }
0x16: {  	[sflag:s10] =	ssyncset.done $0x0  }
0x17: {  	s18 =	simm.s32 $0x18040;
	[sflag:s10] =	ssyncadd.s32 $0xFFFF8000  }
0x18: {  	[tilespmem:s18+$0xFFFFFFC0] =	vst v0  }
0x19: {  	[tilespmem:s18+$0x30] =	vst v0  }
0x1a: {  	[tilespmem:s18+$0x20] =	vst v0  }
0x1b: {  	[tilespmem:s18+$0x10] =	vst v0  }
0x1c: {  	[tilespmem:s18+$0x0] =	vst v0  }
0x1d: {  	[tilespmem:s18+$0xFFFFFFF0] =	vst v0  }
0x1e: {  	s20 =	simm.s32 $0x0;
	[tilespmem:s18+$0xFFFFFFE0] =	vst v0  }
.LBB2_3:
0x1f: {  	s20 =	sadd.s32 $0x8, s20;
	[tilespmem:s18+$0xFFFFFFD0] =	vst v0;
	s18 =	sadd.s32 $0x80, s18;
	s19 =	simm.s32 $0x40  }
0x20: {  	[tilespmem:s18+$0xFFFFFFC0] =	vst v0;
	p0 =	slt.u32 s20, $0xF8  }
0x21: {  	[tilespmem:s18+$0x30] =	vst v0  }
.Ltmp2:
0x22: {  	[tilespmem:s18+$0x20] =	vst v0;
	(pc) =	sbr.rel @p0 .LBB2_3-.Ltmp2, $4  }
0x23: {  	[tilespmem:s18+$0x10] =	vst v0  }
0x24: {  	[tilespmem:s18+$0x0] =	vst v0  }
0x25: {  	[tilespmem:s18+$0xFFFFFFF0] =	vst v0  }
0x26: {  	[tilespmem:s18+$0xFFFFFFE0] =	vst v0  }
0x27: {  	[tilespmem:s18+$0xFFFFFFD0] =	vst v0  }
0x28: {  	v5 =	vld [tilespmem:s19+$0x30]  }
0x29: {  	v6 =	vld [tilespmem:s19+$0xFFFFFFC0]  }
0x2a: {  	v7 =	vld [tilespmem:s19+$0xFFFFFFD0]  }
0x2b: {  	v8 =	vld [tilespmem:s19+$0xFFFFFFE0]  }
0x2c: {  	v9 =	vld [tilespmem:s19+$0xFFFFFFF0]  }
0x2d: {  	v10 =	vld [tilespmem:s19+$0x0]  }
0x2e: {  	v11 =	vld [tilespmem:s19+$0x10]  }
0x2f: {  	v12 =	vld [tilespmem:s19+$0x20];
	_ =	sdelay $0x1  }
0x30: {  	vm0 =	veq.s32 v5, $0x80000000;
	vm1 =	veq.s32 v6, $0x80000000;
	vm10 =	veq.s32 v7, $0x80000000  }
0x31: {  	vm11 =	veq.s32 v8, $0x80000000;
	vm12 =	veq.s32 v9, $0x80000000;
	v5 =	vsel vm0, $0x0, v5  }
0x32: {  	vm13 =	veq.s32 v10, $0x80000000;
	vm14 =	veq.s32 v11, $0x80000000;
	v13 =	vshra.s32 v5, $0x1F  }
0x33: {  	vm15 =	veq.s32 v12, $0x80000000;
	v6 =	vsel vm1, $0x0, v6;
	v13 =	vor.u32 $0x80000000, v13  }
0x34: {  	v7 =	vsel vm10, $0x0, v7;
	v8 =	vsel vm11, $0x0, v8;
	v5 =	vxor.u32 v5, v13  }
0x35: {  	v9 =	vsel vm12, $0x0, v9;
	v10 =	vsel vm13, $0x0, v10;
	v13 =	vshll.u32 v5, $0x4  }
0x36: {  	s20 =	simm.s32 $0x0;
	v11 =	vsel vm14, $0x0, v11;
	v16 =	vsel vm15, $0x0, v12;
	v13 =	vand.u32 $0xFF0, v13  }
0x37: {  	v14 =	vshra.s32 v6, $0x1F;
	v15 =	vshra.s32 v7, $0x1F;
	v13 =	vor.u32 s20, v13  }
0x38: {  	v12 =	vshra.s32 v8, $0x1F;
	v17 =	vshra.s32 v9, $0x1F;
	v18 =	vshra.s32 v10, $0x1F  }
0x39: {  	v19 =	vshra.s32 v11, $0x1F;
	v20 =	vshra.s32 v16, $0x1F;
	v14 =	vor.u32 $0x80000000, v14  }
0x3a: {  	v15 =	vor.u32 $0x80000000, v15;
	v12 =	vor.u32 $0x80000000, v12;
	v17 =	vor.u32 $0x80000000, v17  }
0x3b: {  	v62 =	vor.u32 $0x80000000, v19;
	v63 =	vor.u32 $0x80000000, v20;
	v9 =	vxor.u32 v9, v17;
	[tilespmem:s19+$0x30] =	vst v5  }
0x3c: {  	v5 =	vor.u32 $0x80000000, v18;
	[tilespmem:v13+s11+$0x0] =	vst.idx.add.s32.msk $0xffff, v2;
	v13 =	vxor.u32 v6, v14;
	v14 =	vxor.u32 v7, v15  }
0x3d: {  	v15 =	vxor.u32 v8, v12;
	v7 =	vxor.u32 v10, v5;
	v6 =	vxor.u32 v11, v62;
	[tilespmem:s19+$0xFFFFFFC0] =	vst v13  }
0x3e: {  	v5 =	vxor.u32 v16, v63;
	v12 =	vshll.u32 v13, $0x4;
	[tilespmem:s19+$0xFFFFFFD0] =	vst v14;
	v8 =	vshll.u32 v14, $0x4  }
0x3f: {  	s21 =	simm.s32 $0x0;
	s18 =	simm.s32 $0x4;
	s22 =	simm.s32 $0xC0;
	[tilespmem:s19+$0xFFFFFFE0] =	vst v15;
	v10 =	vshll.u32 v15, $0x4;
	v13 =	vshll.u32 v9, $0x4;
	v11 =	vshll.u32 v7, $0x4  }
.LBB2_5:
0x40: {  	v14 =	vld [tilespmem:s22+$0x30];
	v12 =	vand.u32 $0xFF0, v12;
	[tilespmem:s19+$0xFFFFFFF0] =	vst v9;
	v9 =	vshll.u32 v6, $0x4;
	v15 =	vshll.u32 v5, $0x4  }
0x41: {  	v8 =	vand.u32 $0xFF0, v8;
	v10 =	vand.u32 $0xFF0, v10;
	v13 =	vand.u32 $0xFF0, v13;
	v16 =	vld [tilespmem:s22+$0xFFFFFFC0];
	[tilespmem:s19+$0x0] =	vst v7  }
0x42: {  	v11 =	vand.u32 $0xFF0, v11;
	v7 =	vld [tilespmem:s22+$0xFFFFFFD0];
	[tilespmem:s19+$0x10] =	vst v6;
	v6 =	vand.u32 $0xFF0, v9;
	v9 =	vand.u32 $0xFF0, v15  }
0x43: {  	v12 =	vor.u32 s20, v12;
	v8 =	vor.u32 s20, v8;
	v10 =	vor.u32 s20, v10;
	v15 =	vld [tilespmem:s22+$0xFFFFFFE0];
	[tilespmem:s19+$0x20] =	vst v5;
	s19 =	smov.u32 s22  }
0x44: {  	v13 =	vor.u32 s20, v13;
	v11 =	vor.u32 s20, v11;
	v6 =	vor.u32 s20, v6;
	v5 =	vld [tilespmem:s22+$0xFFFFFFF0]  }
0x45: {  	v9 =	vor.u32 s20, v9;
	v17 =	vld [tilespmem:s22+$0x0];
	vm0 =	veq.s32 v14, $0x80000000  }
0x46: {  	vm1 =	veq.s32 v16, $0x80000000;
	v18 =	vld [tilespmem:s22+$0x10];
	v14 =	vsel vm0, $0x0, v14  }
0x47: {  	v16 =	vsel vm1, $0x0, v16;
	vm0 =	veq.s32 v7, $0x80000000;
	v19 =	vld [tilespmem:s22+$0x20];
	v20 =	vshra.s32 v14, $0x1F  }
0x48: {  	v7 =	vsel vm0, $0x0, v7;
	vm0 =	veq.s32 v15, $0x80000000;
	v20 =	vor.u32 $0x80000000, v20;
	[tilespmem:v12+s11+$0x0] =	vst.idx.add.s32.msk $0xffff, v2  }
0x49: {  	v12 =	vsel vm0, $0x0, v15;
	vm0 =	veq.s32 v5, $0x80000000;
	v14 =	vxor.u32 v14, v20;
	[tilespmem:v13+s11+$0x0] =	vst.idx.add.s32.msk $0xffff, v2  }
0x4a: {  	s21 =	sadd.s32 $0x8, s21;
	v5 =	vsel vm0, $0x0, v5;
	vm0 =	veq.s32 v17, $0x80000000;
	v13 =	vshll.u32 v14, $0x4;
	[tilespmem:v6+s11+$0x0] =	vst.idx.add.s32.msk $0xffff, v2  }
0x4b: {  	p0 =	slt.u32 s21, $0x7F8;
	s20 =	sshrl.u32 s21, $0x7;
	v6 =	vsel vm0, $0x0, v17;
	vm0 =	veq.s32 v18, $0x80000000;
	v13 =	vand.u32 $0xFF0, v13;
	[tilespmem:v9+s11+$0x0] =	vst.idx.add.s32.msk $0xffff, v2  }
0x4c: {  	v15 =	vsel vm0, $0x0, v18;
	vm0 =	veq.s32 v19, $0x80000000;
	v9 =	vor.u32 s20, v13;
	[tilespmem:v11+s11+$0x0] =	vst.idx.add.s32.msk $0xffff, v2  }
0x4d: {  	v11 =	vshra.s32 v16, $0x1F;
	v13 =	vshra.s32 v7, $0x1F;
	v17 =	vsel vm0, $0x0, v19;
	[tilespmem:v8+s11+$0x0] =	vst.idx.add.s32.msk $0xffff, v2  }
0x4e: {  	v18 =	vshra.s32 v5, $0x1F;
	v8 =	vshra.s32 v12, $0x1F;
	v19 =	vshra.s32 v6, $0x1F;
	[tilespmem:v10+s11+$0x0] =	vst.idx.add.s32.msk $0xffff, v2  }
0x4f: {  	v10 =	vor.u32 $0x80000000, v11;
	v11 =	vshra.s32 v15, $0x1F;
	v20 =	vshra.s32 v17, $0x1F  }
0x50: {  	v13 =	vor.u32 $0x80000000, v13;
	v18 =	vor.u32 $0x80000000, v18;
	v8 =	vor.u32 $0x80000000, v8;
	[tilespmem:s22+$0x30] =	vst v14  }
.Ltmp3:
0x51: {  	s23 =	simm.s32 $0x18040;
	v11 =	vor.u32 $0x80000000, v11;
	v14 =	vor.u32 $0x80000000, v19;
	v19 =	vor.u32 $0x80000000, v20;
	[tilespmem:v9+s11+$0x0] =	vst.idx.add.s32.msk $0xffff, v2;
	(pc) =	sbr.rel @p0 .LBB2_5-.Ltmp3, $4  }
0x52: {  	v13 =	vxor.u32 v7, v13;
	v10 =	vxor.u32 v16, v10;
	v16 =	vxor.u32 v12, v8  }
0x53: {  	v9 =	vxor.u32 v5, v18;
	v7 =	vxor.u32 v6, v14;
	v6 =	vxor.u32 v15, v11;
	[tilespmem:s22+$0xFFFFFFC0] =	vst v10  }
0x54: {  	v8 =	vshll.u32 v13, $0x4;
	v12 =	vshll.u32 v10, $0x4;
	v5 =	vxor.u32 v17, v19;
	[tilespmem:s22+$0xFFFFFFD0] =	vst v13  }
0x55: {  	v11 =	vshll.u32 v7, $0x4;
	v10 =	vshll.u32 v16, $0x4;
	v13 =	vshll.u32 v9, $0x4;
	s22 =	sadd.s32 $0x80, s22;
	[tilespmem:s19+$0xFFFFFFE0] =	vst v16  }
0x56: {  	v12 =	vand.u32 $0xFF0, v12  }
0x57: {  	v13 =	vand.u32 $0xFF0, v13;
	v12 =	vor.u32 s20, v12  }
0x58: {  	v14 =	vshll.u32 v6, $0x4;
	[tilespmem:s19+$0xFFFFFFF0] =	vst v9;
	v11 =	vand.u32 $0xFF0, v11;
	v13 =	vor.u32 s20, v13  }
0x59: {  	v9 =	vshll.u32 v5, $0x4;
	[tilespmem:s19+$0x20] =	vst v5;
	v14 =	vand.u32 $0xFF0, v14;
	v5 =	vor.u32 s20, v11  }
0x5a: {  	[tilespmem:s19+$0x0] =	vst v7;
	v7 =	vand.u32 $0xFF0, v9;
	v9 =	vor.u32 s20, v14  }
0x5b: {  	[tilespmem:s19+$0x10] =	vst v6;
	v6 =	vor.u32 s20, v7;
	v7 =	vand.u32 $0xFF0, v8  }
0x5c: {  	v8 =	vand.u32 $0xFF0, v10;
	v7 =	vor.u32 s20, v7;
	[tilespmem:v12+s11+$0x0] =	vst.idx.add.s32.msk $0xffff, v2  }
0x5d: {  	v8 =	vor.u32 s20, v8;
	[tilespmem:v13+s11+$0x0] =	vst.idx.add.s32.msk $0xffff, v2  }
0x5e: {  	[tilespmem:v5+s11+$0x0] =	vst.idx.add.s32.msk $0xffff, v2  }
0x5f: {  	[tilespmem:v9+s11+$0x0] =	vst.idx.add.s32.msk $0xffff, v2  }
0x60: {  	[tilespmem:v6+s11+$0x0] =	vst.idx.add.s32.msk $0xffff, v2  }
0x61: {  	[tilespmem:v7+s11+$0x0] =	vst.idx.add.s32.msk $0xffff, v2  }
0x62: {  	[tilespmem:v8+s11+$0x0] =	vst.idx.add.s32.msk $0xffff, v2  }
0x63: {  	v5 =	vld [tilespmem:s23+$0xFFFFFFC0];
	_ =	sdelay $0x1  }
0x64: {  	v6 =	vld [tilespmem:s23+$0xFFFFFFD0]  }
0x65: {  	v7 =	vld [tilespmem:s23+$0xFFFFFFE0]  }
0x66: {  	v8 =	vld [tilespmem:s23+$0xFFFFFFF0]  }
0x67: {  	v9 =	vld [tilespmem:s23+$0x0];
	(xrf0) =	vadd.scan.msk.s32 $0xffff, v5  }
0x68: {  	v10 =	vld [tilespmem:s23+$0x10]  }
0x69: {  	v5 =	vld [tilespmem:s23+$0x20];
	(xrf0) =	vadd.scan.msk.s32 $0xffff, v6  }
0x6a: {  	s26 =	simm.s32 $0x180C0;
	v6 =	vld [tilespmem:s23+$0x30];
	(xrf0) =	vadd.scan.msk.s32 $0xffff, v7  }
0x6b: {  	v7 =	vld [tilespmem:s26+$0xFFFFFFC0];
	(xrf0) =	vadd.scan.msk.s32 $0xffff, v8  }
0x6c: {  	v8 =	vld [tilespmem:s26+$0xFFFFFFD0];
	(xrf0) =	vadd.scan.msk.s32 $0xffff, v9  }
0x6d: {  	v9 =	vld [tilespmem:s26+$0xFFFFFFE0];
	(xrf0) =	vadd.scan.msk.s32 $0xffff, v10;
	v10, _, _ =	vpop (xrf0)  }
0x6e: {  	(xrf0) =	vadd.scan.msk.s32 $0xffff, v5;
	v5 =	vld [tilespmem:s26+$0xFFFFFFF0];
	(v2sf) =	vpush v10, $0xF  }
0x6f: {  	v10, _, _ =	vpop (xrf0);
	(xrf0) =	vadd.scan.msk.s32 $0xffff, v6;
	v6 =	vld [tilespmem:s26+$0x0]  }
0x70: {  	v11 =	vld [tilespmem:s26+$0x10];
	(v2sf) =	vpush v10, $0xF;
	v10, _, _ =	vpop (xrf0);
	(xrf0) =	vadd.scan.msk.s32 $0xffff, v7  }
0x71: {  	(v2sf) =	vpush v10, $0xF;
	v7, _, _ =	vpop (xrf0);
	v10 =	vld [tilespmem:s26+$0x20];
	(xrf0) =	vadd.scan.msk.s32 $0xffff, v8  }
0x72: {  	v8 =	vld [tilespmem:s26+$0x30];
	(v2sf) =	vpush v7, $0xF;
	v7, _, _ =	vpop (xrf0);
	(xrf0) =	vadd.scan.msk.s32 $0xffff, v9  }
0x73: {  	s28 =	simm.s32 $0x18140;
	(v2sf) =	vpush v7, $0xF;
	v7, _, _ =	vpop (xrf0);
	(xrf0) =	vadd.scan.msk.s32 $0xffff, v5  }
0x74: {  	(v2sf) =	vpush v7, $0xF;
	v5, _, _ =	vpop (xrf0);
	v7 =	vld [tilespmem:s28+$0xFFFFFFC0];
	(xrf0) =	vadd.scan.msk.s32 $0xffff, v6  }
0x75: {  	v6 =	vld [tilespmem:s28+$0xFFFFFFD0];
	(v2sf) =	vpush v5, $0xF;
	v5, _, _ =	vpop (xrf0);
	(xrf0) =	vadd.scan.msk.s32 $0xffff, v11  }
0x76: {  	(v2sf) =	vpush v5, $0xF;
	v5 =	vld [tilespmem:s28+$0xFFFFFFE0];
	v9, _, _ =	vpop (xrf0);
	(xrf0) =	vadd.scan.msk.s32 $0xffff, v10  }
0x77: {  	v10 =	vld [tilespmem:s28+$0xFFFFFFF0];
	(v2sf) =	vpush v9, $0xF;
	v9, _, _ =	vpop (xrf0);
	(xrf0) =	vadd.scan.msk.s32 $0xffff, v8  }
0x78: {  	v8 =	vld [tilespmem:s28+$0x0];
	(v2sf) =	vpush v9, $0xF;
	v9, _, _ =	vpop (xrf0)  }
0x79: {  	v11 =	vld [tilespmem:s28+$0x10];
	(xrf0) =	vadd.scan.msk.s32 $0xffff, v7;
	(v2sf) =	vpush v9, $0xF;
	v7, _, _ =	vpop (xrf0)  }
0x7a: {  	(xrf0) =	vadd.scan.msk.s32 $0xffff, v6;
	(v2sf) =	vpush v7, $0xF;
	v6, _, _ =	vpop (xrf0)  }
0x7b: {  	s29 =	simm.s32 $0x181C0;
	v7 =	vld [tilespmem:s28+$0x20];
	(xrf0) =	vadd.scan.msk.s32 $0xffff, v5;
	(v2sf) =	vpush v6, $0xF;
	v5, _, _ =	vpop (xrf0)  }
0x7c: {  	v9 =	vld [tilespmem:s29+$0xFFFFFFC0];
	(xrf0) =	vadd.scan.msk.s32 $0xffff, v10;
	(v2sf) =	vpush v5, $0xF;
	v5, _, _ =	vpop (xrf0)  }
0x7d: {  	v6 =	vld [tilespmem:s28+$0x30];
	(xrf0) =	vadd.scan.msk.s32 $0xffff, v8;
	(v2sf) =	vpush v5, $0xF;
	v5, _, _ =	vpop (xrf0);
	s30 =	spop (v2sf)  }
0x7e: {  	v8 =	vld [tilespmem:s29+$0xFFFFFFD0];
	(xrf0) =	vadd.scan.msk.s32 $0xffff, v11;
	(v2sf) =	vpush v5, $0xF;
	[smem:$0x0] =	sst s30  }
0x7f: {  	s20 =	spop (v2sf)  }
0x80: {  	v10 =	vld [tilespmem:s29+$0xFFFFFFE0];
	v5, _, _ =	vpop (xrf0);
	(xrf0) =	vadd.scan.msk.s32 $0xffff, v7;
	[smem:$0x1] =	sst s20  }
0x81: {  	s20 =	spop (v2sf)  }
0x82: {  	v11 =	vld [tilespmem:s29+$0xFFFFFFF0];
	(v2sf) =	vpush v5, $0xF;
	v7, _, _ =	vpop (xrf0);
	(xrf0) =	vadd.scan.msk.s32 $0xffff, v6;
	[smem:$0x2] =	sst s20  }
0x83: {  	s20 =	spop (v2sf)  }
0x84: {  	v5 =	vld [tilespmem:s29+$0x0];
	(v2sf) =	vpush v7, $0xF;
	v7, _, _ =	vpop (xrf0);
	[smem:$0x3] =	sst s20  }
0x85: {  	s20 =	spop (v2sf)  }
0x86: {  	v6 =	vld [tilespmem:s29+$0x10];
	(xrf0) =	vadd.scan.msk.s32 $0xffff, v9;
	(v2sf) =	vpush v7, $0xF;
	v9, _, _ =	vpop (xrf0);
	[smem:s18] =	sst s20;
	s31 =	spop (v2sf)  }
0x87: {  	v7 =	vld [tilespmem:s29+$0x20];
	(xrf0) =	vadd.scan.msk.s32 $0xffff, v8;
	(v2sf) =	vpush v9, $0xF;
	v9, _, _ =	vpop (xrf0);
	[smem:$0x5] =	sst s31  }
0x88: {  	s20 =	spop (v2sf)  }
0x89: {  	v8 =	vld [tilespmem:s29+$0x30];
	(xrf0) =	vadd.scan.msk.s32 $0xffff, v10;
	(v2sf) =	vpush v9, $0xF;
	v9, _, _ =	vpop (xrf0);
	[smem:$0x6] =	sst s20  }
0x8a: {  	(v2sf) =	vpush v9, $0xF;
	_ =	sdelay $0x3  }
0x8b: {  	s21 =	spop (v2sf)  }
0x8c: {  	s19 =	simm.s32 $0x18;
	s20 =	simm.s32 $0x18240;
	(xrf0) =	vadd.scan.msk.s32 $0xffff, v11;
	v9, _, _ =	vpop (xrf0);
	[smem:$0x7] =	sst s21  }
.LBB2_7:
0x8d: {  	v10 =	vld [tilespmem:s20+$0xFFFFFFC0];
	(xrf0) =	vadd.scan.msk.s32 $0xffff, v5;
	(v2sf) =	vpush v9, $0xF;
	v5, _, _ =	vpop (xrf0);
	s21 =	spop (v2sf);
	s18 =	sadd.s32 $0x8, s18  }
0x8e: {  	v9 =	vld [tilespmem:s20+$0xFFFFFFD0];
	(xrf0) =	vadd.scan.msk.s32 $0xffff, v6;
	(v2sf) =	vpush v5, $0xF;
	[smem:s18+$0xFFFFFFFC] =	sst s21;
	s21 =	spop (v2sf)  }
0x8f: {  	v11 =	vld [tilespmem:s20+$0xFFFFFFE0];
	v5, _, _ =	vpop (xrf0);
	(xrf0) =	vadd.scan.msk.s32 $0xffff, v7;
	[smem:s18+$0xFFFFFFFD] =	sst s21;
	s21 =	spop (v2sf)  }
0x90: {  	s19 =	sadd.s32 $0x8, s19;
	v12 =	vld [tilespmem:s20+$0xFFFFFFF0];
	(v2sf) =	vpush v5, $0xF;
	v6, _, _ =	vpop (xrf0);
	(xrf0) =	vadd.scan.msk.s32 $0xffff, v8;
	[smem:s18+$0xFFFFFFFE] =	sst s21;
	s21 =	spop (v2sf)  }
0x91: {  	p0 =	slt.u32 s19, $0xF8;
	[smem:s18+$0xFFFFFFFF] =	sst s21  }
.Ltmp4:
0x92: {  	v5 =	vld [tilespmem:s20+$0x0];
	(v2sf) =	vpush v6, $0xF;
	v7, _, _ =	vpop (xrf0);
	s21 =	spop (v2sf);
	(pc) =	sbr.rel @p0 .LBB2_7-.Ltmp4, $4  }
0x93: {  	v6 =	vld [tilespmem:s20+$0x10];
	(xrf0) =	vadd.scan.msk.s32 $0xffff, v10;
	(v2sf) =	vpush v7, $0xF;
	v8, _, _ =	vpop (xrf0);
	[smem:s18] =	sst s21;
	s21 =	spop (v2sf)  }
0x94: {  	v7 =	vld [tilespmem:s20+$0x20];
	(xrf0) =	vadd.scan.msk.s32 $0xffff, v9;
	(v2sf) =	vpush v8, $0xF;
	v9, _, _ =	vpop (xrf0);
	[smem:s18+$0x1] =	sst s21;
	s21 =	spop (v2sf)  }
0x95: {  	v8 =	vld [tilespmem:s20+$0x30];
	(xrf0) =	vadd.scan.msk.s32 $0xffff, v11;
	(v2sf) =	vpush v9, $0xF;
	v9, _, _ =	vpop (xrf0);
	[smem:s18+$0x2] =	sst s21;
	s21 =	spop (v2sf)  }
0x96: {  	s20 =	sadd.s32 $0x80, s20;
	(xrf0) =	vadd.scan.msk.s32 $0xffff, v12;
	(v2sf) =	vpush v9, $0xF;
	v9, _, _ =	vpop (xrf0);
	[smem:s18+$0x3] =	sst s21  }
0x97: {  	(xrf0) =	vadd.scan.msk.s32 $0xffff, v5  }
0x98: {  	(v2sf) =	vpush v9, $0xF;
	v5, _, _ =	vpop (xrf0);
	(xrf0) =	vadd.scan.msk.s32 $0xffff, v6  }
0x99: {  	s19 =	spop (v2sf);
	s18 =	sadd.s32 $0x8, s18;
	(v2sf) =	vpush v5, $0xF;
	v5, _, _ =	vpop (xrf0);
	(xrf0) =	vadd.scan.msk.s32 $0xffff, v7  }
0x9a: {  	[smem:s18+$0xFFFFFFFC] =	sst s19;
	s31 =	spop (v2sf);
	(v2sf) =	vpush v5, $0xF;
	v5, _, _ =	vpop (xrf0);
	(xrf0) =	vadd.scan.msk.s32 $0xffff, v8  }
0x9b: {  	[smem:s18+$0xFFFFFFFD] =	sst s31;
	s20 =	spop (v2sf);
	(v2sf) =	vpush v5, $0xF;
	v5, _, _ =	vpop (xrf0)  }
0x9c: {  	[smem:s18+$0xFFFFFFFE] =	sst s20;
	s21 =	spop (v2sf);
	(v2sf) =	vpush v5, $0xF;
	v5, _, _ =	vpop (xrf0)  }
0x9d: {  	[smem:s18+$0xFFFFFFFF] =	sst s21;
	s22 =	spop (v2sf);
	(v2sf) =	vpush v5, $0xF;
	v5, _, _ =	vpop (xrf0)  }
0x9e: {  	[smem:s18] =	sst s22;
	s23 =	spop (v2sf);
	(v2sf) =	vpush v5, $0xF;
	v5, _, _ =	vpop (xrf0)  }
0x9f: {  	[smem:s18+$0x1] =	sst s23;
	s24 =	spop (v2sf);
	(v2sf) =	vpush v5, $0xF;
	v5, _, _ =	vpop (xrf0)  }
0xa0: {  	[smem:s18+$0x2] =	sst s24;
	s25 =	spop (v2sf);
	(v2sf) =	vpush v5, $0xF;
	v5, _, _ =	vpop (xrf0)  }
0xa1: {  	[smem:s18+$0x3] =	sst s25;
	s26 =	spop (v2sf);
	s18 =	sadd.s32 $0x8, s18;
	(v2sf) =	vpush v5, $0xF  }
0xa2: {  	[smem:s18+$0xFFFFFFFC] =	sst s26;
	s28 =	spop (v2sf)  }
0xa3: {  	[smem:s18+$0xFFFFFFFD] =	sst s28;
	s29 =	spop (v2sf)  }
0xa4: {  	[smem:s18+$0xFFFFFFFE] =	sst s29;
	s30 =	spop (v2sf)  }
0xa5: {  	[smem:s18+$0xFFFFFFFF] =	sst s30;
	s31 =	spop (v2sf)  }
0xa6: {  	[smem:s18] =	sst s31;
	s20 =	spop (v2sf)  }
0xa7: {  	[smem:s18+$0x1] =	sst s20;
	s21 =	spop (v2sf)  }
0xa8: {  	[smem:s18+$0x2] =	sst s21;
	s22 =	spop (v2sf)  }
0xa9: {  	s20 =	sadd.s32 $0x8, s18;
	[smem:s18+$0x3] =	sst s22;
	s23 =	spop (v2sf)  }
0xaa: {  	[smem:s20+$0xFFFFFFFC] =	sst s23;
	s24 =	spop (v2sf)  }
0xab: {  	[smem:s20+$0xFFFFFFFD] =	sst s24;
	s25 =	spop (v2sf)  }
0xac: {  	[smem:s20+$0xFFFFFFFE] =	sst s25;
	s26 =	spop (v2sf)  }
0xad: {  	[smem:s20+$0xFFFFFFFF] =	sst s26;
	s28 =	spop (v2sf)  }
0xae: {  	[smem:s20] =	sst s28;
	s29 =	spop (v2sf)  }
0xaf: {  	[smem:s20+$0x1] =	sst s29;
	s30 =	spop (v2sf)  }
0xb0: {  	[smem:s20+$0x2] =	sst s30;
	s31 =	spop (v2sf)  }
0xb1: {  	s19 =	simm.s32 $0x0;
	s18 =	simm.s32 $0x0;
	[smem:s20+$0x3] =	sst s31  }
.LBB2_9:
0xb2: {  	p0 =	sne.s32 s18, $0x3FC  }
.Ltmp5:
0xb3: {  	s20 =	sshra.s32 s18, $0x2;
	(pc) =	sbr.rel @p0 .LBB2_9-.Ltmp5, $2  }
0xb4: {  	s21 =	sld [smem:s20+$0x0];
	_ =	sdelay $0x2  }
0xb5: {  	s18 =	sadd.s32 $0x4, s18;
	[smem:s20] =	sst s19;
	s19 =	sadd.s32 s19, s21  }
0xb6: {  	s18 =	simm.s32 $0x18040  }
0xb7: {  	v7 =	vld [tilespmem:s18+$0x30]  }
0xb8: {  	v9 =	vld [tilespmem:s18+$0xFFFFFFD0]  }
0xb9: {  	v10 =	vld [tilespmem:s18+$0xFFFFFFE0]  }
0xba: {  	v13 =	vld [tilespmem:s18+$0xFFFFFFF0]  }
0xbb: {  	v14 =	vld [tilespmem:s18+$0x0]  }
0xbc: {  	v15 =	vld [tilespmem:s18+$0x10];
	(xrf0) =	vadd.scan.msk.s32 $0xffff, v7  }
0xbd: {  	v16 =	vld [tilespmem:s18+$0x20];
	(xrf0) =	vadd.scan.msk.s32 $0xffff, v9  }
0xbe: {  	v17 =	vld [tilespmem:s18+$0xFFFFFFC0];
	(xrf0) =	vadd.scan.msk.s32 $0xffff, v10  }
0xbf: {  	s20 =	simm.s32 $0x180C0;
	(xrf0) =	vadd.scan.msk.s32 $0xffff, v13  }
0xc0: {  	v11 =	vld [tilespmem:s20+$0x30];
	(xrf0) =	vadd.scan.msk.s32 $0xffff, v14  }
0xc1: {  	s21 =	sld [smem:$0x7];
	(xrf0) =	vadd.scan.msk.s32 $0xffff, v15  }
0xc2: {  	v12 =	vld [tilespmem:s20+$0xFFFFFFD0];
	s19 =	sld [smem:$0x0];
	(xrf0) =	vadd.scan.msk.s32 $0xffff, v16;
	v8, _, _ =	vpop (xrf0)  }
0xc3: {  	v6 =	vld [tilespmem:s20+$0xFFFFFFE0];
	s22 =	sld [smem:$0x1];
	(xrf0) =	vadd.scan.msk.s32 $0xffff, v17;
	v18, _, _ =	vpop (xrf0);
	v7 =	vsub.s32 v8, v7  }
0xc4: {  	v5 =	vld [tilespmem:s20+$0xFFFFFFF0];
	s23 =	sld [smem:$0x2];
	v19, _, _ =	vpop (xrf0);
	v7 =	vadd.s32 s21, v7  }
0xc5: {  	v8 =	vld [tilespmem:s20+$0x0];
	v18 =	vsub.s32 v18, v9;
	s30 =	sld [smem:$0x3];
	[tilespmem:s18+$0x30] =	vst v7;
	v20, _, _ =	vpop (xrf0);
	(xrf0) =	vadd.scan.msk.s32 $0xffff, v11  }
0xc6: {  	v9 =	vld [tilespmem:s20+$0x10];
	v10 =	vsub.s32 v19, v10;
	v18 =	vadd.s32 s22, v18;
	s31 =	sld [smem:$0x4];
	v61, _, _ =	vpop (xrf0)  }
0xc7: {  	(xrf0) =	vadd.scan.msk.s32 $0xffff, v12;
	[tilespmem:s18+$0xFFFFFFD0] =	vst v18;
	v10 =	vadd.s32 s23, v10;
	v14 =	vsub.s32 v61, v14  }
0xc8: {  	v7 =	vld [tilespmem:s20+$0x20];
	v13 =	vsub.s32 v20, v13;
	s25 =	sld [smem:$0x5];
	v62, _, _ =	vpop (xrf0);
	[tilespmem:s18+$0xFFFFFFE0] =	vst v10;
	(xrf0) =	vadd.scan.msk.s32 $0xffff, v6  }
0xc9: {  	v10 =	vld [tilespmem:s20+$0xFFFFFFC0];
	v13 =	vadd.s32 s30, v13;
	s24 =	sld [smem:$0x6];
	v15 =	vsub.s32 v62, v15;
	v63, _, _ =	vpop (xrf0)  }
0xca: {  	(xrf0) =	vadd.scan.msk.s32 $0xffff, v5;
	[tilespmem:s18+$0xFFFFFFF0] =	vst v13;
	v19 =	vadd.s32 s31, v14;
	v13 =	vsub.s32 v63, v16;
	v14, _, _ =	vpop (xrf0)  }
0xcb: {  	s21 =	simm.s32 $0xC;
	s22 =	simm.s32 $0x8;
	s23 =	simm.s32 $0x18140;
	(xrf0) =	vadd.scan.msk.s32 $0xffff, v8;
	[tilespmem:s18+$0x0] =	vst v19;
	v14 =	vsub.s32 v14, v17;
	v15 =	vadd.s32 s25, v15  }
.LBB2_11:
0xcc: {  	v19 =	vadd.s32 s19, v14  }
0xcd: {  	v13 =	vadd.s32 s24, v13  }
0xce: {  	v16 =	vld [tilespmem:s23+$0x30];
	s22 =	sadd.s32 $0x8, s22;
	s25 =	sld [smem:s21+$0x3];
	(xrf0) =	vadd.scan.msk.s32 $0xffff, v9;
	[tilespmem:s18+$0x10] =	vst v15;
	v15 =	vmov v6  }
0xcf: {  	v14 =	vmov v5;
	v17 =	vld [tilespmem:s23+$0xFFFFFFD0];
	p0 =	slt.u32 s22, $0xF8;
	s19 =	sld [smem:s21+$0xFFFFFFFC];
	(xrf0) =	vadd.scan.msk.s32 $0xffff, v7;
	v18, _, _ =	vpop (xrf0);
	[tilespmem:s18+$0xFFFFFFC0] =	vst v19;
	v19 =	vmov v8  }
0xd0: {  	v8 =	vsub.s32 v18, v11;
	v6 =	vld [tilespmem:s23+$0xFFFFFFE0];
	s24 =	sld [smem:s21+$0xFFFFFFFD];
	(xrf0) =	vadd.scan.msk.s32 $0xffff, v10;
	v11, _, _ =	vpop (xrf0);
	[tilespmem:s18+$0x20] =	vst v13;
	v13 =	vmov v9;
	s18 =	smov.u32 s20;
	s20 =	smov.u32 s23  }
0xd1: {  	v18 =	vmov v7;
	v9 =	vadd.s32 s25, v8;
	v5 =	vld [tilespmem:s23+$0xFFFFFFF0];
	v21 =	vsub.s32 v11, v12;
	s26 =	sld [smem:s21+$0xFFFFFFFE];
	v12, _, _ =	vpop (xrf0)  }
0xd2: {  	v8 =	vld [tilespmem:s23+$0x0];
	v12 =	vsub.s32 v12, v15;
	s25 =	sld [smem:s21+$0xFFFFFFFF];
	[tilespmem:s18+$0x30] =	vst v9;
	v7, _, _ =	vpop (xrf0);
	v15 =	vmov v10  }
.Ltmp6:
0xd3: {  	v11 =	vmov v16;
	v9 =	vld [tilespmem:s23+$0x10];
	(xrf0) =	vadd.scan.msk.s32 $0xffff, v16;
	v10 =	vadd.s32 s24, v21;
	v14 =	vsub.s32 v7, v14;
	s28 =	sld [smem:s21+$0x0];
	v20, _, _ =	vpop (xrf0);
	(pc) =	sbr.rel @p0 .LBB2_11-.Ltmp6, $4  }
0xd4: {  	v7 =	vld [tilespmem:s23+$0x20];
	(xrf0) =	vadd.scan.msk.s32 $0xffff, v17;
	[tilespmem:s18+$0xFFFFFFD0] =	vst v10;
	v12 =	vadd.s32 s26, v12;
	v16 =	vsub.s32 v20, v19;
	s26 =	sld [smem:s21+$0x1];
	v19, _, _ =	vpop (xrf0)  }
0xd5: {  	v10 =	vld [tilespmem:s23+$0xFFFFFFC0];
	(xrf0) =	vadd.scan.msk.s32 $0xffff, v6;
	[tilespmem:s18+$0xFFFFFFE0] =	vst v12;
	v20 =	vadd.s32 s25, v14;
	v19 =	vsub.s32 v19, v13;
	s24 =	sld [smem:s21+$0x2];
	v13, _, _ =	vpop (xrf0)  }
0xd6: {  	(xrf0) =	vadd.scan.msk.s32 $0xffff, v5;
	[tilespmem:s18+$0xFFFFFFF0] =	vst v20;
	v16 =	vadd.s32 s28, v16;
	v13 =	vsub.s32 v13, v18;
	v14, _, _ =	vpop (xrf0)  }
0xd7: {  	s23 =	sadd.s32 $0x80, s23;
	s21 =	sadd.s32 $0x8, s21;
	(xrf0) =	vadd.scan.msk.s32 $0xffff, v8;
	v14 =	vsub.s32 v14, v15;
	[tilespmem:s18+$0x0] =	vst v16;
	v15 =	vadd.s32 s26, v19;
	v12 =	vmovc v17  }
0xd8: {  	s22 =	sld [smem:s21+$0x3]  }
0xd9: {  	v16, _, _ =	vpop (xrf0)  }
0xda: {  	v11 =	vsub.s32 v16, v11  }
0xdb: {  	s23 =	sld [smem:s21+$0xFFFFFFFC];
	v11 =	vadd.s32 s22, v11  }
0xdc: {  	s25 =	sld [smem:s21+$0xFFFFFFFD];
	(xrf0) =	vadd.scan.msk.s32 $0xffff, v9  }
0xdd: {  	s26 =	sld [smem:s21+$0xFFFFFFFE];
	[tilespmem:s18+$0x10] =	vst v15;
	(xrf0) =	vadd.scan.msk.s32 $0xffff, v7;
	v62, _, _ =	vpop (xrf0)  }
0xde: {  	s29 =	sld [smem:s21+$0xFFFFFFFF];
	v14 =	vadd.s32 s19, v14;
	v12 =	vsub.s32 v62, v12;
	(xrf0) =	vadd.scan.msk.s32 $0xffff, v10;
	[tilespmem:s20+$0x30] =	vst v11;
	v11, _, _ =	vpop (xrf0)  }
0xdf: {  	[tilespmem:s18+$0xFFFFFFC0] =	vst v14;
	v12 =	vadd.s32 s25, v12;
	v6 =	vsub.s32 v11, v6;
	v11, _, _ =	vpop (xrf0)  }
0xe0: {  	s30 =	sld [smem:s21+$0x0];
	[tilespmem:s20+$0xFFFFFFD0] =	vst v12;
	v63, _, _ =	vpop (xrf0);
	v6 =	vadd.s32 s26, v6  }
0xe1: {  	v13 =	vadd.s32 s24, v13;
	s31 =	sld [smem:s21+$0x1];
	v5 =	vsub.s32 v11, v5;
	[tilespmem:s20+$0xFFFFFFE0] =	vst v6;
	v6 =	vsub.s32 v63, v8  }
0xe2: {  	p2 =	por $0x1, $0x1;
	[tilespmem:s18+$0x20] =	vst v13;
	v11, _, _ =	vpop (xrf0);
	v5 =	vadd.s32 s29, v5;
	s24 =	sld [smem:s21+$0x2]  }
.Ltmp7:
0xe3: {  	v8, _, _ =	vpop (xrf0);
	v9 =	vsub.s32 v11, v9;
	[tilespmem:s20+$0xFFFFFFF0] =	vst v5;
	v5 =	vadd.s32 s30, v6;
	(pc) =	sbr.rel @!p2 .LBB2_13-.Ltmp7, $4  }
0xe4: {  	s19 =	simm.s32 $0x0;
	s28 =	simm.s32 $0x1;
	[tilespmem:s20+$0x0] =	vst v5;
	v5 =	vadd.s32 s31, v9;
	v7 =	vsub.s32 v8, v7;
	v6, _, _ =	vpop (xrf0)  }
0xe5: {  	p1 =	por $0x0, $0x0;
	p0 =	por $0x0, $0x0;
	s29 =	simm.s32 $0x2;
	[tilespmem:s20+$0x10] =	vst v5;
	v6 =	vsub.s32 v6, v10;
	v5 =	vadd.s32 s24, v7  }
0xe6: {  	s18 =	simm.s32 $0x19040;
	s30 =	simm.s32 $0x3;
	v9 =	vor.u32 s28, v3;
	s31 =	simm.s32 $0x4;
	v8 =	vor.u32 s29, v3;
	v6 =	vadd.s32 s23, v6;
	[tilespmem:s20+$0x20] =	vst v5  }
0xe7: {  	s22 =	simm.s32 $0x8;
	v7 =	vor.u32 s19, v3;
	s24 =	simm.s32 $0x7;
	s23 =	simm.s32 $0x5;
	v5 =	vor.u32 s31, v3;
	[tilespmem:s20+$0xFFFFFFC0] =	vst v6;
	v6 =	vor.u32 s30, v3  }
0xe8: {  	_ =	sdelay $0x2  }
0xe9: {  	v10 =	vor.u32 s24, v3  }
0xea: {  	v17 =	vor.u32 s23, v3;
	v13 =	vld.idx.msk [tilespmem:v9+s19+$0x0], $0xffff;
	p2 =	por $0x1, $0x1  }
.Ltmp8:
0xeb: {  	v14 =	vld.idx.msk [tilespmem:v8+s19+$0x0], $0xffff;
	(pc) =	sbr.rel @!p2 .LBB2_15-.Ltmp8, $4  }
0xec: {  	v15 =	vld.idx.msk [tilespmem:v6+s19+$0x0], $0xffff;
	v11 =	vor.u32 s22, v3  }
0xed: {  	s20 =	simm.s32 $0x6;
	s21 =	simm.s32 $0x9;
	s29 =	simm.s32 $0xA;
	v16 =	vld.idx.msk [tilespmem:v5+s19+$0x0], $0xffff  }
0xee: {  	s30 =	simm.s32 $0xB;
	s31 =	simm.s32 $0xC;
	s23 =	simm.s32 $0xD;
	v9 =	vor.u32 s21, v3;
	v8 =	vor.u32 s29, v3;
	v12 =	vld.idx.msk [tilespmem:v10+s19+$0x0], $0xffff  }
0xef: {  	s24 =	simm.s32 $0xF;
	p1 =	por $0x1, $0x1;
	v6 =	vor.u32 s30, v3;
	v5 =	vor.u32 s31, v3;
	v10 =	vor.u32 s20, v3;
	s20 =	simm.s32 $0x10;
	v17 =	vld.idx.msk [tilespmem:v17+s19+$0x0], $0xffff  }
0xf0: {  	_ =	sdelay $0x2  }
0xf1: {  	v18 =	vor.u32 s23, v3;
	s21 =	simm.s32 $0xE;
	v19 =	vor.u32 s24, v3;
	v13 =	vshll.u32 v13, $0x4  }
0xf2: {  	v20 =	vld.idx.msk [tilespmem:v10+s19+$0x0], $0xffff;
	v14 =	vshll.u32 v14, $0x4;
	v10 =	vor.u32 s21, v3;
	v13 =	vand.u32 $0xFF0, v13  }
0xf3: {  	v7 =	vld.idx.msk [tilespmem:v7+s19+$0x0], $0xffff;
	v14 =	vand.u32 $0xFF0, v14;
	v15 =	vshll.u32 v15, $0x4;
	v13 =	vor.u32 v1, v13  }
0xf4: {  	v12 =	vshll.u32 v12, $0x4;
	[tilespmem:s18+$0xFFFFFFD0] =	vst v13;
	v13 =	vor.u32 v1, v14;
	v14 =	vand.u32 $0xFF0, v15  }
0xf5: {  	v15 =	vshll.u32 v16, $0x4;
	v12 =	vand.u32 $0xFF0, v12;
	[tilespmem:s18+$0xFFFFFFE0] =	vst v13;
	v14 =	vor.u32 v1, v14  }
0xf6: {  	p3 =	por $0x1, $0x1;
	v15 =	vand.u32 $0xFF0, v15;
	v16 =	vshll.u32 v17, $0x4;
	v13 =	vld.idx.msk [tilespmem:v9+s19+$0x0], $0xffff;
	v12 =	vor.u32 v1, v12;
	[tilespmem:s18+$0xFFFFFFF0] =	vst v14  }
.Ltmp9:
0xf7: {  	v9 =	vor.u32 v1, v15;
	v15 =	vand.u32 $0xFF0, v16;
	v16 =	vshll.u32 v20, $0x4;
	[tilespmem:s18+$0x30] =	vst v12;
	v12 =	vld.idx.msk [tilespmem:v19+s19+$0x0], $0xffff;
	(pc) =	sbr.rel @!p3 .LBB2_17-.Ltmp9, $4  }
0xf8: {  	v14 =	vld.idx.msk [tilespmem:v8+s19+$0x0], $0xffff;
	v8 =	vshll.u32 v7, $0x4;
	[tilespmem:s18+$0x0] =	vst v9;
	v9 =	vor.u32 v1, v15;
	v16 =	vand.u32 $0xFF0, v16  }
0xf9: {  	s30 =	simm.s32 $0x11;
	s22 =	simm.s32 $0x12;
	s25 =	simm.s32 $0x13;
	v7 =	vor.u32 s20, v3;
	v15 =	vld.idx.msk [tilespmem:v6+s19+$0x0], $0xffff;
	v6 =	vand.u32 $0xFF0, v8;
	[tilespmem:s18+$0x10] =	vst v9;
	v17 =	vor.u32 v1, v16  }
0xfa: {  	s31 =	simm.s32 $0x14;
	s23 =	simm.s32 $0x15;
	s24 =	simm.s32 $0x17;
	v8 =	vor.u32 s22, v3;
	v9 =	vor.u32 s30, v3;
	v16 =	vld.idx.msk [tilespmem:v5+s19+$0x0], $0xffff;
	v19 =	vor.u32 v1, v6;
	[tilespmem:s18+$0x20] =	vst v17  }
0xfb: {  	p2 =	por $0x1, $0x1;
	s21 =	simm.s32 $0x19040;
	s22 =	simm.s32 $0x18;
	v6 =	vor.u32 s25, v3;
	v5 =	vor.u32 s31, v3;
	v17 =	vld.idx.msk [tilespmem:v18+s19+$0x0], $0xffff;
	[tilespmem:s18+$0xFFFFFFC0] =	vst v19  }
.LBB2_18:
0xfc: {  	p3 =	slt.u32 s22, $0x5F8;
	v18 =	vor.u32 s23, v3;
	s23 =	sadd.s32 $0x6, s20;
	v19 =	vor.u32 s24, v3;
	v20 =	vld.idx.msk [tilespmem:v10+s19+$0x0], $0xffff;
	v12 =	vshll.u32 v12, $0x4;
	s20 =	smov.u32 s22  }
0xfd: {  	v13 =	vshll.u32 v13, $0x4;
	v10 =	vor.u32 s23, v3;
	v21 =	vld.idx.msk [tilespmem:v11+s19+$0x0], $0xffff;
	v12 =	vand.u32 $0xFF0, v12;
	v11 =	vmovc v7  }
0xfe: {  	s21 =	sadd.s32 $0x80, s21;
	v7 =	vand.u32 $0xFF0, v13;
	v13 =	vshll.u32 v14, $0x4;
	v12 =	vor.u32 v1, v12  }
0xff: {  	v7 =	vor.u32 v1, v7;
	v13 =	vand.u32 $0xFF0, v13;
	v14 =	vshll.u32 v15, $0x4;
	[tilespmem:s21+$0x30] =	vst v12  }
0x100: {  	[tilespmem:s21+$0xFFFFFFD0] =	vst v7;
	v7 =	vor.u32 v1, v13;
	v13 =	vand.u32 $0xFF0, v14;
	v14 =	vshll.u32 v16, $0x4  }
0x101: {  	v15 =	vshll.u32 v17, $0x4;
	v12 =	vld.idx.msk [tilespmem:v19+s19+$0x0], $0xffff;
	[tilespmem:s21+$0xFFFFFFE0] =	vst v7;
	v7 =	vor.u32 v1, v13;
	v14 =	vand.u32 $0xFF0, v14  }
.Ltmp10:
0x102: {  	v13 =	vld.idx.msk [tilespmem:v9+s19+$0x0], $0xffff;
	[tilespmem:s21+$0xFFFFFFF0] =	vst v7;
	v7 =	vor.u32 v1, v14;
	v9 =	vand.u32 $0xFF0, v15;
	v15 =	vshll.u32 v20, $0x4;
	(pc) =	sbr.rel @p3 .LBB2_18-.Ltmp10, $4  }
0x103: {  	v14 =	vld.idx.msk [tilespmem:v8+s19+$0x0], $0xffff;
	v8 =	vshll.u32 v21, $0x4;
	[tilespmem:s21+$0x0] =	vst v7;
	v9 =	vor.u32 v1, v9;
	v16 =	vand.u32 $0xFF0, v15  }
0x104: {  	s24 =	sadd.s32 $0x2, s22;
	s23 =	sadd.s32 $0x1, s22;
	v7 =	vor.u32 s22, v3;
	v15 =	vld.idx.msk [tilespmem:v6+s19+$0x0], $0xffff;
	v6 =	vand.u32 $0xFF0, v8;
	[tilespmem:s21+$0x10] =	vst v9;
	v17 =	vor.u32 v1, v16  }
0x105: {  	v9 =	vor.u32 s23, v3;
	v8 =	vor.u32 s24, v3;
	s23 =	sadd.s32 $0x3, s22;
	s24 =	sadd.s32 $0x4, s22;
	v16 =	vld.idx.msk [tilespmem:v5+s19+$0x0], $0xffff;
	v19 =	vor.u32 v1, v6;
	[tilespmem:s21+$0x20] =	vst v17  }
0x106: {  	s22 =	sadd.s32 $0x8, s22;
	v6 =	vor.u32 s23, v3;
	v5 =	vor.u32 s24, v3;
	s23 =	sadd.s32 $0x5, s20;
	s24 =	sadd.s32 $0x7, s20;
	v17 =	vld.idx.msk [tilespmem:v18+s19+$0x0], $0xffff;
	[tilespmem:s21+$0xFFFFFFC0] =	vst v19  }
0x107: {  	s22 =	smov.u32 s20;
	v18 =	vmov v11  }
.LBB2_20:
0x108: {  	_ =	sdelay $0x2  }
0x109: {  	v11 =	vor.u32 s24, v3;
	v19 =	vor.u32 s23, v3;
	s20 =	sadd.s32 $0x6, s22;
	v12 =	vshll.u32 @p1 v12, $0x4  }
0x10a: {  	v10 =	vld.idx.msk @p1 [tilespmem:v10+s19+$0x0], $0xffff;
	v13 =	vshll.u32 @p1 v13, $0x4;
	v20 =	vor.u32 s20, v3;
	v12 =	vand.u32 @p1 $0xFF0, v12;
	s20 =	sadd.s32 @p2 $0x80, s21;
	s21 =	simm.s32 $0x19040  }
0x10b: {  	v18 =	vld.idx.msk @p1 [tilespmem:v18+s19+$0x0], $0xffff;
	v14 =	vshll.u32 @p1 v14, $0x4;
	v13 =	vand.u32 @p1 $0xFF0, v13;
	v12 =	vor.u32 @p1 v1, v12;
	s21 =	smov.u32 @p2 s20  }
0x10c: {  	v9 =	vld.idx.msk [tilespmem:v9+s19+$0x0], $0xffff;
	v14 =	vand.u32 @p1 $0xFF0, v14;
	v15 =	vshll.u32 @p1 v15, $0x4;
	v13 =	vor.u32 @p1 v1, v13;
	[tilespmem:s21+$0x30] =	vst @p1 v12  }
0x10d: {  	v8 =	vld.idx.msk [tilespmem:v8+s19+$0x0], $0xffff;
	[tilespmem:s21+$0xFFFFFFD0] =	vst @p1 v13;
	v12 =	vor.u32 @p1 v1, v14;
	v13 =	vand.u32 @p1 $0xFF0, v15;
	v14 =	vshll.u32 @p1 v16, $0x4  }
0x10e: {  	v6 =	vld.idx.msk [tilespmem:v6+s19+$0x0], $0xffff;
	[tilespmem:s21+$0xFFFFFFE0] =	vst @p1 v12;
	v12 =	vor.u32 @p1 v1, v13;
	v13 =	vand.u32 @p1 $0xFF0, v14;
	v14 =	vshll.u32 @p1 v17, $0x4  }
0x10f: {  	v5 =	vld.idx.msk [tilespmem:v5+s19+$0x0], $0xffff;
	[tilespmem:s21+$0xFFFFFFF0] =	vst @p1 v12;
	v12 =	vor.u32 @p1 v1, v13;
	v13 =	vand.u32 @p1 $0xFF0, v14;
	v10 =	vshll.u32 @p1 v10, $0x4  }
0x110: {  	v11 =	vld.idx.msk [tilespmem:v11+s19+$0x0], $0xffff;
	v14 =	vshll.u32 @p1 v18, $0x4;
	[tilespmem:s21+$0x0] =	vst @p1 v12;
	v12 =	vor.u32 @p1 v1, v13;
	v10 =	vand.u32 @p1 $0xFF0, v10  }
0x111: {  	v60 =	vld.idx.msk [tilespmem:v19+s19+$0x0], $0xffff;
	v9 =	vshll.u32 v9, $0x4;
	v13 =	vand.u32 @p1 $0xFF0, v14;
	[tilespmem:s21+$0x10] =	vst @p1 v12;
	v10 =	vor.u32 @p1 v1, v10  }
0x112: {  	s20 =	sadd.s32 @p1 $0x80, s21;
	v8 =	vshll.u32 v8, $0x4;
	v61 =	vld.idx.msk [tilespmem:v20+s19+$0x0], $0xffff;
	v9 =	vand.u32 $0xFF0, v9;
	v13 =	vor.u32 @p1 v1, v13;
	[tilespmem:s21+$0x20] =	vst @p1 v10  }
0x113: {  	v7 =	vld.idx.msk [tilespmem:v7+s19+$0x0], $0xffff;
	s18 =	smov.u32 @p1 s20;
	v6 =	vshll.u32 v6, $0x4;
	v8 =	vand.u32 $0xFF0, v8;
	v9 =	vor.u32 v1, v9;
	[tilespmem:s21+$0xFFFFFFC0] =	vst @p1 v13  }
0x114: {  	v5 =	vshll.u32 v5, $0x4;
	v6 =	vand.u32 $0xFF0, v6;
	v8 =	vor.u32 v1, v8;
	[tilespmem:s18+$0xFFFFFFD0] =	vst v9  }
0x115: {  	v5 =	vand.u32 $0xFF0, v5;
	v6 =	vor.u32 v1, v6;
	[tilespmem:s18+$0xFFFFFFE0] =	vst v8;
	v11 =	vshll.u32 v11, $0x4  }
0x116: {  	v5 =	vor.u32 v1, v5;
	[tilespmem:s18+$0xFFFFFFF0] =	vst v6;
	v62 =	vshll.u32 v60, $0x4;
	v11 =	vand.u32 $0xFF0, v11  }
0x117: {  	[tilespmem:s18+$0x0] =	vst v5;
	p1 =	por $0x1, $0x1;
	v6 =	vand.u32 $0xFF0, v62;
	v63 =	vshll.u32 v61, $0x4;
	v11 =	vor.u32 v1, v11  }
.Ltmp11:
0x118: {  	v7 =	vshll.u32 v7, $0x4;
	v5 =	vor.u32 v1, v6;
	v6 =	vand.u32 $0xFF0, v63;
	[tilespmem:s18+$0x30] =	vst v11;
	(pc) =	sbr.rel @!p1 .LBB2_21-.Ltmp11, $4  }
0x119: {  	v7 =	vand.u32 $0xFF0, v7;
	[tilespmem:s18+$0x10] =	vst v5;
	v5 =	vor.u32 v1, v6  }
0x11a: {  	v6 =	vor.u32 v1, v7;
	[tilespmem:s18+$0x20] =	vst v5  }
0x11b: {  	[tilespmem:s18+$0xFFFFFFC0] =	vst v6;
	s18 =	simm.s32 $0x0  }
0x11c: {  	v5 =	vld [tilespmem:s18+$0x19000]  }
0x11d: {  	_ =	sdelay $0x7  }
0x11e: {  	v6 =	vld.idx.msk [tilespmem:v5+s11+$0x0], $0xffff  }
0x11f: {  	[tilespmem:v5+s11+$0x0] =	vst.idx.add.s32.msk $0xffff, v2  }
0x120: {  	v5 =	vld [tilespmem:s18+$0x19010];
	_ =	sdelay $0x3  }
0x121: {  	v7 =	vshll.u32 v6, $0x4  }
0x122: {  	v6 =	vshrl.u32 v6, $0xB;
	v7 =	vand.u32 $0x7FF0, v7  }
0x123: {  	v6 =	vor.u32 v6, v7  }
0x124: {  	[tilespmem:s18+$0x19000] =	vst v6  }
0x125: {  	v6 =	vld.idx.msk [tilespmem:v5+s11+$0x0], $0xffff  }
0x126: {  	[tilespmem:v5+s11+$0x0] =	vst.idx.add.s32.msk $0xffff, v2  }
0x127: {  	v5 =	vld [tilespmem:s18+$0x19020];
	_ =	sdelay $0x3  }
0x128: {  	v7 =	vshll.u32 v6, $0x4  }
0x129: {  	v6 =	vshrl.u32 v6, $0xB;
	v7 =	vand.u32 $0x7FF0, v7  }
0x12a: {  	v6 =	vor.u32 v6, v7  }
0x12b: {  	[tilespmem:s18+$0x19010] =	vst v6  }
0x12c: {  	v6 =	vld.idx.msk [tilespmem:v5+s11+$0x0], $0xffff  }
0x12d: {  	[tilespmem:v5+s11+$0x0] =	vst.idx.add.s32.msk $0xffff, v2  }
0x12e: {  	v5 =	vld [tilespmem:s18+$0x19030];
	_ =	sdelay $0x3  }
0x12f: {  	v7 =	vshll.u32 v6, $0x4  }
0x130: {  	v6 =	vshrl.u32 v6, $0xB;
	v7 =	vand.u32 $0x7FF0, v7  }
0x131: {  	v6 =	vor.u32 v6, v7  }
0x132: {  	[tilespmem:s18+$0x19020] =	vst v6  }
0x133: {  	v6 =	vld.idx.msk [tilespmem:v5+s11+$0x0], $0xffff  }
0x134: {  	[tilespmem:v5+s11+$0x0] =	vst.idx.add.s32.msk $0xffff, v2  }
0x135: {  	v5 =	vld [tilespmem:s18+$0x19040];
	_ =	sdelay $0x3  }
0x136: {  	v7 =	vshll.u32 v6, $0x4  }
0x137: {  	v6 =	vshrl.u32 v6, $0xB;
	v7 =	vand.u32 $0x7FF0, v7  }
0x138: {  	v6 =	vor.u32 v6, v7  }
0x139: {  	[tilespmem:s18+$0x19030] =	vst v6  }
0x13a: {  	v6 =	vld.idx.msk [tilespmem:v5+s11+$0x0], $0xffff  }
0x13b: {  	[tilespmem:v5+s11+$0x0] =	vst.idx.add.s32.msk $0xffff, v2  }
0x13c: {  	v5 =	vld [tilespmem:s18+$0x19050];
	_ =	sdelay $0x3  }
0x13d: {  	v7 =	vshll.u32 v6, $0x4  }
0x13e: {  	v6 =	vshrl.u32 v6, $0xB;
	v7 =	vand.u32 $0x7FF0, v7  }
0x13f: {  	v6 =	vor.u32 v6, v7  }
0x140: {  	[tilespmem:s18+$0x19040] =	vst v6  }
0x141: {  	v6 =	vld.idx.msk [tilespmem:v5+s11+$0x0], $0xffff  }
0x142: {  	[tilespmem:v5+s11+$0x0] =	vst.idx.add.s32.msk $0xffff, v2  }
0x143: {  	v5 =	vld [tilespmem:s18+$0x19060];
	_ =	sdelay $0x3  }
0x144: {  	v7 =	vshll.u32 v6, $0x4  }
0x145: {  	v6 =	vshrl.u32 v6, $0xB;
	v7 =	vand.u32 $0x7FF0, v7  }
0x146: {  	v6 =	vor.u32 v6, v7  }
0x147: {  	[tilespmem:s18+$0x19050] =	vst v6  }
0x148: {  	v6 =	vld.idx.msk [tilespmem:v5+s11+$0x0], $0xffff  }
0x149: {  	[tilespmem:v5+s11+$0x0] =	vst.idx.add.s32.msk $0xffff, v2  }
0x14a: {  	v5 =	vld [tilespmem:s18+$0x19070];
	_ =	sdelay $0x3  }
0x14b: {  	v7 =	vshll.u32 v6, $0x4  }
0x14c: {  	v6 =	vshrl.u32 v6, $0xB;
	v7 =	vand.u32 $0x7FF0, v7  }
0x14d: {  	v6 =	vor.u32 v6, v7  }
0x14e: {  	[tilespmem:s18+$0x19060] =	vst v6  }
0x14f: {  	v6 =	vld.idx.msk [tilespmem:v5+s11+$0x0], $0xffff  }
0x150: {  	s21 =	simm.s32 $0x80;
	[tilespmem:v5+s11+$0x0] =	vst.idx.add.s32.msk $0xffff, v2  }
0x151: {  	v5 =	vld [tilespmem:s21+$0x19000]  }
0x152: {  	p1 =	por $0x1, $0x1  }
.Ltmp12:
0x153: {  	_ = 	snop;
	(pc) =	sbr.rel @!p1 .LBB2_23-.Ltmp12, $4  }
0x154: {  	_ = 	snop  }
0x155: {  	v7 =	vshll.u32 v6, $0x4  }
0x156: {  	v6 =	vshrl.u32 v6, $0xB;
	v7 =	vand.u32 $0x7FF0, v7  }
0x157: {  	s19 =	simm.s32 $0x400;
	p0 =	por $0x1, $0x1;
	v6 =	vor.u32 v6, v7  }
.LBB2_24:
0x158: {  	p1 =	sne.s32 s19, $0x17E00;
	[tilespmem:s18+$0x19070] =	vst v6;
	s20 =	smov.u32 s19;
	s19 =	sadd.s32 $0x200, s19  }
0x159: {  	s18 =	smov.u32 s21;
	v6 =	vld.idx.msk [tilespmem:v5+s11+$0x0], $0xffff  }
0x15a: {  	[tilespmem:v5+s11+$0x0] =	vst.idx.add.s32.msk $0xffff, v2  }
0x15b: {  	v5 =	vld [tilespmem:s18+$0x19010];
	_ =	sdelay $0x3  }
0x15c: {  	v7 =	vshll.u32 v6, $0x4  }
0x15d: {  	v6 =	vshrl.u32 v6, $0xB;
	v7 =	vand.u32 $0x7FF0, v7  }
0x15e: {  	v6 =	vor.u32 v6, v7  }
0x15f: {  	[tilespmem:s18+$0x19000] =	vst v6  }
0x160: {  	v6 =	vld.idx.msk [tilespmem:v5+s11+$0x0], $0xffff  }
0x161: {  	[tilespmem:v5+s11+$0x0] =	vst.idx.add.s32.msk $0xffff, v2  }
0x162: {  	v5 =	vld [tilespmem:s18+$0x19020];
	_ =	sdelay $0x3  }
0x163: {  	v7 =	vshll.u32 v6, $0x4  }
0x164: {  	v6 =	vshrl.u32 v6, $0xB;
	v7 =	vand.u32 $0x7FF0, v7  }
0x165: {  	v6 =	vor.u32 v6, v7  }
0x166: {  	[tilespmem:s18+$0x19010] =	vst v6  }
0x167: {  	v6 =	vld.idx.msk [tilespmem:v5+s11+$0x0], $0xffff  }
0x168: {  	[tilespmem:v5+s11+$0x0] =	vst.idx.add.s32.msk $0xffff, v2  }
0x169: {  	v5 =	vld [tilespmem:s18+$0x19030];
	_ =	sdelay $0x3  }
0x16a: {  	v7 =	vshll.u32 v6, $0x4  }
0x16b: {  	v6 =	vshrl.u32 v6, $0xB;
	v7 =	vand.u32 $0x7FF0, v7  }
0x16c: {  	v6 =	vor.u32 v6, v7  }
0x16d: {  	[tilespmem:s18+$0x19020] =	vst v6  }
0x16e: {  	v6 =	vld.idx.msk [tilespmem:v5+s11+$0x0], $0xffff  }
0x16f: {  	[tilespmem:v5+s11+$0x0] =	vst.idx.add.s32.msk $0xffff, v2  }
0x170: {  	v5 =	vld [tilespmem:s18+$0x19040];
	_ =	sdelay $0x3  }
0x171: {  	v7 =	vshll.u32 v6, $0x4  }
0x172: {  	v6 =	vshrl.u32 v6, $0xB;
	v7 =	vand.u32 $0x7FF0, v7  }
0x173: {  	v6 =	vor.u32 v6, v7  }
0x174: {  	[tilespmem:s18+$0x19030] =	vst v6  }
0x175: {  	v6 =	vld.idx.msk [tilespmem:v5+s11+$0x0], $0xffff  }
0x176: {  	[tilespmem:v5+s11+$0x0] =	vst.idx.add.s32.msk $0xffff, v2  }
0x177: {  	v5 =	vld [tilespmem:s18+$0x19050];
	_ =	sdelay $0x3  }
0x178: {  	v7 =	vshll.u32 v6, $0x4  }
0x179: {  	v6 =	vshrl.u32 v6, $0xB;
	v7 =	vand.u32 $0x7FF0, v7  }
0x17a: {  	v6 =	vor.u32 v6, v7  }
0x17b: {  	[tilespmem:s18+$0x19040] =	vst v6  }
0x17c: {  	v6 =	vld.idx.msk [tilespmem:v5+s11+$0x0], $0xffff  }
0x17d: {  	[tilespmem:v5+s11+$0x0] =	vst.idx.add.s32.msk $0xffff, v2  }
0x17e: {  	v5 =	vld [tilespmem:s18+$0x19060];
	_ =	sdelay $0x3  }
0x17f: {  	v7 =	vshll.u32 v6, $0x4  }
0x180: {  	v6 =	vshrl.u32 v6, $0xB;
	v7 =	vand.u32 $0x7FF0, v7  }
0x181: {  	v6 =	vor.u32 v6, v7  }
0x182: {  	[tilespmem:s18+$0x19050] =	vst v6  }
0x183: {  	v6 =	vld.idx.msk [tilespmem:v5+s11+$0x0], $0xffff  }
0x184: {  	[tilespmem:v5+s11+$0x0] =	vst.idx.add.s32.msk $0xffff, v2  }
0x185: {  	v5 =	vld [tilespmem:s18+$0x19070];
	_ =	sdelay $0x3  }
0x186: {  	v7 =	vshll.u32 v6, $0x4  }
0x187: {  	v6 =	vshrl.u32 v6, $0xB;
	v7 =	vand.u32 $0x7FF0, v7  }
0x188: {  	v6 =	vor.u32 v6, v7  }
0x189: {  	[tilespmem:s18+$0x19060] =	vst v6  }
0x18a: {  	v6 =	vld.idx.msk [tilespmem:v5+s11+$0x0], $0xffff  }
0x18b: {  	s21 =	sshra.s32 s20, $0x2;
	[tilespmem:v5+s11+$0x0] =	vst.idx.add.s32.msk $0xffff, v2  }
0x18c: {  	v5 =	vld [tilespmem:s21+$0x19000];
	_ =	sdelay $0x1  }
.Ltmp13:
0x18d: {  	(pc) =	sbr.rel @p1 .LBB2_24-.Ltmp13, $4  }
0x18e: {  	_ = 	snop  }
0x18f: {  	v7 =	vshll.u32 v6, $0x4  }
0x190: {  	v6 =	vshrl.u32 v6, $0xB;
	v7 =	vand.u32 $0x7FF0, v7  }
0x191: {  	v6 =	vor.u32 v6, v7  }
0x192: {  	s19 =	smov.u32 s18;
	s18 =	smov.u32 s21  }
.LBB2_26:
0x193: {  	_ =	sdelay $0x2  }
0x194: {  	[tilespmem:s19+$0x19070] =	vst @p0 v6  }
0x195: {  	v6 =	vld.idx.msk [tilespmem:v5+s11+$0x0], $0xffff  }
0x196: {  	[tilespmem:v5+s11+$0x0] =	vst.idx.add.s32.msk $0xffff, v2  }
0x197: {  	v5 =	vld [tilespmem:s18+$0x19010];
	_ =	sdelay $0x3  }
0x198: {  	v7 =	vshll.u32 v6, $0x4  }
0x199: {  	v6 =	vshrl.u32 v6, $0xB;
	v7 =	vand.u32 $0x7FF0, v7  }
0x19a: {  	v6 =	vor.u32 v6, v7  }
0x19b: {  	[tilespmem:s18+$0x19000] =	vst v6  }
0x19c: {  	v6 =	vld.idx.msk [tilespmem:v5+s11+$0x0], $0xffff  }
0x19d: {  	[tilespmem:v5+s11+$0x0] =	vst.idx.add.s32.msk $0xffff, v2  }
0x19e: {  	v5 =	vld [tilespmem:s18+$0x19020];
	_ =	sdelay $0x3  }
0x19f: {  	v7 =	vshll.u32 v6, $0x4  }
0x1a0: {  	v6 =	vshrl.u32 v6, $0xB;
	v7 =	vand.u32 $0x7FF0, v7  }
0x1a1: {  	v6 =	vor.u32 v6, v7  }
0x1a2: {  	[tilespmem:s18+$0x19010] =	vst v6  }
0x1a3: {  	v6 =	vld.idx.msk [tilespmem:v5+s11+$0x0], $0xffff  }
0x1a4: {  	[tilespmem:v5+s11+$0x0] =	vst.idx.add.s32.msk $0xffff, v2  }
0x1a5: {  	v5 =	vld [tilespmem:s18+$0x19030];
	_ =	sdelay $0x3  }
0x1a6: {  	v7 =	vshll.u32 v6, $0x4  }
0x1a7: {  	v6 =	vshrl.u32 v6, $0xB;
	v7 =	vand.u32 $0x7FF0, v7  }
0x1a8: {  	v6 =	vor.u32 v6, v7  }
0x1a9: {  	[tilespmem:s18+$0x19020] =	vst v6  }
0x1aa: {  	v6 =	vld.idx.msk [tilespmem:v5+s11+$0x0], $0xffff  }
0x1ab: {  	[tilespmem:v5+s11+$0x0] =	vst.idx.add.s32.msk $0xffff, v2  }
0x1ac: {  	v5 =	vld [tilespmem:s18+$0x19040];
	_ =	sdelay $0x3  }
0x1ad: {  	v7 =	vshll.u32 v6, $0x4  }
0x1ae: {  	v6 =	vshrl.u32 v6, $0xB;
	v7 =	vand.u32 $0x7FF0, v7  }
0x1af: {  	v6 =	vor.u32 v6, v7  }
0x1b0: {  	[tilespmem:s18+$0x19030] =	vst v6  }
0x1b1: {  	v6 =	vld.idx.msk [tilespmem:v5+s11+$0x0], $0xffff  }
0x1b2: {  	[tilespmem:v5+s11+$0x0] =	vst.idx.add.s32.msk $0xffff, v2  }
0x1b3: {  	v5 =	vld [tilespmem:s18+$0x19050];
	_ =	sdelay $0x3  }
0x1b4: {  	v7 =	vshll.u32 v6, $0x4  }
0x1b5: {  	v6 =	vshrl.u32 v6, $0xB;
	v7 =	vand.u32 $0x7FF0, v7  }
0x1b6: {  	v6 =	vor.u32 v6, v7  }
0x1b7: {  	[tilespmem:s18+$0x19040] =	vst v6  }
0x1b8: {  	v6 =	vld.idx.msk [tilespmem:v5+s11+$0x0], $0xffff  }
0x1b9: {  	[tilespmem:v5+s11+$0x0] =	vst.idx.add.s32.msk $0xffff, v2  }
0x1ba: {  	v5 =	vld [tilespmem:s18+$0x19060];
	_ =	sdelay $0x3  }
0x1bb: {  	v7 =	vshll.u32 v6, $0x4  }
0x1bc: {  	v6 =	vshrl.u32 v6, $0xB;
	v7 =	vand.u32 $0x7FF0, v7  }
0x1bd: {  	v6 =	vor.u32 v6, v7  }
0x1be: {  	[tilespmem:s18+$0x19050] =	vst v6  }
0x1bf: {  	v6 =	vld.idx.msk [tilespmem:v5+s11+$0x0], $0xffff  }
0x1c0: {  	[tilespmem:v5+s11+$0x0] =	vst.idx.add.s32.msk $0xffff, v2  }
0x1c1: {  	v5 =	vld [tilespmem:s18+$0x19070];
	_ =	sdelay $0x3  }
0x1c2: {  	v7 =	vshll.u32 v6, $0x4  }
0x1c3: {  	v6 =	vshrl.u32 v6, $0xB;
	v7 =	vand.u32 $0x7FF0, v7  }
0x1c4: {  	v6 =	vor.u32 v6, v7  }
0x1c5: {  	[tilespmem:s18+$0x19060] =	vst v6  }
0x1c6: {  	v6 =	vld.idx.msk [tilespmem:v5+s11+$0x0], $0xffff;
	_ =	sdelay $0x4  }
0x1c7: {  	v7 =	vshll.u32 v6, $0x4  }
0x1c8: {  	v6 =	vshrl.u32 v6, $0xB;
	v7 =	vand.u32 $0x7FF0, v7  }
0x1c9: {  	[tilespmem:v5+s11+$0x0] =	vst.idx.add.s32.msk $0xffff, v2;
	v5 =	vor.u32 v6, v7  }
0x1ca: {  	[tilespmem:s18+$0x19070] =	vst v5;
	s18 =	simm.s32 $0x19040  }
0x1cb: {  	v14 =	vld [tilespmem:s18+$0x30]  }
0x1cc: {  	v12 =	vld [tilespmem:s18+$0xFFFFFFD0]  }
0x1cd: {  	v11 =	vld [tilespmem:s18+$0xFFFFFFE0]  }
0x1ce: {  	v10 =	vld [tilespmem:s18+$0xFFFFFFF0]  }
0x1cf: {  	v9 =	vld [tilespmem:s18+$0x0]  }
0x1d0: {  	v8 =	vld [tilespmem:s18+$0x10]  }
0x1d1: {  	s31 =	simm.s32 $0x7;
	v6 =	vld [tilespmem:s18+$0x20]  }
0x1d2: {  	s21 =	simm.s32 $0x0;
	s23 =	simm.s32 $0x1;
	s20 =	simm.s32 $0x190C0;
	v15 =	vor.u32 s31, v3;
	v5 =	vld [tilespmem:s18+$0xFFFFFFC0]  }
0x1d3: {  	s19 =	simm.s32 $0x8;
	s22 =	simm.s32 $0x10;
	v13 =	vor.u32 s23, v3;
	s23 =	simm.s32 $0x2;
	v7 =	vld [tilespmem:s20+$0x30];
	[tilespmem:v14+s12+$0x0] =	vst.idx.msk $0xffff, v15  }
.LBB2_27:
0x1d4: {  	p0 =	slt.u32 s22, $0x5F8;
	[tilespmem:v12+s12+$0x0] =	vst.idx.msk $0xffff, v13;
	v12 =	vld [tilespmem:s20+$0xFFFFFFD0];
	v13 =	vor.u32 s23, v3;
	s23 =	sadd.s32 $0x3, s21  }
0x1d5: {  	[tilespmem:v11+s12+$0x0] =	vst.idx.msk $0xffff, v13;
	v11 =	vld [tilespmem:s20+$0xFFFFFFE0];
	v13 =	vor.u32 s23, v3;
	s23 =	sadd.s32 $0x4, s21  }
0x1d6: {  	[tilespmem:v10+s12+$0x0] =	vst.idx.msk $0xffff, v13;
	v10 =	vld [tilespmem:s20+$0xFFFFFFF0];
	v13 =	vor.u32 s23, v3;
	s23 =	sadd.s32 $0x5, s21  }
.Ltmp14:
0x1d7: {  	[tilespmem:v9+s12+$0x0] =	vst.idx.msk $0xffff, v13;
	v9 =	vld [tilespmem:s20+$0x0];
	v13 =	vor.u32 s23, v3;
	s23 =	sadd.s32 $0x6, s21;
	(pc) =	sbr.rel @p0 .LBB2_27-.Ltmp14, $4  }
0x1d8: {  	[tilespmem:v8+s12+$0x0] =	vst.idx.msk $0xffff, v13;
	v8 =	vld [tilespmem:s20+$0x10];
	v13 =	vor.u32 s23, v3  }
0x1d9: {  	v14 =	vor.u32 s21, v3;
	s21 =	smov.u32 s19;
	s23 =	sadd.s32 $0x7, s19;
	s19 =	smov.u32 s22;
	[tilespmem:v6+s12+$0x0] =	vst.idx.msk $0xffff, v13;
	v6 =	vld [tilespmem:s20+$0x20]  }
0x1da: {  	s24 =	sadd.s32 $0x1, s21;
	v15 =	vor.u32 s23, v3;
	[tilespmem:v5+s12+$0x0] =	vst.idx.msk $0xffff, v14;
	v5 =	vld [tilespmem:s20+$0xFFFFFFC0];
	s20 =	sadd.s32 $0x80, s20  }
0x1db: {  	s22 =	sadd.s32 $0x8, s22;
	v13 =	vor.u32 s24, v3;
	s23 =	sadd.s32 $0x2, s21;
	[tilespmem:v7+s12+$0x0] =	vst.idx.msk $0xffff, v15;
	v7 =	vld [tilespmem:s20+$0x30]  }
0x1dc: {  	_ =	sdelay $0x3  }
0x1dd: {  	v14 =	vld [tilespmem:s20+$0xFFFFFFD0];
	[tilespmem:v12+s12+$0x0] =	vst.idx.msk $0xffff, v13;
	v12 =	vor.u32 s23, v3;
	s22 =	sadd.s32 $0x3, s21  }
0x1de: {  	v13 =	vld [tilespmem:s20+$0xFFFFFFE0];
	s31 =	sadd.s32 $0x4, s21;
	[tilespmem:v11+s12+$0x0] =	vst.idx.msk $0xffff, v12;
	v11 =	vor.u32 s22, v3  }
0x1df: {  	v12 =	vld [tilespmem:s20+$0xFFFFFFF0];
	[tilespmem:v10+s12+$0x0] =	vst.idx.msk $0xffff, v11;
	v10 =	vor.u32 s31, v3  }
0x1e0: {  	s23 =	sadd.s32 $0x5, s21;
	v15 =	vor.u32 s21, v3;
	v11 =	vld [tilespmem:s20+$0x0];
	[tilespmem:v9+s12+$0x0] =	vst.idx.msk $0xffff, v10  }
0x1e1: {  	s24 =	sadd.s32 $0x6, s21;
	v9 =	vor.u32 s23, v3;
	v10 =	vld [tilespmem:s20+$0x10];
	[tilespmem:v5+s12+$0x0] =	vst.idx.msk $0xffff, v15  }
0x1e2: {  	s25 =	sadd.s32 $0x7, s19;
	[tilespmem:v8+s12+$0x0] =	vst.idx.msk $0xffff, v9;
	v8 =	vor.u32 s24, v3;
	v9 =	vld [tilespmem:s20+$0x20]  }
0x1e3: {  	s26 =	sadd.s32 $0x1, s19;
	[tilespmem:v6+s12+$0x0] =	vst.idx.msk $0xffff, v8;
	v6 =	vld [tilespmem:s20+$0xFFFFFFC0];
	v8 =	vor.u32 s25, v3  }
0x1e4: {  	s28 =	sadd.s32 $0x2, s19;
	v5 =	vor.u32 s26, v3;
	[tilespmem:v7+s12+$0x0] =	vst.idx.msk $0xffff, v8  }
0x1e5: {  	s29 =	sadd.s32 $0x3, s19;
	[tilespmem:v14+s12+$0x0] =	vst.idx.msk $0xffff, v5;
	v5 =	vor.u32 s28, v3  }
0x1e6: {  	s30 =	sadd.s32 $0x4, s19;
	s31 =	simm.s32 $0x607;
	[tilespmem:v13+s12+$0x0] =	vst.idx.msk $0xffff, v5;
	v5 =	vor.u32 s29, v3  }
0x1e7: {  	s22 =	sadd.s32 $0x5, s19;
	s23 =	simm.s32 $0x600;
	v8 =	vor.u32 s31, v3;
	[tilespmem:v12+s12+$0x0] =	vst.idx.msk $0xffff, v5;
	v5 =	vor.u32 s30, v3  }
0x1e8: {  	p1 =	por $0x1, $0x1;
	s24 =	sadd.s32 $0x6, s19;
	[tilespmem:v11+s12+$0x0] =	vst.idx.msk $0xffff, v5;
	v5 =	vor.u32 s22, v3;
	v11 =	vor.u32 s23, v3  }
.Ltmp15:
0x1e9: {  	[tilespmem:v10+s12+$0x0] =	vst.idx.msk $0xffff, v5;
	v5 =	vor.u32 s24, v3;
	(pc) =	sbr.rel @!p1 .LBB2_29-.Ltmp15, $4  }
0x1ea: {  	v7 =	vor.u32 s19, v3;
	s19 =	simm.s32 $0x0;
	[tilespmem:v9+s12+$0x0] =	vst.idx.msk $0xffff, v5  }
0x1eb: {  	s31 =	simm.s32 $0x606;
	s29 =	simm.s32 $0x604;
	s30 =	simm.s32 $0x605;
	[tilespmem:v6+s12+$0x0] =	vst.idx.msk $0xffff, v7  }
0x1ec: {  	s26 =	simm.s32 $0x602;
	s25 =	simm.s32 $0x601;
	s28 =	simm.s32 $0x603;
	v14 =	vor.u32 s31, v3;
	v16 =	vor.u32 s29, v3;
	v15 =	vor.u32 s30, v3;
	v8 =	vld.idx.msk [tilespmem:v8+s19+$0x0], $0xffff  }
0x1ed: {  	p0 =	por $0x0, $0x0;
	v7 =	vor.u32 s25, v3;
	v6 =	vor.u32 s26, v3;
	v5 =	vor.u32 s28, v3;
	v10 =	vld.idx.msk [tilespmem:v11+s19+$0x0], $0xffff  }
0x1ee: {  	_ =	sdelay $0x3  }
0x1ef: {  	v13 =	vld.idx.msk [tilespmem:v7+s19+$0x0], $0xffff  }
0x1f0: {  	s20 =	simm.s32 $0x608;
	s21 =	simm.s32 $0x609  }
0x1f1: {  	v17 =	vld.idx.msk [tilespmem:v6+s19+$0x0], $0xffff;
	s26 =	simm.s32 $0x60A;
	s28 =	simm.s32 $0x60B;
	s22 =	simm.s32 $0x60C;
	v18 =	vor.u32 s20, v3;
	v7 =	vor.u32 s21, v3  }
0x1f2: {  	v19 =	vld.idx.msk [tilespmem:v5+s19+$0x0], $0xffff;
	s29 =	simm.s32 $0x60D;
	s30 =	simm.s32 $0x60F;
	v6 =	vor.u32 s26, v3;
	v5 =	vor.u32 s28, v3;
	v9 =	vor.u32 s22, v3  }
0x1f3: {  	v16 =	vld.idx.msk [tilespmem:v16+s19+$0x0], $0xffff;
	v11 =	vor.u32 s29, v3;
	v20 =	vor.u32 s30, v3;
	v8 =	vshll.u32 v8, $0x4  }
0x1f4: {  	v15 =	vld.idx.msk [tilespmem:v15+s19+$0x0], $0xffff;
	p2 =	por $0x1, $0x1;
	v10 =	vshll.u32 v10, $0x4;
	v8 =	vand.u32 $0xFF0, v8;
	v13 =	vshll.u32 v13, $0x4  }
.Ltmp16:
0x1f5: {  	s31 =	simm.s32 $0x60E;
	v10 =	vand.u32 $0xFF0, v10;
	v8 =	vor.u32 v1, v8;
	v21 =	vand.u32 $0xFF0, v13;
	v13 =	vld.idx.msk [tilespmem:v14+s19+$0x0], $0xffff;
	(pc) =	sbr.rel @!p2 .LBB2_31-.Ltmp16, $4  }
0x1f6: {  	v12 =	vor.u32 s31, v3;
	v17 =	vshll.u32 v17, $0x4;
	v10 =	vor.u32 v1, v10;
	[tilespmem:s18+$0x30] =	vst v8  }
0x1f7: {  	v14 =	vand.u32 $0xFF0, v17;
	v17 =	vshll.u32 v19, $0x4;
	[tilespmem:s18+$0xFFFFFFC0] =	vst v10;
	v10 =	vor.u32 v1, v21  }
0x1f8: {  	v16 =	vshll.u32 v16, $0x4;
	v8 =	vld.idx.msk [tilespmem:v20+s19+$0x0], $0xffff;
	v14 =	vor.u32 v1, v14;
	v17 =	vand.u32 $0xFF0, v17;
	[tilespmem:s18+$0xFFFFFFD0] =	vst v10  }
0x1f9: {  	p1 =	por $0x1, $0x1;
	s21 =	simm.s32 $0x8;
	s20 =	simm.s32 $0x19040;
	v19 =	vshll.u32 v15, $0x4;
	v10 =	vld.idx.msk [tilespmem:v18+s19+$0x0], $0xffff;
	[tilespmem:s18+$0xFFFFFFE0] =	vst v14;
	v17 =	vor.u32 v1, v17;
	v18 =	vand.u32 $0xFF0, v16  }
.LBB2_32:
0x1fa: {  	s22 =	sadd.s32 $0x608, s21;
	v14 =	vld.idx.msk [tilespmem:v7+s19+$0x0], $0xffff;
	[tilespmem:s20+$0xFFFFFFF0] =	vst v17;
	v7 =	vor.u32 v1, v18;
	v15 =	vand.u32 $0xFF0, v19;
	v13 =	vshll.u32 v13, $0x4;
	s23 =	smov.u32 s21  }
0x1fb: {  	s24 =	sadd.s32 $0x60A, s21;
	v16 =	vor.u32 s22, v3;
	s22 =	sadd.s32 $0x609, s21;
	v17 =	vld.idx.msk [tilespmem:v6+s19+$0x0], $0xffff;
	[tilespmem:s20+$0x0] =	vst v7;
	v15 =	vor.u32 v1, v15;
	v13 =	vand.u32 $0xFF0, v13  }
0x1fc: {  	v6 =	vor.u32 s24, v3;
	s24 =	sadd.s32 $0x60C, s21;
	v7 =	vor.u32 s22, v3;
	s22 =	sadd.s32 $0x60B, s21;
	v18 =	vld.idx.msk [tilespmem:v5+s19+$0x0], $0xffff;
	[tilespmem:s20+$0x10] =	vst v15;
	v13 =	vor.u32 v1, v13  }
0x1fd: {  	s25 =	sadd.s32 $0x60F, s23;
	s21 =	sadd.s32 $0x8, s21;
	v5 =	vor.u32 s22, v3;
	s22 =	sadd.s32 $0x60D, s23;
	v15 =	vld.idx.msk [tilespmem:v9+s19+$0x0], $0xffff;
	v9 =	vor.u32 s24, v3;
	[tilespmem:s20+$0x20] =	vst v13  }
0x1fe: {  	v19 =	vor.u32 s25, v3;
	s23 =	sadd.s32 $0x60E, s23;
	p2 =	slt.u32 s21, $0x1F8;
	v8 =	vshll.u32 v8, $0x4;
	v20 =	vld.idx.msk [tilespmem:v11+s19+$0x0], $0xffff;
	v11 =	vor.u32 s22, v3  }
0x1ff: {  	v10 =	vshll.u32 v10, $0x4;
	v8 =	vand.u32 $0xFF0, v8;
	v13 =	vld.idx.msk [tilespmem:v12+s19+$0x0], $0xffff;
	v12 =	vor.u32 s23, v3  }
.Ltmp17:
0x200: {  	s20 =	sadd.s32 $0x80, s20;
	v10 =	vand.u32 $0xFF0, v10;
	v14 =	vshll.u32 v14, $0x4;
	v8 =	vor.u32 v1, v8;
	(pc) =	sbr.rel @p2 .LBB2_32-.Ltmp17, $4  }
0x201: {  	v10 =	vor.u32 v1, v10;
	v14 =	vand.u32 $0xFF0, v14;
	v17 =	vshll.u32 v17, $0x4;
	[tilespmem:s20+$0x30] =	vst v8  }
0x202: {  	s19 =	simm.s32 $0x0;
	[tilespmem:s20+$0xFFFFFFC0] =	vst v10;
	v10 =	vor.u32 v1, v14;
	v14 =	vand.u32 $0xFF0, v17;
	v17 =	vshll.u32 v18, $0x4  }
0x203: {  	v15 =	vshll.u32 v15, $0x4;
	v8 =	vld.idx.msk [tilespmem:v19+s19+$0x0], $0xffff;
	[tilespmem:s20+$0xFFFFFFD0] =	vst v10;
	v14 =	vor.u32 v1, v14;
	v17 =	vand.u32 $0xFF0, v17  }
0x204: {  	v18 =	vand.u32 $0xFF0, v15;
	v19 =	vshll.u32 v20, $0x4;
	v10 =	vld.idx.msk [tilespmem:v16+s19+$0x0], $0xffff;
	[tilespmem:s20+$0xFFFFFFE0] =	vst v14;
	v17 =	vor.u32 v1, v17  }
0x205: {  	v16 =	vmov v9;
	v15 =	vmov v11;
	v14 =	vmov v12  }
.LBB2_34:
0x206: {  	_ =	sdelay $0x3  }
0x207: {  	v7 =	vld.idx.msk [tilespmem:v7+s19+$0x0], $0xffff  }
0x208: {  	v6 =	vld.idx.msk [tilespmem:v6+s19+$0x0], $0xffff  }
0x209: {  	[tilespmem:s20+$0xFFFFFFF0] =	vst @p1 v17;
	v9 =	vor.u32 @p1 v1, v18;
	v11 =	vand.u32 @p1 $0xFF0, v19;
	v12 =	vshll.u32 @p1 v13, $0x4;
	v5 =	vld.idx.msk [tilespmem:v5+s19+$0x0], $0xffff  }
0x20a: {  	v61 =	vld.idx.msk [tilespmem:v16+s19+$0x0], $0xffff;
	[tilespmem:s20+$0x0] =	vst @p1 v9;
	v9 =	vor.u32 @p1 v1, v11;
	v11 =	vand.u32 @p1 $0xFF0, v12;
	v8 =	vshll.u32 v8, $0x4  }
0x20b: {  	v62 =	vld.idx.msk [tilespmem:v15+s19+$0x0], $0xffff;
	s21 =	sadd.s32 @p1 $0x80, s20;
	[tilespmem:s20+$0x10] =	vst @p1 v9;
	v9 =	vor.u32 @p1 v1, v11;
	v10 =	vshll.u32 v10, $0x4;
	v8 =	vand.u32 $0xFF0, v8  }
0x20c: {  	v63 =	vld.idx.msk [tilespmem:v14+s19+$0x0], $0xffff;
	s18 =	smov.u32 @p1 s21;
	[tilespmem:s20+$0x20] =	vst @p1 v9;
	v10 =	vand.u32 $0xFF0, v10;
	v8 =	vor.u32 v1, v8;
	v7 =	vshll.u32 v7, $0x4  }
0x20d: {  	v10 =	vor.u32 v1, v10;
	v6 =	vshll.u32 v6, $0x4;
	[tilespmem:s18+$0x30] =	vst v8;
	v7 =	vand.u32 $0xFF0, v7  }
0x20e: {  	v5 =	vshll.u32 v5, $0x4;
	[tilespmem:s18+$0xFFFFFFC0] =	vst v10;
	v6 =	vand.u32 $0xFF0, v6;
	v7 =	vor.u32 v1, v7  }
0x20f: {  	v5 =	vand.u32 $0xFF0, v5;
	v6 =	vor.u32 v1, v6;
	[tilespmem:s18+$0xFFFFFFD0] =	vst v7;
	v7 =	vshll.u32 v61, $0x4  }
0x210: {  	p1 =	sne.s32 s19, $0x7E00;
	v5 =	vor.u32 v1, v5;
	[tilespmem:s18+$0xFFFFFFE0] =	vst v6;
	v6 =	vand.u32 $0xFF0, v7;
	v7 =	vshll.u32 v62, $0x4  }
.Ltmp18:
0x211: {  	[tilespmem:s18+$0xFFFFFFF0] =	vst v5;
	v5 =	vor.u32 v1, v6;
	v6 =	vand.u32 $0xFF0, v7;
	v7 =	vshll.u32 v63, $0x4;
	(pc) =	sbr.rel @!p1 .LBB2_35-.Ltmp18, $4  }
0x212: {  	[tilespmem:s18+$0x0] =	vst v5;
	v5 =	vor.u32 v1, v6;
	v6 =	vand.u32 $0xFF0, v7  }
0x213: {  	[tilespmem:s18+$0x10] =	vst v5;
	v5 =	vor.u32 v1, v6  }
0x214: {  	[tilespmem:s18+$0x20] =	vst v5;
	s18 =	sshra.s32 s19, $0x2  }
0x215: {  	s19 =	sadd.s32 $0x200, s19;
	v5 =	vld [tilespmem:s18+$0x19000]  }
0x216: {  	_ =	sdelay $0x7  }
0x217: {  	v6 =	vld.idx.msk [tilespmem:v5+s11+$0x0], $0xffff  }
0x218: {  	[tilespmem:v5+s11+$0x0] =	vst.idx.add.s32.msk $0xffff, v2  }
0x219: {  	v5 =	vld [tilespmem:s18+$0x19010];
	_ =	sdelay $0x3  }
0x21a: {  	v7 =	vshll.u32 v6, $0x4  }
0x21b: {  	v6 =	vshrl.u32 v6, $0xB;
	v7 =	vand.u32 $0x7FF0, v7  }
0x21c: {  	v6 =	vor.u32 v6, v7  }
0x21d: {  	[tilespmem:s18+$0x19000] =	vst v6  }
0x21e: {  	v6 =	vld.idx.msk [tilespmem:v5+s11+$0x0], $0xffff  }
0x21f: {  	[tilespmem:v5+s11+$0x0] =	vst.idx.add.s32.msk $0xffff, v2  }
0x220: {  	v5 =	vld [tilespmem:s18+$0x19020];
	_ =	sdelay $0x3  }
0x221: {  	v7 =	vshll.u32 v6, $0x4  }
0x222: {  	v6 =	vshrl.u32 v6, $0xB;
	v7 =	vand.u32 $0x7FF0, v7  }
0x223: {  	v6 =	vor.u32 v6, v7  }
0x224: {  	[tilespmem:s18+$0x19010] =	vst v6  }
0x225: {  	v6 =	vld.idx.msk [tilespmem:v5+s11+$0x0], $0xffff  }
0x226: {  	[tilespmem:v5+s11+$0x0] =	vst.idx.add.s32.msk $0xffff, v2  }
0x227: {  	v5 =	vld [tilespmem:s18+$0x19030];
	_ =	sdelay $0x3  }
0x228: {  	v7 =	vshll.u32 v6, $0x4  }
0x229: {  	v6 =	vshrl.u32 v6, $0xB;
	v7 =	vand.u32 $0x7FF0, v7  }
0x22a: {  	v6 =	vor.u32 v6, v7  }
0x22b: {  	[tilespmem:s18+$0x19020] =	vst v6  }
0x22c: {  	v6 =	vld.idx.msk [tilespmem:v5+s11+$0x0], $0xffff  }
0x22d: {  	[tilespmem:v5+s11+$0x0] =	vst.idx.add.s32.msk $0xffff, v2  }
0x22e: {  	v5 =	vld [tilespmem:s18+$0x19040];
	_ =	sdelay $0x3  }
0x22f: {  	v7 =	vshll.u32 v6, $0x4  }
0x230: {  	v6 =	vshrl.u32 v6, $0xB;
	v7 =	vand.u32 $0x7FF0, v7  }
0x231: {  	v6 =	vor.u32 v6, v7  }
0x232: {  	[tilespmem:s18+$0x19030] =	vst v6  }
0x233: {  	v6 =	vld.idx.msk [tilespmem:v5+s11+$0x0], $0xffff  }
0x234: {  	[tilespmem:v5+s11+$0x0] =	vst.idx.add.s32.msk $0xffff, v2  }
0x235: {  	v5 =	vld [tilespmem:s18+$0x19050];
	_ =	sdelay $0x3  }
0x236: {  	v7 =	vshll.u32 v6, $0x4  }
0x237: {  	v6 =	vshrl.u32 v6, $0xB;
	v7 =	vand.u32 $0x7FF0, v7  }
0x238: {  	v6 =	vor.u32 v6, v7  }
0x239: {  	[tilespmem:s18+$0x19040] =	vst v6  }
0x23a: {  	v6 =	vld.idx.msk [tilespmem:v5+s11+$0x0], $0xffff  }
0x23b: {  	[tilespmem:v5+s11+$0x0] =	vst.idx.add.s32.msk $0xffff, v2  }
0x23c: {  	v5 =	vld [tilespmem:s18+$0x19060];
	_ =	sdelay $0x3  }
0x23d: {  	v7 =	vshll.u32 v6, $0x4  }
0x23e: {  	v6 =	vshrl.u32 v6, $0xB;
	v7 =	vand.u32 $0x7FF0, v7  }
0x23f: {  	v6 =	vor.u32 v6, v7  }
0x240: {  	[tilespmem:s18+$0x19050] =	vst v6  }
0x241: {  	v6 =	vld.idx.msk [tilespmem:v5+s11+$0x0], $0xffff  }
0x242: {  	[tilespmem:v5+s11+$0x0] =	vst.idx.add.s32.msk $0xffff, v2  }
0x243: {  	v5 =	vld [tilespmem:s18+$0x19070];
	_ =	sdelay $0x3  }
0x244: {  	v7 =	vshll.u32 v6, $0x4  }
0x245: {  	v6 =	vshrl.u32 v6, $0xB;
	v7 =	vand.u32 $0x7FF0, v7  }
0x246: {  	v6 =	vor.u32 v6, v7  }
0x247: {  	[tilespmem:s18+$0x19060] =	vst v6  }
0x248: {  	v6 =	vld.idx.msk [tilespmem:v5+s11+$0x0], $0xffff  }
0x249: {  	s21 =	sshra.s32 s19, $0x2;
	[tilespmem:v5+s11+$0x0] =	vst.idx.add.s32.msk $0xffff, v2  }
0x24a: {  	v5 =	vld [tilespmem:s21+$0x19000]  }
0x24b: {  	p1 =	sne.s32 s19, $0x7E00  }
.Ltmp19:
0x24c: {  	_ = 	snop;
	(pc) =	sbr.rel @!p1 .LBB2_37-.Ltmp19, $4  }
0x24d: {  	_ = 	snop  }
0x24e: {  	v7 =	vshll.u32 v6, $0x4  }
0x24f: {  	v6 =	vshrl.u32 v6, $0xB;
	v7 =	vand.u32 $0x7FF0, v7  }
0x250: {  	s19 =	sadd.s32 $0x200, s19;
	p0 =	por $0x1, $0x1;
	v6 =	vor.u32 v6, v7  }
.LBB2_38:
0x251: {  	p1 =	sne.s32 s19, $0x7E00;
	[tilespmem:s18+$0x19070] =	vst v6;
	s20 =	smov.u32 s19;
	s19 =	sadd.s32 $0x200, s19  }
0x252: {  	s18 =	smov.u32 s21;
	v6 =	vld.idx.msk [tilespmem:v5+s11+$0x0], $0xffff  }
0x253: {  	[tilespmem:v5+s11+$0x0] =	vst.idx.add.s32.msk $0xffff, v2  }
0x254: {  	v5 =	vld [tilespmem:s18+$0x19010];
	_ =	sdelay $0x3  }
0x255: {  	v7 =	vshll.u32 v6, $0x4  }
0x256: {  	v6 =	vshrl.u32 v6, $0xB;
	v7 =	vand.u32 $0x7FF0, v7  }
0x257: {  	v6 =	vor.u32 v6, v7  }
0x258: {  	[tilespmem:s18+$0x19000] =	vst v6  }
0x259: {  	v6 =	vld.idx.msk [tilespmem:v5+s11+$0x0], $0xffff  }
0x25a: {  	[tilespmem:v5+s11+$0x0] =	vst.idx.add.s32.msk $0xffff, v2  }
0x25b: {  	v5 =	vld [tilespmem:s18+$0x19020];
	_ =	sdelay $0x3  }
0x25c: {  	v7 =	vshll.u32 v6, $0x4  }
0x25d: {  	v6 =	vshrl.u32 v6, $0xB;
	v7 =	vand.u32 $0x7FF0, v7  }
0x25e: {  	v6 =	vor.u32 v6, v7  }
0x25f: {  	[tilespmem:s18+$0x19010] =	vst v6  }
0x260: {  	v6 =	vld.idx.msk [tilespmem:v5+s11+$0x0], $0xffff  }
0x261: {  	[tilespmem:v5+s11+$0x0] =	vst.idx.add.s32.msk $0xffff, v2  }
0x262: {  	v5 =	vld [tilespmem:s18+$0x19030];
	_ =	sdelay $0x3  }
0x263: {  	v7 =	vshll.u32 v6, $0x4  }
0x264: {  	v6 =	vshrl.u32 v6, $0xB;
	v7 =	vand.u32 $0x7FF0, v7  }
0x265: {  	v6 =	vor.u32 v6, v7  }
0x266: {  	[tilespmem:s18+$0x19020] =	vst v6  }
0x267: {  	v6 =	vld.idx.msk [tilespmem:v5+s11+$0x0], $0xffff  }
0x268: {  	[tilespmem:v5+s11+$0x0] =	vst.idx.add.s32.msk $0xffff, v2  }
0x269: {  	v5 =	vld [tilespmem:s18+$0x19040];
	_ =	sdelay $0x3  }
0x26a: {  	v7 =	vshll.u32 v6, $0x4  }
0x26b: {  	v6 =	vshrl.u32 v6, $0xB;
	v7 =	vand.u32 $0x7FF0, v7  }
0x26c: {  	v6 =	vor.u32 v6, v7  }
0x26d: {  	[tilespmem:s18+$0x19030] =	vst v6  }
0x26e: {  	v6 =	vld.idx.msk [tilespmem:v5+s11+$0x0], $0xffff  }
0x26f: {  	[tilespmem:v5+s11+$0x0] =	vst.idx.add.s32.msk $0xffff, v2  }
0x270: {  	v5 =	vld [tilespmem:s18+$0x19050];
	_ =	sdelay $0x3  }
0x271: {  	v7 =	vshll.u32 v6, $0x4  }
0x272: {  	v6 =	vshrl.u32 v6, $0xB;
	v7 =	vand.u32 $0x7FF0, v7  }
0x273: {  	v6 =	vor.u32 v6, v7  }
0x274: {  	[tilespmem:s18+$0x19040] =	vst v6  }
0x275: {  	v6 =	vld.idx.msk [tilespmem:v5+s11+$0x0], $0xffff  }
0x276: {  	[tilespmem:v5+s11+$0x0] =	vst.idx.add.s32.msk $0xffff, v2  }
0x277: {  	v5 =	vld [tilespmem:s18+$0x19060];
	_ =	sdelay $0x3  }
0x278: {  	v7 =	vshll.u32 v6, $0x4  }
0x279: {  	v6 =	vshrl.u32 v6, $0xB;
	v7 =	vand.u32 $0x7FF0, v7  }
0x27a: {  	v6 =	vor.u32 v6, v7  }
0x27b: {  	[tilespmem:s18+$0x19050] =	vst v6  }
0x27c: {  	v6 =	vld.idx.msk [tilespmem:v5+s11+$0x0], $0xffff  }
0x27d: {  	[tilespmem:v5+s11+$0x0] =	vst.idx.add.s32.msk $0xffff, v2  }
0x27e: {  	v5 =	vld [tilespmem:s18+$0x19070];
	_ =	sdelay $0x3  }
0x27f: {  	v7 =	vshll.u32 v6, $0x4  }
0x280: {  	v6 =	vshrl.u32 v6, $0xB;
	v7 =	vand.u32 $0x7FF0, v7  }
0x281: {  	v6 =	vor.u32 v6, v7  }
0x282: {  	[tilespmem:s18+$0x19060] =	vst v6  }
0x283: {  	v6 =	vld.idx.msk [tilespmem:v5+s11+$0x0], $0xffff  }
0x284: {  	s21 =	sshra.s32 s20, $0x2;
	[tilespmem:v5+s11+$0x0] =	vst.idx.add.s32.msk $0xffff, v2  }
0x285: {  	v5 =	vld [tilespmem:s21+$0x19000];
	_ =	sdelay $0x1  }
.Ltmp20:
0x286: {  	(pc) =	sbr.rel @p1 .LBB2_38-.Ltmp20, $4  }
0x287: {  	_ = 	snop  }
0x288: {  	v7 =	vshll.u32 v6, $0x4  }
0x289: {  	v6 =	vshrl.u32 v6, $0xB;
	v7 =	vand.u32 $0x7FF0, v7  }
0x28a: {  	v6 =	vor.u32 v6, v7  }
0x28b: {  	s19 =	smov.u32 s18;
	s18 =	smov.u32 s21  }
.LBB2_40:
0x28c: {  	_ =	sdelay $0x2  }
0x28d: {  	[tilespmem:s19+$0x19070] =	vst @p0 v6  }
0x28e: {  	v6 =	vld.idx.msk [tilespmem:v5+s11+$0x0], $0xffff  }
0x28f: {  	[tilespmem:v5+s11+$0x0] =	vst.idx.add.s32.msk $0xffff, v2  }
0x290: {  	v5 =	vld [tilespmem:s18+$0x19010];
	_ =	sdelay $0x3  }
0x291: {  	v7 =	vshll.u32 v6, $0x4  }
0x292: {  	v6 =	vshrl.u32 v6, $0xB;
	v7 =	vand.u32 $0x7FF0, v7  }
0x293: {  	v6 =	vor.u32 v6, v7  }
0x294: {  	[tilespmem:s18+$0x19000] =	vst v6  }
0x295: {  	v6 =	vld.idx.msk [tilespmem:v5+s11+$0x0], $0xffff  }
0x296: {  	[tilespmem:v5+s11+$0x0] =	vst.idx.add.s32.msk $0xffff, v2  }
0x297: {  	v5 =	vld [tilespmem:s18+$0x19020];
	_ =	sdelay $0x3  }
0x298: {  	v7 =	vshll.u32 v6, $0x4  }
0x299: {  	v6 =	vshrl.u32 v6, $0xB;
	v7 =	vand.u32 $0x7FF0, v7  }
0x29a: {  	v6 =	vor.u32 v6, v7  }
0x29b: {  	[tilespmem:s18+$0x19010] =	vst v6  }
0x29c: {  	v6 =	vld.idx.msk [tilespmem:v5+s11+$0x0], $0xffff  }
0x29d: {  	[tilespmem:v5+s11+$0x0] =	vst.idx.add.s32.msk $0xffff, v2  }
0x29e: {  	v5 =	vld [tilespmem:s18+$0x19030];
	_ =	sdelay $0x3  }
0x29f: {  	v7 =	vshll.u32 v6, $0x4  }
0x2a0: {  	v6 =	vshrl.u32 v6, $0xB;
	v7 =	vand.u32 $0x7FF0, v7  }
0x2a1: {  	v6 =	vor.u32 v6, v7  }
0x2a2: {  	[tilespmem:s18+$0x19020] =	vst v6  }
0x2a3: {  	v6 =	vld.idx.msk [tilespmem:v5+s11+$0x0], $0xffff  }
0x2a4: {  	[tilespmem:v5+s11+$0x0] =	vst.idx.add.s32.msk $0xffff, v2  }
0x2a5: {  	v5 =	vld [tilespmem:s18+$0x19040];
	_ =	sdelay $0x3  }
0x2a6: {  	v7 =	vshll.u32 v6, $0x4  }
0x2a7: {  	v6 =	vshrl.u32 v6, $0xB;
	v7 =	vand.u32 $0x7FF0, v7  }
0x2a8: {  	v6 =	vor.u32 v6, v7  }
0x2a9: {  	[tilespmem:s18+$0x19030] =	vst v6  }
0x2aa: {  	v6 =	vld.idx.msk [tilespmem:v5+s11+$0x0], $0xffff  }
0x2ab: {  	[tilespmem:v5+s11+$0x0] =	vst.idx.add.s32.msk $0xffff, v2  }
0x2ac: {  	v5 =	vld [tilespmem:s18+$0x19050];
	_ =	sdelay $0x3  }
0x2ad: {  	v7 =	vshll.u32 v6, $0x4  }
0x2ae: {  	v6 =	vshrl.u32 v6, $0xB;
	v7 =	vand.u32 $0x7FF0, v7  }
0x2af: {  	v6 =	vor.u32 v6, v7  }
0x2b0: {  	[tilespmem:s18+$0x19040] =	vst v6  }
0x2b1: {  	v6 =	vld.idx.msk [tilespmem:v5+s11+$0x0], $0xffff  }
0x2b2: {  	[tilespmem:v5+s11+$0x0] =	vst.idx.add.s32.msk $0xffff, v2  }
0x2b3: {  	v5 =	vld [tilespmem:s18+$0x19060];
	_ =	sdelay $0x3  }
0x2b4: {  	v7 =	vshll.u32 v6, $0x4  }
0x2b5: {  	v6 =	vshrl.u32 v6, $0xB;
	v7 =	vand.u32 $0x7FF0, v7  }
0x2b6: {  	v6 =	vor.u32 v6, v7  }
0x2b7: {  	[tilespmem:s18+$0x19050] =	vst v6  }
0x2b8: {  	v6 =	vld.idx.msk [tilespmem:v5+s11+$0x0], $0xffff  }
0x2b9: {  	[tilespmem:v5+s11+$0x0] =	vst.idx.add.s32.msk $0xffff, v2  }
0x2ba: {  	v5 =	vld [tilespmem:s18+$0x19070];
	_ =	sdelay $0x3  }
0x2bb: {  	v7 =	vshll.u32 v6, $0x4  }
0x2bc: {  	v6 =	vshrl.u32 v6, $0xB;
	v7 =	vand.u32 $0x7FF0, v7  }
0x2bd: {  	v6 =	vor.u32 v6, v7  }
0x2be: {  	[tilespmem:s18+$0x19060] =	vst v6  }
0x2bf: {  	v6 =	vld.idx.msk [tilespmem:v5+s11+$0x0], $0xffff;
	_ =	sdelay $0x4  }
0x2c0: {  	v7 =	vshll.u32 v6, $0x4  }
0x2c1: {  	v6 =	vshrl.u32 v6, $0xB;
	v7 =	vand.u32 $0x7FF0, v7  }
0x2c2: {  	[tilespmem:v5+s11+$0x0] =	vst.idx.add.s32.msk $0xffff, v2;
	v5 =	vor.u32 v6, v7  }
0x2c3: {  	s20 =	simm.s32 $0x19040;
	[tilespmem:s18+$0x19070] =	vst v5  }
0x2c4: {  	v11 =	vld [tilespmem:s20+$0x30]  }
0x2c5: {  	v12 =	vld [tilespmem:s20+$0xFFFFFFD0]  }
0x2c6: {  	v10 =	vld [tilespmem:s20+$0xFFFFFFE0]  }
0x2c7: {  	v9 =	vld [tilespmem:s20+$0xFFFFFFF0]  }
0x2c8: {  	v8 =	vld [tilespmem:s20+$0x0]  }
0x2c9: {  	v6 =	vld [tilespmem:s20+$0x10]  }
0x2ca: {  	s22 =	simm.s32 $0x607;
	s19 =	simm.s32 $0x0;
	v5 =	vld [tilespmem:s20+$0x20]  }
0x2cb: {  	s21 =	simm.s32 $0x601;
	v13 =	vor.u32 s22, v3;
	s18 =	simm.s32 $0xFFFFFFF8;
	v7 =	vld [tilespmem:s20+$0xFFFFFFC0];
	s20 =	simm.s32 $0x190C0  }
.LBB2_41:
0x2cc: {  	v14 =	vor.u32 s21, v3;
	s21 =	sadd.s32 $0x60A, s18;
	[tilespmem:v11+s12+$0x0] =	vst.idx.msk $0xffff, v13;
	v11 =	vld [tilespmem:s20+$0x30];
	s22 =	smov.u32 s19;
	s19 =	sadd.s32 $0x8, s19  }
0x2cd: {  	p0 =	slt.u32 s19, $0x1F8;
	[tilespmem:v12+s12+$0x0] =	vst.idx.msk $0xffff, v14;
	v12 =	vld [tilespmem:s20+$0xFFFFFFD0];
	v13 =	vor.u32 s21, v3;
	s21 =	sadd.s32 $0x60B, s18  }
0x2ce: {  	[tilespmem:v10+s12+$0x0] =	vst.idx.msk $0xffff, v13;
	v10 =	vld [tilespmem:s20+$0xFFFFFFE0];
	v13 =	vor.u32 s21, v3;
	s21 =	sadd.s32 $0x60C, s18  }
.Ltmp21:
0x2cf: {  	[tilespmem:v9+s12+$0x0] =	vst.idx.msk $0xffff, v13;
	v9 =	vld [tilespmem:s20+$0xFFFFFFF0];
	v13 =	vor.u32 s21, v3;
	s21 =	sadd.s32 $0x60D, s18;
	(pc) =	sbr.rel @p0 .LBB2_41-.Ltmp21, $4  }
0x2d0: {  	[tilespmem:v8+s12+$0x0] =	vst.idx.msk $0xffff, v13;
	v8 =	vld [tilespmem:s20+$0x0];
	v13 =	vor.u32 s21, v3;
	s21 =	sadd.s32 $0x60E, s18  }
0x2d1: {  	s23 =	sadd.s32 $0x608, s18;
	s18 =	smov.u32 s22;
	[tilespmem:v6+s12+$0x0] =	vst.idx.msk $0xffff, v13;
	v6 =	vld [tilespmem:s20+$0x10];
	v13 =	vor.u32 s21, v3  }
0x2d2: {  	v14 =	vor.u32 s23, v3;
	s22 =	sadd.s32 $0x60F, s18;
	[tilespmem:v5+s12+$0x0] =	vst.idx.msk $0xffff, v13;
	v5 =	vld [tilespmem:s20+$0x20]  }
0x2d3: {  	s21 =	sadd.s32 $0x609, s18;
	v13 =	vor.u32 s22, v3;
	[tilespmem:v7+s12+$0x0] =	vst.idx.msk $0xffff, v14;
	v7 =	vld [tilespmem:s20+$0xFFFFFFC0];
	s20 =	sadd.s32 $0x80, s20  }
0x2d4: {  	_ =	sdelay $0x3  }
0x2d5: {  	v14 =	vor.u32 s21, v3;
	s19 =	sadd.s32 $0x60A, s18;
	[tilespmem:v11+s12+$0x0] =	vst.idx.msk $0xffff, v13  }
0x2d6: {  	s26 =	sadd.s32 $0x60B, s18;
	[tilespmem:v12+s12+$0x0] =	vst.idx.msk $0xffff, v14;
	v59 =	vor.u32 s19, v3  }
0x2d7: {  	s28 =	sadd.s32 $0x60C, s18;
	v60 =	vor.u32 s26, v3;
	[tilespmem:v10+s12+$0x0] =	vst.idx.msk $0xffff, v59  }
0x2d8: {  	s29 =	sadd.s32 $0x60D, s18;
	v61 =	vor.u32 s28, v3;
	[tilespmem:v9+s12+$0x0] =	vst.idx.msk $0xffff, v60  }
0x2d9: {  	s30 =	sadd.s32 $0x60E, s18;
	v62 =	vor.u32 s29, v3;
	[tilespmem:v8+s12+$0x0] =	vst.idx.msk $0xffff, v61  }
0x2da: {  	s31 =	sadd.s32 $0x608, s18;
	[tilespmem:v6+s12+$0x0] =	vst.idx.msk $0xffff, v62;
	v6 =	vor.u32 s30, v3  }
0x2db: {  	v63 =	vor.u32 s31, v3;
	[tilespmem:v5+s12+$0x0] =	vst.idx.msk $0xffff, v6  }
0x2dc: {  	s20 =	simm.s32 $0x18040;
	[tilespmem:v7+s12+$0x0] =	vst.idx.msk $0xffff, v63  }
0x2dd: {  	[tilespmem:s20+$0xFFFFFFC0] =	vst v0  }
0x2de: {  	[tilespmem:s20+$0x30] =	vst v0  }
0x2df: {  	[tilespmem:s20+$0x20] =	vst v0  }
0x2e0: {  	[tilespmem:s20+$0x10] =	vst v0  }
0x2e1: {  	[tilespmem:s20+$0x0] =	vst v0  }
0x2e2: {  	[tilespmem:s20+$0xFFFFFFF0] =	vst v0  }
0x2e3: {  	s21 =	simm.s32 $0x0;
	s19 =	simm.s32 $0x10040;
	[tilespmem:s20+$0xFFFFFFE0] =	vst v0  }
.LBB2_43:
0x2e4: {  	s21 =	sadd.s32 $0x8, s21;
	[tilespmem:s20+$0xFFFFFFD0] =	vst v0;
	s20 =	sadd.s32 $0x80, s20  }
0x2e5: {  	[tilespmem:s20+$0xFFFFFFC0] =	vst v0;
	p0 =	slt.u32 s21, $0xF8  }
0x2e6: {  	[tilespmem:s20+$0x30] =	vst v0  }
.Ltmp22:
0x2e7: {  	[tilespmem:s20+$0x20] =	vst v0;
	(pc) =	sbr.rel @p0 .LBB2_43-.Ltmp22, $4  }
0x2e8: {  	[tilespmem:s20+$0x10] =	vst v0  }
0x2e9: {  	[tilespmem:s20+$0x0] =	vst v0  }
0x2ea: {  	[tilespmem:s20+$0xFFFFFFF0] =	vst v0  }
0x2eb: {  	s18 =	simm.s32 $0x19040;
	[tilespmem:s20+$0xFFFFFFE0] =	vst v0  }
0x2ec: {  	[tilespmem:s20+$0xFFFFFFD0] =	vst v0  }
0x2ed: {  	v5 =	vld [tilespmem:s19+$0x30]  }
0x2ee: {  	v6 =	vld [tilespmem:s19+$0xFFFFFFD0]  }
0x2ef: {  	v7 =	vld [tilespmem:s19+$0x10]  }
0x2f0: {  	v8 =	vld [tilespmem:s19+$0x20]  }
0x2f1: {  	v9 =	vld [tilespmem:s19+$0xFFFFFFC0]  }
0x2f2: {  	v10 =	vld [tilespmem:s19+$0xFFFFFFE0]  }
0x2f3: {  	v11 =	vld [tilespmem:s19+$0xFFFFFFF0]  }
0x2f4: {  	v12 =	vld [tilespmem:s19+$0x0]  }
0x2f5: {  	v5 =	vld.idx.msk [tilespmem:v5+s3+$0x0], $0xffff  }
0x2f6: {  	v6 =	vld.idx.msk [tilespmem:v6+s3+$0x0], $0xffff  }
0x2f7: {  	v7 =	vld.idx.msk [tilespmem:v7+s3+$0x0], $0xffff  }
0x2f8: {  	v8 =	vld.idx.msk [tilespmem:v8+s3+$0x0], $0xffff  }
0x2f9: {  	v9 =	vld.idx.msk [tilespmem:v9+s3+$0x0], $0xffff  }
0x2fa: {  	v10 =	vld.idx.msk [tilespmem:v10+s3+$0x0], $0xffff  }
0x2fb: {  	v11 =	vld.idx.msk [tilespmem:v11+s3+$0x0], $0xffff  }
0x2fc: {  	s19 =	simm.s32 $0x100C0  }
0x2fd: {  	v14 =	vld [tilespmem:s19+$0xFFFFFFD0]  }
0x2fe: {  	v5 =	vshrl.u32 v5, $0x4;
	v23 =	vshrl.u32 v7, $0x4;
	v7 =	vshrl.u32 v9, $0x4  }
0x2ff: {  	v8 =	vshrl.u32 v8, $0x4;
	v9 =	vshrl.u32 v6, $0x4;
	v6 =	vshrl.u32 v10, $0x4  }
0x300: {  	v21 =	vld [tilespmem:s19+$0xFFFFFFE0];
	v11 =	vshrl.u32 v11, $0x4;
	v13 =	vand.u32 $0xFF0, v5;
	v5 =	vand.u32 $0xF80, v5  }
0x301: {  	v10 =	vld.idx.msk [tilespmem:v12+s3+$0x0], $0xffff;
	v12 =	vand.u32 $0xFF0, v8;
	v20 =	vand.u32 $0xFF0, v9;
	v19 =	vor.u32 v1, v13  }
0x302: {  	v17 =	vld [tilespmem:s19+$0x10];
	v15 =	vand.u32 $0xF80, v6;
	v25 =	vand.u32 $0xFF0, v6;
	v13 =	vand.u32 $0x7F, v19  }
0x303: {  	v18 =	vld [tilespmem:s19+$0x30];
	v26 =	vand.u32 $0xF80, v8;
	v12 =	vor.u32 v1, v12;
	v16 =	vor.u32 v5, v13  }
0x304: {  	v6 =	vld [tilespmem:s19+$0xFFFFFFF0];
	v24 =	vand.u32 $0xF80, v7;
	v28 =	vand.u32 $0x7F, v12;
	v5 =	vand.u32 $0xFF0, v7  }
0x305: {  	v8 =	vld.idx.msk [tilespmem:v14+s3+$0x0], $0xffff;
	v7 =	vand.u32 $0xF80, v9;
	v13 =	vor.u32 v1, v5;
	v5 =	vor.u32 v1, v20  }
0x306: {  	v9 =	vand.u32 $0xFF0, v23;
	v20 =	vld [tilespmem:s19+$0x20];
	v22 =	vand.u32 $0x7F, v5;
	v27 =	vand.u32 $0x7F, v13  }
0x307: {  	v14 =	vor.u32 v7, v22;
	v22 =	vshrl.u32 v10, $0x4;
	v7 =	vor.u32 v1, v9;
	v9 =	vld [tilespmem:s19+$0x0]  }
0x308: {  	v24 =	vor.u32 v24, v27;
	v10 =	vand.u32 $0xFF0, v11;
	v27 =	vand.u32 $0x7F, v7;
	[tilespmem:v16+s11+$0x0] =	vst.idx.add.s32.msk $0xffff, v2  }
0x309: {  	v16 =	vand.u32 $0xF80, v11;
	v11 =	vld.idx.msk [tilespmem:v21+s3+$0x0], $0xffff;
	v21 =	vor.u32 v1, v25;
	v25 =	vand.u32 $0xF80, v23  }
0x30a: {  	s21 =	simm.s32 $0x8;
	s20 =	simm.s32 $0x19040;
	v10 =	vor.u32 v1, v10;
	v23 =	vld [tilespmem:s19+$0xFFFFFFC0];
	[tilespmem:s18+$0x30] =	vst v19;
	v19 =	vor.u32 v25, v27;
	v25 =	vor.u32 v26, v28  }
.LBB2_45:
0x30b: {  	s21 =	sadd.s32 $0x8, s21;
	v17 =	vld.idx.msk [tilespmem:v17+s3+$0x0], $0xffff;
	s19 =	sadd.s32 $0x80, s19;
	v26 =	vand.u32 $0x7F, v21;
	v27 =	vand.u32 $0xFF0, v22;
	s18 =	sadd.s32 $0x80, s18  }
0x30c: {  	p0 =	slt.u32 s21, $0x5F8;
	v18 =	vld.idx.msk [tilespmem:v18+s3+$0x0], $0xffff;
	v15 =	vor.u32 v15, v26;
	v26 =	vor.u32 v1, v27  }
0x30d: {  	v22 =	vand.u32 $0xF80, v22;
	[tilespmem:v24+s11+$0x0] =	vst.idx.add.s32.msk $0xffff, v2;
	v24 =	vand.u32 $0x7F, v26  }
0x30e: {  	v27 =	vld [tilespmem:s19+$0xFFFFFFE0];
	[tilespmem:s20+$0xFFFFFFC0] =	vst v13;
	v13 =	vor.u32 v22, v24  }
0x30f: {  	[tilespmem:v25+s11+$0x0] =	vst.idx.add.s32.msk $0xffff, v2  }
0x310: {  	v22 =	vand.u32 $0x7F, v10;
	v20 =	vld.idx.msk [tilespmem:v20+s3+$0x0], $0xffff;
	[tilespmem:s20+$0x20] =	vst v12  }
0x311: {  	v12 =	vor.u32 v16, v22;
	[tilespmem:v15+s11+$0x0] =	vst.idx.add.s32.msk $0xffff, v2  }
0x312: {  	v15 =	vld.idx.msk [tilespmem:v23+s3+$0x0], $0xffff;
	[tilespmem:s20+$0xFFFFFFE0] =	vst v21  }
0x313: {  	v16 =	vshrl.u32 v18, $0x4;
	[tilespmem:v13+s11+$0x0] =	vst.idx.add.s32.msk $0xffff, v2  }
0x314: {  	v13 =	vand.u32 $0xFF0, v16;
	v21 =	vld [tilespmem:s19+$0xFFFFFFD0];
	[tilespmem:s20+$0x0] =	vst v26  }
0x315: {  	v22 =	vor.u32 v1, v13;
	[tilespmem:v14+s11+$0x0] =	vst.idx.add.s32.msk $0xffff, v2  }
0x316: {  	v13 =	vand.u32 $0xF80, v16;
	v14 =	vand.u32 $0x7F, v22;
	[tilespmem:v19+s11+$0x0] =	vst.idx.add.s32.msk $0xffff, v2  }
0x317: {  	v19 =	vshrl.u32 v17, $0x4;
	v16 =	vld.idx.msk [tilespmem:v6+s3+$0x0], $0xffff;
	v6 =	vor.u32 v13, v14;
	[tilespmem:s20+$0xFFFFFFD0] =	vst v5  }
0x318: {  	v20 =	vshrl.u32 v20, $0x4;
	v14 =	vshrl.u32 v15, $0x4;
	[tilespmem:v12+s11+$0x0] =	vst.idx.add.s32.msk $0xffff, v2  }
0x319: {  	v8 =	vshrl.u32 v8, $0x4;
	v11 =	vshrl.u32 v11, $0x4;
	v12 =	vand.u32 $0xFF0, v20;
	v9 =	vld.idx.msk [tilespmem:v9+s3+$0x0], $0xffff;
	[tilespmem:s20+$0xFFFFFFF0] =	vst v10  }
0x31a: {  	v15 =	vand.u32 $0xF80, v11;
	v5 =	vand.u32 $0xFF0, v14;
	v10 =	vand.u32 $0xFF0, v8;
	v17 =	vld [tilespmem:s19+$0x10];
	[tilespmem:s20+$0x10] =	vst v7;
	s20 =	smov.u32 s18  }
0x31b: {  	v13 =	vor.u32 v1, v5;
	v5 =	vor.u32 v1, v10;
	v10 =	vand.u32 $0xFF0, v11;
	v18 =	vld [tilespmem:s19+$0x30]  }
0x31c: {  	v25 =	vand.u32 $0xF80, v20;
	v12 =	vor.u32 v1, v12;
	v7 =	vand.u32 $0x7F, v5;
	[tilespmem:v6+s11+$0x0] =	vst.idx.add.s32.msk $0xffff, v2  }
0x31d: {  	v11 =	vand.u32 $0xF80, v14;
	v14 =	vand.u32 $0xF80, v8;
	v23 =	vshrl.u32 v16, $0x4;
	v6 =	vld [tilespmem:s19+$0xFFFFFFF0];
	[tilespmem:s18+$0x30] =	vst v22  }
.Ltmp23:
0x31e: {  	v24 =	vand.u32 $0xFF0, v19;
	v16 =	vand.u32 $0xF80, v23;
	v8 =	vld.idx.msk [tilespmem:v21+s3+$0x0], $0xffff;
	v21 =	vand.u32 $0x7F, v13;
	(pc) =	sbr.rel @p0 .LBB2_45-.Ltmp23, $4  }
0x31f: {  	v14 =	vor.u32 v14, v7;
	v7 =	vor.u32 v1, v24;
	v22 =	vshrl.u32 v9, $0x4;
	v20 =	vld [tilespmem:s19+$0x20]  }
0x320: {  	v26 =	vand.u32 $0xFF0, v23;
	v28 =	vand.u32 $0x7F, v7;
	v24 =	vor.u32 v11, v21;
	v9 =	vld [tilespmem:s19+$0x0]  }
0x321: {  	v19 =	vand.u32 $0xF80, v19;
	v21 =	vor.u32 v1, v10;
	v11 =	vld.idx.msk [tilespmem:v27+s3+$0x0], $0xffff;
	v27 =	vand.u32 $0x7F, v12  }
0x322: {  	v19 =	vor.u32 v19, v28;
	v10 =	vor.u32 v1, v26;
	v23 =	vld [tilespmem:s19+$0xFFFFFFC0];
	v25 =	vor.u32 v25, v27  }
0x323: {  	_ =	sdelay $0x3  }
0x324: {  	v18 =	vld.idx.msk [tilespmem:v18+s3+$0x0], $0xffff  }
0x325: {  	[tilespmem:v24+s11+$0x0] =	vst.idx.add.s32.msk $0xffff, v2  }
0x326: {  	[tilespmem:v25+s11+$0x0] =	vst.idx.add.s32.msk $0xffff, v2  }
0x327: {  	v26 =	vand.u32 $0x7F, v21;
	[tilespmem:v14+s11+$0x0] =	vst.idx.add.s32.msk $0xffff, v2  }
0x328: {  	v15 =	vor.u32 v15, v26;
	v20 =	vld.idx.msk [tilespmem:v20+s3+$0x0], $0xffff  }
0x329: {  	v27 =	vand.u32 $0xFF0, v22;
	v40 =	vand.u32 $0xF80, v22;
	v8 =	vshrl.u32 v8, $0x4;
	v9 =	vld.idx.msk [tilespmem:v9+s3+$0x0], $0xffff  }
0x32a: {  	v44 =	vand.u32 $0x7F, v10;
	[tilespmem:v19+s11+$0x0] =	vst.idx.add.s32.msk $0xffff, v2;
	v39 =	vor.u32 v1, v27;
	v50 =	vand.u32 $0xFF0, v8  }
0x32b: {  	[tilespmem:s20+$0x20] =	vst v12;
	v8 =	vand.u32 $0xF80, v8;
	v41 =	vand.u32 $0x7F, v39;
	v42 =	vld.idx.msk [tilespmem:v23+s3+$0x0], $0xffff;
	v43 =	vshrl.u32 v18, $0x4  }
0x32c: {  	[tilespmem:s20+$0xFFFFFFD0] =	vst v5;
	v22 =	vor.u32 v40, v41;
	v11 =	vshrl.u32 v11, $0x4;
	v18 =	vand.u32 $0xFF0, v43  }
0x32d: {  	[tilespmem:v15+s11+$0x0] =	vst.idx.add.s32.msk $0xffff, v2;
	v15 =	vor.u32 v16, v44;
	v12 =	vand.u32 $0xF80, v43;
	v47 =	vshrl.u32 v20, $0x4  }
0x32e: {  	[tilespmem:s20+$0x10] =	vst v7;
	v45 =	vor.u32 v1, v18;
	v5 =	vand.u32 $0xFF0, v47;
	v7 =	vshrl.u32 v9, $0x4  }
0x32f: {  	[tilespmem:s20+$0xFFFFFFC0] =	vst v13;
	v14 =	vand.u32 $0xF80, v47;
	v46 =	vand.u32 $0x7F, v45;
	v53 =	vand.u32 $0xFF0, v7  }
0x330: {  	v17 =	vld.idx.msk [tilespmem:v17+s3+$0x0], $0xffff;
	[tilespmem:s20+$0xFFFFFFE0] =	vst v21;
	v13 =	vshrl.u32 v42, $0x4;
	v12 =	vor.u32 v12, v46;
	v54 =	vor.u32 v1, v53  }
0x331: {  	[tilespmem:v22+s11+$0x0] =	vst.idx.add.s32.msk $0xffff, v2;
	v7 =	vand.u32 $0xF80, v7;
	v48 =	vand.u32 $0xFF0, v13;
	v56 =	vand.u32 $0x7F, v54  }
0x332: {  	v5 =	vor.u32 v1, v5;
	[tilespmem:s20+$0x0] =	vst v39;
	v18 =	vor.u32 v1, v48;
	v7 =	vor.u32 v7, v56  }
0x333: {  	v51 =	vand.u32 $0x7F, v5;
	v13 =	vand.u32 $0xF80, v13;
	[tilespmem:v15+s11+$0x0] =	vst.idx.add.s32.msk $0xffff, v2;
	v49 =	vand.u32 $0x7F, v18  }
0x334: {  	v6 =	vld.idx.msk [tilespmem:v6+s3+$0x0], $0xffff;
	v15 =	vor.u32 v1, v50;
	[tilespmem:s20+$0xFFFFFFF0] =	vst v10;
	v10 =	vand.u32 $0xFF0, v11;
	v13 =	vor.u32 v13, v49  }
0x335: {  	s18 =	sadd.s32 $0x80, s18;
	v55 =	vand.u32 $0x7F, v15;
	v9 =	vor.u32 v1, v10;
	v10 =	vor.u32 v14, v51;
	[tilespmem:v12+s11+$0x0] =	vst.idx.add.s32.msk $0xffff, v2  }
0x336: {  	v8 =	vor.u32 v8, v55;
	[tilespmem:s18+$0x30] =	vst v45  }
0x337: {  	v11 =	vand.u32 $0xF80, v11;
	v52 =	vand.u32 $0x7F, v9;
	[tilespmem:v7+s11+$0x0] =	vst.idx.add.s32.msk $0xffff, v2  }
0x338: {  	v17 =	vshrl.u32 v17, $0x4;
	v11 =	vor.u32 v11, v52;
	[tilespmem:s18+$0x0] =	vst v54  }
0x339: {  	v57 =	vand.u32 $0xFF0, v17;
	[tilespmem:v13+s11+$0x0] =	vst.idx.add.s32.msk $0xffff, v2  }
0x33a: {  	v6 =	vshrl.u32 v6, $0x4;
	v58 =	vor.u32 v1, v57;
	[tilespmem:v10+s11+$0x0] =	vst.idx.add.s32.msk $0xffff, v2  }
0x33b: {  	v60 =	vand.u32 $0xF80, v17;
	v59 =	vand.u32 $0x7F, v58;
	v10 =	vand.u32 $0xFF0, v6;
	[tilespmem:v8+s11+$0x0] =	vst.idx.add.s32.msk $0xffff, v2  }
0x33c: {  	[tilespmem:s18+$0x20] =	vst v5;
	v5 =	vor.u32 v1, v10;
	v10 =	vor.u32 v60, v59  }
0x33d: {  	v6 =	vand.u32 $0xF80, v6;
	[tilespmem:v11+s11+$0x0] =	vst.idx.add.s32.msk $0xffff, v2;
	v11 =	vand.u32 $0x7F, v5  }
0x33e: {  	[tilespmem:s18+$0xFFFFFFC0] =	vst v18;
	v6 =	vor.u32 v6, v11  }
0x33f: {  	[tilespmem:s18+$0xFFFFFFD0] =	vst v15  }
0x340: {  	[tilespmem:s18+$0xFFFFFFE0] =	vst v9  }
0x341: {  	[tilespmem:v10+s11+$0x0] =	vst.idx.add.s32.msk $0xffff, v2  }
0x342: {  	[tilespmem:s18+$0x10] =	vst v58  }
0x343: {  	[tilespmem:v6+s11+$0x0] =	vst.idx.add.s32.msk $0xffff, v2  }
0x344: {  	s19 =	simm.s32 $0x16070;
	[tilespmem:s18+$0xFFFFFFF0] =	vst v5  }
0x345: {  	v5 =	vld [tilespmem:s19+$0x0]  }
0x346: {  	v6 =	vld [tilespmem:s19+$0xFFFFFFA0]  }
0x347: {  	v7 =	vld [tilespmem:s19+$0xFFFFFFB0]  }
0x348: {  	v8 =	vld [tilespmem:s19+$0xFFFFFFC0]  }
0x349: {  	v9 =	vld [tilespmem:s19+$0xFFFFFFD0]  }
0x34a: {  	v10 =	vld [tilespmem:s19+$0xFFFFFFE0]  }
0x34b: {  	v12 =	vld [tilespmem:s19+$0xFFFFFF90]  }
0x34c: {  	v11 =	vld [tilespmem:s19+$0xFFFFFFF0]  }
0x34d: {  	v5 =	vld.idx.msk [tilespmem:v5+s3+$0x0], $0xffff  }
0x34e: {  	v6 =	vld.idx.msk [tilespmem:v6+s3+$0x0], $0xffff  }
0x34f: {  	v7 =	vld.idx.msk [tilespmem:v7+s3+$0x0], $0xffff  }
0x350: {  	v8 =	vld.idx.msk [tilespmem:v8+s3+$0x0], $0xffff  }
0x351: {  	v9 =	vld.idx.msk [tilespmem:v9+s3+$0x0], $0xffff  }
0x352: {  	v10 =	vld.idx.msk [tilespmem:v10+s3+$0x0], $0xffff  }
0x353: {  	v12 =	vld.idx.msk [tilespmem:v12+s3+$0x0], $0xffff;
	v5 =	vshrl.u32 v5, $0x4  }
0x354: {  	v6 =	vshrl.u32 v6, $0x4;
	v5 =	vand.u32 $0xFF0, v5  }
0x355: {  	v11 =	vld.idx.msk [tilespmem:v11+s3+$0x0], $0xffff;
	v7 =	vshrl.u32 v7, $0x4;
	v6 =	vand.u32 $0xFF0, v6;
	v61 =	vor.u32 v1, v5  }
0x356: {  	v62 =	vor.u32 v1, v6;
	v5 =	vand.u32 $0xFF0, v7  }
0x357: {  	p0 =	por $0x1, $0x1;
	v6 =	vshrl.u32 v8, $0x4;
	v8 =	vshrl.u32 v10, $0x4;
	v63 =	vor.u32 v1, v5  }
.Ltmp24:
0x358: {  	v5 =	vshrl.u32 v9, $0x4;
	v6 =	vand.u32 $0xFF0, v6;
	v9 =	vshrl.u32 v12, $0x4;
	(pc) =	sbr.rel @!p0 .LBB2_48-.Ltmp24, $4  }
0x359: {  	v7 =	vand.u32 $0xFF0, v5;
	v5 =	vor.u32 v1, v6;
	v9 =	vand.u32 $0xFF0, v9  }
0x35a: {  	v6 =	vor.u32 v1, v7;
	v7 =	vand.u32 $0xFF0, v8;
	v8 =	vshrl.u32 v11, $0x4;
	[tilespmem:v61+s11+$0x0] =	vst.idx.add.s32.msk $0xffff, v2  }
0x35b: {  	s21 =	simm.s32 $0x600;
	s22 =	simm.s32 $0x160F0;
	v9 =	vor.u32 v1, v9;
	v8 =	vand.u32 $0xFF0, v8;
	[tilespmem:v62+s11+$0x0] =	vst.idx.add.s32.msk $0xffff, v2  }
0x35c: {  	s20 =	simm.s32 $0xFFFFFFF8;
	s18 =	simm.s32 $0x4;
	s19 =	simm.s32 $0x18040;
	v7 =	vor.u32 v1, v7;
	v8 =	vor.u32 v1, v8;
	[tilespmem:v63+s11+$0x0] =	vst.idx.add.s32.msk $0xffff, v2  }
.LBB2_47:
0x35d: {  	v10 =	vld [tilespmem:s22+$0x0];
	s21 =	sadd.s32 $0x8, s21  }
0x35e: {  	v11 =	vld [tilespmem:s22+$0xFFFFFFA0];
	p0 =	slt.u32 s21, $0x7F8  }
0x35f: {  	v12 =	vld [tilespmem:s22+$0xFFFFFFB0]  }
0x360: {  	v13 =	vld [tilespmem:s22+$0xFFFFFFC0]  }
0x361: {  	v14 =	vld [tilespmem:s22+$0xFFFFFFD0]  }
0x362: {  	v15 =	vld [tilespmem:s22+$0xFFFFFFE0]  }
0x363: {  	v16 =	vld [tilespmem:s22+$0xFFFFFFF0]  }
0x364: {  	v17 =	vld [tilespmem:s22+$0xFFFFFF90]  }
0x365: {  	v10 =	vld.idx.msk [tilespmem:v10+s3+$0x0], $0xffff  }
0x366: {  	v11 =	vld.idx.msk [tilespmem:v11+s3+$0x0], $0xffff  }
0x367: {  	v12 =	vld.idx.msk [tilespmem:v12+s3+$0x0], $0xffff  }
0x368: {  	v13 =	vld.idx.msk [tilespmem:v13+s3+$0x0], $0xffff  }
0x369: {  	v14 =	vld.idx.msk [tilespmem:v14+s3+$0x0], $0xffff  }
0x36a: {  	v15 =	vld.idx.msk [tilespmem:v15+s3+$0x0], $0xffff  }
0x36b: {  	v10 =	vshrl.u32 v10, $0x4;
	v16 =	vld.idx.msk [tilespmem:v16+s3+$0x0], $0xffff  }
0x36c: {  	v11 =	vshrl.u32 v11, $0x4;
	v10 =	vand.u32 $0xFF0, v10;
	v17 =	vld.idx.msk [tilespmem:v17+s3+$0x0], $0xffff  }
0x36d: {  	v11 =	vand.u32 $0xFF0, v11;
	v12 =	vshrl.u32 v12, $0x4;
	v10 =	vor.u32 v1, v10;
	[tilespmem:v9+s11+$0x0] =	vst.idx.add.s32.msk $0xffff, v2  }
0x36e: {  	v9 =	vor.u32 v1, v11;
	v11 =	vand.u32 $0xFF0, v12;
	v12 =	vshrl.u32 v13, $0x4;
	[tilespmem:v5+s11+$0x0] =	vst.idx.add.s32.msk $0xffff, v2  }
0x36f: {  	v11 =	vor.u32 v1, v11;
	v5 =	vand.u32 $0xFF0, v12;
	v12 =	vshrl.u32 v14, $0x4;
	[tilespmem:v6+s11+$0x0] =	vst.idx.add.s32.msk $0xffff, v2  }
.Ltmp25:
0x370: {  	v5 =	vor.u32 v1, v5;
	v6 =	vand.u32 $0xFF0, v12;
	v12 =	vshrl.u32 v15, $0x4;
	[tilespmem:v7+s11+$0x0] =	vst.idx.add.s32.msk $0xffff, v2;
	(pc) =	sbr.rel @p0 .LBB2_47-.Ltmp25, $4  }
0x371: {  	v6 =	vor.u32 v1, v6;
	v7 =	vand.u32 $0xFF0, v12;
	v12 =	vshrl.u32 v16, $0x4;
	[tilespmem:v8+s11+$0x0] =	vst.idx.add.s32.msk $0xffff, v2  }
0x372: {  	v8 =	vshrl.u32 v17, $0x4;
	v7 =	vor.u32 v1, v7;
	v12 =	vand.u32 $0xFF0, v12;
	[tilespmem:v10+s11+$0x0] =	vst.idx.add.s32.msk $0xffff, v2  }
0x373: {  	v10 =	vand.u32 $0xFF0, v8;
	v8 =	vor.u32 v1, v12;
	[tilespmem:v9+s11+$0x0] =	vst.idx.add.s32.msk $0xffff, v2  }
0x374: {  	s22 =	sadd.s32 $0x80, s22;
	v9 =	vor.u32 v1, v10;
	[tilespmem:v11+s11+$0x0] =	vst.idx.add.s32.msk $0xffff, v2  }
.LBB2_48:
0x375: {  	_ =	sdelay $0x3  }
0x376: {  	[tilespmem:v9+s11+$0x0] =	vst.idx.add.s32.msk $0xffff, v2  }
0x377: {  	[tilespmem:v5+s11+$0x0] =	vst.idx.add.s32.msk $0xffff, v2  }
0x378: {  	[tilespmem:v6+s11+$0x0] =	vst.idx.add.s32.msk $0xffff, v2  }
0x379: {  	[tilespmem:v7+s11+$0x0] =	vst.idx.add.s32.msk $0xffff, v2  }
0x37a: {  	[tilespmem:v8+s11+$0x0] =	vst.idx.add.s32.msk $0xffff, v2  }
0x37b: {  	v5 =	vld [tilespmem:s19+$0xFFFFFFC0]  }
0x37c: {  	v7 =	vld [tilespmem:s19+$0xFFFFFFD0]  }
0x37d: {  	s21 =	sadd.s32 $0x8, s20;
	v8 =	vld [tilespmem:s19+$0xFFFFFFE0]  }
0x37e: {  	v9 =	vld [tilespmem:s19+$0xFFFFFFF0];
	p3 =	slt.u32 s21, $0xF8  }
.Ltmp26:
0x37f: {  	_ = 	snop;
	(pc) =	sbr.rel @!p3 .LBB2_49-.Ltmp26, $4  }
0x380: {  	v6 =	vld [tilespmem:s19+$0x0];
	(xrf0) =	vadd.scan.msk.s32 $0xffff, v5  }
0x381: {  	v5 =	vld [tilespmem:s19+$0x10];
	(xrf0) =	vadd.scan.msk.s32 $0xffff, v7  }
0x382: {  	s20 =	sadd.s32 $0x80, s19;
	v7 =	vld [tilespmem:s19+$0x20];
	(xrf0) =	vadd.scan.msk.s32 $0xffff, v8  }
0x383: {  	p0 =	por $0x0, $0x0;
	p1 =	por $0x0, $0x0;
	p2 =	por $0x0, $0x0;
	v8 =	vld [tilespmem:s19+$0x30];
	(xrf0) =	vadd.scan.msk.s32 $0xffff, v9  }
0x384: {  	_ = 	snop  }
0x385: {  	v9 =	vld [tilespmem:s20+$0xFFFFFFC0];
	(xrf0) =	vadd.scan.msk.s32 $0xffff, v6  }
0x386: {  	v10 =	vld [tilespmem:s20+$0xFFFFFFD0];
	(xrf0) =	vadd.scan.msk.s32 $0xffff, v5  }
0x387: {  	v11 =	vld [tilespmem:s20+$0xFFFFFFE0];
	s19 =	sadd.s32 $0x8, s21;
	v5, _, _ =	vpop (xrf0);
	(xrf0) =	vadd.scan.msk.s32 $0xffff, v7  }
0x388: {  	v12 =	vld [tilespmem:s20+$0xFFFFFFF0];
	p3 =	slt.u32 s19, $0xF8;
	(v2sf) =	vpush v5, $0xF;
	v5, _, _ =	vpop (xrf0)  }
.Ltmp27:
0x389: {  	(xrf0) =	vadd.scan.msk.s32 $0xffff, v8;
	(v2sf) =	vpush v5, $0xF;
	v5, _, _ =	vpop (xrf0);
	(pc) =	sbr.rel @!p3 .LBB2_51-.Ltmp27, $4  }
0x38a: {  	v6 =	vld [tilespmem:s20+$0x0];
	(xrf0) =	vadd.scan.msk.s32 $0xffff, v9;
	(v2sf) =	vpush v5, $0xF;
	v7, _, _ =	vpop (xrf0)  }
0x38b: {  	v5 =	vld [tilespmem:s20+$0x10];
	(xrf0) =	vadd.scan.msk.s32 $0xffff, v10;
	(v2sf) =	vpush v7, $0xF;
	v8, _, _ =	vpop (xrf0)  }
0x38c: {  	v7 =	vld [tilespmem:s20+$0x20];
	(xrf0) =	vadd.scan.msk.s32 $0xffff, v11;
	(v2sf) =	vpush v8, $0xF;
	v9, _, _ =	vpop (xrf0)  }
0x38d: {  	s21 =	sadd.s32 $0x80, s20;
	p0 =	por $0x1, $0x1;
	v8 =	vld [tilespmem:s20+$0x30];
	(xrf0) =	vadd.scan.msk.s32 $0xffff, v12;
	(v2sf) =	vpush v9, $0xF;
	v9, _, _ =	vpop (xrf0)  }
0x38e: {  	_ = 	snop  }
0x38f: {  	(v2sf) =	vpush v9, $0xF;
	(xrf0) =	vadd.scan.msk.s32 $0xffff, v6;
	v6, _, _ =	vpop (xrf0)  }
0x390: {  	v10 =	vld [tilespmem:s21+$0xFFFFFFC0];
	(xrf0) =	vadd.scan.msk.s32 $0xffff, v5;
	(v2sf) =	vpush v6, $0xF;
	v5, _, _ =	vpop (xrf0)  }
0x391: {  	v9 =	vld [tilespmem:s21+$0xFFFFFFD0];
	(v2sf) =	vpush v5, $0xF;
	v5, _, _ =	vpop (xrf0)  }
0x392: {  	(v2sf) =	vpush v5, $0xF;
	v5, _, _ =	vpop (xrf0)  }
0x393: {  	(xrf0) =	vadd.scan.msk.s32 $0xffff, v7;
	(v2sf) =	vpush v5, $0xF;
	v7, _, _ =	vpop (xrf0)  }
0x394: {  	(xrf0) =	vadd.scan.msk.s32 $0xffff, v8;
	(v2sf) =	vpush v7, $0xF  }
0x395: {  	(xrf0) =	vadd.scan.msk.s32 $0xffff, v10;
	v8, _, _ =	vpop (xrf0)  }
0x396: {  	(xrf0) =	vadd.scan.msk.s32 $0xffff, v9;
	(v2sf) =	vpush v8, $0xF;
	v9, _, _ =	vpop (xrf0)  }
0x397: {  	(v2sf) =	vpush v9, $0xF;
	_ =	sdelay $0x1  }
0x398: {  	v11 =	vld [tilespmem:s21+$0xFFFFFFE0];
	s20 =	sadd.s32 $0x8, s19  }
0x399: {  	v12 =	vld [tilespmem:s21+$0xFFFFFFF0];
	p3 =	slt.u32 s20, $0xF8  }
.Ltmp28:
0x39a: {  	_ = 	snop;
	(pc) =	sbr.rel @!p3 .LBB2_53-.Ltmp28, $4  }
0x39b: {  	v6 =	vld [tilespmem:s21+$0x0]  }
0x39c: {  	v5 =	vld [tilespmem:s21+$0x10]  }
0x39d: {  	v7 =	vld [tilespmem:s21+$0x20];
	(xrf0) =	vadd.scan.msk.s32 $0xffff, v11  }
0x39e: {  	s19 =	sadd.s32 $0x80, s21;
	p1 =	por $0x1, $0x1;
	v8 =	vld [tilespmem:s21+$0x30];
	(xrf0) =	vadd.scan.msk.s32 $0xffff, v12;
	v9, _, _ =	vpop (xrf0)  }
0x39f: {  	_ = 	snop  }
0x3a0: {  	(xrf0) =	vadd.scan.msk.s32 $0xffff, v6  }
0x3a1: {  	v10 =	vld [tilespmem:s19+$0xFFFFFFC0];
	(v2sf) =	vpush v9, $0xF;
	v6, _, _ =	vpop (xrf0);
	(xrf0) =	vadd.scan.msk.s32 $0xffff, v5  }
0x3a2: {  	v9 =	vld [tilespmem:s19+$0xFFFFFFD0];
	(v2sf) =	vpush v6, $0xF;
	v5, _, _ =	vpop (xrf0)  }
0x3a3: {  	(v2sf) =	vpush v5, $0xF;
	v5, _, _ =	vpop (xrf0)  }
0x3a4: {  	s21 =	spop (v2sf);
	(xrf0) =	vadd.scan.msk.s32 $0xffff, v7;
	(v2sf) =	vpush v5, $0xF;
	v5, _, _ =	vpop (xrf0)  }
0x3a5: {  	[smem:s18+$0xFFFFFFFC] =	sst s21;
	s25 =	spop (v2sf);
	(xrf0) =	vadd.scan.msk.s32 $0xffff, v8;
	(v2sf) =	vpush v5, $0xF;
	v7, _, _ =	vpop (xrf0)  }
0x3a6: {  	[smem:s18+$0xFFFFFFFD] =	sst s25;
	s26 =	spop (v2sf);
	(xrf0) =	vadd.scan.msk.s32 $0xffff, v10;
	(v2sf) =	vpush v7, $0xF;
	v8, _, _ =	vpop (xrf0)  }
0x3a7: {  	v11 =	vld [tilespmem:s19+$0xFFFFFFE0];
	s20 =	sadd.s32 $0x8, s20;
	[smem:s18+$0xFFFFFFFE] =	sst s26;
	s28 =	spop (v2sf);
	(xrf0) =	vadd.scan.msk.s32 $0xffff, v9;
	(v2sf) =	vpush v8, $0xF;
	v9, _, _ =	vpop (xrf0)  }
0x3a8: {  	v12 =	vld [tilespmem:s19+$0xFFFFFFF0];
	p3 =	slt.u32 s20, $0xF8;
	[smem:s18+$0xFFFFFFFF] =	sst s28;
	(v2sf) =	vpush v9, $0xF  }
.Ltmp29:
0x3a9: {  	v6 =	vld [tilespmem:s19+$0x0];
	s29 =	spop (v2sf);
	(pc) =	sbr.rel @!p3 .LBB2_55-.Ltmp29, $4  }
0x3aa: {  	[smem:s18] =	sst s29;
	s30 =	spop (v2sf);
	v5 =	vld [tilespmem:s19+$0x10]  }
0x3ab: {  	[smem:s18+$0x1] =	sst s30;
	s31 =	spop (v2sf);
	v7 =	vld [tilespmem:s19+$0x20]  }
0x3ac: {  	p2 =	por $0x1, $0x1;
	(xrf0) =	vadd.scan.msk.s32 $0xffff, v11;
	[smem:s18+$0x2] =	sst s31;
	s22 =	spop (v2sf);
	v8 =	vld [tilespmem:s19+$0x30]  }
0x3ad: {  	s21 =	sadd.s32 $0x80, s19;
	(xrf0) =	vadd.scan.msk.s32 $0xffff, v12;
	[smem:s18+$0x3] =	sst s22;
	s19 =	smov.u32 s18;
	v9, _, _ =	vpop (xrf0)  }
.LBB2_56:
0x3ae: {  	v10 =	vld [tilespmem:s21+$0xFFFFFFC0];
	(xrf0) =	vadd.scan.msk.s32 $0xffff, v6;
	(v2sf) =	vpush v9, $0xF;
	v6, _, _ =	vpop (xrf0);
	s22 =	spop (v2sf);
	s19 =	sadd.s32 $0x8, s19  }
0x3af: {  	v9 =	vld [tilespmem:s21+$0xFFFFFFD0];
	(xrf0) =	vadd.scan.msk.s32 $0xffff, v5;
	(v2sf) =	vpush v6, $0xF;
	[smem:s19+$0xFFFFFFFC] =	sst s22;
	s22 =	spop (v2sf)  }
0x3b0: {  	v11 =	vld [tilespmem:s21+$0xFFFFFFE0];
	v5, _, _ =	vpop (xrf0);
	(xrf0) =	vadd.scan.msk.s32 $0xffff, v7;
	[smem:s19+$0xFFFFFFFD] =	sst s22;
	s22 =	spop (v2sf)  }
0x3b1: {  	s20 =	sadd.s32 $0x8, s20;
	v12 =	vld [tilespmem:s21+$0xFFFFFFF0];
	(v2sf) =	vpush v5, $0xF;
	v5, _, _ =	vpop (xrf0);
	(xrf0) =	vadd.scan.msk.s32 $0xffff, v8;
	[smem:s19+$0xFFFFFFFE] =	sst s22;
	s22 =	spop (v2sf)  }
0x3b2: {  	p3 =	slt.u32 s20, $0xF8;
	[smem:s19+$0xFFFFFFFF] =	sst s22  }
.Ltmp30:
0x3b3: {  	v6 =	vld [tilespmem:s21+$0x0];
	(v2sf) =	vpush v5, $0xF;
	v7, _, _ =	vpop (xrf0);
	s22 =	spop (v2sf);
	(pc) =	sbr.rel @p3 .LBB2_56-.Ltmp30, $4  }
0x3b4: {  	v5 =	vld [tilespmem:s21+$0x10];
	(xrf0) =	vadd.scan.msk.s32 $0xffff, v10;
	(v2sf) =	vpush v7, $0xF;
	v8, _, _ =	vpop (xrf0);
	[smem:s19] =	sst s22;
	s22 =	spop (v2sf)  }
0x3b5: {  	v7 =	vld [tilespmem:s21+$0x20];
	(xrf0) =	vadd.scan.msk.s32 $0xffff, v9;
	(v2sf) =	vpush v8, $0xF;
	v9, _, _ =	vpop (xrf0);
	[smem:s19+$0x1] =	sst s22;
	s22 =	spop (v2sf)  }
0x3b6: {  	v8 =	vld [tilespmem:s21+$0x30];
	(xrf0) =	vadd.scan.msk.s32 $0xffff, v11;
	(v2sf) =	vpush v9, $0xF;
	v9, _, _ =	vpop (xrf0);
	[smem:s19+$0x2] =	sst s22;
	s22 =	spop (v2sf)  }
0x3b7: {  	s21 =	sadd.s32 $0x80, s21;
	(xrf0) =	vadd.scan.msk.s32 $0xffff, v12;
	(v2sf) =	vpush v9, $0xF;
	v9, _, _ =	vpop (xrf0);
	[smem:s19+$0x3] =	sst s22  }
0x3b8: {  	_ = 	snop  }
.LBB2_58:
0x3b9: {  	s19 =	sadd.s32 @p2 $0x8, s19;
	s20 =	smov.u32 s18  }
0x3ba: {  	(xrf0) =	vadd.scan.msk.s32 $0xffff, v6;
	(v2sf) =	vpush @p0 v9, $0xF;
	v6, _, _ =	vpop @p0 (xrf0);
	s21 =	spop @p1 (v2sf);
	s20 =	smov.u32 @p2 s19  }
0x3bb: {  	(xrf0) =	vadd.scan.msk.s32 $0xffff, v5;
	(v2sf) =	vpush @p0 v6, $0xF;
	s19 =	spop @p1 (v2sf);
	[smem:s20+$0xFFFFFFFC] =	sst @p1 s21  }
0x3bc: {  	v5, _, _ =	vpop (xrf0);
	(xrf0) =	vadd.scan.msk.s32 $0xffff, v7;
	[smem:s20+$0xFFFFFFFD] =	sst @p1 s19;
	s19 =	spop @p1 (v2sf)  }
0x3bd: {  	(v2sf) =	vpush v5, $0xF;
	v5, _, _ =	vpop (xrf0);
	(xrf0) =	vadd.scan.msk.s32 $0xffff, v8;
	[smem:s20+$0xFFFFFFFE] =	sst @p1 s19;
	s19 =	spop @p1 (v2sf)  }
0x3be: {  	(v2sf) =	vpush v5, $0xF;
	v5, _, _ =	vpop (xrf0);
	[smem:s20+$0xFFFFFFFF] =	sst @p1 s19;
	s19 =	spop @p1 (v2sf)  }
0x3bf: {  	(v2sf) =	vpush v5, $0xF;
	v5, _, _ =	vpop (xrf0);
	[smem:s20] =	sst @p1 s19;
	s19 =	spop @p1 (v2sf)  }
0x3c0: {  	(v2sf) =	vpush v5, $0xF;
	v5, _, _ =	vpop (xrf0);
	[smem:s20+$0x1] =	sst @p1 s19;
	s19 =	spop @p1 (v2sf)  }
0x3c1: {  	(v2sf) =	vpush v5, $0xF;
	v5, _, _ =	vpop (xrf0);
	[smem:s20+$0x2] =	sst @p1 s19;
	s19 =	spop @p1 (v2sf)  }
0x3c2: {  	(v2sf) =	vpush v5, $0xF;
	v5, _, _ =	vpop (xrf0);
	[smem:s20+$0x3] =	sst @p1 s19;
	s19 =	sadd.s32 @p1 $0x8, s20;
	s20 =	smov.u32 s18  }
0x3c3: {  	(v2sf) =	vpush v5, $0xF;
	v5, _, _ =	vpop (xrf0);
	s21 =	spop @p0 (v2sf);
	s20 =	smov.u32 @p1 s19  }
0x3c4: {  	(v2sf) =	vpush v5, $0xF;
	s19 =	spop @p0 (v2sf);
	[smem:s20+$0xFFFFFFFC] =	sst @p0 s21  }
0x3c5: {  	[smem:s20+$0xFFFFFFFD] =	sst @p0 s19;
	s19 =	spop @p0 (v2sf)  }
0x3c6: {  	[smem:s20+$0xFFFFFFFE] =	sst @p0 s19;
	s19 =	spop @p0 (v2sf)  }
0x3c7: {  	[smem:s20+$0xFFFFFFFF] =	sst @p0 s19;
	s19 =	spop @p0 (v2sf)  }
0x3c8: {  	[smem:s20] =	sst @p0 s19;
	s19 =	spop @p0 (v2sf)  }
0x3c9: {  	[smem:s20+$0x1] =	sst @p0 s19;
	s19 =	spop @p0 (v2sf)  }
0x3ca: {  	[smem:s20+$0x2] =	sst @p0 s19;
	s19 =	spop @p0 (v2sf)  }
0x3cb: {  	[smem:s20+$0x3] =	sst @p0 s19;
	s19 =	sadd.s32 @p0 $0x8, s20  }
0x3cc: {  	s23 =	spop (v2sf);
	s18 =	smov.u32 @p0 s19  }
0x3cd: {  	s24 =	spop (v2sf);
	[smem:s18+$0xFFFFFFFC] =	sst s23  }
0x3ce: {  	s25 =	spop (v2sf);
	[smem:s18+$0xFFFFFFFD] =	sst s24  }
0x3cf: {  	s26 =	spop (v2sf);
	[smem:s18+$0xFFFFFFFE] =	sst s25  }
0x3d0: {  	s28 =	spop (v2sf);
	[smem:s18+$0xFFFFFFFF] =	sst s26  }
0x3d1: {  	s29 =	spop (v2sf);
	[smem:s18] =	sst s28  }
0x3d2: {  	s30 =	spop (v2sf);
	[smem:s18+$0x1] =	sst s29  }
0x3d3: {  	s31 =	spop (v2sf);
	[smem:s18+$0x2] =	sst s30  }
0x3d4: {  	s19 =	simm.s32 $0x0;
	[smem:s18+$0x3] =	sst s31;
	s18 =	simm.s32 $0x0  }
.LBB2_59:
0x3d5: {  	p0 =	sne.s32 s19, $0x3FC  }
.Ltmp31:
0x3d6: {  	s20 =	sshra.s32 s19, $0x2;
	(pc) =	sbr.rel @p0 .LBB2_59-.Ltmp31, $2  }
0x3d7: {  	s21 =	sld [smem:s20+$0x0];
	_ =	sdelay $0x2  }
0x3d8: {  	s19 =	sadd.s32 $0x4, s19;
	[smem:s20] =	sst s18;
	s18 =	sadd.s32 s18, s21  }
0x3d9: {  	s19 =	simm.s32 $0x18040  }
0x3da: {  	v7 =	vld [tilespmem:s19+$0x30]  }
0x3db: {  	v9 =	vld [tilespmem:s19+$0xFFFFFFD0]  }
0x3dc: {  	v10 =	vld [tilespmem:s19+$0xFFFFFFE0]  }
0x3dd: {  	v13 =	vld [tilespmem:s19+$0xFFFFFFF0]  }
0x3de: {  	v14 =	vld [tilespmem:s19+$0x0]  }
0x3df: {  	v15 =	vld [tilespmem:s19+$0x10];
	(xrf0) =	vadd.scan.msk.s32 $0xffff, v7  }
0x3e0: {  	v16 =	vld [tilespmem:s19+$0x20];
	(xrf0) =	vadd.scan.msk.s32 $0xffff, v9  }
0x3e1: {  	v17 =	vld [tilespmem:s19+$0xFFFFFFC0];
	(xrf0) =	vadd.scan.msk.s32 $0xffff, v10  }
0x3e2: {  	s18 =	simm.s32 $0x180C0;
	(xrf0) =	vadd.scan.msk.s32 $0xffff, v13  }
0x3e3: {  	v11 =	vld [tilespmem:s18+$0x30];
	(xrf0) =	vadd.scan.msk.s32 $0xffff, v14  }
0x3e4: {  	s21 =	sld [smem:$0x7];
	(xrf0) =	vadd.scan.msk.s32 $0xffff, v15  }
0x3e5: {  	v12 =	vld [tilespmem:s18+$0xFFFFFFD0];
	s20 =	sld [smem:$0x0];
	(xrf0) =	vadd.scan.msk.s32 $0xffff, v16;
	v8, _, _ =	vpop (xrf0)  }
0x3e6: {  	v6 =	vld [tilespmem:s18+$0xFFFFFFE0];
	s22 =	sld [smem:$0x1];
	(xrf0) =	vadd.scan.msk.s32 $0xffff, v17;
	v18, _, _ =	vpop (xrf0);
	v7 =	vsub.s32 v8, v7  }
0x3e7: {  	v5 =	vld [tilespmem:s18+$0xFFFFFFF0];
	s23 =	sld [smem:$0x2];
	v19, _, _ =	vpop (xrf0);
	v7 =	vadd.s32 s21, v7  }
0x3e8: {  	v8 =	vld [tilespmem:s18+$0x0];
	v18 =	vsub.s32 v18, v9;
	s30 =	sld [smem:$0x3];
	[tilespmem:s19+$0x30] =	vst v7;
	v20, _, _ =	vpop (xrf0);
	(xrf0) =	vadd.scan.msk.s32 $0xffff, v11  }
0x3e9: {  	v9 =	vld [tilespmem:s18+$0x10];
	v10 =	vsub.s32 v19, v10;
	v18 =	vadd.s32 s22, v18;
	s31 =	sld [smem:$0x4];
	v61, _, _ =	vpop (xrf0)  }
0x3ea: {  	(xrf0) =	vadd.scan.msk.s32 $0xffff, v12;
	[tilespmem:s19+$0xFFFFFFD0] =	vst v18;
	v10 =	vadd.s32 s23, v10;
	v14 =	vsub.s32 v61, v14  }
0x3eb: {  	v7 =	vld [tilespmem:s18+$0x20];
	v13 =	vsub.s32 v20, v13;
	s25 =	sld [smem:$0x5];
	v62, _, _ =	vpop (xrf0);
	[tilespmem:s19+$0xFFFFFFE0] =	vst v10;
	(xrf0) =	vadd.scan.msk.s32 $0xffff, v6  }
0x3ec: {  	v10 =	vld [tilespmem:s18+$0xFFFFFFC0];
	v13 =	vadd.s32 s30, v13;
	s24 =	sld [smem:$0x6];
	v15 =	vsub.s32 v62, v15;
	v63, _, _ =	vpop (xrf0)  }
0x3ed: {  	(xrf0) =	vadd.scan.msk.s32 $0xffff, v5;
	[tilespmem:s19+$0xFFFFFFF0] =	vst v13;
	v19 =	vadd.s32 s31, v14;
	v13 =	vsub.s32 v63, v16;
	v14, _, _ =	vpop (xrf0)  }
0x3ee: {  	s21 =	simm.s32 $0xC;
	s22 =	simm.s32 $0x8;
	s23 =	simm.s32 $0x18140;
	(xrf0) =	vadd.scan.msk.s32 $0xffff, v8;
	[tilespmem:s19+$0x0] =	vst v19;
	v14 =	vsub.s32 v14, v17;
	v15 =	vadd.s32 s25, v15  }
.LBB2_61:
0x3ef: {  	v19 =	vadd.s32 s20, v14  }
0x3f0: {  	v13 =	vadd.s32 s24, v13  }
0x3f1: {  	v16 =	vld [tilespmem:s23+$0x30];
	s22 =	sadd.s32 $0x8, s22;
	s25 =	sld [smem:s21+$0x3];
	(xrf0) =	vadd.scan.msk.s32 $0xffff, v9;
	[tilespmem:s19+$0x10] =	vst v15;
	v15 =	vmov v6  }
0x3f2: {  	v14 =	vmov v5;
	v17 =	vld [tilespmem:s23+$0xFFFFFFD0];
	p0 =	slt.u32 s22, $0xF8;
	s20 =	sld [smem:s21+$0xFFFFFFFC];
	(xrf0) =	vadd.scan.msk.s32 $0xffff, v7;
	v18, _, _ =	vpop (xrf0);
	[tilespmem:s19+$0xFFFFFFC0] =	vst v19;
	v19 =	vmov v8  }
0x3f3: {  	v8 =	vsub.s32 v18, v11;
	v6 =	vld [tilespmem:s23+$0xFFFFFFE0];
	s24 =	sld [smem:s21+$0xFFFFFFFD];
	(xrf0) =	vadd.scan.msk.s32 $0xffff, v10;
	v11, _, _ =	vpop (xrf0);
	[tilespmem:s19+$0x20] =	vst v13;
	v13 =	vmov v9;
	s19 =	smov.u32 s18;
	s18 =	smov.u32 s23  }
0x3f4: {  	v18 =	vmov v7;
	v9 =	vadd.s32 s25, v8;
	v5 =	vld [tilespmem:s23+$0xFFFFFFF0];
	v21 =	vsub.s32 v11, v12;
	s26 =	sld [smem:s21+$0xFFFFFFFE];
	v12, _, _ =	vpop (xrf0)  }
0x3f5: {  	v8 =	vld [tilespmem:s23+$0x0];
	v12 =	vsub.s32 v12, v15;
	s25 =	sld [smem:s21+$0xFFFFFFFF];
	[tilespmem:s19+$0x30] =	vst v9;
	v7, _, _ =	vpop (xrf0);
	v15 =	vmov v10  }
.Ltmp32:
0x3f6: {  	v11 =	vmov v16;
	v9 =	vld [tilespmem:s23+$0x10];
	(xrf0) =	vadd.scan.msk.s32 $0xffff, v16;
	v10 =	vadd.s32 s24, v21;
	v14 =	vsub.s32 v7, v14;
	s28 =	sld [smem:s21+$0x0];
	v20, _, _ =	vpop (xrf0);
	(pc) =	sbr.rel @p0 .LBB2_61-.Ltmp32, $4  }
0x3f7: {  	v7 =	vld [tilespmem:s23+$0x20];
	(xrf0) =	vadd.scan.msk.s32 $0xffff, v17;
	[tilespmem:s19+$0xFFFFFFD0] =	vst v10;
	v12 =	vadd.s32 s26, v12;
	v16 =	vsub.s32 v20, v19;
	s26 =	sld [smem:s21+$0x1];
	v19, _, _ =	vpop (xrf0)  }
0x3f8: {  	v10 =	vld [tilespmem:s23+$0xFFFFFFC0];
	(xrf0) =	vadd.scan.msk.s32 $0xffff, v6;
	[tilespmem:s19+$0xFFFFFFE0] =	vst v12;
	v20 =	vadd.s32 s25, v14;
	v19 =	vsub.s32 v19, v13;
	s24 =	sld [smem:s21+$0x2];
	v13, _, _ =	vpop (xrf0)  }
0x3f9: {  	(xrf0) =	vadd.scan.msk.s32 $0xffff, v5;
	[tilespmem:s19+$0xFFFFFFF0] =	vst v20;
	v16 =	vadd.s32 s28, v16;
	v13 =	vsub.s32 v13, v18;
	v14, _, _ =	vpop (xrf0)  }
0x3fa: {  	s23 =	sadd.s32 $0x80, s23;
	s21 =	sadd.s32 $0x8, s21;
	(xrf0) =	vadd.scan.msk.s32 $0xffff, v8;
	v14 =	vsub.s32 v14, v15;
	[tilespmem:s19+$0x0] =	vst v16;
	v15 =	vadd.s32 s26, v19;
	v12 =	vmovc v17  }
0x3fb: {  	s22 =	sld [smem:s21+$0x3]  }
0x3fc: {  	s25 =	sld [smem:s21+$0xFFFFFFFD];
	v16, _, _ =	vpop (xrf0);
	(xrf0) =	vadd.scan.msk.s32 $0xffff, v9  }
0x3fd: {  	s26 =	sld [smem:s21+$0xFFFFFFFE];
	[tilespmem:s19+$0x10] =	vst v15;
	v14 =	vadd.s32 s20, v14;
	v11 =	vsub.s32 v16, v11;
	(xrf0) =	vadd.scan.msk.s32 $0xffff, v7;
	v57, _, _ =	vpop (xrf0)  }
0x3fe: {  	s23 =	sld [smem:s21+$0xFFFFFFFC];
	[tilespmem:s19+$0xFFFFFFC0] =	vst v14;
	v11 =	vadd.s32 s22, v11;
	v12 =	vsub.s32 v57, v12;
	(xrf0) =	vadd.scan.msk.s32 $0xffff, v10;
	v58, _, _ =	vpop (xrf0)  }
0x3ff: {  	s28 =	sld [smem:s21+$0xFFFFFFFF];
	[tilespmem:s18+$0x30] =	vst v11;
	v12 =	vadd.s32 s25, v12;
	v6 =	vsub.s32 v58, v6;
	v59, _, _ =	vpop (xrf0)  }
0x400: {  	s29 =	sld [smem:s21+$0x0];
	[tilespmem:s18+$0xFFFFFFD0] =	vst v12;
	v60, _, _ =	vpop (xrf0);
	v6 =	vadd.s32 s26, v6  }
0x401: {  	v13 =	vadd.s32 s24, v13;
	v5 =	vsub.s32 v59, v5;
	s30 =	sld [smem:s21+$0x1];
	[tilespmem:s18+$0xFFFFFFE0] =	vst v6;
	v6 =	vsub.s32 v60, v8  }
0x402: {  	[tilespmem:s19+$0x20] =	vst v13;
	v5 =	vadd.s32 s28, v5;
	v61, _, _ =	vpop (xrf0);
	s31 =	sld [smem:s21+$0x2]  }
0x403: {  	p1 =	por $0x1, $0x1;
	[tilespmem:s18+$0xFFFFFFF0] =	vst v5;
	v62, _, _ =	vpop (xrf0);
	v63 =	vsub.s32 v61, v9;
	v5 =	vadd.s32 s29, v6  }
.Ltmp33:
0x404: {  	v6, _, _ =	vpop (xrf0);
	[tilespmem:s18+$0x0] =	vst v5;
	v5 =	vadd.s32 s30, v63;
	v7 =	vsub.s32 v62, v7;
	(pc) =	sbr.rel @!p1 .LBB2_63-.Ltmp33, $4  }
0x405: {  	v6 =	vsub.s32 v6, v10;
	[tilespmem:s18+$0x10] =	vst v5;
	v5 =	vadd.s32 s31, v7  }
0x406: {  	v6 =	vadd.s32 s23, v6;
	[tilespmem:s18+$0x20] =	vst v5  }
0x407: {  	[tilespmem:s18+$0xFFFFFFC0] =	vst v6;
	s18 =	simm.s32 $0x0  }
0x408: {  	p0 =	por $0x0, $0x0;
	v5 =	vld [tilespmem:s18+$0x19000]  }
0x409: {  	_ =	sdelay $0x7  }
0x40a: {  	v6 =	vld.idx.msk [tilespmem:v5+s11+$0x0], $0xffff  }
0x40b: {  	[tilespmem:v5+s11+$0x0] =	vst.idx.add.s32.msk $0xffff, v2  }
0x40c: {  	v5 =	vld [tilespmem:s18+$0x19010];
	_ =	sdelay $0x3  }
0x40d: {  	v7 =	vshll.u32 v6, $0x4  }
0x40e: {  	v6 =	vshrl.u32 v6, $0xB;
	v7 =	vand.u32 $0x7FF0, v7  }
0x40f: {  	v6 =	vor.u32 v6, v7  }
0x410: {  	[tilespmem:s18+$0x19000] =	vst v6  }
0x411: {  	v6 =	vld.idx.msk [tilespmem:v5+s11+$0x0], $0xffff  }
0x412: {  	[tilespmem:v5+s11+$0x0] =	vst.idx.add.s32.msk $0xffff, v2  }
0x413: {  	v5 =	vld [tilespmem:s18+$0x19020];
	_ =	sdelay $0x3  }
0x414: {  	v7 =	vshll.u32 v6, $0x4  }
0x415: {  	v6 =	vshrl.u32 v6, $0xB;
	v7 =	vand.u32 $0x7FF0, v7  }
0x416: {  	v6 =	vor.u32 v6, v7  }
0x417: {  	[tilespmem:s18+$0x19010] =	vst v6  }
0x418: {  	v6 =	vld.idx.msk [tilespmem:v5+s11+$0x0], $0xffff  }
0x419: {  	[tilespmem:v5+s11+$0x0] =	vst.idx.add.s32.msk $0xffff, v2  }
0x41a: {  	v5 =	vld [tilespmem:s18+$0x19030];
	_ =	sdelay $0x3  }
0x41b: {  	v7 =	vshll.u32 v6, $0x4  }
0x41c: {  	v6 =	vshrl.u32 v6, $0xB;
	v7 =	vand.u32 $0x7FF0, v7  }
0x41d: {  	v6 =	vor.u32 v6, v7  }
0x41e: {  	[tilespmem:s18+$0x19020] =	vst v6  }
0x41f: {  	v6 =	vld.idx.msk [tilespmem:v5+s11+$0x0], $0xffff  }
0x420: {  	[tilespmem:v5+s11+$0x0] =	vst.idx.add.s32.msk $0xffff, v2  }
0x421: {  	v5 =	vld [tilespmem:s18+$0x19040];
	_ =	sdelay $0x3  }
0x422: {  	v7 =	vshll.u32 v6, $0x4  }
0x423: {  	v6 =	vshrl.u32 v6, $0xB;
	v7 =	vand.u32 $0x7FF0, v7  }
0x424: {  	v6 =	vor.u32 v6, v7  }
0x425: {  	[tilespmem:s18+$0x19030] =	vst v6  }
0x426: {  	v6 =	vld.idx.msk [tilespmem:v5+s11+$0x0], $0xffff  }
0x427: {  	[tilespmem:v5+s11+$0x0] =	vst.idx.add.s32.msk $0xffff, v2  }
0x428: {  	v5 =	vld [tilespmem:s18+$0x19050];
	_ =	sdelay $0x3  }
0x429: {  	v7 =	vshll.u32 v6, $0x4  }
0x42a: {  	v6 =	vshrl.u32 v6, $0xB;
	v7 =	vand.u32 $0x7FF0, v7  }
0x42b: {  	v6 =	vor.u32 v6, v7  }
0x42c: {  	[tilespmem:s18+$0x19040] =	vst v6  }
0x42d: {  	v6 =	vld.idx.msk [tilespmem:v5+s11+$0x0], $0xffff  }
0x42e: {  	[tilespmem:v5+s11+$0x0] =	vst.idx.add.s32.msk $0xffff, v2  }
0x42f: {  	v5 =	vld [tilespmem:s18+$0x19060];
	_ =	sdelay $0x3  }
0x430: {  	v7 =	vshll.u32 v6, $0x4  }
0x431: {  	v6 =	vshrl.u32 v6, $0xB;
	v7 =	vand.u32 $0x7FF0, v7  }
0x432: {  	v6 =	vor.u32 v6, v7  }
0x433: {  	[tilespmem:s18+$0x19050] =	vst v6  }
0x434: {  	v6 =	vld.idx.msk [tilespmem:v5+s11+$0x0], $0xffff  }
0x435: {  	[tilespmem:v5+s11+$0x0] =	vst.idx.add.s32.msk $0xffff, v2  }
0x436: {  	v5 =	vld [tilespmem:s18+$0x19070];
	_ =	sdelay $0x3  }
0x437: {  	v7 =	vshll.u32 v6, $0x4  }
0x438: {  	v6 =	vshrl.u32 v6, $0xB;
	v7 =	vand.u32 $0x7FF0, v7  }
0x439: {  	v6 =	vor.u32 v6, v7  }
0x43a: {  	[tilespmem:s18+$0x19060] =	vst v6  }
0x43b: {  	v6 =	vld.idx.msk [tilespmem:v5+s11+$0x0], $0xffff  }
0x43c: {  	s21 =	simm.s32 $0x80;
	[tilespmem:v5+s11+$0x0] =	vst.idx.add.s32.msk $0xffff, v2  }
0x43d: {  	v5 =	vld [tilespmem:s21+$0x19000]  }
0x43e: {  	p1 =	por $0x1, $0x1  }
.Ltmp34:
0x43f: {  	_ = 	snop;
	(pc) =	sbr.rel @!p1 .LBB2_65-.Ltmp34, $4  }
0x440: {  	_ = 	snop  }
0x441: {  	v7 =	vshll.u32 v6, $0x4  }
0x442: {  	v6 =	vshrl.u32 v6, $0xB;
	v7 =	vand.u32 $0x7FF0, v7  }
0x443: {  	s19 =	simm.s32 $0x400;
	p0 =	por $0x1, $0x1;
	v6 =	vor.u32 v6, v7  }
.LBB2_66:
0x444: {  	p1 =	sne.s32 s19, $0x17E00;
	[tilespmem:s18+$0x19070] =	vst v6;
	s20 =	smov.u32 s19;
	s19 =	sadd.s32 $0x200, s19  }
0x445: {  	s18 =	smov.u32 s21;
	v6 =	vld.idx.msk [tilespmem:v5+s11+$0x0], $0xffff  }
0x446: {  	[tilespmem:v5+s11+$0x0] =	vst.idx.add.s32.msk $0xffff, v2  }
0x447: {  	v5 =	vld [tilespmem:s18+$0x19010];
	_ =	sdelay $0x3  }
0x448: {  	v7 =	vshll.u32 v6, $0x4  }
0x449: {  	v6 =	vshrl.u32 v6, $0xB;
	v7 =	vand.u32 $0x7FF0, v7  }
0x44a: {  	v6 =	vor.u32 v6, v7  }
0x44b: {  	[tilespmem:s18+$0x19000] =	vst v6  }
0x44c: {  	v6 =	vld.idx.msk [tilespmem:v5+s11+$0x0], $0xffff  }
0x44d: {  	[tilespmem:v5+s11+$0x0] =	vst.idx.add.s32.msk $0xffff, v2  }
0x44e: {  	v5 =	vld [tilespmem:s18+$0x19020];
	_ =	sdelay $0x3  }
0x44f: {  	v7 =	vshll.u32 v6, $0x4  }
0x450: {  	v6 =	vshrl.u32 v6, $0xB;
	v7 =	vand.u32 $0x7FF0, v7  }
0x451: {  	v6 =	vor.u32 v6, v7  }
0x452: {  	[tilespmem:s18+$0x19010] =	vst v6  }
0x453: {  	v6 =	vld.idx.msk [tilespmem:v5+s11+$0x0], $0xffff  }
0x454: {  	[tilespmem:v5+s11+$0x0] =	vst.idx.add.s32.msk $0xffff, v2  }
0x455: {  	v5 =	vld [tilespmem:s18+$0x19030];
	_ =	sdelay $0x3  }
0x456: {  	v7 =	vshll.u32 v6, $0x4  }
0x457: {  	v6 =	vshrl.u32 v6, $0xB;
	v7 =	vand.u32 $0x7FF0, v7  }
0x458: {  	v6 =	vor.u32 v6, v7  }
0x459: {  	[tilespmem:s18+$0x19020] =	vst v6  }
0x45a: {  	v6 =	vld.idx.msk [tilespmem:v5+s11+$0x0], $0xffff  }
0x45b: {  	[tilespmem:v5+s11+$0x0] =	vst.idx.add.s32.msk $0xffff, v2  }
0x45c: {  	v5 =	vld [tilespmem:s18+$0x19040];
	_ =	sdelay $0x3  }
0x45d: {  	v7 =	vshll.u32 v6, $0x4  }
0x45e: {  	v6 =	vshrl.u32 v6, $0xB;
	v7 =	vand.u32 $0x7FF0, v7  }
0x45f: {  	v6 =	vor.u32 v6, v7  }
0x460: {  	[tilespmem:s18+$0x19030] =	vst v6  }
0x461: {  	v6 =	vld.idx.msk [tilespmem:v5+s11+$0x0], $0xffff  }
0x462: {  	[tilespmem:v5+s11+$0x0] =	vst.idx.add.s32.msk $0xffff, v2  }
0x463: {  	v5 =	vld [tilespmem:s18+$0x19050];
	_ =	sdelay $0x3  }
0x464: {  	v7 =	vshll.u32 v6, $0x4  }
0x465: {  	v6 =	vshrl.u32 v6, $0xB;
	v7 =	vand.u32 $0x7FF0, v7  }
0x466: {  	v6 =	vor.u32 v6, v7  }
0x467: {  	[tilespmem:s18+$0x19040] =	vst v6  }
0x468: {  	v6 =	vld.idx.msk [tilespmem:v5+s11+$0x0], $0xffff  }
0x469: {  	[tilespmem:v5+s11+$0x0] =	vst.idx.add.s32.msk $0xffff, v2  }
0x46a: {  	v5 =	vld [tilespmem:s18+$0x19060];
	_ =	sdelay $0x3  }
0x46b: {  	v7 =	vshll.u32 v6, $0x4  }
0x46c: {  	v6 =	vshrl.u32 v6, $0xB;
	v7 =	vand.u32 $0x7FF0, v7  }
0x46d: {  	v6 =	vor.u32 v6, v7  }
0x46e: {  	[tilespmem:s18+$0x19050] =	vst v6  }
0x46f: {  	v6 =	vld.idx.msk [tilespmem:v5+s11+$0x0], $0xffff  }
0x470: {  	[tilespmem:v5+s11+$0x0] =	vst.idx.add.s32.msk $0xffff, v2  }
0x471: {  	v5 =	vld [tilespmem:s18+$0x19070];
	_ =	sdelay $0x3  }
0x472: {  	v7 =	vshll.u32 v6, $0x4  }
0x473: {  	v6 =	vshrl.u32 v6, $0xB;
	v7 =	vand.u32 $0x7FF0, v7  }
0x474: {  	v6 =	vor.u32 v6, v7  }
0x475: {  	[tilespmem:s18+$0x19060] =	vst v6  }
0x476: {  	v6 =	vld.idx.msk [tilespmem:v5+s11+$0x0], $0xffff  }
0x477: {  	s21 =	sshra.s32 s20, $0x2;
	[tilespmem:v5+s11+$0x0] =	vst.idx.add.s32.msk $0xffff, v2  }
0x478: {  	v5 =	vld [tilespmem:s21+$0x19000];
	_ =	sdelay $0x1  }
.Ltmp35:
0x479: {  	(pc) =	sbr.rel @p1 .LBB2_66-.Ltmp35, $4  }
0x47a: {  	_ = 	snop  }
0x47b: {  	v7 =	vshll.u32 v6, $0x4  }
0x47c: {  	v6 =	vshrl.u32 v6, $0xB;
	v7 =	vand.u32 $0x7FF0, v7  }
0x47d: {  	v6 =	vor.u32 v6, v7  }
0x47e: {  	s19 =	smov.u32 s18;
	s18 =	smov.u32 s21  }
.LBB2_68:
0x47f: {  	_ =	sdelay $0x2  }
0x480: {  	[tilespmem:s19+$0x19070] =	vst @p0 v6  }
0x481: {  	v6 =	vld.idx.msk [tilespmem:v5+s11+$0x0], $0xffff  }
0x482: {  	[tilespmem:v5+s11+$0x0] =	vst.idx.add.s32.msk $0xffff, v2  }
0x483: {  	v5 =	vld [tilespmem:s18+$0x19010];
	_ =	sdelay $0x3  }
0x484: {  	v7 =	vshll.u32 v6, $0x4  }
0x485: {  	v6 =	vshrl.u32 v6, $0xB;
	v7 =	vand.u32 $0x7FF0, v7  }
0x486: {  	v6 =	vor.u32 v6, v7  }
0x487: {  	[tilespmem:s18+$0x19000] =	vst v6  }
0x488: {  	v6 =	vld.idx.msk [tilespmem:v5+s11+$0x0], $0xffff  }
0x489: {  	[tilespmem:v5+s11+$0x0] =	vst.idx.add.s32.msk $0xffff, v2  }
0x48a: {  	v5 =	vld [tilespmem:s18+$0x19020];
	_ =	sdelay $0x3  }
0x48b: {  	v7 =	vshll.u32 v6, $0x4  }
0x48c: {  	v6 =	vshrl.u32 v6, $0xB;
	v7 =	vand.u32 $0x7FF0, v7  }
0x48d: {  	v6 =	vor.u32 v6, v7  }
0x48e: {  	[tilespmem:s18+$0x19010] =	vst v6  }
0x48f: {  	v6 =	vld.idx.msk [tilespmem:v5+s11+$0x0], $0xffff  }
0x490: {  	[tilespmem:v5+s11+$0x0] =	vst.idx.add.s32.msk $0xffff, v2  }
0x491: {  	v5 =	vld [tilespmem:s18+$0x19030];
	_ =	sdelay $0x3  }
0x492: {  	v7 =	vshll.u32 v6, $0x4  }
0x493: {  	v6 =	vshrl.u32 v6, $0xB;
	v7 =	vand.u32 $0x7FF0, v7  }
0x494: {  	v6 =	vor.u32 v6, v7  }
0x495: {  	[tilespmem:s18+$0x19020] =	vst v6  }
0x496: {  	v6 =	vld.idx.msk [tilespmem:v5+s11+$0x0], $0xffff  }
0x497: {  	[tilespmem:v5+s11+$0x0] =	vst.idx.add.s32.msk $0xffff, v2  }
0x498: {  	v5 =	vld [tilespmem:s18+$0x19040];
	_ =	sdelay $0x3  }
0x499: {  	v7 =	vshll.u32 v6, $0x4  }
0x49a: {  	v6 =	vshrl.u32 v6, $0xB;
	v7 =	vand.u32 $0x7FF0, v7  }
0x49b: {  	v6 =	vor.u32 v6, v7  }
0x49c: {  	[tilespmem:s18+$0x19030] =	vst v6  }
0x49d: {  	v6 =	vld.idx.msk [tilespmem:v5+s11+$0x0], $0xffff  }
0x49e: {  	[tilespmem:v5+s11+$0x0] =	vst.idx.add.s32.msk $0xffff, v2  }
0x49f: {  	v5 =	vld [tilespmem:s18+$0x19050];
	_ =	sdelay $0x3  }
0x4a0: {  	v7 =	vshll.u32 v6, $0x4  }
0x4a1: {  	v6 =	vshrl.u32 v6, $0xB;
	v7 =	vand.u32 $0x7FF0, v7  }
0x4a2: {  	v6 =	vor.u32 v6, v7  }
0x4a3: {  	[tilespmem:s18+$0x19040] =	vst v6  }
0x4a4: {  	v6 =	vld.idx.msk [tilespmem:v5+s11+$0x0], $0xffff  }
0x4a5: {  	[tilespmem:v5+s11+$0x0] =	vst.idx.add.s32.msk $0xffff, v2  }
0x4a6: {  	v5 =	vld [tilespmem:s18+$0x19060];
	_ =	sdelay $0x3  }
0x4a7: {  	v7 =	vshll.u32 v6, $0x4  }
0x4a8: {  	v6 =	vshrl.u32 v6, $0xB;
	v7 =	vand.u32 $0x7FF0, v7  }
0x4a9: {  	v6 =	vor.u32 v6, v7  }
0x4aa: {  	[tilespmem:s18+$0x19050] =	vst v6  }
0x4ab: {  	v6 =	vld.idx.msk [tilespmem:v5+s11+$0x0], $0xffff  }
0x4ac: {  	[tilespmem:v5+s11+$0x0] =	vst.idx.add.s32.msk $0xffff, v2  }
0x4ad: {  	v5 =	vld [tilespmem:s18+$0x19070];
	_ =	sdelay $0x3  }
0x4ae: {  	v7 =	vshll.u32 v6, $0x4  }
0x4af: {  	v6 =	vshrl.u32 v6, $0xB;
	v7 =	vand.u32 $0x7FF0, v7  }
0x4b0: {  	v6 =	vor.u32 v6, v7  }
0x4b1: {  	[tilespmem:s18+$0x19060] =	vst v6  }
0x4b2: {  	v6 =	vld.idx.msk [tilespmem:v5+s11+$0x0], $0xffff;
	_ =	sdelay $0x4  }
0x4b3: {  	v7 =	vshll.u32 v6, $0x4  }
0x4b4: {  	v6 =	vshrl.u32 v6, $0xB;
	v7 =	vand.u32 $0x7FF0, v7  }
0x4b5: {  	[tilespmem:v5+s11+$0x0] =	vst.idx.add.s32.msk $0xffff, v2;
	v5 =	vor.u32 v6, v7  }
0x4b6: {  	s31 =	simm.s32 $0x19040;
	[tilespmem:s18+$0x19070] =	vst v5  }
0x4b7: {  	v12 =	vld [tilespmem:s31+$0x30]  }
0x4b8: {  	v15 =	vld [tilespmem:s31+$0xFFFFFFD0]  }
0x4b9: {  	s18 =	simm.s32 $0x10040;
	v5 =	vld [tilespmem:s31+$0xFFFFFFE0]  }
0x4ba: {  	v17 =	vld [tilespmem:s18+$0x30]  }
0x4bb: {  	v9 =	vld [tilespmem:s31+$0xFFFFFFF0]  }
0x4bc: {  	v7 =	vld [tilespmem:s31+$0x0]  }
0x4bd: {  	v8 =	vld [tilespmem:s31+$0x10]  }
0x4be: {  	v6 =	vld [tilespmem:s31+$0x20]  }
0x4bf: {  	v10 =	vld [tilespmem:s31+$0xFFFFFFC0]  }
0x4c0: {  	v13 =	vld [tilespmem:s18+$0xFFFFFFC0]  }
0x4c1: {  	v18 =	vld [tilespmem:s18+$0xFFFFFFD0]  }
0x4c2: {  	v16 =	vld [tilespmem:s18+$0xFFFFFFE0]  }
0x4c3: {  	v14 =	vld [tilespmem:s18+$0xFFFFFFF0]  }
0x4c4: {  	v11 =	vld [tilespmem:s18+$0x0]  }
0x4c5: {  	[tilespmem:v12+s13+$0x0] =	vst.idx.msk $0xffff, v17;
	v12 =	vld [tilespmem:s18+$0x10]  }
0x4c6: {  	s20 =	simm.s32 $0x0;
	s21 =	simm.s32 $0x190C0;
	[tilespmem:v15+s13+$0x0] =	vst.idx.msk $0xffff, v18;
	v15 =	vld [tilespmem:s18+$0x20]  }
.LBB2_69:
0x4c7: {  	v17 =	vld [tilespmem:s21+$0x30];
	s20 =	sadd.s32 $0x8, s20;
	[tilespmem:v10+s13+$0x0] =	vst.idx.msk $0xffff, v13  }
0x4c8: {  	v18 =	vld [tilespmem:s21+$0xFFFFFFD0];
	p0 =	slt.u32 s20, $0x5F8;
	[tilespmem:v5+s13+$0x0] =	vst.idx.msk $0xffff, v16  }
0x4c9: {  	s18 =	sadd.s32 $0x80, s18;
	v5 =	vld [tilespmem:s21+$0xFFFFFFE0];
	[tilespmem:v9+s13+$0x0] =	vst.idx.msk $0xffff, v14  }
0x4ca: {  	v13 =	vld [tilespmem:s18+$0x30];
	[tilespmem:v7+s13+$0x0] =	vst.idx.msk $0xffff, v11  }
0x4cb: {  	v9 =	vld [tilespmem:s21+$0xFFFFFFF0];
	[tilespmem:v8+s13+$0x0] =	vst.idx.msk $0xffff, v12  }
0x4cc: {  	v7 =	vld [tilespmem:s21+$0x0];
	[tilespmem:v6+s13+$0x0] =	vst.idx.msk $0xffff, v15  }
0x4cd: {  	v8 =	vld [tilespmem:s21+$0x10]  }
0x4ce: {  	v6 =	vld [tilespmem:s21+$0x20]  }
0x4cf: {  	s19 =	simm.s32 $0x0;
	v10 =	vld [tilespmem:s21+$0xFFFFFFC0];
	[tilespmem:v17+s13+$0x0] =	vst.idx.msk $0xffff, v13  }
0x4d0: {  	v13 =	vld [tilespmem:s18+$0xFFFFFFC0]  }
0x4d1: {  	v15 =	vld [tilespmem:s18+$0xFFFFFFD0]  }
.Ltmp36:
0x4d2: {  	v16 =	vld [tilespmem:s18+$0xFFFFFFE0];
	(pc) =	sbr.rel @p0 .LBB2_69-.Ltmp36, $4  }
0x4d3: {  	v14 =	vld [tilespmem:s18+$0xFFFFFFF0]  }
0x4d4: {  	v11 =	vld [tilespmem:s18+$0x0]  }
0x4d5: {  	v12 =	vld [tilespmem:s18+$0x10]  }
0x4d6: {  	s21 =	sadd.s32 $0x80, s21;
	[tilespmem:v18+s13+$0x0] =	vst.idx.msk $0xffff, v15;
	v15 =	vld [tilespmem:s18+$0x20]  }
0x4d7: {  	_ =	sdelay $0x3  }
0x4d8: {  	[tilespmem:v10+s13+$0x0] =	vst.idx.msk $0xffff, v13  }
0x4d9: {  	[tilespmem:v5+s13+$0x0] =	vst.idx.msk $0xffff, v16  }
0x4da: {  	[tilespmem:v9+s13+$0x0] =	vst.idx.msk $0xffff, v14  }
0x4db: {  	[tilespmem:v7+s13+$0x0] =	vst.idx.msk $0xffff, v11  }
0x4dc: {  	[tilespmem:v8+s13+$0x0] =	vst.idx.msk $0xffff, v12  }
0x4dd: {  	s18 =	simm.s32 $0x0;
	[tilespmem:v6+s13+$0x0] =	vst.idx.msk $0xffff, v15  }
0x4de: {  	v5 =	vld [tilespmem:s18+$0x16070]  }
0x4df: {  	v6 =	vld [tilespmem:s18+$0x16000]  }
0x4e0: {  	v7 =	vld [tilespmem:s18+$0x16010]  }
0x4e1: {  	v8 =	vld [tilespmem:s18+$0x16020]  }
0x4e2: {  	v12 =	vld [tilespmem:s18+$0x16030]  }
0x4e3: {  	v13 =	vld [tilespmem:s18+$0x16040]  }
0x4e4: {  	v14 =	vld [tilespmem:s18+$0x16050]  }
0x4e5: {  	v9 =	vld [tilespmem:s18+$0x16060]  }
0x4e6: {  	v15 =	vld.idx.msk [tilespmem:v5+s19+$0x0], $0xffff  }
0x4e7: {  	v11 =	vld.idx.msk [tilespmem:v6+s19+$0x0], $0xffff  }
0x4e8: {  	v10 =	vld.idx.msk [tilespmem:v7+s19+$0x0], $0xffff  }
0x4e9: {  	v8 =	vld.idx.msk [tilespmem:v8+s19+$0x0], $0xffff  }
0x4ea: {  	v7 =	vld.idx.msk [tilespmem:v12+s19+$0x0], $0xffff  }
0x4eb: {  	v6 =	vld.idx.msk [tilespmem:v13+s19+$0x0], $0xffff  }
0x4ec: {  	s20 =	simm.s32 $0x0;
	s21 =	simm.s32 $0x200;
	v5 =	vld.idx.msk [tilespmem:v14+s19+$0x0], $0xffff;
	v12 =	vshrl.u32 v15, $0x4  }
.LBB2_71:
0x4ed: {  	s22 =	sshra.s32 s21, $0x2;
	s20 =	sadd.s32 $0x8, s20;
	v11 =	vshrl.u32 v11, $0x4;
	v9 =	vld.idx.msk [tilespmem:v9+s19+$0x0], $0xffff;
	v12 =	vand.u32 $0xFF0, v12  }
0x4ee: {  	v10 =	vshrl.u32 v10, $0x4;
	v13 =	vld [tilespmem:s22+$0x16070];
	p0 =	slt.u32 s20, $0x1F8;
	v11 =	vand.u32 $0xFF0, v11;
	v12 =	vor.u32 v1, v12  }
0x4ef: {  	v10 =	vand.u32 $0xFF0, v10;
	v8 =	vshrl.u32 v8, $0x4;
	v14 =	vld [tilespmem:s22+$0x16000];
	v11 =	vor.u32 v1, v11;
	[tilespmem:s18+$0x19070] =	vst v12  }
0x4f0: {  	v10 =	vor.u32 v1, v10;
	v8 =	vand.u32 $0xFF0, v8;
	v7 =	vshrl.u32 v7, $0x4;
	v12 =	vld [tilespmem:s22+$0x16010];
	[tilespmem:s18+$0x19000] =	vst v11  }
0x4f1: {  	v8 =	vor.u32 v1, v8;
	v7 =	vand.u32 $0xFF0, v7;
	v6 =	vshrl.u32 v6, $0x4;
	v15 =	vld [tilespmem:s22+$0x16020];
	[tilespmem:s18+$0x19010] =	vst v10  }
0x4f2: {  	v7 =	vor.u32 v1, v7;
	v6 =	vand.u32 $0xFF0, v6;
	v5 =	vshrl.u32 v5, $0x4;
	v16 =	vld [tilespmem:s22+$0x16030];
	[tilespmem:s18+$0x19020] =	vst v8  }
0x4f3: {  	v6 =	vor.u32 v1, v6;
	v5 =	vand.u32 $0xFF0, v5;
	v17 =	vld [tilespmem:s22+$0x16040];
	[tilespmem:s18+$0x19030] =	vst v7;
	v7 =	vshrl.u32 v9, $0x4  }
0x4f4: {  	v5 =	vor.u32 v1, v5;
	v18 =	vld [tilespmem:s22+$0x16050];
	[tilespmem:s18+$0x19040] =	vst v6;
	v6 =	vand.u32 $0xFF0, v7  }
0x4f5: {  	v9 =	vld [tilespmem:s22+$0x16060];
	[tilespmem:s18+$0x19050] =	vst v5;
	v5 =	vor.u32 v1, v6  }
0x4f6: {  	v13 =	vld.idx.msk [tilespmem:v13+s19+$0x0], $0xffff;
	[tilespmem:s18+$0x19060] =	vst v5;
	s18 =	smov.u32 s22  }
0x4f7: {  	v11 =	vld.idx.msk [tilespmem:v14+s19+$0x0], $0xffff  }
.Ltmp37:
0x4f8: {  	v10 =	vld.idx.msk [tilespmem:v12+s19+$0x0], $0xffff;
	(pc) =	sbr.rel @p0 .LBB2_71-.Ltmp37, $4  }
0x4f9: {  	v8 =	vld.idx.msk [tilespmem:v15+s19+$0x0], $0xffff  }
0x4fa: {  	v7 =	vld.idx.msk [tilespmem:v16+s19+$0x0], $0xffff  }
0x4fb: {  	v6 =	vld.idx.msk [tilespmem:v17+s19+$0x0], $0xffff  }
0x4fc: {  	s21 =	sadd.s32 $0x200, s21;
	v12 =	vshrl.u32 v13, $0x4;
	v5 =	vld.idx.msk [tilespmem:v18+s19+$0x0], $0xffff  }
0x4fd: {  	_ =	sdelay $0x2  }
0x4fe: {  	v11 =	vshrl.u32 v11, $0x4;
	v12 =	vand.u32 $0xFF0, v12  }
0x4ff: {  	v9 =	vld.idx.msk [tilespmem:v9+s19+$0x0], $0xffff;
	v10 =	vshrl.u32 v10, $0x4;
	v11 =	vand.u32 $0xFF0, v11;
	v12 =	vor.u32 v1, v12  }
0x500: {  	v10 =	vand.u32 $0xFF0, v10;
	v8 =	vshrl.u32 v8, $0x4;
	v11 =	vor.u32 v1, v11;
	[tilespmem:s18+$0x19070] =	vst v12  }
0x501: {  	v10 =	vor.u32 v1, v10;
	v8 =	vand.u32 $0xFF0, v8;
	v7 =	vshrl.u32 v7, $0x4;
	[tilespmem:s18+$0x19000] =	vst v11  }
0x502: {  	[tilespmem:s18+$0x19010] =	vst v10;
	v8 =	vor.u32 v1, v8;
	v7 =	vand.u32 $0xFF0, v7;
	v6 =	vshrl.u32 v6, $0x4  }
0x503: {  	[tilespmem:s18+$0x19020] =	vst v8;
	v7 =	vor.u32 v1, v7;
	v6 =	vand.u32 $0xFF0, v6;
	v5 =	vshrl.u32 v5, $0x4  }
0x504: {  	[tilespmem:s18+$0x19030] =	vst v7;
	v6 =	vor.u32 v1, v6;
	v5 =	vand.u32 $0xFF0, v5;
	v7 =	vshrl.u32 v9, $0x4  }
0x505: {  	[tilespmem:s18+$0x19040] =	vst v6;
	v5 =	vor.u32 v1, v5;
	v6 =	vand.u32 $0xFF0, v7  }
0x506: {  	[tilespmem:s18+$0x19050] =	vst v5;
	v5 =	vor.u32 v1, v6  }
0x507: {  	[tilespmem:s18+$0x19060] =	vst v5;
	s18 =	simm.s32 $0x0  }
0x508: {  	v5 =	vld [tilespmem:s18+$0x19000];
	_ =	sdelay $0x7  }
0x509: {  	v6 =	vld.idx.msk [tilespmem:v5+s11+$0x0], $0xffff  }
0x50a: {  	[tilespmem:v5+s11+$0x0] =	vst.idx.add.s32.msk $0xffff, v2  }
0x50b: {  	v5 =	vld [tilespmem:s18+$0x19010];
	_ =	sdelay $0x3  }
0x50c: {  	v7 =	vshll.u32 v6, $0x4  }
0x50d: {  	v6 =	vshrl.u32 v6, $0xB;
	v7 =	vand.u32 $0x7FF0, v7  }
0x50e: {  	v6 =	vor.u32 v6, v7  }
0x50f: {  	[tilespmem:s18+$0x19000] =	vst v6  }
0x510: {  	v6 =	vld.idx.msk [tilespmem:v5+s11+$0x0], $0xffff  }
0x511: {  	[tilespmem:v5+s11+$0x0] =	vst.idx.add.s32.msk $0xffff, v2  }
0x512: {  	v5 =	vld [tilespmem:s18+$0x19020];
	_ =	sdelay $0x3  }
0x513: {  	v7 =	vshll.u32 v6, $0x4  }
0x514: {  	v6 =	vshrl.u32 v6, $0xB;
	v7 =	vand.u32 $0x7FF0, v7  }
0x515: {  	v6 =	vor.u32 v6, v7  }
0x516: {  	[tilespmem:s18+$0x19010] =	vst v6  }
0x517: {  	v6 =	vld.idx.msk [tilespmem:v5+s11+$0x0], $0xffff  }
0x518: {  	[tilespmem:v5+s11+$0x0] =	vst.idx.add.s32.msk $0xffff, v2  }
0x519: {  	v5 =	vld [tilespmem:s18+$0x19030];
	_ =	sdelay $0x3  }
0x51a: {  	v7 =	vshll.u32 v6, $0x4  }
0x51b: {  	v6 =	vshrl.u32 v6, $0xB;
	v7 =	vand.u32 $0x7FF0, v7  }
0x51c: {  	v6 =	vor.u32 v6, v7  }
0x51d: {  	[tilespmem:s18+$0x19020] =	vst v6  }
0x51e: {  	v6 =	vld.idx.msk [tilespmem:v5+s11+$0x0], $0xffff  }
0x51f: {  	[tilespmem:v5+s11+$0x0] =	vst.idx.add.s32.msk $0xffff, v2  }
0x520: {  	v5 =	vld [tilespmem:s18+$0x19040];
	_ =	sdelay $0x3  }
0x521: {  	v7 =	vshll.u32 v6, $0x4  }
0x522: {  	v6 =	vshrl.u32 v6, $0xB;
	v7 =	vand.u32 $0x7FF0, v7  }
0x523: {  	v6 =	vor.u32 v6, v7  }
0x524: {  	[tilespmem:s18+$0x19030] =	vst v6  }
0x525: {  	v6 =	vld.idx.msk [tilespmem:v5+s11+$0x0], $0xffff  }
0x526: {  	[tilespmem:v5+s11+$0x0] =	vst.idx.add.s32.msk $0xffff, v2  }
0x527: {  	v5 =	vld [tilespmem:s18+$0x19050];
	_ =	sdelay $0x3  }
0x528: {  	v7 =	vshll.u32 v6, $0x4  }
0x529: {  	v6 =	vshrl.u32 v6, $0xB;
	v7 =	vand.u32 $0x7FF0, v7  }
0x52a: {  	v6 =	vor.u32 v6, v7  }
0x52b: {  	[tilespmem:s18+$0x19040] =	vst v6  }
0x52c: {  	v6 =	vld.idx.msk [tilespmem:v5+s11+$0x0], $0xffff  }
0x52d: {  	[tilespmem:v5+s11+$0x0] =	vst.idx.add.s32.msk $0xffff, v2  }
0x52e: {  	v5 =	vld [tilespmem:s18+$0x19060];
	_ =	sdelay $0x3  }
0x52f: {  	v7 =	vshll.u32 v6, $0x4  }
0x530: {  	v6 =	vshrl.u32 v6, $0xB;
	v7 =	vand.u32 $0x7FF0, v7  }
0x531: {  	v6 =	vor.u32 v6, v7  }
0x532: {  	[tilespmem:s18+$0x19050] =	vst v6  }
0x533: {  	v6 =	vld.idx.msk [tilespmem:v5+s11+$0x0], $0xffff  }
0x534: {  	[tilespmem:v5+s11+$0x0] =	vst.idx.add.s32.msk $0xffff, v2  }
0x535: {  	v5 =	vld [tilespmem:s18+$0x19070];
	_ =	sdelay $0x3  }
0x536: {  	v7 =	vshll.u32 v6, $0x4  }
0x537: {  	v6 =	vshrl.u32 v6, $0xB;
	v7 =	vand.u32 $0x7FF0, v7  }
0x538: {  	v6 =	vor.u32 v6, v7  }
0x539: {  	[tilespmem:s18+$0x19060] =	vst v6  }
0x53a: {  	v6 =	vld.idx.msk [tilespmem:v5+s11+$0x0], $0xffff  }
0x53b: {  	s21 =	simm.s32 $0x80;
	[tilespmem:v5+s11+$0x0] =	vst.idx.add.s32.msk $0xffff, v2  }
0x53c: {  	v5 =	vld [tilespmem:s21+$0x19000];
	_ =	sdelay $0x3  }
0x53d: {  	v7 =	vshll.u32 v6, $0x4  }
0x53e: {  	v6 =	vshrl.u32 v6, $0xB;
	v7 =	vand.u32 $0x7FF0, v7  }
0x53f: {  	s19 =	simm.s32 $0x400;
	v6 =	vor.u32 v6, v7  }
.LBB2_73:
0x540: {  	p0 =	sne.s32 s19, $0x7E00;
	[tilespmem:s18+$0x19070] =	vst v6;
	s20 =	smov.u32 s19;
	s19 =	sadd.s32 $0x200, s19  }
0x541: {  	s18 =	smov.u32 s21;
	v6 =	vld.idx.msk [tilespmem:v5+s11+$0x0], $0xffff  }
0x542: {  	[tilespmem:v5+s11+$0x0] =	vst.idx.add.s32.msk $0xffff, v2  }
0x543: {  	v5 =	vld [tilespmem:s18+$0x19010];
	_ =	sdelay $0x3  }
0x544: {  	v7 =	vshll.u32 v6, $0x4  }
0x545: {  	v6 =	vshrl.u32 v6, $0xB;
	v7 =	vand.u32 $0x7FF0, v7  }
0x546: {  	v6 =	vor.u32 v6, v7  }
0x547: {  	[tilespmem:s18+$0x19000] =	vst v6  }
0x548: {  	v6 =	vld.idx.msk [tilespmem:v5+s11+$0x0], $0xffff  }
0x549: {  	[tilespmem:v5+s11+$0x0] =	vst.idx.add.s32.msk $0xffff, v2  }
0x54a: {  	v5 =	vld [tilespmem:s18+$0x19020];
	_ =	sdelay $0x3  }
0x54b: {  	v7 =	vshll.u32 v6, $0x4  }
0x54c: {  	v6 =	vshrl.u32 v6, $0xB;
	v7 =	vand.u32 $0x7FF0, v7  }
0x54d: {  	v6 =	vor.u32 v6, v7  }
0x54e: {  	[tilespmem:s18+$0x19010] =	vst v6  }
0x54f: {  	v6 =	vld.idx.msk [tilespmem:v5+s11+$0x0], $0xffff  }
0x550: {  	[tilespmem:v5+s11+$0x0] =	vst.idx.add.s32.msk $0xffff, v2  }
0x551: {  	v5 =	vld [tilespmem:s18+$0x19030];
	_ =	sdelay $0x3  }
0x552: {  	v7 =	vshll.u32 v6, $0x4  }
0x553: {  	v6 =	vshrl.u32 v6, $0xB;
	v7 =	vand.u32 $0x7FF0, v7  }
0x554: {  	v6 =	vor.u32 v6, v7  }
0x555: {  	[tilespmem:s18+$0x19020] =	vst v6  }
0x556: {  	v6 =	vld.idx.msk [tilespmem:v5+s11+$0x0], $0xffff  }
0x557: {  	[tilespmem:v5+s11+$0x0] =	vst.idx.add.s32.msk $0xffff, v2  }
0x558: {  	v5 =	vld [tilespmem:s18+$0x19040];
	_ =	sdelay $0x3  }
0x559: {  	v7 =	vshll.u32 v6, $0x4  }
0x55a: {  	v6 =	vshrl.u32 v6, $0xB;
	v7 =	vand.u32 $0x7FF0, v7  }
0x55b: {  	v6 =	vor.u32 v6, v7  }
0x55c: {  	[tilespmem:s18+$0x19030] =	vst v6  }
0x55d: {  	v6 =	vld.idx.msk [tilespmem:v5+s11+$0x0], $0xffff  }
0x55e: {  	[tilespmem:v5+s11+$0x0] =	vst.idx.add.s32.msk $0xffff, v2  }
0x55f: {  	v5 =	vld [tilespmem:s18+$0x19050];
	_ =	sdelay $0x3  }
0x560: {  	v7 =	vshll.u32 v6, $0x4  }
0x561: {  	v6 =	vshrl.u32 v6, $0xB;
	v7 =	vand.u32 $0x7FF0, v7  }
0x562: {  	v6 =	vor.u32 v6, v7  }
0x563: {  	[tilespmem:s18+$0x19040] =	vst v6  }
0x564: {  	v6 =	vld.idx.msk [tilespmem:v5+s11+$0x0], $0xffff  }
0x565: {  	[tilespmem:v5+s11+$0x0] =	vst.idx.add.s32.msk $0xffff, v2  }
0x566: {  	v5 =	vld [tilespmem:s18+$0x19060];
	_ =	sdelay $0x3  }
0x567: {  	v7 =	vshll.u32 v6, $0x4  }
0x568: {  	v6 =	vshrl.u32 v6, $0xB;
	v7 =	vand.u32 $0x7FF0, v7  }
0x569: {  	v6 =	vor.u32 v6, v7  }
0x56a: {  	[tilespmem:s18+$0x19050] =	vst v6  }
0x56b: {  	v6 =	vld.idx.msk [tilespmem:v5+s11+$0x0], $0xffff  }
0x56c: {  	[tilespmem:v5+s11+$0x0] =	vst.idx.add.s32.msk $0xffff, v2  }
0x56d: {  	v5 =	vld [tilespmem:s18+$0x19070];
	_ =	sdelay $0x3  }
0x56e: {  	v7 =	vshll.u32 v6, $0x4  }
0x56f: {  	v6 =	vshrl.u32 v6, $0xB;
	v7 =	vand.u32 $0x7FF0, v7  }
0x570: {  	v6 =	vor.u32 v6, v7  }
0x571: {  	[tilespmem:s18+$0x19060] =	vst v6  }
0x572: {  	v6 =	vld.idx.msk [tilespmem:v5+s11+$0x0], $0xffff  }
0x573: {  	s21 =	sshra.s32 s20, $0x2;
	[tilespmem:v5+s11+$0x0] =	vst.idx.add.s32.msk $0xffff, v2  }
0x574: {  	v5 =	vld [tilespmem:s21+$0x19000];
	_ =	sdelay $0x1  }
.Ltmp38:
0x575: {  	(pc) =	sbr.rel @p0 .LBB2_73-.Ltmp38, $4  }
0x576: {  	_ = 	snop  }
0x577: {  	v7 =	vshll.u32 v6, $0x4  }
0x578: {  	v6 =	vshrl.u32 v6, $0xB;
	v7 =	vand.u32 $0x7FF0, v7  }
0x579: {  	v6 =	vor.u32 v6, v7  }
0x57a: {  	_ =	sdelay $0x2  }
0x57b: {  	[tilespmem:s18+$0x19070] =	vst v6  }
0x57c: {  	v6 =	vld.idx.msk [tilespmem:v5+s11+$0x0], $0xffff  }
0x57d: {  	[tilespmem:v5+s11+$0x0] =	vst.idx.add.s32.msk $0xffff, v2  }
0x57e: {  	v5 =	vld [tilespmem:s21+$0x19010];
	_ =	sdelay $0x3  }
0x57f: {  	v7 =	vshll.u32 v6, $0x4  }
0x580: {  	v6 =	vshrl.u32 v6, $0xB;
	v7 =	vand.u32 $0x7FF0, v7  }
0x581: {  	v6 =	vor.u32 v6, v7  }
0x582: {  	[tilespmem:s21+$0x19000] =	vst v6  }
0x583: {  	v6 =	vld.idx.msk [tilespmem:v5+s11+$0x0], $0xffff  }
0x584: {  	[tilespmem:v5+s11+$0x0] =	vst.idx.add.s32.msk $0xffff, v2  }
0x585: {  	v5 =	vld [tilespmem:s21+$0x19020];
	_ =	sdelay $0x3  }
0x586: {  	v7 =	vshll.u32 v6, $0x4  }
0x587: {  	v6 =	vshrl.u32 v6, $0xB;
	v7 =	vand.u32 $0x7FF0, v7  }
0x588: {  	v6 =	vor.u32 v6, v7  }
0x589: {  	[tilespmem:s21+$0x19010] =	vst v6  }
0x58a: {  	v6 =	vld.idx.msk [tilespmem:v5+s11+$0x0], $0xffff  }
0x58b: {  	[tilespmem:v5+s11+$0x0] =	vst.idx.add.s32.msk $0xffff, v2  }
0x58c: {  	v5 =	vld [tilespmem:s21+$0x19030];
	_ =	sdelay $0x3  }
0x58d: {  	v7 =	vshll.u32 v6, $0x4  }
0x58e: {  	v6 =	vshrl.u32 v6, $0xB;
	v7 =	vand.u32 $0x7FF0, v7  }
0x58f: {  	v6 =	vor.u32 v6, v7  }
0x590: {  	[tilespmem:s21+$0x19020] =	vst v6  }
0x591: {  	v6 =	vld.idx.msk [tilespmem:v5+s11+$0x0], $0xffff  }
0x592: {  	[tilespmem:v5+s11+$0x0] =	vst.idx.add.s32.msk $0xffff, v2  }
0x593: {  	v5 =	vld [tilespmem:s21+$0x19040];
	_ =	sdelay $0x3  }
0x594: {  	v7 =	vshll.u32 v6, $0x4  }
0x595: {  	v6 =	vshrl.u32 v6, $0xB;
	v7 =	vand.u32 $0x7FF0, v7  }
0x596: {  	v6 =	vor.u32 v6, v7  }
0x597: {  	[tilespmem:s21+$0x19030] =	vst v6  }
0x598: {  	v6 =	vld.idx.msk [tilespmem:v5+s11+$0x0], $0xffff  }
0x599: {  	[tilespmem:v5+s11+$0x0] =	vst.idx.add.s32.msk $0xffff, v2  }
0x59a: {  	v5 =	vld [tilespmem:s21+$0x19050];
	_ =	sdelay $0x3  }
0x59b: {  	v7 =	vshll.u32 v6, $0x4  }
0x59c: {  	v6 =	vshrl.u32 v6, $0xB;
	v7 =	vand.u32 $0x7FF0, v7  }
0x59d: {  	v6 =	vor.u32 v6, v7  }
0x59e: {  	[tilespmem:s21+$0x19040] =	vst v6  }
0x59f: {  	v6 =	vld.idx.msk [tilespmem:v5+s11+$0x0], $0xffff  }
0x5a0: {  	[tilespmem:v5+s11+$0x0] =	vst.idx.add.s32.msk $0xffff, v2  }
0x5a1: {  	v5 =	vld [tilespmem:s21+$0x19060];
	_ =	sdelay $0x3  }
0x5a2: {  	v7 =	vshll.u32 v6, $0x4  }
0x5a3: {  	v6 =	vshrl.u32 v6, $0xB;
	v7 =	vand.u32 $0x7FF0, v7  }
0x5a4: {  	v6 =	vor.u32 v6, v7  }
0x5a5: {  	[tilespmem:s21+$0x19050] =	vst v6  }
0x5a6: {  	v6 =	vld.idx.msk [tilespmem:v5+s11+$0x0], $0xffff  }
0x5a7: {  	[tilespmem:v5+s11+$0x0] =	vst.idx.add.s32.msk $0xffff, v2  }
0x5a8: {  	v5 =	vld [tilespmem:s21+$0x19070];
	_ =	sdelay $0x3  }
0x5a9: {  	v7 =	vshll.u32 v6, $0x4  }
0x5aa: {  	v6 =	vshrl.u32 v6, $0xB;
	v7 =	vand.u32 $0x7FF0, v7  }
0x5ab: {  	v6 =	vor.u32 v6, v7  }
0x5ac: {  	[tilespmem:s21+$0x19060] =	vst v6  }
0x5ad: {  	v6 =	vld.idx.msk [tilespmem:v5+s11+$0x0], $0xffff;
	_ =	sdelay $0x4  }
0x5ae: {  	v7 =	vshll.u32 v6, $0x4  }
0x5af: {  	v6 =	vshrl.u32 v6, $0xB;
	v7 =	vand.u32 $0x7FF0, v7  }
0x5b0: {  	[tilespmem:v5+s11+$0x0] =	vst.idx.add.s32.msk $0xffff, v2;
	v5 =	vor.u32 v6, v7  }
0x5b1: {  	s18 =	simm.s32 $0x0;
	[tilespmem:s21+$0x19070] =	vst v5  }
0x5b2: {  	v12 =	vld [tilespmem:s18+$0x19070]  }
0x5b3: {  	v14 =	vld [tilespmem:s18+$0x19000]  }
0x5b4: {  	v8 =	vld [tilespmem:s18+$0x19010]  }
0x5b5: {  	v16 =	vld [tilespmem:s18+$0x16070]  }
0x5b6: {  	v9 =	vld [tilespmem:s18+$0x19020]  }
0x5b7: {  	v10 =	vld [tilespmem:s18+$0x19030]  }
0x5b8: {  	v7 =	vld [tilespmem:s18+$0x19040]  }
0x5b9: {  	v6 =	vld [tilespmem:s18+$0x19050]  }
0x5ba: {  	v5 =	vld [tilespmem:s18+$0x19060]  }
0x5bb: {  	v17 =	vld [tilespmem:s18+$0x16000]  }
0x5bc: {  	v15 =	vld [tilespmem:s18+$0x16010]  }
0x5bd: {  	v13 =	vld [tilespmem:s18+$0x16020]  }
0x5be: {  	v11 =	vld [tilespmem:s18+$0x16030]  }
0x5bf: {  	[tilespmem:v12+s13+$0x0] =	vst.idx.msk $0xffff, v16;
	v12 =	vld [tilespmem:s18+$0x16040]  }
0x5c0: {  	s20 =	simm.s32 $0x0;
	s21 =	simm.s32 $0x200;
	[tilespmem:v14+s13+$0x0] =	vst.idx.msk $0xffff, v17;
	v14 =	vld [tilespmem:s18+$0x16050]  }
.LBB2_75:
0x5c1: {  	s20 =	sadd.s32 $0x8, s20;
	[tilespmem:v8+s13+$0x0] =	vst.idx.msk $0xffff, v15;
	v15 =	vld [tilespmem:s18+$0x16060];
	s18 =	sshra.s32 s21, $0x2  }
0x5c2: {  	v16 =	vld [tilespmem:s18+$0x19070];
	p0 =	slt.u32 s20, $0x1F8;
	[tilespmem:v9+s13+$0x0] =	vst.idx.msk $0xffff, v13  }
0x5c3: {  	v17 =	vld [tilespmem:s18+$0x19000];
	[tilespmem:v10+s13+$0x0] =	vst.idx.msk $0xffff, v11  }
0x5c4: {  	v8 =	vld [tilespmem:s18+$0x19010];
	[tilespmem:v7+s13+$0x0] =	vst.idx.msk $0xffff, v12  }
0x5c5: {  	v11 =	vld [tilespmem:s18+$0x16070];
	[tilespmem:v6+s13+$0x0] =	vst.idx.msk $0xffff, v14  }
0x5c6: {  	v9 =	vld [tilespmem:s18+$0x19020];
	[tilespmem:v5+s13+$0x0] =	vst.idx.msk $0xffff, v15  }
0x5c7: {  	v10 =	vld [tilespmem:s18+$0x19030]  }
0x5c8: {  	v7 =	vld [tilespmem:s18+$0x19040]  }
0x5c9: {  	v6 =	vld [tilespmem:s18+$0x19050]  }
0x5ca: {  	s19 =	simm.s32 $0x18040;
	v5 =	vld [tilespmem:s18+$0x19060];
	[tilespmem:v16+s13+$0x0] =	vst.idx.msk $0xffff, v11  }
0x5cb: {  	v14 =	vld [tilespmem:s18+$0x16000]  }
.Ltmp39:
0x5cc: {  	v15 =	vld [tilespmem:s18+$0x16010];
	(pc) =	sbr.rel @p0 .LBB2_75-.Ltmp39, $4  }
0x5cd: {  	v13 =	vld [tilespmem:s18+$0x16020]  }
0x5ce: {  	v11 =	vld [tilespmem:s18+$0x16030]  }
0x5cf: {  	v12 =	vld [tilespmem:s18+$0x16040]  }
0x5d0: {  	s21 =	sadd.s32 $0x200, s21;
	[tilespmem:v17+s13+$0x0] =	vst.idx.msk $0xffff, v14;
	v14 =	vld [tilespmem:s18+$0x16050]  }
0x5d1: {  	_ =	sdelay $0x3  }
0x5d2: {  	[tilespmem:v8+s13+$0x0] =	vst.idx.msk $0xffff, v15;
	v63 =	vld [tilespmem:s18+$0x16060]  }
0x5d3: {  	[tilespmem:v9+s13+$0x0] =	vst.idx.msk $0xffff, v13  }
0x5d4: {  	[tilespmem:v10+s13+$0x0] =	vst.idx.msk $0xffff, v11  }
0x5d5: {  	[tilespmem:v7+s13+$0x0] =	vst.idx.msk $0xffff, v12  }
0x5d6: {  	[tilespmem:v6+s13+$0x0] =	vst.idx.msk $0xffff, v14  }
0x5d7: {  	[tilespmem:v5+s13+$0x0] =	vst.idx.msk $0xffff, v63  }
0x5d8: {  	[tilespmem:s19+$0xFFFFFFC0] =	vst v0  }
0x5d9: {  	[tilespmem:s19+$0x30] =	vst v0  }
0x5da: {  	[tilespmem:s19+$0x20] =	vst v0  }
0x5db: {  	[tilespmem:s19+$0x10] =	vst v0  }
0x5dc: {  	[tilespmem:s19+$0x0] =	vst v0  }
0x5dd: {  	[tilespmem:s19+$0xFFFFFFF0] =	vst v0  }
0x5de: {  	s21 =	simm.s32 $0x0;
	s20 =	simm.s32 $0x8040;
	[tilespmem:s19+$0xFFFFFFE0] =	vst v0  }
.LBB2_77:
0x5df: {  	s21 =	sadd.s32 $0x8, s21;
	[tilespmem:s19+$0xFFFFFFD0] =	vst v0;
	s19 =	sadd.s32 $0x80, s19  }
0x5e0: {  	[tilespmem:s19+$0xFFFFFFC0] =	vst v0;
	p0 =	slt.u32 s21, $0xF8  }
0x5e1: {  	[tilespmem:s19+$0x30] =	vst v0  }
.Ltmp40:
0x5e2: {  	[tilespmem:s19+$0x20] =	vst v0;
	(pc) =	sbr.rel @p0 .LBB2_77-.Ltmp40, $4  }
0x5e3: {  	[tilespmem:s19+$0x10] =	vst v0  }
0x5e4: {  	[tilespmem:s19+$0x0] =	vst v0  }
0x5e5: {  	[tilespmem:s19+$0xFFFFFFF0] =	vst v0  }
0x5e6: {  	s18 =	simm.s32 $0x19040;
	[tilespmem:s19+$0xFFFFFFE0] =	vst v0  }
0x5e7: {  	[tilespmem:s19+$0xFFFFFFD0] =	vst v0  }
0x5e8: {  	v5 =	vld [tilespmem:s20+$0x30]  }
0x5e9: {  	v6 =	vld [tilespmem:s20+$0xFFFFFFD0]  }
0x5ea: {  	v7 =	vld [tilespmem:s20+$0x10]  }
0x5eb: {  	v8 =	vld [tilespmem:s20+$0x20]  }
0x5ec: {  	v9 =	vld [tilespmem:s20+$0xFFFFFFC0]  }
0x5ed: {  	v10 =	vld [tilespmem:s20+$0xFFFFFFE0]  }
0x5ee: {  	v11 =	vld [tilespmem:s20+$0xFFFFFFF0]  }
0x5ef: {  	v12 =	vld [tilespmem:s20+$0x0]  }
0x5f0: {  	v5 =	vld.idx.msk [tilespmem:v5+s3+$0x0], $0xffff  }
0x5f1: {  	v6 =	vld.idx.msk [tilespmem:v6+s3+$0x0], $0xffff  }
0x5f2: {  	v7 =	vld.idx.msk [tilespmem:v7+s3+$0x0], $0xffff  }
0x5f3: {  	v8 =	vld.idx.msk [tilespmem:v8+s3+$0x0], $0xffff  }
0x5f4: {  	v9 =	vld.idx.msk [tilespmem:v9+s3+$0x0], $0xffff  }
0x5f5: {  	v10 =	vld.idx.msk [tilespmem:v10+s3+$0x0], $0xffff  }
0x5f6: {  	v11 =	vld.idx.msk [tilespmem:v11+s3+$0x0], $0xffff  }
0x5f7: {  	s19 =	simm.s32 $0x80C0  }
0x5f8: {  	v14 =	vld [tilespmem:s19+$0xFFFFFFD0]  }
0x5f9: {  	v5 =	vshrl.u32 v5, $0xC;
	v23 =	vshrl.u32 v7, $0xC;
	v7 =	vshrl.u32 v9, $0xC  }
0x5fa: {  	v8 =	vshrl.u32 v8, $0xC;
	v9 =	vshrl.u32 v6, $0xC;
	v6 =	vshrl.u32 v10, $0xC  }
0x5fb: {  	v21 =	vld [tilespmem:s19+$0xFFFFFFE0];
	v11 =	vshrl.u32 v11, $0xC;
	v13 =	vand.u32 $0xFF0, v5;
	v5 =	vand.u32 $0xF80, v5  }
0x5fc: {  	v10 =	vld.idx.msk [tilespmem:v12+s3+$0x0], $0xffff;
	v12 =	vand.u32 $0xFF0, v8;
	v20 =	vand.u32 $0xFF0, v9;
	v19 =	vor.u32 v1, v13  }
0x5fd: {  	v17 =	vld [tilespmem:s19+$0x10];
	v15 =	vand.u32 $0xF80, v6;
	v25 =	vand.u32 $0xFF0, v6;
	v13 =	vand.u32 $0x7F, v19  }
0x5fe: {  	v18 =	vld [tilespmem:s19+$0x30];
	v26 =	vand.u32 $0xF80, v8;
	v12 =	vor.u32 v1, v12;
	v16 =	vor.u32 v5, v13  }
0x5ff: {  	v6 =	vld [tilespmem:s19+$0xFFFFFFF0];
	v24 =	vand.u32 $0xF80, v7;
	v28 =	vand.u32 $0x7F, v12;
	v5 =	vand.u32 $0xFF0, v7  }
0x600: {  	v8 =	vld.idx.msk [tilespmem:v14+s3+$0x0], $0xffff;
	v7 =	vand.u32 $0xF80, v9;
	v13 =	vor.u32 v1, v5;
	v5 =	vor.u32 v1, v20  }
0x601: {  	v9 =	vand.u32 $0xFF0, v23;
	v20 =	vld [tilespmem:s19+$0x20];
	v22 =	vand.u32 $0x7F, v5;
	v27 =	vand.u32 $0x7F, v13  }
0x602: {  	v14 =	vor.u32 v7, v22;
	v22 =	vshrl.u32 v10, $0xC;
	v7 =	vor.u32 v1, v9;
	v9 =	vld [tilespmem:s19+$0x0]  }
0x603: {  	v24 =	vor.u32 v24, v27;
	v10 =	vand.u32 $0xFF0, v11;
	v27 =	vand.u32 $0x7F, v7;
	[tilespmem:v16+s11+$0x0] =	vst.idx.add.s32.msk $0xffff, v2  }
0x604: {  	v16 =	vand.u32 $0xF80, v11;
	v11 =	vld.idx.msk [tilespmem:v21+s3+$0x0], $0xffff;
	v21 =	vor.u32 v1, v25;
	v25 =	vand.u32 $0xF80, v23  }
0x605: {  	s21 =	simm.s32 $0x8;
	s20 =	simm.s32 $0x19040;
	v10 =	vor.u32 v1, v10;
	v23 =	vld [tilespmem:s19+$0xFFFFFFC0];
	[tilespmem:s18+$0x30] =	vst v19;
	v19 =	vor.u32 v25, v27;
	v25 =	vor.u32 v26, v28  }
.LBB2_79:
0x606: {  	s21 =	sadd.s32 $0x8, s21;
	v17 =	vld.idx.msk [tilespmem:v17+s3+$0x0], $0xffff;
	s19 =	sadd.s32 $0x80, s19;
	v26 =	vand.u32 $0x7F, v21;
	v27 =	vand.u32 $0xFF0, v22;
	s18 =	sadd.s32 $0x80, s18  }
0x607: {  	p0 =	slt.u32 s21, $0x5F8;
	v18 =	vld.idx.msk [tilespmem:v18+s3+$0x0], $0xffff;
	v15 =	vor.u32 v15, v26;
	v26 =	vor.u32 v1, v27  }
0x608: {  	v22 =	vand.u32 $0xF80, v22;
	[tilespmem:v24+s11+$0x0] =	vst.idx.add.s32.msk $0xffff, v2;
	v24 =	vand.u32 $0x7F, v26  }
0x609: {  	v27 =	vld [tilespmem:s19+$0xFFFFFFE0];
	[tilespmem:s20+$0xFFFFFFC0] =	vst v13;
	v13 =	vor.u32 v22, v24  }
0x60a: {  	[tilespmem:v25+s11+$0x0] =	vst.idx.add.s32.msk $0xffff, v2  }
0x60b: {  	v22 =	vand.u32 $0x7F, v10;
	v20 =	vld.idx.msk [tilespmem:v20+s3+$0x0], $0xffff;
	[tilespmem:s20+$0x20] =	vst v12  }
0x60c: {  	v12 =	vor.u32 v16, v22;
	[tilespmem:v15+s11+$0x0] =	vst.idx.add.s32.msk $0xffff, v2  }
0x60d: {  	v15 =	vld.idx.msk [tilespmem:v23+s3+$0x0], $0xffff;
	[tilespmem:s20+$0xFFFFFFE0] =	vst v21  }
0x60e: {  	v16 =	vshrl.u32 v18, $0xC;
	[tilespmem:v13+s11+$0x0] =	vst.idx.add.s32.msk $0xffff, v2  }
0x60f: {  	v13 =	vand.u32 $0xFF0, v16;
	v21 =	vld [tilespmem:s19+$0xFFFFFFD0];
	[tilespmem:s20+$0x0] =	vst v26  }
0x610: {  	v22 =	vor.u32 v1, v13;
	[tilespmem:v14+s11+$0x0] =	vst.idx.add.s32.msk $0xffff, v2  }
0x611: {  	v13 =	vand.u32 $0xF80, v16;
	v14 =	vand.u32 $0x7F, v22;
	[tilespmem:v19+s11+$0x0] =	vst.idx.add.s32.msk $0xffff, v2  }
0x612: {  	v19 =	vshrl.u32 v17, $0xC;
	v16 =	vld.idx.msk [tilespmem:v6+s3+$0x0], $0xffff;
	v6 =	vor.u32 v13, v14;
	[tilespmem:s20+$0xFFFFFFD0] =	vst v5  }
0x613: {  	v20 =	vshrl.u32 v20, $0xC;
	v14 =	vshrl.u32 v15, $0xC;
	[tilespmem:v12+s11+$0x0] =	vst.idx.add.s32.msk $0xffff, v2  }
0x614: {  	v8 =	vshrl.u32 v8, $0xC;
	v11 =	vshrl.u32 v11, $0xC;
	v12 =	vand.u32 $0xFF0, v20;
	v9 =	vld.idx.msk [tilespmem:v9+s3+$0x0], $0xffff;
	[tilespmem:s20+$0xFFFFFFF0] =	vst v10  }
0x615: {  	v15 =	vand.u32 $0xF80, v11;
	v5 =	vand.u32 $0xFF0, v14;
	v10 =	vand.u32 $0xFF0, v8;
	v17 =	vld [tilespmem:s19+$0x10];
	[tilespmem:s20+$0x10] =	vst v7;
	s20 =	smov.u32 s18  }
0x616: {  	v13 =	vor.u32 v1, v5;
	v5 =	vor.u32 v1, v10;
	v10 =	vand.u32 $0xFF0, v11;
	v18 =	vld [tilespmem:s19+$0x30]  }
0x617: {  	v25 =	vand.u32 $0xF80, v20;
	v12 =	vor.u32 v1, v12;
	v7 =	vand.u32 $0x7F, v5;
	[tilespmem:v6+s11+$0x0] =	vst.idx.add.s32.msk $0xffff, v2  }
0x618: {  	v11 =	vand.u32 $0xF80, v14;
	v14 =	vand.u32 $0xF80, v8;
	v23 =	vshrl.u32 v16, $0xC;
	v6 =	vld [tilespmem:s19+$0xFFFFFFF0];
	[tilespmem:s18+$0x30] =	vst v22  }
.Ltmp41:
0x619: {  	v24 =	vand.u32 $0xFF0, v19;
	v16 =	vand.u32 $0xF80, v23;
	v8 =	vld.idx.msk [tilespmem:v21+s3+$0x0], $0xffff;
	v21 =	vand.u32 $0x7F, v13;
	(pc) =	sbr.rel @p0 .LBB2_79-.Ltmp41, $4  }
0x61a: {  	v14 =	vor.u32 v14, v7;
	v7 =	vor.u32 v1, v24;
	v22 =	vshrl.u32 v9, $0xC;
	v20 =	vld [tilespmem:s19+$0x20]  }
0x61b: {  	v26 =	vand.u32 $0xFF0, v23;
	v28 =	vand.u32 $0x7F, v7;
	v24 =	vor.u32 v11, v21;
	v9 =	vld [tilespmem:s19+$0x0]  }
0x61c: {  	v19 =	vand.u32 $0xF80, v19;
	v21 =	vor.u32 v1, v10;
	v11 =	vld.idx.msk [tilespmem:v27+s3+$0x0], $0xffff;
	v27 =	vand.u32 $0x7F, v12  }
0x61d: {  	v19 =	vor.u32 v19, v28;
	v10 =	vor.u32 v1, v26;
	v23 =	vld [tilespmem:s19+$0xFFFFFFC0];
	v25 =	vor.u32 v25, v27  }
0x61e: {  	_ =	sdelay $0x3  }
0x61f: {  	v18 =	vld.idx.msk [tilespmem:v18+s3+$0x0], $0xffff  }
0x620: {  	[tilespmem:v24+s11+$0x0] =	vst.idx.add.s32.msk $0xffff, v2  }
0x621: {  	[tilespmem:v25+s11+$0x0] =	vst.idx.add.s32.msk $0xffff, v2  }
0x622: {  	v26 =	vand.u32 $0x7F, v21;
	[tilespmem:v14+s11+$0x0] =	vst.idx.add.s32.msk $0xffff, v2  }
0x623: {  	v15 =	vor.u32 v15, v26;
	v20 =	vld.idx.msk [tilespmem:v20+s3+$0x0], $0xffff  }
0x624: {  	v27 =	vand.u32 $0xFF0, v22;
	v40 =	vand.u32 $0xF80, v22;
	v8 =	vshrl.u32 v8, $0xC;
	v9 =	vld.idx.msk [tilespmem:v9+s3+$0x0], $0xffff  }
0x625: {  	v44 =	vand.u32 $0x7F, v10;
	[tilespmem:v19+s11+$0x0] =	vst.idx.add.s32.msk $0xffff, v2;
	v39 =	vor.u32 v1, v27;
	v50 =	vand.u32 $0xFF0, v8  }
0x626: {  	[tilespmem:s20+$0x20] =	vst v12;
	v8 =	vand.u32 $0xF80, v8;
	v41 =	vand.u32 $0x7F, v39;
	v42 =	vld.idx.msk [tilespmem:v23+s3+$0x0], $0xffff;
	v43 =	vshrl.u32 v18, $0xC  }
0x627: {  	[tilespmem:s20+$0xFFFFFFD0] =	vst v5;
	v22 =	vor.u32 v40, v41;
	v11 =	vshrl.u32 v11, $0xC;
	v18 =	vand.u32 $0xFF0, v43  }
0x628: {  	[tilespmem:v15+s11+$0x0] =	vst.idx.add.s32.msk $0xffff, v2;
	v15 =	vor.u32 v16, v44;
	v12 =	vand.u32 $0xF80, v43;
	v47 =	vshrl.u32 v20, $0xC  }
0x629: {  	[tilespmem:s20+$0x10] =	vst v7;
	v45 =	vor.u32 v1, v18;
	v5 =	vand.u32 $0xFF0, v47;
	v7 =	vshrl.u32 v9, $0xC  }
0x62a: {  	[tilespmem:s20+$0xFFFFFFC0] =	vst v13;
	v14 =	vand.u32 $0xF80, v47;
	v46 =	vand.u32 $0x7F, v45;
	v53 =	vand.u32 $0xFF0, v7  }
0x62b: {  	v17 =	vld.idx.msk [tilespmem:v17+s3+$0x0], $0xffff;
	[tilespmem:s20+$0xFFFFFFE0] =	vst v21;
	v13 =	vshrl.u32 v42, $0xC;
	v12 =	vor.u32 v12, v46;
	v54 =	vor.u32 v1, v53  }
0x62c: {  	[tilespmem:v22+s11+$0x0] =	vst.idx.add.s32.msk $0xffff, v2;
	v7 =	vand.u32 $0xF80, v7;
	v48 =	vand.u32 $0xFF0, v13;
	v56 =	vand.u32 $0x7F, v54  }
0x62d: {  	v5 =	vor.u32 v1, v5;
	[tilespmem:s20+$0x0] =	vst v39;
	v18 =	vor.u32 v1, v48;
	v7 =	vor.u32 v7, v56  }
0x62e: {  	v51 =	vand.u32 $0x7F, v5;
	v13 =	vand.u32 $0xF80, v13;
	[tilespmem:v15+s11+$0x0] =	vst.idx.add.s32.msk $0xffff, v2;
	v49 =	vand.u32 $0x7F, v18  }
0x62f: {  	v6 =	vld.idx.msk [tilespmem:v6+s3+$0x0], $0xffff;
	v15 =	vor.u32 v1, v50;
	[tilespmem:s20+$0xFFFFFFF0] =	vst v10;
	v10 =	vand.u32 $0xFF0, v11;
	v13 =	vor.u32 v13, v49  }
0x630: {  	s18 =	sadd.s32 $0x80, s18;
	v55 =	vand.u32 $0x7F, v15;
	v9 =	vor.u32 v1, v10;
	v10 =	vor.u32 v14, v51;
	[tilespmem:v12+s11+$0x0] =	vst.idx.add.s32.msk $0xffff, v2  }
0x631: {  	v8 =	vor.u32 v8, v55;
	[tilespmem:s18+$0x30] =	vst v45  }
0x632: {  	v11 =	vand.u32 $0xF80, v11;
	v52 =	vand.u32 $0x7F, v9;
	[tilespmem:v7+s11+$0x0] =	vst.idx.add.s32.msk $0xffff, v2  }
0x633: {  	v17 =	vshrl.u32 v17, $0xC;
	v11 =	vor.u32 v11, v52;
	[tilespmem:s18+$0x0] =	vst v54  }
0x634: {  	v57 =	vand.u32 $0xFF0, v17;
	[tilespmem:v13+s11+$0x0] =	vst.idx.add.s32.msk $0xffff, v2  }
0x635: {  	v6 =	vshrl.u32 v6, $0xC;
	v58 =	vor.u32 v1, v57;
	[tilespmem:v10+s11+$0x0] =	vst.idx.add.s32.msk $0xffff, v2  }
0x636: {  	v60 =	vand.u32 $0xF80, v17;
	v59 =	vand.u32 $0x7F, v58;
	v10 =	vand.u32 $0xFF0, v6;
	[tilespmem:v8+s11+$0x0] =	vst.idx.add.s32.msk $0xffff, v2  }
0x637: {  	[tilespmem:s18+$0x20] =	vst v5;
	v5 =	vor.u32 v1, v10;
	v10 =	vor.u32 v60, v59  }
0x638: {  	v6 =	vand.u32 $0xF80, v6;
	[tilespmem:v11+s11+$0x0] =	vst.idx.add.s32.msk $0xffff, v2;
	v11 =	vand.u32 $0x7F, v5  }
0x639: {  	[tilespmem:s18+$0xFFFFFFC0] =	vst v18;
	v6 =	vor.u32 v6, v11  }
0x63a: {  	[tilespmem:s18+$0xFFFFFFD0] =	vst v15  }
0x63b: {  	[tilespmem:s18+$0xFFFFFFE0] =	vst v9  }
0x63c: {  	[tilespmem:v10+s11+$0x0] =	vst.idx.add.s32.msk $0xffff, v2  }
0x63d: {  	[tilespmem:s18+$0x10] =	vst v58  }
0x63e: {  	[tilespmem:v6+s11+$0x0] =	vst.idx.add.s32.msk $0xffff, v2  }
0x63f: {  	s19 =	simm.s32 $0xE070;
	[tilespmem:s18+$0xFFFFFFF0] =	vst v5  }
0x640: {  	v5 =	vld [tilespmem:s19+$0x0]  }
0x641: {  	v6 =	vld [tilespmem:s19+$0xFFFFFFA0]  }
0x642: {  	v7 =	vld [tilespmem:s19+$0xFFFFFFB0]  }
0x643: {  	v8 =	vld [tilespmem:s19+$0xFFFFFFC0]  }
0x644: {  	v9 =	vld [tilespmem:s19+$0xFFFFFFD0]  }
0x645: {  	v10 =	vld [tilespmem:s19+$0xFFFFFFE0]  }
0x646: {  	v12 =	vld [tilespmem:s19+$0xFFFFFF90]  }
0x647: {  	v11 =	vld [tilespmem:s19+$0xFFFFFFF0]  }
0x648: {  	v5 =	vld.idx.msk [tilespmem:v5+s3+$0x0], $0xffff  }
0x649: {  	v6 =	vld.idx.msk [tilespmem:v6+s3+$0x0], $0xffff  }
0x64a: {  	v7 =	vld.idx.msk [tilespmem:v7+s3+$0x0], $0xffff  }
0x64b: {  	v8 =	vld.idx.msk [tilespmem:v8+s3+$0x0], $0xffff  }
0x64c: {  	v9 =	vld.idx.msk [tilespmem:v9+s3+$0x0], $0xffff  }
0x64d: {  	v10 =	vld.idx.msk [tilespmem:v10+s3+$0x0], $0xffff  }
0x64e: {  	v12 =	vld.idx.msk [tilespmem:v12+s3+$0x0], $0xffff;
	v5 =	vshrl.u32 v5, $0xC  }
0x64f: {  	v6 =	vshrl.u32 v6, $0xC;
	v5 =	vand.u32 $0xFF0, v5  }
0x650: {  	v11 =	vld.idx.msk [tilespmem:v11+s3+$0x0], $0xffff;
	v7 =	vshrl.u32 v7, $0xC;
	v6 =	vand.u32 $0xFF0, v6;
	v61 =	vor.u32 v1, v5  }
0x651: {  	v62 =	vor.u32 v1, v6;
	v5 =	vand.u32 $0xFF0, v7  }
0x652: {  	p0 =	por $0x1, $0x1;
	v6 =	vshrl.u32 v8, $0xC;
	v8 =	vshrl.u32 v10, $0xC;
	v63 =	vor.u32 v1, v5  }
.Ltmp42:
0x653: {  	v5 =	vshrl.u32 v9, $0xC;
	v6 =	vand.u32 $0xFF0, v6;
	v9 =	vshrl.u32 v12, $0xC;
	(pc) =	sbr.rel @!p0 .LBB2_82-.Ltmp42, $4  }
0x654: {  	v7 =	vand.u32 $0xFF0, v5;
	v5 =	vor.u32 v1, v6;
	v9 =	vand.u32 $0xFF0, v9  }
0x655: {  	v6 =	vor.u32 v1, v7;
	v7 =	vand.u32 $0xFF0, v8;
	v8 =	vshrl.u32 v11, $0xC;
	[tilespmem:v61+s11+$0x0] =	vst.idx.add.s32.msk $0xffff, v2  }
0x656: {  	s21 =	simm.s32 $0x600;
	s22 =	simm.s32 $0xE0F0;
	v9 =	vor.u32 v1, v9;
	v8 =	vand.u32 $0xFF0, v8;
	[tilespmem:v62+s11+$0x0] =	vst.idx.add.s32.msk $0xffff, v2  }
0x657: {  	s20 =	simm.s32 $0xFFFFFFF8;
	s18 =	simm.s32 $0x4;
	s19 =	simm.s32 $0x18040;
	v7 =	vor.u32 v1, v7;
	v8 =	vor.u32 v1, v8;
	[tilespmem:v63+s11+$0x0] =	vst.idx.add.s32.msk $0xffff, v2  }
.LBB2_81:
0x658: {  	v10 =	vld [tilespmem:s22+$0x0];
	s21 =	sadd.s32 $0x8, s21  }
0x659: {  	v11 =	vld [tilespmem:s22+$0xFFFFFFA0];
	p0 =	slt.u32 s21, $0x7F8  }
0x65a: {  	v12 =	vld [tilespmem:s22+$0xFFFFFFB0]  }
0x65b: {  	v13 =	vld [tilespmem:s22+$0xFFFFFFC0]  }
0x65c: {  	v14 =	vld [tilespmem:s22+$0xFFFFFFD0]  }
0x65d: {  	v15 =	vld [tilespmem:s22+$0xFFFFFFE0]  }
0x65e: {  	v16 =	vld [tilespmem:s22+$0xFFFFFFF0]  }
0x65f: {  	v17 =	vld [tilespmem:s22+$0xFFFFFF90]  }
0x660: {  	v10 =	vld.idx.msk [tilespmem:v10+s3+$0x0], $0xffff  }
0x661: {  	v11 =	vld.idx.msk [tilespmem:v11+s3+$0x0], $0xffff  }
0x662: {  	v12 =	vld.idx.msk [tilespmem:v12+s3+$0x0], $0xffff  }
0x663: {  	v13 =	vld.idx.msk [tilespmem:v13+s3+$0x0], $0xffff  }
0x664: {  	v14 =	vld.idx.msk [tilespmem:v14+s3+$0x0], $0xffff  }
0x665: {  	v15 =	vld.idx.msk [tilespmem:v15+s3+$0x0], $0xffff  }
0x666: {  	v10 =	vshrl.u32 v10, $0xC;
	v16 =	vld.idx.msk [tilespmem:v16+s3+$0x0], $0xffff  }
0x667: {  	v11 =	vshrl.u32 v11, $0xC;
	v10 =	vand.u32 $0xFF0, v10;
	v17 =	vld.idx.msk [tilespmem:v17+s3+$0x0], $0xffff  }
0x668: {  	v11 =	vand.u32 $0xFF0, v11;
	v12 =	vshrl.u32 v12, $0xC;
	v10 =	vor.u32 v1, v10;
	[tilespmem:v9+s11+$0x0] =	vst.idx.add.s32.msk $0xffff, v2  }
0x669: {  	v9 =	vor.u32 v1, v11;
	v11 =	vand.u32 $0xFF0, v12;
	v12 =	vshrl.u32 v13, $0xC;
	[tilespmem:v5+s11+$0x0] =	vst.idx.add.s32.msk $0xffff, v2  }
0x66a: {  	v11 =	vor.u32 v1, v11;
	v5 =	vand.u32 $0xFF0, v12;
	v12 =	vshrl.u32 v14, $0xC;
	[tilespmem:v6+s11+$0x0] =	vst.idx.add.s32.msk $0xffff, v2  }
.Ltmp43:
0x66b: {  	v5 =	vor.u32 v1, v5;
	v6 =	vand.u32 $0xFF0, v12;
	v12 =	vshrl.u32 v15, $0xC;
	[tilespmem:v7+s11+$0x0] =	vst.idx.add.s32.msk $0xffff, v2;
	(pc) =	sbr.rel @p0 .LBB2_81-.Ltmp43, $4  }
0x66c: {  	v6 =	vor.u32 v1, v6;
	v7 =	vand.u32 $0xFF0, v12;
	v12 =	vshrl.u32 v16, $0xC;
	[tilespmem:v8+s11+$0x0] =	vst.idx.add.s32.msk $0xffff, v2  }
0x66d: {  	v8 =	vshrl.u32 v17, $0xC;
	v7 =	vor.u32 v1, v7;
	v12 =	vand.u32 $0xFF0, v12;
	[tilespmem:v10+s11+$0x0] =	vst.idx.add.s32.msk $0xffff, v2  }
0x66e: {  	v10 =	vand.u32 $0xFF0, v8;
	v8 =	vor.u32 v1, v12;
	[tilespmem:v9+s11+$0x0] =	vst.idx.add.s32.msk $0xffff, v2  }
0x66f: {  	s22 =	sadd.s32 $0x80, s22;
	v9 =	vor.u32 v1, v10;
	[tilespmem:v11+s11+$0x0] =	vst.idx.add.s32.msk $0xffff, v2  }
.LBB2_82:
0x670: {  	_ =	sdelay $0x3  }
0x671: {  	[tilespmem:v9+s11+$0x0] =	vst.idx.add.s32.msk $0xffff, v2  }
0x672: {  	[tilespmem:v5+s11+$0x0] =	vst.idx.add.s32.msk $0xffff, v2  }
0x673: {  	[tilespmem:v6+s11+$0x0] =	vst.idx.add.s32.msk $0xffff, v2  }
0x674: {  	[tilespmem:v7+s11+$0x0] =	vst.idx.add.s32.msk $0xffff, v2  }
0x675: {  	[tilespmem:v8+s11+$0x0] =	vst.idx.add.s32.msk $0xffff, v2  }
0x676: {  	v5 =	vld [tilespmem:s19+$0xFFFFFFC0]  }
0x677: {  	v7 =	vld [tilespmem:s19+$0xFFFFFFD0]  }
0x678: {  	s21 =	sadd.s32 $0x8, s20;
	v8 =	vld [tilespmem:s19+$0xFFFFFFE0]  }
0x679: {  	v9 =	vld [tilespmem:s19+$0xFFFFFFF0];
	p3 =	slt.u32 s21, $0xF8  }
.Ltmp44:
0x67a: {  	_ = 	snop;
	(pc) =	sbr.rel @!p3 .LBB2_83-.Ltmp44, $4  }
0x67b: {  	v6 =	vld [tilespmem:s19+$0x0];
	(xrf0) =	vadd.scan.msk.s32 $0xffff, v5  }
0x67c: {  	v5 =	vld [tilespmem:s19+$0x10];
	(xrf0) =	vadd.scan.msk.s32 $0xffff, v7  }
0x67d: {  	s20 =	sadd.s32 $0x80, s19;
	v7 =	vld [tilespmem:s19+$0x20];
	(xrf0) =	vadd.scan.msk.s32 $0xffff, v8  }
0x67e: {  	p0 =	por $0x0, $0x0;
	p1 =	por $0x0, $0x0;
	p2 =	por $0x0, $0x0;
	v8 =	vld [tilespmem:s19+$0x30];
	(xrf0) =	vadd.scan.msk.s32 $0xffff, v9  }
0x67f: {  	_ = 	snop  }
0x680: {  	v9 =	vld [tilespmem:s20+$0xFFFFFFC0];
	(xrf0) =	vadd.scan.msk.s32 $0xffff, v6  }
0x681: {  	v10 =	vld [tilespmem:s20+$0xFFFFFFD0];
	(xrf0) =	vadd.scan.msk.s32 $0xffff, v5  }
0x682: {  	v11 =	vld [tilespmem:s20+$0xFFFFFFE0];
	s19 =	sadd.s32 $0x8, s21;
	v5, _, _ =	vpop (xrf0);
	(xrf0) =	vadd.scan.msk.s32 $0xffff, v7  }
0x683: {  	v12 =	vld [tilespmem:s20+$0xFFFFFFF0];
	p3 =	slt.u32 s19, $0xF8;
	(v2sf) =	vpush v5, $0xF;
	v5, _, _ =	vpop (xrf0)  }
.Ltmp45:
0x684: {  	(xrf0) =	vadd.scan.msk.s32 $0xffff, v8;
	(v2sf) =	vpush v5, $0xF;
	v5, _, _ =	vpop (xrf0);
	(pc) =	sbr.rel @!p3 .LBB2_85-.Ltmp45, $4  }
0x685: {  	v6 =	vld [tilespmem:s20+$0x0];
	(xrf0) =	vadd.scan.msk.s32 $0xffff, v9;
	(v2sf) =	vpush v5, $0xF;
	v7, _, _ =	vpop (xrf0)  }
0x686: {  	v5 =	vld [tilespmem:s20+$0x10];
	(xrf0) =	vadd.scan.msk.s32 $0xffff, v10;
	(v2sf) =	vpush v7, $0xF;
	v8, _, _ =	vpop (xrf0)  }
0x687: {  	v7 =	vld [tilespmem:s20+$0x20];
	(xrf0) =	vadd.scan.msk.s32 $0xffff, v11;
	(v2sf) =	vpush v8, $0xF;
	v9, _, _ =	vpop (xrf0)  }
0x688: {  	s21 =	sadd.s32 $0x80, s20;
	p0 =	por $0x1, $0x1;
	v8 =	vld [tilespmem:s20+$0x30];
	(xrf0) =	vadd.scan.msk.s32 $0xffff, v12;
	(v2sf) =	vpush v9, $0xF;
	v9, _, _ =	vpop (xrf0)  }
0x689: {  	_ = 	snop  }
0x68a: {  	(v2sf) =	vpush v9, $0xF;
	(xrf0) =	vadd.scan.msk.s32 $0xffff, v6;
	v6, _, _ =	vpop (xrf0)  }
0x68b: {  	v10 =	vld [tilespmem:s21+$0xFFFFFFC0];
	(xrf0) =	vadd.scan.msk.s32 $0xffff, v5;
	(v2sf) =	vpush v6, $0xF;
	v5, _, _ =	vpop (xrf0)  }
0x68c: {  	v9 =	vld [tilespmem:s21+$0xFFFFFFD0];
	(v2sf) =	vpush v5, $0xF;
	v5, _, _ =	vpop (xrf0)  }
0x68d: {  	(v2sf) =	vpush v5, $0xF;
	v5, _, _ =	vpop (xrf0)  }
0x68e: {  	(xrf0) =	vadd.scan.msk.s32 $0xffff, v7;
	(v2sf) =	vpush v5, $0xF;
	v7, _, _ =	vpop (xrf0)  }
0x68f: {  	(xrf0) =	vadd.scan.msk.s32 $0xffff, v8;
	(v2sf) =	vpush v7, $0xF  }
0x690: {  	(xrf0) =	vadd.scan.msk.s32 $0xffff, v10;
	v8, _, _ =	vpop (xrf0)  }
0x691: {  	(xrf0) =	vadd.scan.msk.s32 $0xffff, v9;
	(v2sf) =	vpush v8, $0xF;
	v9, _, _ =	vpop (xrf0)  }
0x692: {  	(v2sf) =	vpush v9, $0xF;
	_ =	sdelay $0x1  }
0x693: {  	v11 =	vld [tilespmem:s21+$0xFFFFFFE0];
	s20 =	sadd.s32 $0x8, s19  }
0x694: {  	v12 =	vld [tilespmem:s21+$0xFFFFFFF0];
	p3 =	slt.u32 s20, $0xF8  }
.Ltmp46:
0x695: {  	_ = 	snop;
	(pc) =	sbr.rel @!p3 .LBB2_87-.Ltmp46, $4  }
0x696: {  	v6 =	vld [tilespmem:s21+$0x0]  }
0x697: {  	v5 =	vld [tilespmem:s21+$0x10]  }
0x698: {  	v7 =	vld [tilespmem:s21+$0x20];
	(xrf0) =	vadd.scan.msk.s32 $0xffff, v11  }
0x699: {  	s19 =	sadd.s32 $0x80, s21;
	p1 =	por $0x1, $0x1;
	v8 =	vld [tilespmem:s21+$0x30];
	(xrf0) =	vadd.scan.msk.s32 $0xffff, v12;
	v9, _, _ =	vpop (xrf0)  }
0x69a: {  	_ = 	snop  }
0x69b: {  	(xrf0) =	vadd.scan.msk.s32 $0xffff, v6  }
0x69c: {  	v10 =	vld [tilespmem:s19+$0xFFFFFFC0];
	(v2sf) =	vpush v9, $0xF;
	v6, _, _ =	vpop (xrf0);
	(xrf0) =	vadd.scan.msk.s32 $0xffff, v5  }
0x69d: {  	v9 =	vld [tilespmem:s19+$0xFFFFFFD0];
	(v2sf) =	vpush v6, $0xF;
	v5, _, _ =	vpop (xrf0)  }
0x69e: {  	(v2sf) =	vpush v5, $0xF;
	v5, _, _ =	vpop (xrf0)  }
0x69f: {  	s21 =	spop (v2sf);
	(xrf0) =	vadd.scan.msk.s32 $0xffff, v7;
	(v2sf) =	vpush v5, $0xF;
	v5, _, _ =	vpop (xrf0)  }
0x6a0: {  	[smem:s18+$0xFFFFFFFC] =	sst s21;
	s25 =	spop (v2sf);
	(xrf0) =	vadd.scan.msk.s32 $0xffff, v8;
	(v2sf) =	vpush v5, $0xF;
	v7, _, _ =	vpop (xrf0)  }
0x6a1: {  	[smem:s18+$0xFFFFFFFD] =	sst s25;
	s26 =	spop (v2sf);
	(xrf0) =	vadd.scan.msk.s32 $0xffff, v10;
	(v2sf) =	vpush v7, $0xF;
	v8, _, _ =	vpop (xrf0)  }
0x6a2: {  	v11 =	vld [tilespmem:s19+$0xFFFFFFE0];
	s20 =	sadd.s32 $0x8, s20;
	[smem:s18+$0xFFFFFFFE] =	sst s26;
	s28 =	spop (v2sf);
	(xrf0) =	vadd.scan.msk.s32 $0xffff, v9;
	(v2sf) =	vpush v8, $0xF;
	v9, _, _ =	vpop (xrf0)  }
0x6a3: {  	v12 =	vld [tilespmem:s19+$0xFFFFFFF0];
	p3 =	slt.u32 s20, $0xF8;
	[smem:s18+$0xFFFFFFFF] =	sst s28;
	(v2sf) =	vpush v9, $0xF  }
.Ltmp47:
0x6a4: {  	v6 =	vld [tilespmem:s19+$0x0];
	s29 =	spop (v2sf);
	(pc) =	sbr.rel @!p3 .LBB2_89-.Ltmp47, $4  }
0x6a5: {  	[smem:s18] =	sst s29;
	s30 =	spop (v2sf);
	v5 =	vld [tilespmem:s19+$0x10]  }
0x6a6: {  	[smem:s18+$0x1] =	sst s30;
	s31 =	spop (v2sf);
	v7 =	vld [tilespmem:s19+$0x20]  }
0x6a7: {  	p2 =	por $0x1, $0x1;
	(xrf0) =	vadd.scan.msk.s32 $0xffff, v11;
	[smem:s18+$0x2] =	sst s31;
	s22 =	spop (v2sf);
	v8 =	vld [tilespmem:s19+$0x30]  }
0x6a8: {  	s21 =	sadd.s32 $0x80, s19;
	(xrf0) =	vadd.scan.msk.s32 $0xffff, v12;
	[smem:s18+$0x3] =	sst s22;
	s19 =	smov.u32 s18;
	v9, _, _ =	vpop (xrf0)  }
.LBB2_90:
0x6a9: {  	v10 =	vld [tilespmem:s21+$0xFFFFFFC0];
	(xrf0) =	vadd.scan.msk.s32 $0xffff, v6;
	(v2sf) =	vpush v9, $0xF;
	v6, _, _ =	vpop (xrf0);
	s22 =	spop (v2sf);
	s19 =	sadd.s32 $0x8, s19  }
0x6aa: {  	v9 =	vld [tilespmem:s21+$0xFFFFFFD0];
	(xrf0) =	vadd.scan.msk.s32 $0xffff, v5;
	(v2sf) =	vpush v6, $0xF;
	[smem:s19+$0xFFFFFFFC] =	sst s22;
	s22 =	spop (v2sf)  }
0x6ab: {  	v11 =	vld [tilespmem:s21+$0xFFFFFFE0];
	v5, _, _ =	vpop (xrf0);
	(xrf0) =	vadd.scan.msk.s32 $0xffff, v7;
	[smem:s19+$0xFFFFFFFD] =	sst s22;
	s22 =	spop (v2sf)  }
0x6ac: {  	s20 =	sadd.s32 $0x8, s20;
	v12 =	vld [tilespmem:s21+$0xFFFFFFF0];
	(v2sf) =	vpush v5, $0xF;
	v5, _, _ =	vpop (xrf0);
	(xrf0) =	vadd.scan.msk.s32 $0xffff, v8;
	[smem:s19+$0xFFFFFFFE] =	sst s22;
	s22 =	spop (v2sf)  }
0x6ad: {  	p3 =	slt.u32 s20, $0xF8;
	[smem:s19+$0xFFFFFFFF] =	sst s22  }
.Ltmp48:
0x6ae: {  	v6 =	vld [tilespmem:s21+$0x0];
	(v2sf) =	vpush v5, $0xF;
	v7, _, _ =	vpop (xrf0);
	s22 =	spop (v2sf);
	(pc) =	sbr.rel @p3 .LBB2_90-.Ltmp48, $4  }
0x6af: {  	v5 =	vld [tilespmem:s21+$0x10];
	(xrf0) =	vadd.scan.msk.s32 $0xffff, v10;
	(v2sf) =	vpush v7, $0xF;
	v8, _, _ =	vpop (xrf0);
	[smem:s19] =	sst s22;
	s22 =	spop (v2sf)  }
0x6b0: {  	v7 =	vld [tilespmem:s21+$0x20];
	(xrf0) =	vadd.scan.msk.s32 $0xffff, v9;
	(v2sf) =	vpush v8, $0xF;
	v9, _, _ =	vpop (xrf0);
	[smem:s19+$0x1] =	sst s22;
	s22 =	spop (v2sf)  }
0x6b1: {  	v8 =	vld [tilespmem:s21+$0x30];
	(xrf0) =	vadd.scan.msk.s32 $0xffff, v11;
	(v2sf) =	vpush v9, $0xF;
	v9, _, _ =	vpop (xrf0);
	[smem:s19+$0x2] =	sst s22;
	s22 =	spop (v2sf)  }
0x6b2: {  	s21 =	sadd.s32 $0x80, s21;
	(xrf0) =	vadd.scan.msk.s32 $0xffff, v12;
	(v2sf) =	vpush v9, $0xF;
	v9, _, _ =	vpop (xrf0);
	[smem:s19+$0x3] =	sst s22  }
0x6b3: {  	_ = 	snop  }
.LBB2_92:
0x6b4: {  	s19 =	sadd.s32 @p2 $0x8, s19;
	s20 =	smov.u32 s18  }
0x6b5: {  	(xrf0) =	vadd.scan.msk.s32 $0xffff, v6;
	(v2sf) =	vpush @p0 v9, $0xF;
	v6, _, _ =	vpop @p0 (xrf0);
	s21 =	spop @p1 (v2sf);
	s20 =	smov.u32 @p2 s19  }
0x6b6: {  	(xrf0) =	vadd.scan.msk.s32 $0xffff, v5;
	(v2sf) =	vpush @p0 v6, $0xF;
	s19 =	spop @p1 (v2sf);
	[smem:s20+$0xFFFFFFFC] =	sst @p1 s21  }
0x6b7: {  	v5, _, _ =	vpop (xrf0);
	(xrf0) =	vadd.scan.msk.s32 $0xffff, v7;
	[smem:s20+$0xFFFFFFFD] =	sst @p1 s19;
	s19 =	spop @p1 (v2sf)  }
0x6b8: {  	(v2sf) =	vpush v5, $0xF;
	v5, _, _ =	vpop (xrf0);
	(xrf0) =	vadd.scan.msk.s32 $0xffff, v8;
	[smem:s20+$0xFFFFFFFE] =	sst @p1 s19;
	s19 =	spop @p1 (v2sf)  }
0x6b9: {  	(v2sf) =	vpush v5, $0xF;
	v5, _, _ =	vpop (xrf0);
	[smem:s20+$0xFFFFFFFF] =	sst @p1 s19;
	s19 =	spop @p1 (v2sf)  }
0x6ba: {  	(v2sf) =	vpush v5, $0xF;
	v5, _, _ =	vpop (xrf0);
	[smem:s20] =	sst @p1 s19;
	s19 =	spop @p1 (v2sf)  }
0x6bb: {  	(v2sf) =	vpush v5, $0xF;
	v5, _, _ =	vpop (xrf0);
	[smem:s20+$0x1] =	sst @p1 s19;
	s19 =	spop @p1 (v2sf)  }
0x6bc: {  	(v2sf) =	vpush v5, $0xF;
	v5, _, _ =	vpop (xrf0);
	[smem:s20+$0x2] =	sst @p1 s19;
	s19 =	spop @p1 (v2sf)  }
0x6bd: {  	(v2sf) =	vpush v5, $0xF;
	v5, _, _ =	vpop (xrf0);
	[smem:s20+$0x3] =	sst @p1 s19;
	s19 =	sadd.s32 @p1 $0x8, s20;
	s20 =	smov.u32 s18  }
0x6be: {  	(v2sf) =	vpush v5, $0xF;
	v5, _, _ =	vpop (xrf0);
	s21 =	spop @p0 (v2sf);
	s20 =	smov.u32 @p1 s19  }
0x6bf: {  	(v2sf) =	vpush v5, $0xF;
	s19 =	spop @p0 (v2sf);
	[smem:s20+$0xFFFFFFFC] =	sst @p0 s21  }
0x6c0: {  	[smem:s20+$0xFFFFFFFD] =	sst @p0 s19;
	s19 =	spop @p0 (v2sf)  }
0x6c1: {  	[smem:s20+$0xFFFFFFFE] =	sst @p0 s19;
	s19 =	spop @p0 (v2sf)  }
0x6c2: {  	[smem:s20+$0xFFFFFFFF] =	sst @p0 s19;
	s19 =	spop @p0 (v2sf)  }
0x6c3: {  	[smem:s20] =	sst @p0 s19;
	s19 =	spop @p0 (v2sf)  }
0x6c4: {  	[smem:s20+$0x1] =	sst @p0 s19;
	s19 =	spop @p0 (v2sf)  }
0x6c5: {  	[smem:s20+$0x2] =	sst @p0 s19;
	s19 =	spop @p0 (v2sf)  }
0x6c6: {  	[smem:s20+$0x3] =	sst @p0 s19;
	s19 =	sadd.s32 @p0 $0x8, s20  }
0x6c7: {  	s23 =	spop (v2sf);
	s18 =	smov.u32 @p0 s19  }
0x6c8: {  	s24 =	spop (v2sf);
	[smem:s18+$0xFFFFFFFC] =	sst s23  }
0x6c9: {  	s25 =	spop (v2sf);
	[smem:s18+$0xFFFFFFFD] =	sst s24  }
0x6ca: {  	s26 =	spop (v2sf);
	[smem:s18+$0xFFFFFFFE] =	sst s25  }
0x6cb: {  	s28 =	spop (v2sf);
	[smem:s18+$0xFFFFFFFF] =	sst s26  }
0x6cc: {  	s29 =	spop (v2sf);
	[smem:s18] =	sst s28  }
0x6cd: {  	s30 =	spop (v2sf);
	[smem:s18+$0x1] =	sst s29  }
0x6ce: {  	s31 =	spop (v2sf);
	[smem:s18+$0x2] =	sst s30  }
0x6cf: {  	s19 =	simm.s32 $0x0;
	[smem:s18+$0x3] =	sst s31;
	s18 =	simm.s32 $0x0  }
.LBB2_93:
0x6d0: {  	p0 =	sne.s32 s19, $0x3FC  }
.Ltmp49:
0x6d1: {  	s20 =	sshra.s32 s19, $0x2;
	(pc) =	sbr.rel @p0 .LBB2_93-.Ltmp49, $2  }
0x6d2: {  	s21 =	sld [smem:s20+$0x0];
	_ =	sdelay $0x2  }
0x6d3: {  	s19 =	sadd.s32 $0x4, s19;
	[smem:s20] =	sst s18;
	s18 =	sadd.s32 s18, s21  }
0x6d4: {  	s19 =	simm.s32 $0x18040  }
0x6d5: {  	v7 =	vld [tilespmem:s19+$0x30]  }
0x6d6: {  	v9 =	vld [tilespmem:s19+$0xFFFFFFD0]  }
0x6d7: {  	v10 =	vld [tilespmem:s19+$0xFFFFFFE0]  }
0x6d8: {  	v13 =	vld [tilespmem:s19+$0xFFFFFFF0]  }
0x6d9: {  	v14 =	vld [tilespmem:s19+$0x0]  }
0x6da: {  	v15 =	vld [tilespmem:s19+$0x10];
	(xrf0) =	vadd.scan.msk.s32 $0xffff, v7  }
0x6db: {  	v16 =	vld [tilespmem:s19+$0x20];
	(xrf0) =	vadd.scan.msk.s32 $0xffff, v9  }
0x6dc: {  	v17 =	vld [tilespmem:s19+$0xFFFFFFC0];
	(xrf0) =	vadd.scan.msk.s32 $0xffff, v10  }
0x6dd: {  	s18 =	simm.s32 $0x180C0;
	(xrf0) =	vadd.scan.msk.s32 $0xffff, v13  }
0x6de: {  	v11 =	vld [tilespmem:s18+$0x30];
	(xrf0) =	vadd.scan.msk.s32 $0xffff, v14  }
0x6df: {  	s21 =	sld [smem:$0x7];
	(xrf0) =	vadd.scan.msk.s32 $0xffff, v15  }
0x6e0: {  	v12 =	vld [tilespmem:s18+$0xFFFFFFD0];
	s20 =	sld [smem:$0x0];
	(xrf0) =	vadd.scan.msk.s32 $0xffff, v16;
	v8, _, _ =	vpop (xrf0)  }
0x6e1: {  	v6 =	vld [tilespmem:s18+$0xFFFFFFE0];
	s22 =	sld [smem:$0x1];
	(xrf0) =	vadd.scan.msk.s32 $0xffff, v17;
	v18, _, _ =	vpop (xrf0);
	v7 =	vsub.s32 v8, v7  }
0x6e2: {  	v5 =	vld [tilespmem:s18+$0xFFFFFFF0];
	s23 =	sld [smem:$0x2];
	v19, _, _ =	vpop (xrf0);
	v7 =	vadd.s32 s21, v7  }
0x6e3: {  	v8 =	vld [tilespmem:s18+$0x0];
	v18 =	vsub.s32 v18, v9;
	s30 =	sld [smem:$0x3];
	[tilespmem:s19+$0x30] =	vst v7;
	v20, _, _ =	vpop (xrf0);
	(xrf0) =	vadd.scan.msk.s32 $0xffff, v11  }
0x6e4: {  	v9 =	vld [tilespmem:s18+$0x10];
	v10 =	vsub.s32 v19, v10;
	v18 =	vadd.s32 s22, v18;
	s31 =	sld [smem:$0x4];
	v61, _, _ =	vpop (xrf0)  }
0x6e5: {  	(xrf0) =	vadd.scan.msk.s32 $0xffff, v12;
	[tilespmem:s19+$0xFFFFFFD0] =	vst v18;
	v10 =	vadd.s32 s23, v10;
	v14 =	vsub.s32 v61, v14  }
0x6e6: {  	v7 =	vld [tilespmem:s18+$0x20];
	v13 =	vsub.s32 v20, v13;
	s25 =	sld [smem:$0x5];
	v62, _, _ =	vpop (xrf0);
	[tilespmem:s19+$0xFFFFFFE0] =	vst v10;
	(xrf0) =	vadd.scan.msk.s32 $0xffff, v6  }
0x6e7: {  	v10 =	vld [tilespmem:s18+$0xFFFFFFC0];
	v13 =	vadd.s32 s30, v13;
	s24 =	sld [smem:$0x6];
	v15 =	vsub.s32 v62, v15;
	v63, _, _ =	vpop (xrf0)  }
0x6e8: {  	(xrf0) =	vadd.scan.msk.s32 $0xffff, v5;
	[tilespmem:s19+$0xFFFFFFF0] =	vst v13;
	v19 =	vadd.s32 s31, v14;
	v13 =	vsub.s32 v63, v16;
	v14, _, _ =	vpop (xrf0)  }
0x6e9: {  	s21 =	simm.s32 $0xC;
	s22 =	simm.s32 $0x8;
	s23 =	simm.s32 $0x18140;
	(xrf0) =	vadd.scan.msk.s32 $0xffff, v8;
	[tilespmem:s19+$0x0] =	vst v19;
	v14 =	vsub.s32 v14, v17;
	v15 =	vadd.s32 s25, v15  }
.LBB2_95:
0x6ea: {  	v19 =	vadd.s32 s20, v14  }
0x6eb: {  	v13 =	vadd.s32 s24, v13  }
0x6ec: {  	v16 =	vld [tilespmem:s23+$0x30];
	s22 =	sadd.s32 $0x8, s22;
	s25 =	sld [smem:s21+$0x3];
	(xrf0) =	vadd.scan.msk.s32 $0xffff, v9;
	[tilespmem:s19+$0x10] =	vst v15;
	v15 =	vmov v6  }
0x6ed: {  	v14 =	vmov v5;
	v17 =	vld [tilespmem:s23+$0xFFFFFFD0];
	p0 =	slt.u32 s22, $0xF8;
	s20 =	sld [smem:s21+$0xFFFFFFFC];
	(xrf0) =	vadd.scan.msk.s32 $0xffff, v7;
	v18, _, _ =	vpop (xrf0);
	[tilespmem:s19+$0xFFFFFFC0] =	vst v19;
	v19 =	vmov v8  }
0x6ee: {  	v8 =	vsub.s32 v18, v11;
	v6 =	vld [tilespmem:s23+$0xFFFFFFE0];
	s24 =	sld [smem:s21+$0xFFFFFFFD];
	(xrf0) =	vadd.scan.msk.s32 $0xffff, v10;
	v11, _, _ =	vpop (xrf0);
	[tilespmem:s19+$0x20] =	vst v13;
	v13 =	vmov v9;
	s19 =	smov.u32 s18;
	s18 =	smov.u32 s23  }
0x6ef: {  	v18 =	vmov v7;
	v9 =	vadd.s32 s25, v8;
	v5 =	vld [tilespmem:s23+$0xFFFFFFF0];
	v21 =	vsub.s32 v11, v12;
	s26 =	sld [smem:s21+$0xFFFFFFFE];
	v12, _, _ =	vpop (xrf0)  }
0x6f0: {  	v8 =	vld [tilespmem:s23+$0x0];
	v12 =	vsub.s32 v12, v15;
	s25 =	sld [smem:s21+$0xFFFFFFFF];
	[tilespmem:s19+$0x30] =	vst v9;
	v7, _, _ =	vpop (xrf0);
	v15 =	vmov v10  }
.Ltmp50:
0x6f1: {  	v11 =	vmov v16;
	v9 =	vld [tilespmem:s23+$0x10];
	(xrf0) =	vadd.scan.msk.s32 $0xffff, v16;
	v10 =	vadd.s32 s24, v21;
	v14 =	vsub.s32 v7, v14;
	s28 =	sld [smem:s21+$0x0];
	v20, _, _ =	vpop (xrf0);
	(pc) =	sbr.rel @p0 .LBB2_95-.Ltmp50, $4  }
0x6f2: {  	v7 =	vld [tilespmem:s23+$0x20];
	(xrf0) =	vadd.scan.msk.s32 $0xffff, v17;
	[tilespmem:s19+$0xFFFFFFD0] =	vst v10;
	v12 =	vadd.s32 s26, v12;
	v16 =	vsub.s32 v20, v19;
	s26 =	sld [smem:s21+$0x1];
	v19, _, _ =	vpop (xrf0)  }
0x6f3: {  	v10 =	vld [tilespmem:s23+$0xFFFFFFC0];
	(xrf0) =	vadd.scan.msk.s32 $0xffff, v6;
	[tilespmem:s19+$0xFFFFFFE0] =	vst v12;
	v20 =	vadd.s32 s25, v14;
	v19 =	vsub.s32 v19, v13;
	s24 =	sld [smem:s21+$0x2];
	v13, _, _ =	vpop (xrf0)  }
0x6f4: {  	(xrf0) =	vadd.scan.msk.s32 $0xffff, v5;
	[tilespmem:s19+$0xFFFFFFF0] =	vst v20;
	v16 =	vadd.s32 s28, v16;
	v13 =	vsub.s32 v13, v18;
	v14, _, _ =	vpop (xrf0)  }
0x6f5: {  	s23 =	sadd.s32 $0x80, s23;
	s21 =	sadd.s32 $0x8, s21;
	(xrf0) =	vadd.scan.msk.s32 $0xffff, v8;
	v14 =	vsub.s32 v14, v15;
	[tilespmem:s19+$0x0] =	vst v16;
	v15 =	vadd.s32 s26, v19;
	v12 =	vmovc v17  }
0x6f6: {  	s22 =	sld [smem:s21+$0x3]  }
0x6f7: {  	s25 =	sld [smem:s21+$0xFFFFFFFD];
	v16, _, _ =	vpop (xrf0);
	(xrf0) =	vadd.scan.msk.s32 $0xffff, v9  }
0x6f8: {  	s26 =	sld [smem:s21+$0xFFFFFFFE];
	[tilespmem:s19+$0x10] =	vst v15;
	v14 =	vadd.s32 s20, v14;
	v11 =	vsub.s32 v16, v11;
	(xrf0) =	vadd.scan.msk.s32 $0xffff, v7;
	v57, _, _ =	vpop (xrf0)  }
0x6f9: {  	s23 =	sld [smem:s21+$0xFFFFFFFC];
	[tilespmem:s19+$0xFFFFFFC0] =	vst v14;
	v11 =	vadd.s32 s22, v11;
	v12 =	vsub.s32 v57, v12;
	(xrf0) =	vadd.scan.msk.s32 $0xffff, v10;
	v58, _, _ =	vpop (xrf0)  }
0x6fa: {  	s28 =	sld [smem:s21+$0xFFFFFFFF];
	[tilespmem:s18+$0x30] =	vst v11;
	v12 =	vadd.s32 s25, v12;
	v6 =	vsub.s32 v58, v6;
	v59, _, _ =	vpop (xrf0)  }
0x6fb: {  	s29 =	sld [smem:s21+$0x0];
	[tilespmem:s18+$0xFFFFFFD0] =	vst v12;
	v60, _, _ =	vpop (xrf0);
	v6 =	vadd.s32 s26, v6  }
0x6fc: {  	v13 =	vadd.s32 s24, v13;
	v5 =	vsub.s32 v59, v5;
	s30 =	sld [smem:s21+$0x1];
	[tilespmem:s18+$0xFFFFFFE0] =	vst v6;
	v6 =	vsub.s32 v60, v8  }
0x6fd: {  	[tilespmem:s19+$0x20] =	vst v13;
	v5 =	vadd.s32 s28, v5;
	v61, _, _ =	vpop (xrf0);
	s31 =	sld [smem:s21+$0x2]  }
0x6fe: {  	p1 =	por $0x1, $0x1;
	[tilespmem:s18+$0xFFFFFFF0] =	vst v5;
	v62, _, _ =	vpop (xrf0);
	v63 =	vsub.s32 v61, v9;
	v5 =	vadd.s32 s29, v6  }
.Ltmp51:
0x6ff: {  	v6, _, _ =	vpop (xrf0);
	[tilespmem:s18+$0x0] =	vst v5;
	v5 =	vadd.s32 s30, v63;
	v7 =	vsub.s32 v62, v7;
	(pc) =	sbr.rel @!p1 .LBB2_97-.Ltmp51, $4  }
0x700: {  	v6 =	vsub.s32 v6, v10;
	[tilespmem:s18+$0x10] =	vst v5;
	v5 =	vadd.s32 s31, v7  }
0x701: {  	v6 =	vadd.s32 s23, v6;
	[tilespmem:s18+$0x20] =	vst v5  }
0x702: {  	[tilespmem:s18+$0xFFFFFFC0] =	vst v6;
	s18 =	simm.s32 $0x0  }
0x703: {  	p0 =	por $0x0, $0x0;
	v5 =	vld [tilespmem:s18+$0x19000]  }
0x704: {  	_ =	sdelay $0x7  }
0x705: {  	v6 =	vld.idx.msk [tilespmem:v5+s11+$0x0], $0xffff  }
0x706: {  	[tilespmem:v5+s11+$0x0] =	vst.idx.add.s32.msk $0xffff, v2  }
0x707: {  	v5 =	vld [tilespmem:s18+$0x19010];
	_ =	sdelay $0x3  }
0x708: {  	v7 =	vshll.u32 v6, $0x4  }
0x709: {  	v6 =	vshrl.u32 v6, $0xB;
	v7 =	vand.u32 $0x7FF0, v7  }
0x70a: {  	v6 =	vor.u32 v6, v7  }
0x70b: {  	[tilespmem:s18+$0x19000] =	vst v6  }
0x70c: {  	v6 =	vld.idx.msk [tilespmem:v5+s11+$0x0], $0xffff  }
0x70d: {  	[tilespmem:v5+s11+$0x0] =	vst.idx.add.s32.msk $0xffff, v2  }
0x70e: {  	v5 =	vld [tilespmem:s18+$0x19020];
	_ =	sdelay $0x3  }
0x70f: {  	v7 =	vshll.u32 v6, $0x4  }
0x710: {  	v6 =	vshrl.u32 v6, $0xB;
	v7 =	vand.u32 $0x7FF0, v7  }
0x711: {  	v6 =	vor.u32 v6, v7  }
0x712: {  	[tilespmem:s18+$0x19010] =	vst v6  }
0x713: {  	v6 =	vld.idx.msk [tilespmem:v5+s11+$0x0], $0xffff  }
0x714: {  	[tilespmem:v5+s11+$0x0] =	vst.idx.add.s32.msk $0xffff, v2  }
0x715: {  	v5 =	vld [tilespmem:s18+$0x19030];
	_ =	sdelay $0x3  }
0x716: {  	v7 =	vshll.u32 v6, $0x4  }
0x717: {  	v6 =	vshrl.u32 v6, $0xB;
	v7 =	vand.u32 $0x7FF0, v7  }
0x718: {  	v6 =	vor.u32 v6, v7  }
0x719: {  	[tilespmem:s18+$0x19020] =	vst v6  }
0x71a: {  	v6 =	vld.idx.msk [tilespmem:v5+s11+$0x0], $0xffff  }
0x71b: {  	[tilespmem:v5+s11+$0x0] =	vst.idx.add.s32.msk $0xffff, v2  }
0x71c: {  	v5 =	vld [tilespmem:s18+$0x19040];
	_ =	sdelay $0x3  }
0x71d: {  	v7 =	vshll.u32 v6, $0x4  }
0x71e: {  	v6 =	vshrl.u32 v6, $0xB;
	v7 =	vand.u32 $0x7FF0, v7  }
0x71f: {  	v6 =	vor.u32 v6, v7  }
0x720: {  	[tilespmem:s18+$0x19030] =	vst v6  }
0x721: {  	v6 =	vld.idx.msk [tilespmem:v5+s11+$0x0], $0xffff  }
0x722: {  	[tilespmem:v5+s11+$0x0] =	vst.idx.add.s32.msk $0xffff, v2  }
0x723: {  	v5 =	vld [tilespmem:s18+$0x19050];
	_ =	sdelay $0x3  }
0x724: {  	v7 =	vshll.u32 v6, $0x4  }
0x725: {  	v6 =	vshrl.u32 v6, $0xB;
	v7 =	vand.u32 $0x7FF0, v7  }
0x726: {  	v6 =	vor.u32 v6, v7  }
0x727: {  	[tilespmem:s18+$0x19040] =	vst v6  }
0x728: {  	v6 =	vld.idx.msk [tilespmem:v5+s11+$0x0], $0xffff  }
0x729: {  	[tilespmem:v5+s11+$0x0] =	vst.idx.add.s32.msk $0xffff, v2  }
0x72a: {  	v5 =	vld [tilespmem:s18+$0x19060];
	_ =	sdelay $0x3  }
0x72b: {  	v7 =	vshll.u32 v6, $0x4  }
0x72c: {  	v6 =	vshrl.u32 v6, $0xB;
	v7 =	vand.u32 $0x7FF0, v7  }
0x72d: {  	v6 =	vor.u32 v6, v7  }
0x72e: {  	[tilespmem:s18+$0x19050] =	vst v6  }
0x72f: {  	v6 =	vld.idx.msk [tilespmem:v5+s11+$0x0], $0xffff  }
0x730: {  	[tilespmem:v5+s11+$0x0] =	vst.idx.add.s32.msk $0xffff, v2  }
0x731: {  	v5 =	vld [tilespmem:s18+$0x19070];
	_ =	sdelay $0x3  }
0x732: {  	v7 =	vshll.u32 v6, $0x4  }
0x733: {  	v6 =	vshrl.u32 v6, $0xB;
	v7 =	vand.u32 $0x7FF0, v7  }
0x734: {  	v6 =	vor.u32 v6, v7  }
0x735: {  	[tilespmem:s18+$0x19060] =	vst v6  }
0x736: {  	v6 =	vld.idx.msk [tilespmem:v5+s11+$0x0], $0xffff  }
0x737: {  	s21 =	simm.s32 $0x80;
	[tilespmem:v5+s11+$0x0] =	vst.idx.add.s32.msk $0xffff, v2  }
0x738: {  	v5 =	vld [tilespmem:s21+$0x19000]  }
0x739: {  	p1 =	por $0x1, $0x1  }
.Ltmp52:
0x73a: {  	_ = 	snop;
	(pc) =	sbr.rel @!p1 .LBB2_99-.Ltmp52, $4  }
0x73b: {  	_ = 	snop  }
0x73c: {  	v7 =	vshll.u32 v6, $0x4  }
0x73d: {  	v6 =	vshrl.u32 v6, $0xB;
	v7 =	vand.u32 $0x7FF0, v7  }
0x73e: {  	s19 =	simm.s32 $0x400;
	p0 =	por $0x1, $0x1;
	v6 =	vor.u32 v6, v7  }
.LBB2_100:
0x73f: {  	p1 =	sne.s32 s19, $0x17E00;
	[tilespmem:s18+$0x19070] =	vst v6;
	s20 =	smov.u32 s19;
	s19 =	sadd.s32 $0x200, s19  }
0x740: {  	s18 =	smov.u32 s21;
	v6 =	vld.idx.msk [tilespmem:v5+s11+$0x0], $0xffff  }
0x741: {  	[tilespmem:v5+s11+$0x0] =	vst.idx.add.s32.msk $0xffff, v2  }
0x742: {  	v5 =	vld [tilespmem:s18+$0x19010];
	_ =	sdelay $0x3  }
0x743: {  	v7 =	vshll.u32 v6, $0x4  }
0x744: {  	v6 =	vshrl.u32 v6, $0xB;
	v7 =	vand.u32 $0x7FF0, v7  }
0x745: {  	v6 =	vor.u32 v6, v7  }
0x746: {  	[tilespmem:s18+$0x19000] =	vst v6  }
0x747: {  	v6 =	vld.idx.msk [tilespmem:v5+s11+$0x0], $0xffff  }
0x748: {  	[tilespmem:v5+s11+$0x0] =	vst.idx.add.s32.msk $0xffff, v2  }
0x749: {  	v5 =	vld [tilespmem:s18+$0x19020];
	_ =	sdelay $0x3  }
0x74a: {  	v7 =	vshll.u32 v6, $0x4  }
0x74b: {  	v6 =	vshrl.u32 v6, $0xB;
	v7 =	vand.u32 $0x7FF0, v7  }
0x74c: {  	v6 =	vor.u32 v6, v7  }
0x74d: {  	[tilespmem:s18+$0x19010] =	vst v6  }
0x74e: {  	v6 =	vld.idx.msk [tilespmem:v5+s11+$0x0], $0xffff  }
0x74f: {  	[tilespmem:v5+s11+$0x0] =	vst.idx.add.s32.msk $0xffff, v2  }
0x750: {  	v5 =	vld [tilespmem:s18+$0x19030];
	_ =	sdelay $0x3  }
0x751: {  	v7 =	vshll.u32 v6, $0x4  }
0x752: {  	v6 =	vshrl.u32 v6, $0xB;
	v7 =	vand.u32 $0x7FF0, v7  }
0x753: {  	v6 =	vor.u32 v6, v7  }
0x754: {  	[tilespmem:s18+$0x19020] =	vst v6  }
0x755: {  	v6 =	vld.idx.msk [tilespmem:v5+s11+$0x0], $0xffff  }
0x756: {  	[tilespmem:v5+s11+$0x0] =	vst.idx.add.s32.msk $0xffff, v2  }
0x757: {  	v5 =	vld [tilespmem:s18+$0x19040];
	_ =	sdelay $0x3  }
0x758: {  	v7 =	vshll.u32 v6, $0x4  }
0x759: {  	v6 =	vshrl.u32 v6, $0xB;
	v7 =	vand.u32 $0x7FF0, v7  }
0x75a: {  	v6 =	vor.u32 v6, v7  }
0x75b: {  	[tilespmem:s18+$0x19030] =	vst v6  }
0x75c: {  	v6 =	vld.idx.msk [tilespmem:v5+s11+$0x0], $0xffff  }
0x75d: {  	[tilespmem:v5+s11+$0x0] =	vst.idx.add.s32.msk $0xffff, v2  }
0x75e: {  	v5 =	vld [tilespmem:s18+$0x19050];
	_ =	sdelay $0x3  }
0x75f: {  	v7 =	vshll.u32 v6, $0x4  }
0x760: {  	v6 =	vshrl.u32 v6, $0xB;
	v7 =	vand.u32 $0x7FF0, v7  }
0x761: {  	v6 =	vor.u32 v6, v7  }
0x762: {  	[tilespmem:s18+$0x19040] =	vst v6  }
0x763: {  	v6 =	vld.idx.msk [tilespmem:v5+s11+$0x0], $0xffff  }
0x764: {  	[tilespmem:v5+s11+$0x0] =	vst.idx.add.s32.msk $0xffff, v2  }
0x765: {  	v5 =	vld [tilespmem:s18+$0x19060];
	_ =	sdelay $0x3  }
0x766: {  	v7 =	vshll.u32 v6, $0x4  }
0x767: {  	v6 =	vshrl.u32 v6, $0xB;
	v7 =	vand.u32 $0x7FF0, v7  }
0x768: {  	v6 =	vor.u32 v6, v7  }
0x769: {  	[tilespmem:s18+$0x19050] =	vst v6  }
0x76a: {  	v6 =	vld.idx.msk [tilespmem:v5+s11+$0x0], $0xffff  }
0x76b: {  	[tilespmem:v5+s11+$0x0] =	vst.idx.add.s32.msk $0xffff, v2  }
0x76c: {  	v5 =	vld [tilespmem:s18+$0x19070];
	_ =	sdelay $0x3  }
0x76d: {  	v7 =	vshll.u32 v6, $0x4  }
0x76e: {  	v6 =	vshrl.u32 v6, $0xB;
	v7 =	vand.u32 $0x7FF0, v7  }
0x76f: {  	v6 =	vor.u32 v6, v7  }
0x770: {  	[tilespmem:s18+$0x19060] =	vst v6  }
0x771: {  	v6 =	vld.idx.msk [tilespmem:v5+s11+$0x0], $0xffff  }
0x772: {  	s21 =	sshra.s32 s20, $0x2;
	[tilespmem:v5+s11+$0x0] =	vst.idx.add.s32.msk $0xffff, v2  }
0x773: {  	v5 =	vld [tilespmem:s21+$0x19000];
	_ =	sdelay $0x1  }
.Ltmp53:
0x774: {  	(pc) =	sbr.rel @p1 .LBB2_100-.Ltmp53, $4  }
0x775: {  	_ = 	snop  }
0x776: {  	v7 =	vshll.u32 v6, $0x4  }
0x777: {  	v6 =	vshrl.u32 v6, $0xB;
	v7 =	vand.u32 $0x7FF0, v7  }
0x778: {  	v6 =	vor.u32 v6, v7  }
0x779: {  	s19 =	smov.u32 s18;
	s18 =	smov.u32 s21  }
.LBB2_102:
0x77a: {  	_ =	sdelay $0x2  }
0x77b: {  	[tilespmem:s19+$0x19070] =	vst @p0 v6  }
0x77c: {  	v6 =	vld.idx.msk [tilespmem:v5+s11+$0x0], $0xffff  }
0x77d: {  	[tilespmem:v5+s11+$0x0] =	vst.idx.add.s32.msk $0xffff, v2  }
0x77e: {  	v5 =	vld [tilespmem:s18+$0x19010];
	_ =	sdelay $0x3  }
0x77f: {  	v7 =	vshll.u32 v6, $0x4  }
0x780: {  	v6 =	vshrl.u32 v6, $0xB;
	v7 =	vand.u32 $0x7FF0, v7  }
0x781: {  	v6 =	vor.u32 v6, v7  }
0x782: {  	[tilespmem:s18+$0x19000] =	vst v6  }
0x783: {  	v6 =	vld.idx.msk [tilespmem:v5+s11+$0x0], $0xffff  }
0x784: {  	[tilespmem:v5+s11+$0x0] =	vst.idx.add.s32.msk $0xffff, v2  }
0x785: {  	v5 =	vld [tilespmem:s18+$0x19020];
	_ =	sdelay $0x3  }
0x786: {  	v7 =	vshll.u32 v6, $0x4  }
0x787: {  	v6 =	vshrl.u32 v6, $0xB;
	v7 =	vand.u32 $0x7FF0, v7  }
0x788: {  	v6 =	vor.u32 v6, v7  }
0x789: {  	[tilespmem:s18+$0x19010] =	vst v6  }
0x78a: {  	v6 =	vld.idx.msk [tilespmem:v5+s11+$0x0], $0xffff  }
0x78b: {  	[tilespmem:v5+s11+$0x0] =	vst.idx.add.s32.msk $0xffff, v2  }
0x78c: {  	v5 =	vld [tilespmem:s18+$0x19030];
	_ =	sdelay $0x3  }
0x78d: {  	v7 =	vshll.u32 v6, $0x4  }
0x78e: {  	v6 =	vshrl.u32 v6, $0xB;
	v7 =	vand.u32 $0x7FF0, v7  }
0x78f: {  	v6 =	vor.u32 v6, v7  }
0x790: {  	[tilespmem:s18+$0x19020] =	vst v6  }
0x791: {  	v6 =	vld.idx.msk [tilespmem:v5+s11+$0x0], $0xffff  }
0x792: {  	[tilespmem:v5+s11+$0x0] =	vst.idx.add.s32.msk $0xffff, v2  }
0x793: {  	v5 =	vld [tilespmem:s18+$0x19040];
	_ =	sdelay $0x3  }
0x794: {  	v7 =	vshll.u32 v6, $0x4  }
0x795: {  	v6 =	vshrl.u32 v6, $0xB;
	v7 =	vand.u32 $0x7FF0, v7  }
0x796: {  	v6 =	vor.u32 v6, v7  }
0x797: {  	[tilespmem:s18+$0x19030] =	vst v6  }
0x798: {  	v6 =	vld.idx.msk [tilespmem:v5+s11+$0x0], $0xffff  }
0x799: {  	[tilespmem:v5+s11+$0x0] =	vst.idx.add.s32.msk $0xffff, v2  }
0x79a: {  	v5 =	vld [tilespmem:s18+$0x19050];
	_ =	sdelay $0x3  }
0x79b: {  	v7 =	vshll.u32 v6, $0x4  }
0x79c: {  	v6 =	vshrl.u32 v6, $0xB;
	v7 =	vand.u32 $0x7FF0, v7  }
0x79d: {  	v6 =	vor.u32 v6, v7  }
0x79e: {  	[tilespmem:s18+$0x19040] =	vst v6  }
0x79f: {  	v6 =	vld.idx.msk [tilespmem:v5+s11+$0x0], $0xffff  }
0x7a0: {  	[tilespmem:v5+s11+$0x0] =	vst.idx.add.s32.msk $0xffff, v2  }
0x7a1: {  	v5 =	vld [tilespmem:s18+$0x19060];
	_ =	sdelay $0x3  }
0x7a2: {  	v7 =	vshll.u32 v6, $0x4  }
0x7a3: {  	v6 =	vshrl.u32 v6, $0xB;
	v7 =	vand.u32 $0x7FF0, v7  }
0x7a4: {  	v6 =	vor.u32 v6, v7  }
0x7a5: {  	[tilespmem:s18+$0x19050] =	vst v6  }
0x7a6: {  	v6 =	vld.idx.msk [tilespmem:v5+s11+$0x0], $0xffff  }
0x7a7: {  	[tilespmem:v5+s11+$0x0] =	vst.idx.add.s32.msk $0xffff, v2  }
0x7a8: {  	v5 =	vld [tilespmem:s18+$0x19070];
	_ =	sdelay $0x3  }
0x7a9: {  	v7 =	vshll.u32 v6, $0x4  }
0x7aa: {  	v6 =	vshrl.u32 v6, $0xB;
	v7 =	vand.u32 $0x7FF0, v7  }
0x7ab: {  	v6 =	vor.u32 v6, v7  }
0x7ac: {  	[tilespmem:s18+$0x19060] =	vst v6  }
0x7ad: {  	v6 =	vld.idx.msk [tilespmem:v5+s11+$0x0], $0xffff;
	_ =	sdelay $0x4  }
0x7ae: {  	v7 =	vshll.u32 v6, $0x4  }
0x7af: {  	v6 =	vshrl.u32 v6, $0xB;
	v7 =	vand.u32 $0x7FF0, v7  }
0x7b0: {  	[tilespmem:v5+s11+$0x0] =	vst.idx.add.s32.msk $0xffff, v2;
	v5 =	vor.u32 v6, v7  }
0x7b1: {  	s31 =	simm.s32 $0x19040;
	[tilespmem:s18+$0x19070] =	vst v5  }
0x7b2: {  	v12 =	vld [tilespmem:s31+$0x30]  }
0x7b3: {  	v15 =	vld [tilespmem:s31+$0xFFFFFFD0]  }
0x7b4: {  	s18 =	simm.s32 $0x8040;
	v5 =	vld [tilespmem:s31+$0xFFFFFFE0]  }
0x7b5: {  	v17 =	vld [tilespmem:s18+$0x30]  }
0x7b6: {  	v9 =	vld [tilespmem:s31+$0xFFFFFFF0]  }
0x7b7: {  	v7 =	vld [tilespmem:s31+$0x0]  }
0x7b8: {  	v8 =	vld [tilespmem:s31+$0x10]  }
0x7b9: {  	v6 =	vld [tilespmem:s31+$0x20]  }
0x7ba: {  	v10 =	vld [tilespmem:s31+$0xFFFFFFC0]  }
0x7bb: {  	v13 =	vld [tilespmem:s18+$0xFFFFFFC0]  }
0x7bc: {  	v18 =	vld [tilespmem:s18+$0xFFFFFFD0]  }
0x7bd: {  	v16 =	vld [tilespmem:s18+$0xFFFFFFE0]  }
0x7be: {  	v14 =	vld [tilespmem:s18+$0xFFFFFFF0]  }
0x7bf: {  	v11 =	vld [tilespmem:s18+$0x0]  }
0x7c0: {  	[tilespmem:v12+s12+$0x0] =	vst.idx.msk $0xffff, v17;
	v12 =	vld [tilespmem:s18+$0x10]  }
0x7c1: {  	s20 =	simm.s32 $0x0;
	s21 =	simm.s32 $0x190C0;
	[tilespmem:v15+s12+$0x0] =	vst.idx.msk $0xffff, v18;
	v15 =	vld [tilespmem:s18+$0x20]  }
.LBB2_103:
0x7c2: {  	v17 =	vld [tilespmem:s21+$0x30];
	s20 =	sadd.s32 $0x8, s20;
	[tilespmem:v10+s12+$0x0] =	vst.idx.msk $0xffff, v13  }
0x7c3: {  	v18 =	vld [tilespmem:s21+$0xFFFFFFD0];
	p0 =	slt.u32 s20, $0x5F8;
	[tilespmem:v5+s12+$0x0] =	vst.idx.msk $0xffff, v16  }
0x7c4: {  	s18 =	sadd.s32 $0x80, s18;
	v5 =	vld [tilespmem:s21+$0xFFFFFFE0];
	[tilespmem:v9+s12+$0x0] =	vst.idx.msk $0xffff, v14  }
0x7c5: {  	v13 =	vld [tilespmem:s18+$0x30];
	[tilespmem:v7+s12+$0x0] =	vst.idx.msk $0xffff, v11  }
0x7c6: {  	v9 =	vld [tilespmem:s21+$0xFFFFFFF0];
	[tilespmem:v8+s12+$0x0] =	vst.idx.msk $0xffff, v12  }
0x7c7: {  	v7 =	vld [tilespmem:s21+$0x0];
	[tilespmem:v6+s12+$0x0] =	vst.idx.msk $0xffff, v15  }
0x7c8: {  	v8 =	vld [tilespmem:s21+$0x10]  }
0x7c9: {  	v6 =	vld [tilespmem:s21+$0x20]  }
0x7ca: {  	s19 =	simm.s32 $0x0;
	v10 =	vld [tilespmem:s21+$0xFFFFFFC0];
	[tilespmem:v17+s12+$0x0] =	vst.idx.msk $0xffff, v13  }
0x7cb: {  	v13 =	vld [tilespmem:s18+$0xFFFFFFC0]  }
0x7cc: {  	v15 =	vld [tilespmem:s18+$0xFFFFFFD0]  }
.Ltmp54:
0x7cd: {  	v16 =	vld [tilespmem:s18+$0xFFFFFFE0];
	(pc) =	sbr.rel @p0 .LBB2_103-.Ltmp54, $4  }
0x7ce: {  	v14 =	vld [tilespmem:s18+$0xFFFFFFF0]  }
0x7cf: {  	v11 =	vld [tilespmem:s18+$0x0]  }
0x7d0: {  	v12 =	vld [tilespmem:s18+$0x10]  }
0x7d1: {  	s21 =	sadd.s32 $0x80, s21;
	[tilespmem:v18+s12+$0x0] =	vst.idx.msk $0xffff, v15;
	v15 =	vld [tilespmem:s18+$0x20]  }
0x7d2: {  	_ =	sdelay $0x3  }
0x7d3: {  	[tilespmem:v10+s12+$0x0] =	vst.idx.msk $0xffff, v13  }
0x7d4: {  	[tilespmem:v5+s12+$0x0] =	vst.idx.msk $0xffff, v16  }
0x7d5: {  	[tilespmem:v9+s12+$0x0] =	vst.idx.msk $0xffff, v14  }
0x7d6: {  	[tilespmem:v7+s12+$0x0] =	vst.idx.msk $0xffff, v11  }
0x7d7: {  	[tilespmem:v8+s12+$0x0] =	vst.idx.msk $0xffff, v12  }
0x7d8: {  	s18 =	simm.s32 $0x0;
	[tilespmem:v6+s12+$0x0] =	vst.idx.msk $0xffff, v15  }
0x7d9: {  	v5 =	vld [tilespmem:s18+$0xE070]  }
0x7da: {  	v6 =	vld [tilespmem:s18+$0xE000]  }
0x7db: {  	v7 =	vld [tilespmem:s18+$0xE010]  }
0x7dc: {  	v8 =	vld [tilespmem:s18+$0xE020]  }
0x7dd: {  	v12 =	vld [tilespmem:s18+$0xE030]  }
0x7de: {  	v13 =	vld [tilespmem:s18+$0xE040]  }
0x7df: {  	v14 =	vld [tilespmem:s18+$0xE050]  }
0x7e0: {  	v9 =	vld [tilespmem:s18+$0xE060]  }
0x7e1: {  	v15 =	vld.idx.msk [tilespmem:v5+s19+$0x0], $0xffff  }
0x7e2: {  	v11 =	vld.idx.msk [tilespmem:v6+s19+$0x0], $0xffff  }
0x7e3: {  	v10 =	vld.idx.msk [tilespmem:v7+s19+$0x0], $0xffff  }
0x7e4: {  	v8 =	vld.idx.msk [tilespmem:v8+s19+$0x0], $0xffff  }
0x7e5: {  	v7 =	vld.idx.msk [tilespmem:v12+s19+$0x0], $0xffff  }
0x7e6: {  	v6 =	vld.idx.msk [tilespmem:v13+s19+$0x0], $0xffff  }
0x7e7: {  	s20 =	simm.s32 $0x0;
	s21 =	simm.s32 $0x200;
	v5 =	vld.idx.msk [tilespmem:v14+s19+$0x0], $0xffff;
	v12 =	vshrl.u32 v15, $0xC  }
.LBB2_105:
0x7e8: {  	s22 =	sshra.s32 s21, $0x2;
	s20 =	sadd.s32 $0x8, s20;
	v11 =	vshrl.u32 v11, $0xC;
	v9 =	vld.idx.msk [tilespmem:v9+s19+$0x0], $0xffff;
	v12 =	vand.u32 $0xFF0, v12  }
0x7e9: {  	v10 =	vshrl.u32 v10, $0xC;
	v13 =	vld [tilespmem:s22+$0xE070];
	p0 =	slt.u32 s20, $0x1F8;
	v11 =	vand.u32 $0xFF0, v11;
	v12 =	vor.u32 v1, v12  }
0x7ea: {  	v10 =	vand.u32 $0xFF0, v10;
	v8 =	vshrl.u32 v8, $0xC;
	v14 =	vld [tilespmem:s22+$0xE000];
	v11 =	vor.u32 v1, v11;
	[tilespmem:s18+$0x19070] =	vst v12  }
0x7eb: {  	v10 =	vor.u32 v1, v10;
	v8 =	vand.u32 $0xFF0, v8;
	v7 =	vshrl.u32 v7, $0xC;
	v12 =	vld [tilespmem:s22+$0xE010];
	[tilespmem:s18+$0x19000] =	vst v11  }
0x7ec: {  	v8 =	vor.u32 v1, v8;
	v7 =	vand.u32 $0xFF0, v7;
	v6 =	vshrl.u32 v6, $0xC;
	v15 =	vld [tilespmem:s22+$0xE020];
	[tilespmem:s18+$0x19010] =	vst v10  }
0x7ed: {  	v7 =	vor.u32 v1, v7;
	v6 =	vand.u32 $0xFF0, v6;
	v5 =	vshrl.u32 v5, $0xC;
	v16 =	vld [tilespmem:s22+$0xE030];
	[tilespmem:s18+$0x19020] =	vst v8  }
0x7ee: {  	v6 =	vor.u32 v1, v6;
	v5 =	vand.u32 $0xFF0, v5;
	v17 =	vld [tilespmem:s22+$0xE040];
	[tilespmem:s18+$0x19030] =	vst v7;
	v7 =	vshrl.u32 v9, $0xC  }
0x7ef: {  	v5 =	vor.u32 v1, v5;
	v18 =	vld [tilespmem:s22+$0xE050];
	[tilespmem:s18+$0x19040] =	vst v6;
	v6 =	vand.u32 $0xFF0, v7  }
0x7f0: {  	v9 =	vld [tilespmem:s22+$0xE060];
	[tilespmem:s18+$0x19050] =	vst v5;
	v5 =	vor.u32 v1, v6  }
0x7f1: {  	v13 =	vld.idx.msk [tilespmem:v13+s19+$0x0], $0xffff;
	[tilespmem:s18+$0x19060] =	vst v5;
	s18 =	smov.u32 s22  }
0x7f2: {  	v11 =	vld.idx.msk [tilespmem:v14+s19+$0x0], $0xffff  }
.Ltmp55:
0x7f3: {  	v10 =	vld.idx.msk [tilespmem:v12+s19+$0x0], $0xffff;
	(pc) =	sbr.rel @p0 .LBB2_105-.Ltmp55, $4  }
0x7f4: {  	v8 =	vld.idx.msk [tilespmem:v15+s19+$0x0], $0xffff  }
0x7f5: {  	v7 =	vld.idx.msk [tilespmem:v16+s19+$0x0], $0xffff  }
0x7f6: {  	v6 =	vld.idx.msk [tilespmem:v17+s19+$0x0], $0xffff  }
0x7f7: {  	s21 =	sadd.s32 $0x200, s21;
	v12 =	vshrl.u32 v13, $0xC;
	v5 =	vld.idx.msk [tilespmem:v18+s19+$0x0], $0xffff  }
0x7f8: {  	_ =	sdelay $0x2  }
0x7f9: {  	v11 =	vshrl.u32 v11, $0xC;
	v12 =	vand.u32 $0xFF0, v12  }
0x7fa: {  	v9 =	vld.idx.msk [tilespmem:v9+s19+$0x0], $0xffff;
	v10 =	vshrl.u32 v10, $0xC;
	v11 =	vand.u32 $0xFF0, v11;
	v12 =	vor.u32 v1, v12  }
0x7fb: {  	v10 =	vand.u32 $0xFF0, v10;
	v8 =	vshrl.u32 v8, $0xC;
	v11 =	vor.u32 v1, v11;
	[tilespmem:s18+$0x19070] =	vst v12  }
0x7fc: {  	v10 =	vor.u32 v1, v10;
	v8 =	vand.u32 $0xFF0, v8;
	v7 =	vshrl.u32 v7, $0xC;
	[tilespmem:s18+$0x19000] =	vst v11  }
0x7fd: {  	[tilespmem:s18+$0x19010] =	vst v10;
	v8 =	vor.u32 v1, v8;
	v7 =	vand.u32 $0xFF0, v7;
	v6 =	vshrl.u32 v6, $0xC  }
0x7fe: {  	[tilespmem:s18+$0x19020] =	vst v8;
	v7 =	vor.u32 v1, v7;
	v6 =	vand.u32 $0xFF0, v6;
	v5 =	vshrl.u32 v5, $0xC  }
0x7ff: {  	[tilespmem:s18+$0x19030] =	vst v7;
	v6 =	vor.u32 v1, v6;
	v5 =	vand.u32 $0xFF0, v5;
	v7 =	vshrl.u32 v9, $0xC  }
0x800: {  	[tilespmem:s18+$0x19040] =	vst v6;
	v5 =	vor.u32 v1, v5;
	v6 =	vand.u32 $0xFF0, v7  }
0x801: {  	[tilespmem:s18+$0x19050] =	vst v5;
	v5 =	vor.u32 v1, v6  }
0x802: {  	[tilespmem:s18+$0x19060] =	vst v5;
	s18 =	simm.s32 $0x0  }
0x803: {  	v5 =	vld [tilespmem:s18+$0x19000];
	_ =	sdelay $0x7  }
0x804: {  	v6 =	vld.idx.msk [tilespmem:v5+s11+$0x0], $0xffff  }
0x805: {  	[tilespmem:v5+s11+$0x0] =	vst.idx.add.s32.msk $0xffff, v2  }
0x806: {  	v5 =	vld [tilespmem:s18+$0x19010];
	_ =	sdelay $0x3  }
0x807: {  	v7 =	vshll.u32 v6, $0x4  }
0x808: {  	v6 =	vshrl.u32 v6, $0xB;
	v7 =	vand.u32 $0x7FF0, v7  }
0x809: {  	v6 =	vor.u32 v6, v7  }
0x80a: {  	[tilespmem:s18+$0x19000] =	vst v6  }
0x80b: {  	v6 =	vld.idx.msk [tilespmem:v5+s11+$0x0], $0xffff  }
0x80c: {  	[tilespmem:v5+s11+$0x0] =	vst.idx.add.s32.msk $0xffff, v2  }
0x80d: {  	v5 =	vld [tilespmem:s18+$0x19020];
	_ =	sdelay $0x3  }
0x80e: {  	v7 =	vshll.u32 v6, $0x4  }
0x80f: {  	v6 =	vshrl.u32 v6, $0xB;
	v7 =	vand.u32 $0x7FF0, v7  }
0x810: {  	v6 =	vor.u32 v6, v7  }
0x811: {  	[tilespmem:s18+$0x19010] =	vst v6  }
0x812: {  	v6 =	vld.idx.msk [tilespmem:v5+s11+$0x0], $0xffff  }
0x813: {  	[tilespmem:v5+s11+$0x0] =	vst.idx.add.s32.msk $0xffff, v2  }
0x814: {  	v5 =	vld [tilespmem:s18+$0x19030];
	_ =	sdelay $0x3  }
0x815: {  	v7 =	vshll.u32 v6, $0x4  }
0x816: {  	v6 =	vshrl.u32 v6, $0xB;
	v7 =	vand.u32 $0x7FF0, v7  }
0x817: {  	v6 =	vor.u32 v6, v7  }
0x818: {  	[tilespmem:s18+$0x19020] =	vst v6  }
0x819: {  	v6 =	vld.idx.msk [tilespmem:v5+s11+$0x0], $0xffff  }
0x81a: {  	[tilespmem:v5+s11+$0x0] =	vst.idx.add.s32.msk $0xffff, v2  }
0x81b: {  	v5 =	vld [tilespmem:s18+$0x19040];
	_ =	sdelay $0x3  }
0x81c: {  	v7 =	vshll.u32 v6, $0x4  }
0x81d: {  	v6 =	vshrl.u32 v6, $0xB;
	v7 =	vand.u32 $0x7FF0, v7  }
0x81e: {  	v6 =	vor.u32 v6, v7  }
0x81f: {  	[tilespmem:s18+$0x19030] =	vst v6  }
0x820: {  	v6 =	vld.idx.msk [tilespmem:v5+s11+$0x0], $0xffff  }
0x821: {  	[tilespmem:v5+s11+$0x0] =	vst.idx.add.s32.msk $0xffff, v2  }
0x822: {  	v5 =	vld [tilespmem:s18+$0x19050];
	_ =	sdelay $0x3  }
0x823: {  	v7 =	vshll.u32 v6, $0x4  }
0x824: {  	v6 =	vshrl.u32 v6, $0xB;
	v7 =	vand.u32 $0x7FF0, v7  }
0x825: {  	v6 =	vor.u32 v6, v7  }
0x826: {  	[tilespmem:s18+$0x19040] =	vst v6  }
0x827: {  	v6 =	vld.idx.msk [tilespmem:v5+s11+$0x0], $0xffff  }
0x828: {  	[tilespmem:v5+s11+$0x0] =	vst.idx.add.s32.msk $0xffff, v2  }
0x829: {  	v5 =	vld [tilespmem:s18+$0x19060];
	_ =	sdelay $0x3  }
0x82a: {  	v7 =	vshll.u32 v6, $0x4  }
0x82b: {  	v6 =	vshrl.u32 v6, $0xB;
	v7 =	vand.u32 $0x7FF0, v7  }
0x82c: {  	v6 =	vor.u32 v6, v7  }
0x82d: {  	[tilespmem:s18+$0x19050] =	vst v6  }
0x82e: {  	v6 =	vld.idx.msk [tilespmem:v5+s11+$0x0], $0xffff  }
0x82f: {  	[tilespmem:v5+s11+$0x0] =	vst.idx.add.s32.msk $0xffff, v2  }
0x830: {  	v5 =	vld [tilespmem:s18+$0x19070];
	_ =	sdelay $0x3  }
0x831: {  	v7 =	vshll.u32 v6, $0x4  }
0x832: {  	v6 =	vshrl.u32 v6, $0xB;
	v7 =	vand.u32 $0x7FF0, v7  }
0x833: {  	v6 =	vor.u32 v6, v7  }
0x834: {  	[tilespmem:s18+$0x19060] =	vst v6  }
0x835: {  	v6 =	vld.idx.msk [tilespmem:v5+s11+$0x0], $0xffff  }
0x836: {  	s21 =	simm.s32 $0x80;
	[tilespmem:v5+s11+$0x0] =	vst.idx.add.s32.msk $0xffff, v2  }
0x837: {  	v5 =	vld [tilespmem:s21+$0x19000];
	_ =	sdelay $0x3  }
0x838: {  	v7 =	vshll.u32 v6, $0x4  }
0x839: {  	v6 =	vshrl.u32 v6, $0xB;
	v7 =	vand.u32 $0x7FF0, v7  }
0x83a: {  	s19 =	simm.s32 $0x400;
	v6 =	vor.u32 v6, v7  }
.LBB2_107:
0x83b: {  	p0 =	sne.s32 s19, $0x7E00;
	[tilespmem:s18+$0x19070] =	vst v6;
	s20 =	smov.u32 s19;
	s19 =	sadd.s32 $0x200, s19  }
0x83c: {  	s18 =	smov.u32 s21;
	v6 =	vld.idx.msk [tilespmem:v5+s11+$0x0], $0xffff  }
0x83d: {  	[tilespmem:v5+s11+$0x0] =	vst.idx.add.s32.msk $0xffff, v2  }
0x83e: {  	v5 =	vld [tilespmem:s18+$0x19010];
	_ =	sdelay $0x3  }
0x83f: {  	v7 =	vshll.u32 v6, $0x4  }
0x840: {  	v6 =	vshrl.u32 v6, $0xB;
	v7 =	vand.u32 $0x7FF0, v7  }
0x841: {  	v6 =	vor.u32 v6, v7  }
0x842: {  	[tilespmem:s18+$0x19000] =	vst v6  }
0x843: {  	v6 =	vld.idx.msk [tilespmem:v5+s11+$0x0], $0xffff  }
0x844: {  	[tilespmem:v5+s11+$0x0] =	vst.idx.add.s32.msk $0xffff, v2  }
0x845: {  	v5 =	vld [tilespmem:s18+$0x19020];
	_ =	sdelay $0x3  }
0x846: {  	v7 =	vshll.u32 v6, $0x4  }
0x847: {  	v6 =	vshrl.u32 v6, $0xB;
	v7 =	vand.u32 $0x7FF0, v7  }
0x848: {  	v6 =	vor.u32 v6, v7  }
0x849: {  	[tilespmem:s18+$0x19010] =	vst v6  }
0x84a: {  	v6 =	vld.idx.msk [tilespmem:v5+s11+$0x0], $0xffff  }
0x84b: {  	[tilespmem:v5+s11+$0x0] =	vst.idx.add.s32.msk $0xffff, v2  }
0x84c: {  	v5 =	vld [tilespmem:s18+$0x19030];
	_ =	sdelay $0x3  }
0x84d: {  	v7 =	vshll.u32 v6, $0x4  }
0x84e: {  	v6 =	vshrl.u32 v6, $0xB;
	v7 =	vand.u32 $0x7FF0, v7  }
0x84f: {  	v6 =	vor.u32 v6, v7  }
0x850: {  	[tilespmem:s18+$0x19020] =	vst v6  }
0x851: {  	v6 =	vld.idx.msk [tilespmem:v5+s11+$0x0], $0xffff  }
0x852: {  	[tilespmem:v5+s11+$0x0] =	vst.idx.add.s32.msk $0xffff, v2  }
0x853: {  	v5 =	vld [tilespmem:s18+$0x19040];
	_ =	sdelay $0x3  }
0x854: {  	v7 =	vshll.u32 v6, $0x4  }
0x855: {  	v6 =	vshrl.u32 v6, $0xB;
	v7 =	vand.u32 $0x7FF0, v7  }
0x856: {  	v6 =	vor.u32 v6, v7  }
0x857: {  	[tilespmem:s18+$0x19030] =	vst v6  }
0x858: {  	v6 =	vld.idx.msk [tilespmem:v5+s11+$0x0], $0xffff  }
0x859: {  	[tilespmem:v5+s11+$0x0] =	vst.idx.add.s32.msk $0xffff, v2  }
0x85a: {  	v5 =	vld [tilespmem:s18+$0x19050];
	_ =	sdelay $0x3  }
0x85b: {  	v7 =	vshll.u32 v6, $0x4  }
0x85c: {  	v6 =	vshrl.u32 v6, $0xB;
	v7 =	vand.u32 $0x7FF0, v7  }
0x85d: {  	v6 =	vor.u32 v6, v7  }
0x85e: {  	[tilespmem:s18+$0x19040] =	vst v6  }
0x85f: {  	v6 =	vld.idx.msk [tilespmem:v5+s11+$0x0], $0xffff  }
0x860: {  	[tilespmem:v5+s11+$0x0] =	vst.idx.add.s32.msk $0xffff, v2  }
0x861: {  	v5 =	vld [tilespmem:s18+$0x19060];
	_ =	sdelay $0x3  }
0x862: {  	v7 =	vshll.u32 v6, $0x4  }
0x863: {  	v6 =	vshrl.u32 v6, $0xB;
	v7 =	vand.u32 $0x7FF0, v7  }
0x864: {  	v6 =	vor.u32 v6, v7  }
0x865: {  	[tilespmem:s18+$0x19050] =	vst v6  }
0x866: {  	v6 =	vld.idx.msk [tilespmem:v5+s11+$0x0], $0xffff  }
0x867: {  	[tilespmem:v5+s11+$0x0] =	vst.idx.add.s32.msk $0xffff, v2  }
0x868: {  	v5 =	vld [tilespmem:s18+$0x19070];
	_ =	sdelay $0x3  }
0x869: {  	v7 =	vshll.u32 v6, $0x4  }
0x86a: {  	v6 =	vshrl.u32 v6, $0xB;
	v7 =	vand.u32 $0x7FF0, v7  }
0x86b: {  	v6 =	vor.u32 v6, v7  }
0x86c: {  	[tilespmem:s18+$0x19060] =	vst v6  }
0x86d: {  	v6 =	vld.idx.msk [tilespmem:v5+s11+$0x0], $0xffff  }
0x86e: {  	s21 =	sshra.s32 s20, $0x2;
	[tilespmem:v5+s11+$0x0] =	vst.idx.add.s32.msk $0xffff, v2  }
0x86f: {  	v5 =	vld [tilespmem:s21+$0x19000];
	_ =	sdelay $0x1  }
.Ltmp56:
0x870: {  	(pc) =	sbr.rel @p0 .LBB2_107-.Ltmp56, $4  }
0x871: {  	_ = 	snop  }
0x872: {  	v7 =	vshll.u32 v6, $0x4  }
0x873: {  	v6 =	vshrl.u32 v6, $0xB;
	v7 =	vand.u32 $0x7FF0, v7  }
0x874: {  	v6 =	vor.u32 v6, v7  }
0x875: {  	_ =	sdelay $0x2  }
0x876: {  	[tilespmem:s18+$0x19070] =	vst v6  }
0x877: {  	v6 =	vld.idx.msk [tilespmem:v5+s11+$0x0], $0xffff  }
0x878: {  	[tilespmem:v5+s11+$0x0] =	vst.idx.add.s32.msk $0xffff, v2  }
0x879: {  	v5 =	vld [tilespmem:s21+$0x19010];
	_ =	sdelay $0x3  }
0x87a: {  	v7 =	vshll.u32 v6, $0x4  }
0x87b: {  	v6 =	vshrl.u32 v6, $0xB;
	v7 =	vand.u32 $0x7FF0, v7  }
0x87c: {  	v6 =	vor.u32 v6, v7  }
0x87d: {  	[tilespmem:s21+$0x19000] =	vst v6  }
0x87e: {  	v6 =	vld.idx.msk [tilespmem:v5+s11+$0x0], $0xffff  }
0x87f: {  	[tilespmem:v5+s11+$0x0] =	vst.idx.add.s32.msk $0xffff, v2  }
0x880: {  	v5 =	vld [tilespmem:s21+$0x19020];
	_ =	sdelay $0x3  }
0x881: {  	v7 =	vshll.u32 v6, $0x4  }
0x882: {  	v6 =	vshrl.u32 v6, $0xB;
	v7 =	vand.u32 $0x7FF0, v7  }
0x883: {  	v6 =	vor.u32 v6, v7  }
0x884: {  	[tilespmem:s21+$0x19010] =	vst v6  }
0x885: {  	v6 =	vld.idx.msk [tilespmem:v5+s11+$0x0], $0xffff  }
0x886: {  	[tilespmem:v5+s11+$0x0] =	vst.idx.add.s32.msk $0xffff, v2  }
0x887: {  	v5 =	vld [tilespmem:s21+$0x19030];
	_ =	sdelay $0x3  }
0x888: {  	v7 =	vshll.u32 v6, $0x4  }
0x889: {  	v6 =	vshrl.u32 v6, $0xB;
	v7 =	vand.u32 $0x7FF0, v7  }
0x88a: {  	v6 =	vor.u32 v6, v7  }
0x88b: {  	[tilespmem:s21+$0x19020] =	vst v6  }
0x88c: {  	v6 =	vld.idx.msk [tilespmem:v5+s11+$0x0], $0xffff  }
0x88d: {  	[tilespmem:v5+s11+$0x0] =	vst.idx.add.s32.msk $0xffff, v2  }
0x88e: {  	v5 =	vld [tilespmem:s21+$0x19040];
	_ =	sdelay $0x3  }
0x88f: {  	v7 =	vshll.u32 v6, $0x4  }
0x890: {  	v6 =	vshrl.u32 v6, $0xB;
	v7 =	vand.u32 $0x7FF0, v7  }
0x891: {  	v6 =	vor.u32 v6, v7  }
0x892: {  	[tilespmem:s21+$0x19030] =	vst v6  }
0x893: {  	v6 =	vld.idx.msk [tilespmem:v5+s11+$0x0], $0xffff  }
0x894: {  	[tilespmem:v5+s11+$0x0] =	vst.idx.add.s32.msk $0xffff, v2  }
0x895: {  	v5 =	vld [tilespmem:s21+$0x19050];
	_ =	sdelay $0x3  }
0x896: {  	v7 =	vshll.u32 v6, $0x4  }
0x897: {  	v6 =	vshrl.u32 v6, $0xB;
	v7 =	vand.u32 $0x7FF0, v7  }
0x898: {  	v6 =	vor.u32 v6, v7  }
0x899: {  	[tilespmem:s21+$0x19040] =	vst v6  }
0x89a: {  	v6 =	vld.idx.msk [tilespmem:v5+s11+$0x0], $0xffff  }
0x89b: {  	[tilespmem:v5+s11+$0x0] =	vst.idx.add.s32.msk $0xffff, v2  }
0x89c: {  	v5 =	vld [tilespmem:s21+$0x19060];
	_ =	sdelay $0x3  }
0x89d: {  	v7 =	vshll.u32 v6, $0x4  }
0x89e: {  	v6 =	vshrl.u32 v6, $0xB;
	v7 =	vand.u32 $0x7FF0, v7  }
0x89f: {  	v6 =	vor.u32 v6, v7  }
0x8a0: {  	[tilespmem:s21+$0x19050] =	vst v6  }
0x8a1: {  	v6 =	vld.idx.msk [tilespmem:v5+s11+$0x0], $0xffff  }
0x8a2: {  	[tilespmem:v5+s11+$0x0] =	vst.idx.add.s32.msk $0xffff, v2  }
0x8a3: {  	v5 =	vld [tilespmem:s21+$0x19070];
	_ =	sdelay $0x3  }
0x8a4: {  	v7 =	vshll.u32 v6, $0x4  }
0x8a5: {  	v6 =	vshrl.u32 v6, $0xB;
	v7 =	vand.u32 $0x7FF0, v7  }
0x8a6: {  	v6 =	vor.u32 v6, v7  }
0x8a7: {  	[tilespmem:s21+$0x19060] =	vst v6  }
0x8a8: {  	v6 =	vld.idx.msk [tilespmem:v5+s11+$0x0], $0xffff;
	_ =	sdelay $0x4  }
0x8a9: {  	v7 =	vshll.u32 v6, $0x4  }
0x8aa: {  	v6 =	vshrl.u32 v6, $0xB;
	v7 =	vand.u32 $0x7FF0, v7  }
0x8ab: {  	[tilespmem:v5+s11+$0x0] =	vst.idx.add.s32.msk $0xffff, v2;
	v5 =	vor.u32 v6, v7  }
0x8ac: {  	s18 =	simm.s32 $0x0;
	[tilespmem:s21+$0x19070] =	vst v5  }
0x8ad: {  	v12 =	vld [tilespmem:s18+$0x19070]  }
0x8ae: {  	v14 =	vld [tilespmem:s18+$0x19000]  }
0x8af: {  	v8 =	vld [tilespmem:s18+$0x19010]  }
0x8b0: {  	v16 =	vld [tilespmem:s18+$0xE070]  }
0x8b1: {  	v9 =	vld [tilespmem:s18+$0x19020]  }
0x8b2: {  	v10 =	vld [tilespmem:s18+$0x19030]  }
0x8b3: {  	v7 =	vld [tilespmem:s18+$0x19040]  }
0x8b4: {  	v6 =	vld [tilespmem:s18+$0x19050]  }
0x8b5: {  	v5 =	vld [tilespmem:s18+$0x19060]  }
0x8b6: {  	v17 =	vld [tilespmem:s18+$0xE000]  }
0x8b7: {  	v15 =	vld [tilespmem:s18+$0xE010]  }
0x8b8: {  	v13 =	vld [tilespmem:s18+$0xE020]  }
0x8b9: {  	v11 =	vld [tilespmem:s18+$0xE030]  }
0x8ba: {  	[tilespmem:v12+s12+$0x0] =	vst.idx.msk $0xffff, v16;
	v12 =	vld [tilespmem:s18+$0xE040]  }
0x8bb: {  	s20 =	simm.s32 $0x0;
	s21 =	simm.s32 $0x200;
	[tilespmem:v14+s12+$0x0] =	vst.idx.msk $0xffff, v17;
	v14 =	vld [tilespmem:s18+$0xE050]  }
.LBB2_109:
0x8bc: {  	s20 =	sadd.s32 $0x8, s20;
	[tilespmem:v8+s12+$0x0] =	vst.idx.msk $0xffff, v15;
	v15 =	vld [tilespmem:s18+$0xE060];
	s18 =	sshra.s32 s21, $0x2  }
0x8bd: {  	v16 =	vld [tilespmem:s18+$0x19070];
	p0 =	slt.u32 s20, $0x1F8;
	[tilespmem:v9+s12+$0x0] =	vst.idx.msk $0xffff, v13  }
0x8be: {  	v17 =	vld [tilespmem:s18+$0x19000];
	[tilespmem:v10+s12+$0x0] =	vst.idx.msk $0xffff, v11  }
0x8bf: {  	v8 =	vld [tilespmem:s18+$0x19010];
	[tilespmem:v7+s12+$0x0] =	vst.idx.msk $0xffff, v12  }
0x8c0: {  	v11 =	vld [tilespmem:s18+$0xE070];
	[tilespmem:v6+s12+$0x0] =	vst.idx.msk $0xffff, v14  }
0x8c1: {  	v9 =	vld [tilespmem:s18+$0x19020];
	[tilespmem:v5+s12+$0x0] =	vst.idx.msk $0xffff, v15  }
0x8c2: {  	v10 =	vld [tilespmem:s18+$0x19030]  }
0x8c3: {  	v7 =	vld [tilespmem:s18+$0x19040]  }
0x8c4: {  	v6 =	vld [tilespmem:s18+$0x19050]  }
0x8c5: {  	s19 =	simm.s32 $0x18040;
	v5 =	vld [tilespmem:s18+$0x19060];
	[tilespmem:v16+s12+$0x0] =	vst.idx.msk $0xffff, v11  }
0x8c6: {  	v14 =	vld [tilespmem:s18+$0xE000]  }
.Ltmp57:
0x8c7: {  	v15 =	vld [tilespmem:s18+$0xE010];
	(pc) =	sbr.rel @p0 .LBB2_109-.Ltmp57, $4  }
0x8c8: {  	v13 =	vld [tilespmem:s18+$0xE020]  }
0x8c9: {  	v11 =	vld [tilespmem:s18+$0xE030]  }
0x8ca: {  	v12 =	vld [tilespmem:s18+$0xE040]  }
0x8cb: {  	s21 =	sadd.s32 $0x200, s21;
	[tilespmem:v17+s12+$0x0] =	vst.idx.msk $0xffff, v14;
	v14 =	vld [tilespmem:s18+$0xE050]  }
0x8cc: {  	_ =	sdelay $0x3  }
0x8cd: {  	[tilespmem:v8+s12+$0x0] =	vst.idx.msk $0xffff, v15;
	v63 =	vld [tilespmem:s18+$0xE060]  }
0x8ce: {  	[tilespmem:v9+s12+$0x0] =	vst.idx.msk $0xffff, v13  }
0x8cf: {  	[tilespmem:v10+s12+$0x0] =	vst.idx.msk $0xffff, v11  }
0x8d0: {  	[tilespmem:v7+s12+$0x0] =	vst.idx.msk $0xffff, v12  }
0x8d1: {  	[tilespmem:v6+s12+$0x0] =	vst.idx.msk $0xffff, v14  }
0x8d2: {  	[tilespmem:v5+s12+$0x0] =	vst.idx.msk $0xffff, v63  }
0x8d3: {  	[tilespmem:s19+$0xFFFFFFC0] =	vst v0  }
0x8d4: {  	[tilespmem:s19+$0x30] =	vst v0  }
0x8d5: {  	[tilespmem:s19+$0x20] =	vst v0  }
0x8d6: {  	[tilespmem:s19+$0x10] =	vst v0  }
0x8d7: {  	[tilespmem:s19+$0x0] =	vst v0  }
0x8d8: {  	[tilespmem:s19+$0xFFFFFFF0] =	vst v0  }
0x8d9: {  	s20 =	simm.s32 $0x0;
	[tilespmem:s19+$0xFFFFFFE0] =	vst v0  }
.LBB2_111:
0x8da: {  	s20 =	sadd.s32 $0x8, s20;
	[tilespmem:s19+$0xFFFFFFD0] =	vst v0;
	s19 =	sadd.s32 $0x80, s19  }
0x8db: {  	[tilespmem:s19+$0xFFFFFFC0] =	vst v0;
	p0 =	slt.u32 s20, $0xF8  }
0x8dc: {  	[tilespmem:s19+$0x30] =	vst v0  }
.Ltmp58:
0x8dd: {  	[tilespmem:s19+$0x20] =	vst v0;
	(pc) =	sbr.rel @p0 .LBB2_111-.Ltmp58, $4  }
0x8de: {  	[tilespmem:s19+$0x10] =	vst v0  }
0x8df: {  	[tilespmem:s19+$0x0] =	vst v0  }
0x8e0: {  	[tilespmem:s19+$0xFFFFFFF0] =	vst v0  }
0x8e1: {  	s21 =	simm.s32 $0x10040;
	s18 =	simm.s32 $0x19040;
	[tilespmem:s19+$0xFFFFFFE0] =	vst v0  }
0x8e2: {  	[tilespmem:s19+$0xFFFFFFD0] =	vst v0  }
0x8e3: {  	v5 =	vld [tilespmem:s21+$0x30]  }
0x8e4: {  	v6 =	vld [tilespmem:s21+$0x0]  }
0x8e5: {  	v7 =	vld [tilespmem:s21+$0x10]  }
0x8e6: {  	v9 =	vld [tilespmem:s21+$0xFFFFFFD0]  }
0x8e7: {  	v10 =	vld [tilespmem:s21+$0xFFFFFFF0]  }
0x8e8: {  	v11 =	vld [tilespmem:s21+$0xFFFFFFE0]  }
0x8e9: {  	v12 =	vld [tilespmem:s21+$0x20]  }
0x8ea: {  	v8 =	vld [tilespmem:s21+$0xFFFFFFC0]  }
0x8eb: {  	v5 =	vld.idx.msk [tilespmem:v5+s3+$0x0], $0xffff  }
0x8ec: {  	v6 =	vld.idx.msk [tilespmem:v6+s3+$0x0], $0xffff  }
0x8ed: {  	v7 =	vld.idx.msk [tilespmem:v7+s3+$0x0], $0xffff  }
0x8ee: {  	v9 =	vld.idx.msk [tilespmem:v9+s3+$0x0], $0xffff  }
0x8ef: {  	v10 =	vld.idx.msk [tilespmem:v10+s3+$0x0], $0xffff  }
0x8f0: {  	v11 =	vld.idx.msk [tilespmem:v11+s3+$0x0], $0xffff  }
0x8f1: {  	v25 =	vld.idx.msk [tilespmem:v12+s3+$0x0], $0xffff;
	_ =	sdelay $0x2  }
0x8f2: {  	v5 =	vshrl.u32 v5, $0x14;
	v22 =	vshrl.u32 v7, $0x14  }
0x8f3: {  	v7 =	vshrl.u32 v6, $0x14;
	v9 =	vshrl.u32 v9, $0x14;
	v11 =	vshrl.u32 v11, $0x14  }
0x8f4: {  	v8 =	vld.idx.msk [tilespmem:v8+s3+$0x0], $0xffff;
	v10 =	vshrl.u32 v10, $0x14;
	v25 =	vshrl.u32 v25, $0x14;
	v13 =	vand.u32 $0xFF0, v5  }
0x8f5: {  	s31 =	simm.s32 $0x100C0;
	v5 =	vand.u32 $0xF80, v5;
	v17 =	vand.u32 $0xFF0, v9;
	v28 =	vand.u32 $0xFF0, v7  }
0x8f6: {  	v15 =	vld [tilespmem:s31+$0x30];
	v9 =	vand.u32 $0xF80, v9;
	v23 =	vand.u32 $0xF80, v11;
	v16 =	vor.u32 v1, v13  }
0x8f7: {  	v12 =	vld [tilespmem:s31+$0xFFFFFFF0];
	v24 =	vand.u32 $0xF80, v10;
	v11 =	vand.u32 $0xFF0, v11;
	v13 =	vand.u32 $0x7F, v16  }
0x8f8: {  	v6 =	vld [tilespmem:s31+$0xFFFFFFC0];
	v20 =	vand.u32 $0xFF0, v10;
	v26 =	vand.u32 $0xFF0, v22;
	v18 =	vor.u32 v5, v13  }
0x8f9: {  	v10 =	vld [tilespmem:s31+$0x20];
	v29 =	vand.u32 $0xF80, v22;
	v19 =	vor.u32 v1, v11;
	v5 =	vshrl.u32 v8, $0x14  }
0x8fa: {  	v14 =	vand.u32 $0xFF0, v5;
	v21 =	vand.u32 $0xF80, v5;
	v5 =	vor.u32 v1, v17;
	v17 =	vld [tilespmem:s31+$0x0]  }
0x8fb: {  	v20 =	vor.u32 v1, v20;
	v13 =	vand.u32 $0xF80, v7;
	v8 =	vld [tilespmem:s31+$0x10];
	v7 =	vand.u32 $0x7F, v5  }
0x8fc: {  	v22 =	vld [tilespmem:s31+$0xFFFFFFE0];
	v14 =	vor.u32 v1, v14;
	v9 =	vor.u32 v9, v7;
	v7 =	vor.u32 v1, v26  }
0x8fd: {  	v27 =	vand.u32 $0x7F, v20;
	v26 =	vand.u32 $0x7F, v14;
	v11 =	vand.u32 $0x7F, v7;
	[tilespmem:v18+s11+$0x0] =	vst.idx.add.s32.msk $0xffff, v2  }
0x8fe: {  	s20 =	simm.s32 $0x8;
	s19 =	simm.s32 $0x19040;
	s21 =	simm.s32 $0x10140;
	v18 =	vld [tilespmem:s31+$0xFFFFFFD0];
	v11 =	vor.u32 v29, v11;
	[tilespmem:s18+$0x30] =	vst v16;
	v16 =	vor.u32 v1, v28;
	v28 =	vand.u32 $0xFF0, v25  }
.LBB2_113:
0x8ff: {  	v29 =	vld [tilespmem:s21+$0xFFFFFFC0];
	s20 =	sadd.s32 $0x8, s20;
	v21 =	vor.u32 v21, v26;
	v26 =	vand.u32 $0x7F, v19;
	v30 =	vand.u32 $0x7F, v16;
	s18 =	sadd.s32 $0x80, s18  }
0x900: {  	v24 =	vor.u32 v24, v27;
	v31 =	vld [tilespmem:s21+$0x10];
	p0 =	slt.u32 s20, $0x5F8;
	v23 =	vor.u32 v23, v26;
	v26 =	vor.u32 v13, v30  }
0x901: {  	v27 =	vor.u32 v1, v28;
	v13 =	vld.idx.msk [tilespmem:v15+s3+$0x0], $0xffff;
	v15 =	vand.u32 $0xF80, v25  }
0x902: {  	v25 =	vand.u32 $0x7F, v27;
	v17 =	vld.idx.msk [tilespmem:v17+s3+$0x0], $0xffff  }
0x903: {  	v15 =	vor.u32 v15, v25;
	v28 =	vld.idx.msk [tilespmem:v8+s3+$0x0], $0xffff  }
0x904: {  	[tilespmem:v21+s11+$0x0] =	vst.idx.add.s32.msk $0xffff, v2  }
0x905: {  	v21 =	vld.idx.msk [tilespmem:v6+s3+$0x0], $0xffff;
	[tilespmem:s19+$0xFFFFFFC0] =	vst v14;
	v6 =	vmov v29;
	v8 =	vmov v31  }
0x906: {  	[tilespmem:v24+s11+$0x0] =	vst.idx.add.s32.msk $0xffff, v2  }
0x907: {  	v13 =	vshrl.u32 v13, $0x14;
	v14 =	vld.idx.msk [tilespmem:v18+s3+$0x0], $0xffff;
	[tilespmem:s19+$0xFFFFFFF0] =	vst v20  }
0x908: {  	v18 =	vand.u32 $0xFF0, v13;
	[tilespmem:v23+s11+$0x0] =	vst.idx.add.s32.msk $0xffff, v2  }
0x909: {  	v29 =	vor.u32 v1, v18;
	v12 =	vld.idx.msk [tilespmem:v12+s3+$0x0], $0xffff;
	[tilespmem:s19+$0xFFFFFFE0] =	vst v19  }
0x90a: {  	v19 =	vand.u32 $0x7F, v29;
	v18 =	vld.idx.msk [tilespmem:v22+s3+$0x0], $0xffff  }
0x90b: {  	v13 =	vand.u32 $0xF80, v13;
	v22 =	vshrl.u32 v28, $0x14;
	[tilespmem:v15+s11+$0x0] =	vst.idx.add.s32.msk $0xffff, v2  }
0x90c: {  	v17 =	vshrl.u32 v17, $0x14;
	v25 =	vor.u32 v13, v19;
	v15 =	vld [tilespmem:s21+$0x30];
	[tilespmem:s19+$0x20] =	vst v27  }
0x90d: {  	v19 =	vshrl.u32 v21, $0x14;
	v13 =	vand.u32 $0xF80, v17;
	v20 =	vshrl.u32 v14, $0x14;
	[tilespmem:v26+s11+$0x0] =	vst.idx.add.s32.msk $0xffff, v2  }
0x90e: {  	v28 =	vand.u32 $0xFF0, v17;
	v14 =	vand.u32 $0xFF0, v19;
	v23 =	vand.u32 $0xFF0, v20;
	v30 =	vld.idx.msk [tilespmem:v10+s3+$0x0], $0xffff;
	[tilespmem:s19+$0x0] =	vst v16  }
0x90f: {  	v21 =	vand.u32 $0xF80, v19;
	v14 =	vor.u32 v1, v14;
	v10 =	vor.u32 v1, v23;
	[tilespmem:v9+s11+$0x0] =	vst.idx.add.s32.msk $0xffff, v2  }
0x910: {  	v9 =	vand.u32 $0x7F, v10;
	v16 =	vshrl.u32 v18, $0x14;
	v18 =	vshrl.u32 v12, $0x14;
	[tilespmem:v11+s11+$0x0] =	vst.idx.add.s32.msk $0xffff, v2  }
0x911: {  	v11 =	vand.u32 $0xF80, v20;
	v23 =	vand.u32 $0xF80, v16;
	v24 =	vand.u32 $0xF80, v18;
	v12 =	vld [tilespmem:s21+$0xFFFFFFF0];
	[tilespmem:s19+$0x10] =	vst v7  }
.Ltmp59:
0x912: {  	v7 =	vand.u32 $0xFF0, v16;
	v16 =	vand.u32 $0xFF0, v18;
	v18 =	vand.u32 $0xFF0, v22;
	v17 =	vld [tilespmem:s21+$0x0];
	[tilespmem:s19+$0xFFFFFFD0] =	vst v5;
	v5 =	vmovc v10;
	s19 =	smov.u32 s18;
	(pc) =	sbr.rel @p0 .LBB2_113-.Ltmp59, $4  }
0x913: {  	v9 =	vor.u32 v11, v9;
	v19 =	vor.u32 v1, v7;
	v7 =	vor.u32 v1, v18;
	v10 =	vld [tilespmem:s21+$0x20]  }
0x914: {  	v26 =	vand.u32 $0x7F, v14;
	v20 =	vor.u32 v1, v16;
	v11 =	vand.u32 $0x7F, v7;
	[tilespmem:v25+s11+$0x0] =	vst.idx.add.s32.msk $0xffff, v2  }
0x915: {  	v31 =	vand.u32 $0xF80, v22;
	v27 =	vand.u32 $0x7F, v20;
	v25 =	vshrl.u32 v30, $0x14;
	v18 =	vld [tilespmem:s21+$0xFFFFFFD0];
	[tilespmem:s18+$0x30] =	vst v29  }
0x916: {  	v16 =	vor.u32 v1, v28;
	v11 =	vor.u32 v31, v11;
	v28 =	vand.u32 $0xFF0, v25;
	v22 =	vld [tilespmem:s21+$0xFFFFFFE0];
	s21 =	sadd.s32 $0x80, s21  }
0x917: {  	_ =	sdelay $0x3  }
0x918: {  	v15 =	vld.idx.msk [tilespmem:v15+s3+$0x0], $0xffff  }
0x919: {  	v21 =	vor.u32 v21, v26;
	v6 =	vld.idx.msk [tilespmem:v6+s3+$0x0], $0xffff  }
0x91a: {  	v24 =	vor.u32 v24, v27;
	[tilespmem:v9+s11+$0x0] =	vst.idx.add.s32.msk $0xffff, v2  }
0x91b: {  	v41 =	vand.u32 $0x7F, v19;
	[tilespmem:v11+s11+$0x0] =	vst.idx.add.s32.msk $0xffff, v2  }
0x91c: {  	v12 =	vld.idx.msk [tilespmem:v12+s3+$0x0], $0xffff;
	v23 =	vor.u32 v23, v41;
	[tilespmem:s19+$0x10] =	vst v7  }
0x91d: {  	v44 =	vand.u32 $0x7F, v16;
	v17 =	vld.idx.msk [tilespmem:v17+s3+$0x0], $0xffff;
	[tilespmem:s19+$0xFFFFFFD0] =	vst v5  }
0x91e: {  	v42 =	vor.u32 v1, v28;
	v13 =	vor.u32 v13, v44;
	[tilespmem:v21+s11+$0x0] =	vst.idx.add.s32.msk $0xffff, v2  }
0x91f: {  	v25 =	vand.u32 $0xF80, v25;
	v43 =	vand.u32 $0x7F, v42;
	[tilespmem:v24+s11+$0x0] =	vst.idx.add.s32.msk $0xffff, v2;
	v45 =	vshrl.u32 v15, $0x14  }
0x920: {  	v25 =	vor.u32 v25, v43;
	v46 =	vld.idx.msk [tilespmem:v22+s3+$0x0], $0xffff;
	v6 =	vshrl.u32 v6, $0x14;
	[tilespmem:s19+$0xFFFFFFC0] =	vst v14;
	v15 =	vand.u32 $0xFF0, v45  }
0x921: {  	v12 =	vshrl.u32 v12, $0x14;
	[tilespmem:v23+s11+$0x0] =	vst.idx.add.s32.msk $0xffff, v2;
	v49 =	vand.u32 $0xFF0, v6;
	v15 =	vor.u32 v1, v15  }
0x922: {  	v10 =	vld.idx.msk [tilespmem:v10+s3+$0x0], $0xffff;
	[tilespmem:s19+$0xFFFFFFF0] =	vst v20;
	v48 =	vand.u32 $0xF80, v45;
	v14 =	vor.u32 v1, v49;
	v47 =	vand.u32 $0x7F, v15  }
0x923: {  	[tilespmem:v13+s11+$0x0] =	vst.idx.add.s32.msk $0xffff, v2;
	v6 =	vand.u32 $0xF80, v6;
	v50 =	vand.u32 $0x7F, v14;
	v13 =	vor.u32 v48, v47  }
0x924: {  	v11 =	vld.idx.msk [tilespmem:v18+s3+$0x0], $0xffff;
	v17 =	vshrl.u32 v17, $0x14;
	v9 =	vand.u32 $0xFF0, v12;
	[tilespmem:s19+$0xFFFFFFE0] =	vst v19;
	v6 =	vor.u32 v6, v50  }
0x925: {  	v12 =	vand.u32 $0xF80, v12;
	[tilespmem:v25+s11+$0x0] =	vst.idx.add.s32.msk $0xffff, v2;
	v9 =	vor.u32 v1, v9;
	v19 =	vshrl.u32 v46, $0x14  }
0x926: {  	v55 =	vand.u32 $0xFF0, v17;
	[tilespmem:s19+$0x0] =	vst v16;
	v51 =	vand.u32 $0x7F, v9;
	v7 =	vand.u32 $0xFF0, v19  }
0x927: {  	v8 =	vld.idx.msk [tilespmem:v8+s3+$0x0], $0xffff;
	[tilespmem:s19+$0x20] =	vst v42;
	v5 =	vor.u32 v1, v7;
	v7 =	vshrl.u32 v10, $0x14;
	v10 =	vor.u32 v12, v51  }
0x928: {  	v52 =	vand.u32 $0xF80, v19;
	v53 =	vand.u32 $0xFF0, v7;
	v54 =	vand.u32 $0x7F, v5;
	[tilespmem:v13+s11+$0x0] =	vst.idx.add.s32.msk $0xffff, v2  }
0x929: {  	s18 =	sadd.s32 $0x80, s18;
	v7 =	vand.u32 $0xF80, v7;
	v12 =	vor.u32 v52, v54;
	v13 =	vor.u32 v1, v53;
	[tilespmem:v6+s11+$0x0] =	vst.idx.add.s32.msk $0xffff, v2  }
0x92a: {  	v6 =	vshrl.u32 v11, $0x14;
	v11 =	vor.u32 v1, v55;
	[tilespmem:s18+$0x30] =	vst v15;
	v56 =	vand.u32 $0x7F, v13  }
0x92b: {  	v57 =	vand.u32 $0xF80, v17;
	[tilespmem:s18+$0xFFFFFFC0] =	vst v14;
	v59 =	vand.u32 $0x7F, v11;
	v7 =	vor.u32 v7, v56  }
0x92c: {  	v8 =	vshrl.u32 v8, $0x14;
	v58 =	vand.u32 $0xFF0, v6;
	[tilespmem:v10+s11+$0x0] =	vst.idx.add.s32.msk $0xffff, v2;
	v14 =	vor.u32 v57, v59  }
0x92d: {  	v60 =	vand.u32 $0xFF0, v8;
	v10 =	vor.u32 v1, v58;
	[tilespmem:s18+$0xFFFFFFF0] =	vst v9  }
0x92e: {  	v6 =	vand.u32 $0xF80, v6;
	v15 =	vor.u32 v1, v60;
	v9 =	vand.u32 $0x7F, v10;
	[tilespmem:v12+s11+$0x0] =	vst.idx.add.s32.msk $0xffff, v2  }
0x92f: {  	v8 =	vand.u32 $0xF80, v8;
	v6 =	vor.u32 v6, v9;
	v9 =	vand.u32 $0x7F, v15;
	[tilespmem:s18+$0xFFFFFFE0] =	vst v5  }
0x930: {  	v5 =	vor.u32 v8, v9;
	[tilespmem:v7+s11+$0x0] =	vst.idx.add.s32.msk $0xffff, v2  }
0x931: {  	[tilespmem:v14+s11+$0x0] =	vst.idx.add.s32.msk $0xffff, v2  }
0x932: {  	[tilespmem:s18+$0x20] =	vst v13  }
0x933: {  	[tilespmem:s18+$0x0] =	vst v11  }
0x934: {  	[tilespmem:v6+s11+$0x0] =	vst.idx.add.s32.msk $0xffff, v2  }
0x935: {  	[tilespmem:v5+s11+$0x0] =	vst.idx.add.s32.msk $0xffff, v2  }
0x936: {  	[tilespmem:s18+$0xFFFFFFD0] =	vst v10  }
0x937: {  	s31 =	simm.s32 $0x16070;
	[tilespmem:s18+$0x10] =	vst v15  }
0x938: {  	v5 =	vld [tilespmem:s31+$0x0]  }
0x939: {  	v6 =	vld [tilespmem:s31+$0xFFFFFFA0]  }
0x93a: {  	v7 =	vld [tilespmem:s31+$0xFFFFFFB0]  }
0x93b: {  	v8 =	vld [tilespmem:s31+$0xFFFFFFC0]  }
0x93c: {  	v9 =	vld [tilespmem:s31+$0xFFFFFFD0]  }
0x93d: {  	v10 =	vld [tilespmem:s31+$0xFFFFFFE0]  }
0x93e: {  	v12 =	vld [tilespmem:s31+$0xFFFFFF90]  }
0x93f: {  	v11 =	vld [tilespmem:s31+$0xFFFFFFF0]  }
0x940: {  	v5 =	vld.idx.msk [tilespmem:v5+s3+$0x0], $0xffff  }
0x941: {  	v6 =	vld.idx.msk [tilespmem:v6+s3+$0x0], $0xffff  }
0x942: {  	v7 =	vld.idx.msk [tilespmem:v7+s3+$0x0], $0xffff  }
0x943: {  	v8 =	vld.idx.msk [tilespmem:v8+s3+$0x0], $0xffff  }
0x944: {  	v9 =	vld.idx.msk [tilespmem:v9+s3+$0x0], $0xffff  }
0x945: {  	v10 =	vld.idx.msk [tilespmem:v10+s3+$0x0], $0xffff  }
0x946: {  	v12 =	vld.idx.msk [tilespmem:v12+s3+$0x0], $0xffff;
	v5 =	vshrl.u32 v5, $0x14  }
0x947: {  	v6 =	vshrl.u32 v6, $0x14;
	v5 =	vand.u32 $0xFF0, v5  }
0x948: {  	v11 =	vld.idx.msk [tilespmem:v11+s3+$0x0], $0xffff;
	v7 =	vshrl.u32 v7, $0x14;
	v6 =	vand.u32 $0xFF0, v6;
	v61 =	vor.u32 v1, v5  }
0x949: {  	v62 =	vor.u32 v1, v6;
	v5 =	vand.u32 $0xFF0, v7  }
0x94a: {  	v6 =	vshrl.u32 v8, $0x14;
	v8 =	vshrl.u32 v10, $0x14;
	v63 =	vor.u32 v1, v5  }
0x94b: {  	v5 =	vshrl.u32 v9, $0x14;
	v6 =	vand.u32 $0xFF0, v6;
	v9 =	vshrl.u32 v12, $0x14  }
0x94c: {  	v7 =	vand.u32 $0xFF0, v5;
	v5 =	vor.u32 v1, v6;
	v9 =	vand.u32 $0xFF0, v9  }
0x94d: {  	v6 =	vor.u32 v1, v7;
	v7 =	vand.u32 $0xFF0, v8;
	v8 =	vshrl.u32 v11, $0x14;
	[tilespmem:v61+s11+$0x0] =	vst.idx.add.s32.msk $0xffff, v2  }
0x94e: {  	v9 =	vor.u32 v1, v9;
	v8 =	vand.u32 $0xFF0, v8;
	[tilespmem:v62+s11+$0x0] =	vst.idx.add.s32.msk $0xffff, v2  }
0x94f: {  	s20 =	simm.s32 $0x160F0;
	s19 =	simm.s32 $0x600;
	v7 =	vor.u32 v1, v7;
	v8 =	vor.u32 v1, v8;
	[tilespmem:v63+s11+$0x0] =	vst.idx.add.s32.msk $0xffff, v2  }
.LBB2_115:
0x950: {  	v10 =	vld [tilespmem:s20+$0x0];
	s19 =	sadd.s32 $0x8, s19  }
0x951: {  	v11 =	vld [tilespmem:s20+$0xFFFFFFA0];
	p0 =	slt.u32 s19, $0x7F8  }
0x952: {  	v12 =	vld [tilespmem:s20+$0xFFFFFFB0]  }
0x953: {  	v13 =	vld [tilespmem:s20+$0xFFFFFFC0]  }
0x954: {  	v14 =	vld [tilespmem:s20+$0xFFFFFFD0]  }
0x955: {  	v15 =	vld [tilespmem:s20+$0xFFFFFFE0]  }
0x956: {  	v16 =	vld [tilespmem:s20+$0xFFFFFFF0]  }
0x957: {  	v17 =	vld [tilespmem:s20+$0xFFFFFF90]  }
0x958: {  	v10 =	vld.idx.msk [tilespmem:v10+s3+$0x0], $0xffff  }
0x959: {  	v11 =	vld.idx.msk [tilespmem:v11+s3+$0x0], $0xffff  }
0x95a: {  	v12 =	vld.idx.msk [tilespmem:v12+s3+$0x0], $0xffff  }
0x95b: {  	v13 =	vld.idx.msk [tilespmem:v13+s3+$0x0], $0xffff  }
0x95c: {  	v14 =	vld.idx.msk [tilespmem:v14+s3+$0x0], $0xffff  }
0x95d: {  	v15 =	vld.idx.msk [tilespmem:v15+s3+$0x0], $0xffff  }
0x95e: {  	v10 =	vshrl.u32 v10, $0x14;
	v16 =	vld.idx.msk [tilespmem:v16+s3+$0x0], $0xffff  }
0x95f: {  	v11 =	vshrl.u32 v11, $0x14;
	v10 =	vand.u32 $0xFF0, v10;
	v17 =	vld.idx.msk [tilespmem:v17+s3+$0x0], $0xffff  }
0x960: {  	v11 =	vand.u32 $0xFF0, v11;
	v12 =	vshrl.u32 v12, $0x14;
	v10 =	vor.u32 v1, v10;
	[tilespmem:v9+s11+$0x0] =	vst.idx.add.s32.msk $0xffff, v2  }
0x961: {  	v9 =	vor.u32 v1, v11;
	v11 =	vand.u32 $0xFF0, v12;
	v12 =	vshrl.u32 v13, $0x14;
	[tilespmem:v5+s11+$0x0] =	vst.idx.add.s32.msk $0xffff, v2  }
0x962: {  	v11 =	vor.u32 v1, v11;
	v5 =	vand.u32 $0xFF0, v12;
	v12 =	vshrl.u32 v14, $0x14;
	[tilespmem:v6+s11+$0x0] =	vst.idx.add.s32.msk $0xffff, v2  }
.Ltmp60:
0x963: {  	v5 =	vor.u32 v1, v5;
	v6 =	vand.u32 $0xFF0, v12;
	v12 =	vshrl.u32 v15, $0x14;
	[tilespmem:v7+s11+$0x0] =	vst.idx.add.s32.msk $0xffff, v2;
	(pc) =	sbr.rel @p0 .LBB2_115-.Ltmp60, $4  }
0x964: {  	v6 =	vor.u32 v1, v6;
	v7 =	vand.u32 $0xFF0, v12;
	v12 =	vshrl.u32 v16, $0x14;
	[tilespmem:v8+s11+$0x0] =	vst.idx.add.s32.msk $0xffff, v2  }
0x965: {  	s21 =	simm.s32 $0x18040;
	s18 =	simm.s32 $0x4;
	v8 =	vshrl.u32 v17, $0x14;
	v7 =	vor.u32 v1, v7;
	v12 =	vand.u32 $0xFF0, v12;
	[tilespmem:v10+s11+$0x0] =	vst.idx.add.s32.msk $0xffff, v2  }
0x966: {  	v10 =	vand.u32 $0xFF0, v8;
	v8 =	vor.u32 v1, v12;
	[tilespmem:v9+s11+$0x0] =	vst.idx.add.s32.msk $0xffff, v2  }
0x967: {  	s20 =	sadd.s32 $0x80, s20;
	v9 =	vor.u32 v1, v10;
	[tilespmem:v11+s11+$0x0] =	vst.idx.add.s32.msk $0xffff, v2  }
0x968: {  	_ =	sdelay $0x3  }
0x969: {  	[tilespmem:v9+s11+$0x0] =	vst.idx.add.s32.msk $0xffff, v2  }
0x96a: {  	[tilespmem:v5+s11+$0x0] =	vst.idx.add.s32.msk $0xffff, v2  }
0x96b: {  	[tilespmem:v6+s11+$0x0] =	vst.idx.add.s32.msk $0xffff, v2  }
0x96c: {  	[tilespmem:v7+s11+$0x0] =	vst.idx.add.s32.msk $0xffff, v2  }
0x96d: {  	[tilespmem:v8+s11+$0x0] =	vst.idx.add.s32.msk $0xffff, v2  }
0x96e: {  	v5 =	vld [tilespmem:s21+$0xFFFFFFC0];
	_ =	sdelay $0x1  }
0x96f: {  	v6 =	vld [tilespmem:s21+$0xFFFFFFD0]  }
0x970: {  	v7 =	vld [tilespmem:s21+$0xFFFFFFE0]  }
0x971: {  	v8 =	vld [tilespmem:s21+$0xFFFFFFF0]  }
0x972: {  	v9 =	vld [tilespmem:s21+$0x0];
	(xrf0) =	vadd.scan.msk.s32 $0xffff, v5  }
0x973: {  	v10 =	vld [tilespmem:s21+$0x10]  }
0x974: {  	v5 =	vld [tilespmem:s21+$0x20];
	(xrf0) =	vadd.scan.msk.s32 $0xffff, v6  }
0x975: {  	s19 =	simm.s32 $0x180C0;
	v6 =	vld [tilespmem:s21+$0x30];
	(xrf0) =	vadd.scan.msk.s32 $0xffff, v7  }
0x976: {  	v7 =	vld [tilespmem:s19+$0xFFFFFFC0];
	(xrf0) =	vadd.scan.msk.s32 $0xffff, v8  }
0x977: {  	v8 =	vld [tilespmem:s19+$0xFFFFFFD0];
	(xrf0) =	vadd.scan.msk.s32 $0xffff, v9  }
0x978: {  	v9 =	vld [tilespmem:s19+$0xFFFFFFE0];
	(xrf0) =	vadd.scan.msk.s32 $0xffff, v10;
	v10, _, _ =	vpop (xrf0)  }
0x979: {  	(xrf0) =	vadd.scan.msk.s32 $0xffff, v5;
	v5 =	vld [tilespmem:s19+$0xFFFFFFF0];
	(v2sf) =	vpush v10, $0xF  }
0x97a: {  	v10, _, _ =	vpop (xrf0);
	(xrf0) =	vadd.scan.msk.s32 $0xffff, v6;
	v6 =	vld [tilespmem:s19+$0x0]  }
0x97b: {  	v11 =	vld [tilespmem:s19+$0x10];
	(v2sf) =	vpush v10, $0xF;
	v10, _, _ =	vpop (xrf0);
	(xrf0) =	vadd.scan.msk.s32 $0xffff, v7  }
0x97c: {  	(v2sf) =	vpush v10, $0xF;
	v7, _, _ =	vpop (xrf0);
	v10 =	vld [tilespmem:s19+$0x20];
	(xrf0) =	vadd.scan.msk.s32 $0xffff, v8  }
0x97d: {  	v8 =	vld [tilespmem:s19+$0x30];
	(v2sf) =	vpush v7, $0xF;
	v7, _, _ =	vpop (xrf0);
	(xrf0) =	vadd.scan.msk.s32 $0xffff, v9  }
0x97e: {  	s28 =	simm.s32 $0x18140;
	(v2sf) =	vpush v7, $0xF;
	v7, _, _ =	vpop (xrf0);
	(xrf0) =	vadd.scan.msk.s32 $0xffff, v5  }
0x97f: {  	(v2sf) =	vpush v7, $0xF;
	v5, _, _ =	vpop (xrf0);
	v7 =	vld [tilespmem:s28+$0xFFFFFFC0];
	(xrf0) =	vadd.scan.msk.s32 $0xffff, v6  }
0x980: {  	v6 =	vld [tilespmem:s28+$0xFFFFFFD0];
	(v2sf) =	vpush v5, $0xF;
	v5, _, _ =	vpop (xrf0);
	(xrf0) =	vadd.scan.msk.s32 $0xffff, v11  }
0x981: {  	(v2sf) =	vpush v5, $0xF;
	v5 =	vld [tilespmem:s28+$0xFFFFFFE0];
	v9, _, _ =	vpop (xrf0);
	(xrf0) =	vadd.scan.msk.s32 $0xffff, v10  }
0x982: {  	v10 =	vld [tilespmem:s28+$0xFFFFFFF0];
	(v2sf) =	vpush v9, $0xF;
	v9, _, _ =	vpop (xrf0);
	(xrf0) =	vadd.scan.msk.s32 $0xffff, v8  }
0x983: {  	v8 =	vld [tilespmem:s28+$0x0];
	(v2sf) =	vpush v9, $0xF;
	v9, _, _ =	vpop (xrf0)  }
0x984: {  	v11 =	vld [tilespmem:s28+$0x10];
	(xrf0) =	vadd.scan.msk.s32 $0xffff, v7;
	(v2sf) =	vpush v9, $0xF;
	v7, _, _ =	vpop (xrf0)  }
0x985: {  	(xrf0) =	vadd.scan.msk.s32 $0xffff, v6;
	(v2sf) =	vpush v7, $0xF;
	v6, _, _ =	vpop (xrf0)  }
0x986: {  	s29 =	simm.s32 $0x181C0;
	v7 =	vld [tilespmem:s28+$0x20];
	(xrf0) =	vadd.scan.msk.s32 $0xffff, v5;
	(v2sf) =	vpush v6, $0xF;
	v5, _, _ =	vpop (xrf0)  }
0x987: {  	v9 =	vld [tilespmem:s29+$0xFFFFFFC0];
	(xrf0) =	vadd.scan.msk.s32 $0xffff, v10;
	(v2sf) =	vpush v5, $0xF;
	v5, _, _ =	vpop (xrf0)  }
0x988: {  	v6 =	vld [tilespmem:s28+$0x30];
	(xrf0) =	vadd.scan.msk.s32 $0xffff, v8;
	(v2sf) =	vpush v5, $0xF;
	v5, _, _ =	vpop (xrf0);
	s20 =	spop (v2sf)  }
0x989: {  	v8 =	vld [tilespmem:s29+$0xFFFFFFD0];
	(xrf0) =	vadd.scan.msk.s32 $0xffff, v11;
	(v2sf) =	vpush v5, $0xF;
	[smem:$0x0] =	sst s20  }
0x98a: {  	s20 =	spop (v2sf)  }
0x98b: {  	v10 =	vld [tilespmem:s29+$0xFFFFFFE0];
	v5, _, _ =	vpop (xrf0);
	(xrf0) =	vadd.scan.msk.s32 $0xffff, v7;
	[smem:$0x1] =	sst s20  }
0x98c: {  	s20 =	spop (v2sf)  }
0x98d: {  	v11 =	vld [tilespmem:s29+$0xFFFFFFF0];
	(v2sf) =	vpush v5, $0xF;
	v7, _, _ =	vpop (xrf0);
	(xrf0) =	vadd.scan.msk.s32 $0xffff, v6;
	[smem:$0x2] =	sst s20  }
0x98e: {  	s20 =	spop (v2sf)  }
0x98f: {  	v5 =	vld [tilespmem:s29+$0x0];
	(v2sf) =	vpush v7, $0xF;
	v7, _, _ =	vpop (xrf0);
	[smem:$0x3] =	sst s20  }
0x990: {  	s20 =	spop (v2sf)  }
0x991: {  	v6 =	vld [tilespmem:s29+$0x10];
	(xrf0) =	vadd.scan.msk.s32 $0xffff, v9;
	(v2sf) =	vpush v7, $0xF;
	v9, _, _ =	vpop (xrf0);
	[smem:s18] =	sst s20;
	s30 =	spop (v2sf)  }
0x992: {  	v7 =	vld [tilespmem:s29+$0x20];
	(xrf0) =	vadd.scan.msk.s32 $0xffff, v8;
	(v2sf) =	vpush v9, $0xF;
	v9, _, _ =	vpop (xrf0);
	[smem:$0x5] =	sst s30  }
0x993: {  	s20 =	spop (v2sf)  }
0x994: {  	v8 =	vld [tilespmem:s29+$0x30];
	(xrf0) =	vadd.scan.msk.s32 $0xffff, v10;
	(v2sf) =	vpush v9, $0xF;
	v9, _, _ =	vpop (xrf0);
	[smem:$0x6] =	sst s20  }
0x995: {  	(v2sf) =	vpush v9, $0xF;
	_ =	sdelay $0x3  }
0x996: {  	s31 =	spop (v2sf)  }
0x997: {  	s19 =	simm.s32 $0x18;
	s20 =	simm.s32 $0x18240;
	(xrf0) =	vadd.scan.msk.s32 $0xffff, v11;
	v9, _, _ =	vpop (xrf0);
	[smem:$0x7] =	sst s31  }
.LBB2_117:
0x998: {  	v10 =	vld [tilespmem:s20+$0xFFFFFFC0];
	(xrf0) =	vadd.scan.msk.s32 $0xffff, v5;
	(v2sf) =	vpush v9, $0xF;
	v5, _, _ =	vpop (xrf0);
	s21 =	spop (v2sf);
	s18 =	sadd.s32 $0x8, s18  }
0x999: {  	v9 =	vld [tilespmem:s20+$0xFFFFFFD0];
	(xrf0) =	vadd.scan.msk.s32 $0xffff, v6;
	(v2sf) =	vpush v5, $0xF;
	[smem:s18+$0xFFFFFFFC] =	sst s21;
	s21 =	spop (v2sf)  }
0x99a: {  	v11 =	vld [tilespmem:s20+$0xFFFFFFE0];
	v5, _, _ =	vpop (xrf0);
	(xrf0) =	vadd.scan.msk.s32 $0xffff, v7;
	[smem:s18+$0xFFFFFFFD] =	sst s21;
	s21 =	spop (v2sf)  }
0x99b: {  	s19 =	sadd.s32 $0x8, s19;
	v12 =	vld [tilespmem:s20+$0xFFFFFFF0];
	(v2sf) =	vpush v5, $0xF;
	v6, _, _ =	vpop (xrf0);
	(xrf0) =	vadd.scan.msk.s32 $0xffff, v8;
	[smem:s18+$0xFFFFFFFE] =	sst s21;
	s21 =	spop (v2sf)  }
0x99c: {  	p0 =	slt.u32 s19, $0xF8;
	[smem:s18+$0xFFFFFFFF] =	sst s21  }
.Ltmp61:
0x99d: {  	v5 =	vld [tilespmem:s20+$0x0];
	(v2sf) =	vpush v6, $0xF;
	v7, _, _ =	vpop (xrf0);
	s21 =	spop (v2sf);
	(pc) =	sbr.rel @p0 .LBB2_117-.Ltmp61, $4  }
0x99e: {  	v6 =	vld [tilespmem:s20+$0x10];
	(xrf0) =	vadd.scan.msk.s32 $0xffff, v10;
	(v2sf) =	vpush v7, $0xF;
	v8, _, _ =	vpop (xrf0);
	[smem:s18] =	sst s21;
	s21 =	spop (v2sf)  }
0x99f: {  	v7 =	vld [tilespmem:s20+$0x20];
	(xrf0) =	vadd.scan.msk.s32 $0xffff, v9;
	(v2sf) =	vpush v8, $0xF;
	v9, _, _ =	vpop (xrf0);
	[smem:s18+$0x1] =	sst s21;
	s21 =	spop (v2sf)  }
0x9a0: {  	v8 =	vld [tilespmem:s20+$0x30];
	(xrf0) =	vadd.scan.msk.s32 $0xffff, v11;
	(v2sf) =	vpush v9, $0xF;
	v9, _, _ =	vpop (xrf0);
	[smem:s18+$0x2] =	sst s21;
	s21 =	spop (v2sf)  }
0x9a1: {  	s20 =	sadd.s32 $0x80, s20;
	(xrf0) =	vadd.scan.msk.s32 $0xffff, v12;
	(v2sf) =	vpush v9, $0xF;
	v9, _, _ =	vpop (xrf0);
	[smem:s18+$0x3] =	sst s21  }
0x9a2: {  	(xrf0) =	vadd.scan.msk.s32 $0xffff, v5  }
0x9a3: {  	(v2sf) =	vpush v9, $0xF;
	v5, _, _ =	vpop (xrf0);
	(xrf0) =	vadd.scan.msk.s32 $0xffff, v6  }
0x9a4: {  	s19 =	spop (v2sf);
	s18 =	sadd.s32 $0x8, s18;
	(v2sf) =	vpush v5, $0xF;
	v5, _, _ =	vpop (xrf0);
	(xrf0) =	vadd.scan.msk.s32 $0xffff, v7  }
0x9a5: {  	[smem:s18+$0xFFFFFFFC] =	sst s19;
	s31 =	spop (v2sf);
	(v2sf) =	vpush v5, $0xF;
	v5, _, _ =	vpop (xrf0);
	(xrf0) =	vadd.scan.msk.s32 $0xffff, v8  }
0x9a6: {  	[smem:s18+$0xFFFFFFFD] =	sst s31;
	s20 =	spop (v2sf);
	(v2sf) =	vpush v5, $0xF;
	v5, _, _ =	vpop (xrf0)  }
0x9a7: {  	[smem:s18+$0xFFFFFFFE] =	sst s20;
	s21 =	spop (v2sf);
	(v2sf) =	vpush v5, $0xF;
	v5, _, _ =	vpop (xrf0)  }
0x9a8: {  	[smem:s18+$0xFFFFFFFF] =	sst s21;
	s22 =	spop (v2sf);
	(v2sf) =	vpush v5, $0xF;
	v5, _, _ =	vpop (xrf0)  }
0x9a9: {  	[smem:s18] =	sst s22;
	s23 =	spop (v2sf);
	(v2sf) =	vpush v5, $0xF;
	v5, _, _ =	vpop (xrf0)  }
0x9aa: {  	[smem:s18+$0x1] =	sst s23;
	s24 =	spop (v2sf);
	(v2sf) =	vpush v5, $0xF;
	v5, _, _ =	vpop (xrf0)  }
0x9ab: {  	[smem:s18+$0x2] =	sst s24;
	s25 =	spop (v2sf);
	(v2sf) =	vpush v5, $0xF;
	v5, _, _ =	vpop (xrf0)  }
0x9ac: {  	[smem:s18+$0x3] =	sst s25;
	s26 =	spop (v2sf);
	s18 =	sadd.s32 $0x8, s18;
	(v2sf) =	vpush v5, $0xF  }
0x9ad: {  	[smem:s18+$0xFFFFFFFC] =	sst s26;
	s28 =	spop (v2sf)  }
0x9ae: {  	[smem:s18+$0xFFFFFFFD] =	sst s28;
	s29 =	spop (v2sf)  }
0x9af: {  	[smem:s18+$0xFFFFFFFE] =	sst s29;
	s30 =	spop (v2sf)  }
0x9b0: {  	[smem:s18+$0xFFFFFFFF] =	sst s30;
	s31 =	spop (v2sf)  }
0x9b1: {  	[smem:s18] =	sst s31;
	s20 =	spop (v2sf)  }
0x9b2: {  	[smem:s18+$0x1] =	sst s20;
	s21 =	spop (v2sf)  }
0x9b3: {  	[smem:s18+$0x2] =	sst s21;
	s22 =	spop (v2sf)  }
0x9b4: {  	s20 =	sadd.s32 $0x8, s18;
	[smem:s18+$0x3] =	sst s22;
	s23 =	spop (v2sf)  }
0x9b5: {  	[smem:s20+$0xFFFFFFFC] =	sst s23;
	s24 =	spop (v2sf)  }
0x9b6: {  	[smem:s20+$0xFFFFFFFD] =	sst s24;
	s25 =	spop (v2sf)  }
0x9b7: {  	[smem:s20+$0xFFFFFFFE] =	sst s25;
	s26 =	spop (v2sf)  }
0x9b8: {  	[smem:s20+$0xFFFFFFFF] =	sst s26;
	s28 =	spop (v2sf)  }
0x9b9: {  	[smem:s20] =	sst s28;
	s29 =	spop (v2sf)  }
0x9ba: {  	[smem:s20+$0x1] =	sst s29;
	s30 =	spop (v2sf)  }
0x9bb: {  	[smem:s20+$0x2] =	sst s30;
	s31 =	spop (v2sf)  }
0x9bc: {  	s19 =	simm.s32 $0x0;
	s18 =	simm.s32 $0x0;
	[smem:s20+$0x3] =	sst s31  }
.LBB2_119:
0x9bd: {  	p0 =	sne.s32 s18, $0x3FC  }
.Ltmp62:
0x9be: {  	s20 =	sshra.s32 s18, $0x2;
	(pc) =	sbr.rel @p0 .LBB2_119-.Ltmp62, $2  }
0x9bf: {  	s21 =	sld [smem:s20+$0x0];
	_ =	sdelay $0x2  }
0x9c0: {  	s18 =	sadd.s32 $0x4, s18;
	[smem:s20] =	sst s19;
	s19 =	sadd.s32 s19, s21  }
0x9c1: {  	s19 =	simm.s32 $0x18040  }
0x9c2: {  	v7 =	vld [tilespmem:s19+$0x30]  }
0x9c3: {  	v9 =	vld [tilespmem:s19+$0xFFFFFFD0]  }
0x9c4: {  	v10 =	vld [tilespmem:s19+$0xFFFFFFE0]  }
0x9c5: {  	v13 =	vld [tilespmem:s19+$0xFFFFFFF0]  }
0x9c6: {  	v14 =	vld [tilespmem:s19+$0x0]  }
0x9c7: {  	v15 =	vld [tilespmem:s19+$0x10];
	(xrf0) =	vadd.scan.msk.s32 $0xffff, v7  }
0x9c8: {  	v16 =	vld [tilespmem:s19+$0x20];
	(xrf0) =	vadd.scan.msk.s32 $0xffff, v9  }
0x9c9: {  	v17 =	vld [tilespmem:s19+$0xFFFFFFC0];
	(xrf0) =	vadd.scan.msk.s32 $0xffff, v10  }
0x9ca: {  	s18 =	simm.s32 $0x180C0;
	(xrf0) =	vadd.scan.msk.s32 $0xffff, v13  }
0x9cb: {  	v11 =	vld [tilespmem:s18+$0x30];
	(xrf0) =	vadd.scan.msk.s32 $0xffff, v14  }
0x9cc: {  	s21 =	sld [smem:$0x7];
	(xrf0) =	vadd.scan.msk.s32 $0xffff, v15  }
0x9cd: {  	v12 =	vld [tilespmem:s18+$0xFFFFFFD0];
	s20 =	sld [smem:$0x0];
	(xrf0) =	vadd.scan.msk.s32 $0xffff, v16;
	v8, _, _ =	vpop (xrf0)  }
0x9ce: {  	v6 =	vld [tilespmem:s18+$0xFFFFFFE0];
	s22 =	sld [smem:$0x1];
	(xrf0) =	vadd.scan.msk.s32 $0xffff, v17;
	v18, _, _ =	vpop (xrf0);
	v7 =	vsub.s32 v8, v7  }
0x9cf: {  	v5 =	vld [tilespmem:s18+$0xFFFFFFF0];
	s23 =	sld [smem:$0x2];
	v19, _, _ =	vpop (xrf0);
	v7 =	vadd.s32 s21, v7  }
0x9d0: {  	v8 =	vld [tilespmem:s18+$0x0];
	v18 =	vsub.s32 v18, v9;
	s30 =	sld [smem:$0x3];
	[tilespmem:s19+$0x30] =	vst v7;
	v20, _, _ =	vpop (xrf0);
	(xrf0) =	vadd.scan.msk.s32 $0xffff, v11  }
0x9d1: {  	v9 =	vld [tilespmem:s18+$0x10];
	v10 =	vsub.s32 v19, v10;
	v18 =	vadd.s32 s22, v18;
	s31 =	sld [smem:$0x4];
	v61, _, _ =	vpop (xrf0)  }
0x9d2: {  	(xrf0) =	vadd.scan.msk.s32 $0xffff, v12;
	[tilespmem:s19+$0xFFFFFFD0] =	vst v18;
	v10 =	vadd.s32 s23, v10;
	v14 =	vsub.s32 v61, v14  }
0x9d3: {  	v7 =	vld [tilespmem:s18+$0x20];
	v13 =	vsub.s32 v20, v13;
	s25 =	sld [smem:$0x5];
	v62, _, _ =	vpop (xrf0);
	[tilespmem:s19+$0xFFFFFFE0] =	vst v10;
	(xrf0) =	vadd.scan.msk.s32 $0xffff, v6  }
0x9d4: {  	v10 =	vld [tilespmem:s18+$0xFFFFFFC0];
	v13 =	vadd.s32 s30, v13;
	s24 =	sld [smem:$0x6];
	v15 =	vsub.s32 v62, v15;
	v63, _, _ =	vpop (xrf0)  }
0x9d5: {  	(xrf0) =	vadd.scan.msk.s32 $0xffff, v5;
	[tilespmem:s19+$0xFFFFFFF0] =	vst v13;
	v19 =	vadd.s32 s31, v14;
	v13 =	vsub.s32 v63, v16;
	v14, _, _ =	vpop (xrf0)  }
0x9d6: {  	s21 =	simm.s32 $0xC;
	s22 =	simm.s32 $0x8;
	s23 =	simm.s32 $0x18140;
	(xrf0) =	vadd.scan.msk.s32 $0xffff, v8;
	[tilespmem:s19+$0x0] =	vst v19;
	v14 =	vsub.s32 v14, v17;
	v15 =	vadd.s32 s25, v15  }
.LBB2_121:
0x9d7: {  	v19 =	vadd.s32 s20, v14  }
0x9d8: {  	v13 =	vadd.s32 s24, v13  }
0x9d9: {  	v16 =	vld [tilespmem:s23+$0x30];
	s22 =	sadd.s32 $0x8, s22;
	s25 =	sld [smem:s21+$0x3];
	(xrf0) =	vadd.scan.msk.s32 $0xffff, v9;
	[tilespmem:s19+$0x10] =	vst v15;
	v15 =	vmov v6  }
0x9da: {  	v14 =	vmov v5;
	v17 =	vld [tilespmem:s23+$0xFFFFFFD0];
	p0 =	slt.u32 s22, $0xF8;
	s20 =	sld [smem:s21+$0xFFFFFFFC];
	(xrf0) =	vadd.scan.msk.s32 $0xffff, v7;
	v18, _, _ =	vpop (xrf0);
	[tilespmem:s19+$0xFFFFFFC0] =	vst v19;
	v19 =	vmov v8  }
0x9db: {  	v8 =	vsub.s32 v18, v11;
	v6 =	vld [tilespmem:s23+$0xFFFFFFE0];
	s24 =	sld [smem:s21+$0xFFFFFFFD];
	(xrf0) =	vadd.scan.msk.s32 $0xffff, v10;
	v11, _, _ =	vpop (xrf0);
	[tilespmem:s19+$0x20] =	vst v13;
	v13 =	vmov v9;
	s19 =	smov.u32 s18;
	s18 =	smov.u32 s23  }
0x9dc: {  	v18 =	vmov v7;
	v9 =	vadd.s32 s25, v8;
	v5 =	vld [tilespmem:s23+$0xFFFFFFF0];
	v21 =	vsub.s32 v11, v12;
	s26 =	sld [smem:s21+$0xFFFFFFFE];
	v12, _, _ =	vpop (xrf0)  }
0x9dd: {  	v8 =	vld [tilespmem:s23+$0x0];
	v12 =	vsub.s32 v12, v15;
	s25 =	sld [smem:s21+$0xFFFFFFFF];
	[tilespmem:s19+$0x30] =	vst v9;
	v7, _, _ =	vpop (xrf0);
	v15 =	vmov v10  }
.Ltmp63:
0x9de: {  	v11 =	vmov v16;
	v9 =	vld [tilespmem:s23+$0x10];
	(xrf0) =	vadd.scan.msk.s32 $0xffff, v16;
	v10 =	vadd.s32 s24, v21;
	v14 =	vsub.s32 v7, v14;
	s28 =	sld [smem:s21+$0x0];
	v20, _, _ =	vpop (xrf0);
	(pc) =	sbr.rel @p0 .LBB2_121-.Ltmp63, $4  }
0x9df: {  	v7 =	vld [tilespmem:s23+$0x20];
	(xrf0) =	vadd.scan.msk.s32 $0xffff, v17;
	[tilespmem:s19+$0xFFFFFFD0] =	vst v10;
	v12 =	vadd.s32 s26, v12;
	v16 =	vsub.s32 v20, v19;
	s26 =	sld [smem:s21+$0x1];
	v19, _, _ =	vpop (xrf0)  }
0x9e0: {  	v10 =	vld [tilespmem:s23+$0xFFFFFFC0];
	(xrf0) =	vadd.scan.msk.s32 $0xffff, v6;
	[tilespmem:s19+$0xFFFFFFE0] =	vst v12;
	v20 =	vadd.s32 s25, v14;
	v19 =	vsub.s32 v19, v13;
	s24 =	sld [smem:s21+$0x2];
	v13, _, _ =	vpop (xrf0)  }
0x9e1: {  	(xrf0) =	vadd.scan.msk.s32 $0xffff, v5;
	[tilespmem:s19+$0xFFFFFFF0] =	vst v20;
	v16 =	vadd.s32 s28, v16;
	v13 =	vsub.s32 v13, v18;
	v14, _, _ =	vpop (xrf0)  }
0x9e2: {  	s23 =	sadd.s32 $0x80, s23;
	s21 =	sadd.s32 $0x8, s21;
	(xrf0) =	vadd.scan.msk.s32 $0xffff, v8;
	v14 =	vsub.s32 v14, v15;
	[tilespmem:s19+$0x0] =	vst v16;
	v15 =	vadd.s32 s26, v19;
	v12 =	vmovc v17  }
0x9e3: {  	s22 =	sld [smem:s21+$0x3]  }
0x9e4: {  	s25 =	sld [smem:s21+$0xFFFFFFFD];
	v16, _, _ =	vpop (xrf0);
	(xrf0) =	vadd.scan.msk.s32 $0xffff, v9  }
0x9e5: {  	s26 =	sld [smem:s21+$0xFFFFFFFE];
	[tilespmem:s19+$0x10] =	vst v15;
	v14 =	vadd.s32 s20, v14;
	v11 =	vsub.s32 v16, v11;
	(xrf0) =	vadd.scan.msk.s32 $0xffff, v7;
	v57, _, _ =	vpop (xrf0)  }
0x9e6: {  	s23 =	sld [smem:s21+$0xFFFFFFFC];
	[tilespmem:s19+$0xFFFFFFC0] =	vst v14;
	v11 =	vadd.s32 s22, v11;
	v12 =	vsub.s32 v57, v12;
	(xrf0) =	vadd.scan.msk.s32 $0xffff, v10;
	v58, _, _ =	vpop (xrf0)  }
0x9e7: {  	s28 =	sld [smem:s21+$0xFFFFFFFF];
	[tilespmem:s18+$0x30] =	vst v11;
	v12 =	vadd.s32 s25, v12;
	v6 =	vsub.s32 v58, v6;
	v59, _, _ =	vpop (xrf0)  }
0x9e8: {  	s29 =	sld [smem:s21+$0x0];
	[tilespmem:s18+$0xFFFFFFD0] =	vst v12;
	v60, _, _ =	vpop (xrf0);
	v6 =	vadd.s32 s26, v6  }
0x9e9: {  	v13 =	vadd.s32 s24, v13;
	v5 =	vsub.s32 v59, v5;
	s30 =	sld [smem:s21+$0x1];
	[tilespmem:s18+$0xFFFFFFE0] =	vst v6;
	v6 =	vsub.s32 v60, v8  }
0x9ea: {  	[tilespmem:s19+$0x20] =	vst v13;
	v5 =	vadd.s32 s28, v5;
	v61, _, _ =	vpop (xrf0);
	s31 =	sld [smem:s21+$0x2]  }
0x9eb: {  	[tilespmem:s18+$0xFFFFFFF0] =	vst v5;
	v62, _, _ =	vpop (xrf0);
	v63 =	vsub.s32 v61, v9;
	v5 =	vadd.s32 s29, v6  }
0x9ec: {  	v6, _, _ =	vpop (xrf0);
	[tilespmem:s18+$0x0] =	vst v5;
	v5 =	vadd.s32 s30, v63;
	v7 =	vsub.s32 v62, v7  }
0x9ed: {  	v6 =	vsub.s32 v6, v10;
	[tilespmem:s18+$0x10] =	vst v5;
	v5 =	vadd.s32 s31, v7  }
0x9ee: {  	v6 =	vadd.s32 s23, v6;
	[tilespmem:s18+$0x20] =	vst v5  }
0x9ef: {  	s19 =	simm.s32 $0x0;
	[tilespmem:s18+$0xFFFFFFC0] =	vst v6  }
.LBB2_123:
0x9f0: {  	s18 =	sshra.s32 s19, $0x2  }
0x9f1: {  	v5 =	vld [tilespmem:s18+$0x19000];
	_ =	sdelay $0x7  }
0x9f2: {  	v6 =	vld.idx.msk [tilespmem:v5+s11+$0x0], $0xffff  }
0x9f3: {  	[tilespmem:v5+s11+$0x0] =	vst.idx.add.s32.msk $0xffff, v2  }
0x9f4: {  	v5 =	vld [tilespmem:s18+$0x19010];
	_ =	sdelay $0x6  }
0x9f5: {  	[tilespmem:s18+$0x19000] =	vst v6  }
0x9f6: {  	v6 =	vld.idx.msk [tilespmem:v5+s11+$0x0], $0xffff  }
0x9f7: {  	[tilespmem:v5+s11+$0x0] =	vst.idx.add.s32.msk $0xffff, v2  }
0x9f8: {  	v5 =	vld [tilespmem:s18+$0x19020];
	_ =	sdelay $0x6  }
0x9f9: {  	[tilespmem:s18+$0x19010] =	vst v6  }
0x9fa: {  	v6 =	vld.idx.msk [tilespmem:v5+s11+$0x0], $0xffff  }
0x9fb: {  	[tilespmem:v5+s11+$0x0] =	vst.idx.add.s32.msk $0xffff, v2  }
0x9fc: {  	v5 =	vld [tilespmem:s18+$0x19030];
	_ =	sdelay $0x6  }
0x9fd: {  	[tilespmem:s18+$0x19020] =	vst v6  }
0x9fe: {  	v6 =	vld.idx.msk [tilespmem:v5+s11+$0x0], $0xffff  }
0x9ff: {  	[tilespmem:v5+s11+$0x0] =	vst.idx.add.s32.msk $0xffff, v2  }
0xa00: {  	v5 =	vld [tilespmem:s18+$0x19040];
	_ =	sdelay $0x6  }
0xa01: {  	[tilespmem:s18+$0x19030] =	vst v6  }
0xa02: {  	v6 =	vld.idx.msk [tilespmem:v5+s11+$0x0], $0xffff  }
0xa03: {  	[tilespmem:v5+s11+$0x0] =	vst.idx.add.s32.msk $0xffff, v2  }
0xa04: {  	v5 =	vld [tilespmem:s18+$0x19050];
	_ =	sdelay $0x6  }
0xa05: {  	[tilespmem:s18+$0x19040] =	vst v6  }
0xa06: {  	v6 =	vld.idx.msk [tilespmem:v5+s11+$0x0], $0xffff  }
0xa07: {  	[tilespmem:v5+s11+$0x0] =	vst.idx.add.s32.msk $0xffff, v2  }
0xa08: {  	v5 =	vld [tilespmem:s18+$0x19060];
	_ =	sdelay $0x6  }
0xa09: {  	[tilespmem:s18+$0x19050] =	vst v6  }
0xa0a: {  	v6 =	vld.idx.msk [tilespmem:v5+s11+$0x0], $0xffff  }
0xa0b: {  	[tilespmem:v5+s11+$0x0] =	vst.idx.add.s32.msk $0xffff, v2  }
0xa0c: {  	v5 =	vld [tilespmem:s18+$0x19070];
	_ =	sdelay $0x6  }
0xa0d: {  	[tilespmem:s18+$0x19060] =	vst v6  }
0xa0e: {  	p0 =	sne.s32 s19, $0x17E00;
	v6 =	vld.idx.msk [tilespmem:v5+s11+$0x0], $0xffff  }
.Ltmp64:
0xa0f: {  	_ = 	snop;
	(pc) =	sbr.rel @p0 .LBB2_123-.Ltmp64, $3  }
0xa10: {  	_ =	sdelay $0x1  }
0xa11: {  	[tilespmem:v5+s11+$0x0] =	vst.idx.add.s32.msk $0xffff, v2  }
0xa12: {  	s19 =	sadd.s32 $0x200, s19;
	[tilespmem:s18+$0x19070] =	vst v6  }
0xa13: {  	s18 =	simm.s32 $0x19040  }
0xa14: {  	v12 =	vld [tilespmem:s18+$0x30]  }
0xa15: {  	v15 =	vld [tilespmem:s18+$0xFFFFFFD0]  }
0xa16: {  	s19 =	simm.s32 $0x10040;
	v5 =	vld [tilespmem:s18+$0xFFFFFFE0]  }
0xa17: {  	v17 =	vld [tilespmem:s19+$0x30]  }
0xa18: {  	v9 =	vld [tilespmem:s18+$0xFFFFFFF0]  }
0xa19: {  	v7 =	vld [tilespmem:s18+$0x0]  }
0xa1a: {  	v8 =	vld [tilespmem:s18+$0x10]  }
0xa1b: {  	v6 =	vld [tilespmem:s18+$0x20]  }
0xa1c: {  	v10 =	vld [tilespmem:s18+$0xFFFFFFC0]  }
0xa1d: {  	v13 =	vld [tilespmem:s19+$0xFFFFFFC0]  }
0xa1e: {  	v18 =	vld [tilespmem:s19+$0xFFFFFFD0]  }
0xa1f: {  	v16 =	vld [tilespmem:s19+$0xFFFFFFE0]  }
0xa20: {  	v14 =	vld [tilespmem:s19+$0xFFFFFFF0]  }
0xa21: {  	v11 =	vld [tilespmem:s19+$0x0]  }
0xa22: {  	[tilespmem:v12+s13+$0x0] =	vst.idx.msk $0xffff, v17;
	v12 =	vld [tilespmem:s19+$0x10]  }
0xa23: {  	s20 =	simm.s32 $0x0;
	s21 =	simm.s32 $0x190C0;
	[tilespmem:v15+s13+$0x0] =	vst.idx.msk $0xffff, v18;
	v15 =	vld [tilespmem:s19+$0x20]  }
.LBB2_125:
0xa24: {  	v17 =	vld [tilespmem:s21+$0x30];
	s20 =	sadd.s32 $0x8, s20;
	[tilespmem:v10+s13+$0x0] =	vst.idx.msk $0xffff, v13  }
0xa25: {  	v18 =	vld [tilespmem:s21+$0xFFFFFFD0];
	p0 =	slt.u32 s20, $0x5F8;
	[tilespmem:v5+s13+$0x0] =	vst.idx.msk $0xffff, v16  }
0xa26: {  	s19 =	sadd.s32 $0x80, s19;
	v5 =	vld [tilespmem:s21+$0xFFFFFFE0];
	[tilespmem:v9+s13+$0x0] =	vst.idx.msk $0xffff, v14  }
0xa27: {  	v13 =	vld [tilespmem:s19+$0x30];
	[tilespmem:v7+s13+$0x0] =	vst.idx.msk $0xffff, v11  }
0xa28: {  	v9 =	vld [tilespmem:s21+$0xFFFFFFF0];
	[tilespmem:v8+s13+$0x0] =	vst.idx.msk $0xffff, v12  }
0xa29: {  	v7 =	vld [tilespmem:s21+$0x0];
	[tilespmem:v6+s13+$0x0] =	vst.idx.msk $0xffff, v15  }
0xa2a: {  	v8 =	vld [tilespmem:s21+$0x10]  }
0xa2b: {  	v6 =	vld [tilespmem:s21+$0x20]  }
0xa2c: {  	s18 =	simm.s32 $0x0;
	v10 =	vld [tilespmem:s21+$0xFFFFFFC0];
	[tilespmem:v17+s13+$0x0] =	vst.idx.msk $0xffff, v13  }
0xa2d: {  	v13 =	vld [tilespmem:s19+$0xFFFFFFC0]  }
0xa2e: {  	v15 =	vld [tilespmem:s19+$0xFFFFFFD0]  }
.Ltmp65:
0xa2f: {  	v16 =	vld [tilespmem:s19+$0xFFFFFFE0];
	(pc) =	sbr.rel @p0 .LBB2_125-.Ltmp65, $4  }
0xa30: {  	v14 =	vld [tilespmem:s19+$0xFFFFFFF0]  }
0xa31: {  	v11 =	vld [tilespmem:s19+$0x0]  }
0xa32: {  	v12 =	vld [tilespmem:s19+$0x10]  }
0xa33: {  	s21 =	sadd.s32 $0x80, s21;
	[tilespmem:v18+s13+$0x0] =	vst.idx.msk $0xffff, v15;
	v15 =	vld [tilespmem:s19+$0x20]  }
0xa34: {  	_ =	sdelay $0x3  }
0xa35: {  	[tilespmem:v10+s13+$0x0] =	vst.idx.msk $0xffff, v13  }
0xa36: {  	[tilespmem:v5+s13+$0x0] =	vst.idx.msk $0xffff, v16  }
0xa37: {  	[tilespmem:v9+s13+$0x0] =	vst.idx.msk $0xffff, v14  }
0xa38: {  	[tilespmem:v7+s13+$0x0] =	vst.idx.msk $0xffff, v11  }
0xa39: {  	[tilespmem:v8+s13+$0x0] =	vst.idx.msk $0xffff, v12  }
0xa3a: {  	s19 =	simm.s32 $0x0;
	[tilespmem:v6+s13+$0x0] =	vst.idx.msk $0xffff, v15  }
0xa3b: {  	v5 =	vld [tilespmem:s19+$0x16070]  }
0xa3c: {  	v6 =	vld [tilespmem:s19+$0x16000]  }
0xa3d: {  	v7 =	vld [tilespmem:s19+$0x16010]  }
0xa3e: {  	v8 =	vld [tilespmem:s19+$0x16020]  }
0xa3f: {  	v12 =	vld [tilespmem:s19+$0x16030]  }
0xa40: {  	v13 =	vld [tilespmem:s19+$0x16040]  }
0xa41: {  	v14 =	vld [tilespmem:s19+$0x16050]  }
0xa42: {  	v9 =	vld [tilespmem:s19+$0x16060]  }
0xa43: {  	v15 =	vld.idx.msk [tilespmem:v5+s18+$0x0], $0xffff  }
0xa44: {  	v11 =	vld.idx.msk [tilespmem:v6+s18+$0x0], $0xffff  }
0xa45: {  	v10 =	vld.idx.msk [tilespmem:v7+s18+$0x0], $0xffff  }
0xa46: {  	v8 =	vld.idx.msk [tilespmem:v8+s18+$0x0], $0xffff  }
0xa47: {  	v7 =	vld.idx.msk [tilespmem:v12+s18+$0x0], $0xffff  }
0xa48: {  	v6 =	vld.idx.msk [tilespmem:v13+s18+$0x0], $0xffff  }
0xa49: {  	s20 =	simm.s32 $0x0;
	s21 =	simm.s32 $0x200;
	v5 =	vld.idx.msk [tilespmem:v14+s18+$0x0], $0xffff;
	v12 =	vshrl.u32 v15, $0x14  }
.LBB2_127:
0xa4a: {  	s22 =	sshra.s32 s21, $0x2;
	s20 =	sadd.s32 $0x8, s20;
	v11 =	vshrl.u32 v11, $0x14;
	v9 =	vld.idx.msk [tilespmem:v9+s18+$0x0], $0xffff;
	v12 =	vand.u32 $0xFF0, v12  }
0xa4b: {  	v10 =	vshrl.u32 v10, $0x14;
	v13 =	vld [tilespmem:s22+$0x16070];
	p0 =	slt.u32 s20, $0x1F8;
	v11 =	vand.u32 $0xFF0, v11;
	v12 =	vor.u32 v1, v12  }
0xa4c: {  	v10 =	vand.u32 $0xFF0, v10;
	v8 =	vshrl.u32 v8, $0x14;
	v14 =	vld [tilespmem:s22+$0x16000];
	v11 =	vor.u32 v1, v11;
	[tilespmem:s19+$0x19070] =	vst v12  }
0xa4d: {  	v10 =	vor.u32 v1, v10;
	v8 =	vand.u32 $0xFF0, v8;
	v7 =	vshrl.u32 v7, $0x14;
	v12 =	vld [tilespmem:s22+$0x16010];
	[tilespmem:s19+$0x19000] =	vst v11  }
0xa4e: {  	v8 =	vor.u32 v1, v8;
	v7 =	vand.u32 $0xFF0, v7;
	v6 =	vshrl.u32 v6, $0x14;
	v15 =	vld [tilespmem:s22+$0x16020];
	[tilespmem:s19+$0x19010] =	vst v10  }
0xa4f: {  	v7 =	vor.u32 v1, v7;
	v6 =	vand.u32 $0xFF0, v6;
	v5 =	vshrl.u32 v5, $0x14;
	v16 =	vld [tilespmem:s22+$0x16030];
	[tilespmem:s19+$0x19020] =	vst v8  }
0xa50: {  	v6 =	vor.u32 v1, v6;
	v5 =	vand.u32 $0xFF0, v5;
	v17 =	vld [tilespmem:s22+$0x16040];
	[tilespmem:s19+$0x19030] =	vst v7;
	v7 =	vshrl.u32 v9, $0x14  }
0xa51: {  	v5 =	vor.u32 v1, v5;
	v18 =	vld [tilespmem:s22+$0x16050];
	[tilespmem:s19+$0x19040] =	vst v6;
	v6 =	vand.u32 $0xFF0, v7  }
0xa52: {  	v9 =	vld [tilespmem:s22+$0x16060];
	[tilespmem:s19+$0x19050] =	vst v5;
	v5 =	vor.u32 v1, v6  }
0xa53: {  	v13 =	vld.idx.msk [tilespmem:v13+s18+$0x0], $0xffff;
	[tilespmem:s19+$0x19060] =	vst v5;
	s19 =	smov.u32 s22  }
0xa54: {  	v11 =	vld.idx.msk [tilespmem:v14+s18+$0x0], $0xffff  }
.Ltmp66:
0xa55: {  	v10 =	vld.idx.msk [tilespmem:v12+s18+$0x0], $0xffff;
	(pc) =	sbr.rel @p0 .LBB2_127-.Ltmp66, $4  }
0xa56: {  	v8 =	vld.idx.msk [tilespmem:v15+s18+$0x0], $0xffff  }
0xa57: {  	v7 =	vld.idx.msk [tilespmem:v16+s18+$0x0], $0xffff  }
0xa58: {  	v6 =	vld.idx.msk [tilespmem:v17+s18+$0x0], $0xffff  }
0xa59: {  	s21 =	sadd.s32 $0x200, s21;
	v12 =	vshrl.u32 v13, $0x14;
	v5 =	vld.idx.msk [tilespmem:v18+s18+$0x0], $0xffff  }
0xa5a: {  	_ =	sdelay $0x2  }
0xa5b: {  	v11 =	vshrl.u32 v11, $0x14;
	v12 =	vand.u32 $0xFF0, v12  }
0xa5c: {  	v9 =	vld.idx.msk [tilespmem:v9+s18+$0x0], $0xffff;
	v10 =	vshrl.u32 v10, $0x14;
	v11 =	vand.u32 $0xFF0, v11;
	v12 =	vor.u32 v1, v12  }
0xa5d: {  	v10 =	vand.u32 $0xFF0, v10;
	v8 =	vshrl.u32 v8, $0x14;
	v11 =	vor.u32 v1, v11;
	[tilespmem:s19+$0x19070] =	vst v12  }
0xa5e: {  	v10 =	vor.u32 v1, v10;
	v8 =	vand.u32 $0xFF0, v8;
	v7 =	vshrl.u32 v7, $0x14;
	[tilespmem:s19+$0x19000] =	vst v11  }
0xa5f: {  	[tilespmem:s19+$0x19010] =	vst v10;
	v8 =	vor.u32 v1, v8;
	v7 =	vand.u32 $0xFF0, v7;
	v6 =	vshrl.u32 v6, $0x14  }
0xa60: {  	[tilespmem:s19+$0x19020] =	vst v8;
	v7 =	vor.u32 v1, v7;
	v6 =	vand.u32 $0xFF0, v6;
	v5 =	vshrl.u32 v5, $0x14  }
0xa61: {  	[tilespmem:s19+$0x19030] =	vst v7;
	v6 =	vor.u32 v1, v6;
	v5 =	vand.u32 $0xFF0, v5;
	v7 =	vshrl.u32 v9, $0x14  }
0xa62: {  	[tilespmem:s19+$0x19040] =	vst v6;
	v5 =	vor.u32 v1, v5;
	v6 =	vand.u32 $0xFF0, v7  }
0xa63: {  	[tilespmem:s19+$0x19050] =	vst v5;
	v5 =	vor.u32 v1, v6  }
0xa64: {  	[tilespmem:s19+$0x19060] =	vst v5  }
.LBB2_129:
0xa65: {  	s19 =	sshra.s32 s18, $0x2  }
0xa66: {  	v5 =	vld [tilespmem:s19+$0x19000];
	_ =	sdelay $0x7  }
0xa67: {  	v6 =	vld.idx.msk [tilespmem:v5+s11+$0x0], $0xffff  }
0xa68: {  	[tilespmem:v5+s11+$0x0] =	vst.idx.add.s32.msk $0xffff, v2  }
0xa69: {  	v5 =	vld [tilespmem:s19+$0x19010];
	_ =	sdelay $0x6  }
0xa6a: {  	[tilespmem:s19+$0x19000] =	vst v6  }
0xa6b: {  	v6 =	vld.idx.msk [tilespmem:v5+s11+$0x0], $0xffff  }
0xa6c: {  	[tilespmem:v5+s11+$0x0] =	vst.idx.add.s32.msk $0xffff, v2  }
0xa6d: {  	v5 =	vld [tilespmem:s19+$0x19020];
	_ =	sdelay $0x6  }
0xa6e: {  	[tilespmem:s19+$0x19010] =	vst v6  }
0xa6f: {  	v6 =	vld.idx.msk [tilespmem:v5+s11+$0x0], $0xffff  }
0xa70: {  	[tilespmem:v5+s11+$0x0] =	vst.idx.add.s32.msk $0xffff, v2  }
0xa71: {  	v5 =	vld [tilespmem:s19+$0x19030];
	_ =	sdelay $0x6  }
0xa72: {  	[tilespmem:s19+$0x19020] =	vst v6  }
0xa73: {  	v6 =	vld.idx.msk [tilespmem:v5+s11+$0x0], $0xffff  }
0xa74: {  	[tilespmem:v5+s11+$0x0] =	vst.idx.add.s32.msk $0xffff, v2  }
0xa75: {  	v5 =	vld [tilespmem:s19+$0x19040];
	_ =	sdelay $0x6  }
0xa76: {  	[tilespmem:s19+$0x19030] =	vst v6  }
0xa77: {  	v6 =	vld.idx.msk [tilespmem:v5+s11+$0x0], $0xffff  }
0xa78: {  	[tilespmem:v5+s11+$0x0] =	vst.idx.add.s32.msk $0xffff, v2  }
0xa79: {  	v5 =	vld [tilespmem:s19+$0x19050];
	_ =	sdelay $0x6  }
0xa7a: {  	[tilespmem:s19+$0x19040] =	vst v6  }
0xa7b: {  	v6 =	vld.idx.msk [tilespmem:v5+s11+$0x0], $0xffff  }
0xa7c: {  	[tilespmem:v5+s11+$0x0] =	vst.idx.add.s32.msk $0xffff, v2  }
0xa7d: {  	v5 =	vld [tilespmem:s19+$0x19060];
	_ =	sdelay $0x6  }
0xa7e: {  	[tilespmem:s19+$0x19050] =	vst v6  }
0xa7f: {  	v6 =	vld.idx.msk [tilespmem:v5+s11+$0x0], $0xffff  }
0xa80: {  	[tilespmem:v5+s11+$0x0] =	vst.idx.add.s32.msk $0xffff, v2  }
0xa81: {  	v5 =	vld [tilespmem:s19+$0x19070];
	_ =	sdelay $0x6  }
0xa82: {  	[tilespmem:s19+$0x19060] =	vst v6  }
0xa83: {  	p0 =	sne.s32 s18, $0x7E00;
	v6 =	vld.idx.msk [tilespmem:v5+s11+$0x0], $0xffff  }
.Ltmp67:
0xa84: {  	_ = 	snop;
	(pc) =	sbr.rel @p0 .LBB2_129-.Ltmp67, $3  }
0xa85: {  	_ =	sdelay $0x1  }
0xa86: {  	[tilespmem:v5+s11+$0x0] =	vst.idx.add.s32.msk $0xffff, v2  }
0xa87: {  	s18 =	sadd.s32 $0x200, s18;
	[tilespmem:s19+$0x19070] =	vst v6  }
0xa88: {  	s18 =	simm.s32 $0x0  }
0xa89: {  	v12 =	vld [tilespmem:s18+$0x19070]  }
0xa8a: {  	v14 =	vld [tilespmem:s18+$0x19000]  }
0xa8b: {  	v8 =	vld [tilespmem:s18+$0x19010]  }
0xa8c: {  	v16 =	vld [tilespmem:s18+$0x16070]  }
0xa8d: {  	v9 =	vld [tilespmem:s18+$0x19020]  }
0xa8e: {  	v10 =	vld [tilespmem:s18+$0x19030]  }
0xa8f: {  	v7 =	vld [tilespmem:s18+$0x19040]  }
0xa90: {  	v6 =	vld [tilespmem:s18+$0x19050]  }
0xa91: {  	v5 =	vld [tilespmem:s18+$0x19060]  }
0xa92: {  	v17 =	vld [tilespmem:s18+$0x16000]  }
0xa93: {  	v15 =	vld [tilespmem:s18+$0x16010]  }
0xa94: {  	v13 =	vld [tilespmem:s18+$0x16020]  }
0xa95: {  	v11 =	vld [tilespmem:s18+$0x16030]  }
0xa96: {  	[tilespmem:v12+s13+$0x0] =	vst.idx.msk $0xffff, v16;
	v12 =	vld [tilespmem:s18+$0x16040]  }
0xa97: {  	s19 =	simm.s32 $0x0;
	s20 =	simm.s32 $0x200;
	[tilespmem:v14+s13+$0x0] =	vst.idx.msk $0xffff, v17;
	v14 =	vld [tilespmem:s18+$0x16050]  }
.LBB2_131:
0xa98: {  	s19 =	sadd.s32 $0x8, s19;
	[tilespmem:v8+s13+$0x0] =	vst.idx.msk $0xffff, v15;
	v15 =	vld [tilespmem:s18+$0x16060];
	s18 =	sshra.s32 s20, $0x2  }
0xa99: {  	v16 =	vld [tilespmem:s18+$0x19070];
	p0 =	slt.u32 s19, $0x1F8;
	[tilespmem:v9+s13+$0x0] =	vst.idx.msk $0xffff, v13  }
0xa9a: {  	v17 =	vld [tilespmem:s18+$0x19000];
	[tilespmem:v10+s13+$0x0] =	vst.idx.msk $0xffff, v11  }
0xa9b: {  	v8 =	vld [tilespmem:s18+$0x19010];
	[tilespmem:v7+s13+$0x0] =	vst.idx.msk $0xffff, v12  }
0xa9c: {  	v11 =	vld [tilespmem:s18+$0x16070];
	[tilespmem:v6+s13+$0x0] =	vst.idx.msk $0xffff, v14  }
0xa9d: {  	v9 =	vld [tilespmem:s18+$0x19020];
	[tilespmem:v5+s13+$0x0] =	vst.idx.msk $0xffff, v15  }
0xa9e: {  	v10 =	vld [tilespmem:s18+$0x19030]  }
0xa9f: {  	v7 =	vld [tilespmem:s18+$0x19040]  }
0xaa0: {  	v6 =	vld [tilespmem:s18+$0x19050]  }
0xaa1: {  	v5 =	vld [tilespmem:s18+$0x19060];
	[tilespmem:v16+s13+$0x0] =	vst.idx.msk $0xffff, v11  }
0xaa2: {  	v14 =	vld [tilespmem:s18+$0x16000]  }
.Ltmp68:
0xaa3: {  	v15 =	vld [tilespmem:s18+$0x16010];
	(pc) =	sbr.rel @p0 .LBB2_131-.Ltmp68, $4  }
0xaa4: {  	v13 =	vld [tilespmem:s18+$0x16020]  }
0xaa5: {  	v11 =	vld [tilespmem:s18+$0x16030]  }
0xaa6: {  	v12 =	vld [tilespmem:s18+$0x16040]  }
0xaa7: {  	s20 =	sadd.s32 $0x200, s20;
	[tilespmem:v17+s13+$0x0] =	vst.idx.msk $0xffff, v14;
	v14 =	vld [tilespmem:s18+$0x16050]  }
0xaa8: {  	_ =	sdelay $0x3  }
0xaa9: {  	[tilespmem:v8+s13+$0x0] =	vst.idx.msk $0xffff, v15;
	v8 =	vld [tilespmem:s18+$0x16060]  }
0xaaa: {  	[tilespmem:v9+s13+$0x0] =	vst.idx.msk $0xffff, v13  }
0xaab: {  	[tilespmem:v10+s13+$0x0] =	vst.idx.msk $0xffff, v11  }
0xaac: {  	[tilespmem:v7+s13+$0x0] =	vst.idx.msk $0xffff, v12  }
0xaad: {  	[tilespmem:v6+s13+$0x0] =	vst.idx.msk $0xffff, v14  }
0xaae: {  	s30 =	sadd.s32 s2, s17;
	s31 =	simm.s32 $0x8040;
	[tilespmem:v5+s13+$0x0] =	vst.idx.msk $0xffff, v8  }
0xaaf: {  	[hbm4b:s30+s8] =	stream.strided.scatter [tilespmem:s13], [sflag:$0x1], $0x8000, s9, s8, $0x38;
	[tilespmem:$0x1F000] =	vst v63  }
0xab0: {  	v5 =	vld [tilespmem:s31+$0x30]  }
0xab1: {  	v6 =	vld [tilespmem:s31+$0xFFFFFFD0]  }
0xab2: {  	v7 =	vld [tilespmem:s31+$0xFFFFFFE0]  }
0xab3: {  	v8 =	vld [tilespmem:s31+$0xFFFFFFF0]  }
0xab4: {  	v9 =	vld [tilespmem:s31+$0x0]  }
0xab5: {  	v10 =	vld [tilespmem:s31+$0x10]  }
0xab6: {  	v11 =	vld [tilespmem:s31+$0x20]  }
0xab7: {  	s19 =	simm.s32 $0x80C0;
	v12 =	vld [tilespmem:s31+$0xFFFFFFC0]  }
0xab8: {  	v16 =	vld [tilespmem:s19+$0xFFFFFFE0]  }
0xab9: {  	v17 =	vld [tilespmem:s19+$0xFFFFFFF0]  }
0xaba: {  	v18 =	vld [tilespmem:s19+$0x0]  }
0xabb: {  	v19 =	vld [tilespmem:s19+$0x10]  }
0xabc: {  	v5 =	vld.idx.msk [tilespmem:v5+s3+$0x0], $0xffff  }
0xabd: {  	v6 =	vld.idx.msk [tilespmem:v6+s3+$0x0], $0xffff  }
0xabe: {  	v13 =	vld.idx.msk [tilespmem:v10+s3+$0x0], $0xffff  }
0xabf: {  	v15 =	vld.idx.msk [tilespmem:v12+s3+$0x0], $0xffff  }
0xac0: {  	v10 =	vld [tilespmem:s19+$0x30]  }
0xac1: {  	v12 =	vld [tilespmem:s19+$0xFFFFFFD0]  }
0xac2: {  	v7 =	vld.idx.msk [tilespmem:v7+s3+$0x0], $0xffff  }
0xac3: {  	v8 =	vld.idx.msk [tilespmem:v8+s3+$0x0], $0xffff  }
0xac4: {  	v9 =	vld.idx.msk [tilespmem:v9+s3+$0x0], $0xffff  }
0xac5: {  	v20 =	vld [tilespmem:s19+$0x20];
	vm0 =	vgt.s32 v5, $0xFFFFFFFF  }
0xac6: {  	v14 =	vld.idx.msk [tilespmem:v11+s3+$0x0], $0xffff;
	vm1 =	vgt.s32 v6, $0xFFFFFFFF;
	v11 =	vsel vm0, $0xFFFFFFFF, v4  }
0xac7: {  	s18 =	simm.s32 $0x10040;
	v22 =	vld [tilespmem:s19+$0xFFFFFFC0];
	v21 =	vsel vm1, $0xFFFFFFFF, v4;
	vm0 =	vgt.s32 v7, $0xFFFFFFFF;
	v5 =	vxor.u32 v5, v11  }
0xac8: {  	v6 =	vxor.u32 v6, v21;
	[tilespmem:s18+$0x30] =	vst v5;
	v5 =	vsel vm0, $0xFFFFFFFF, v4;
	vm0 =	vgt.s32 v8, $0xFFFFFFFF;
	v11 =	vld.idx.msk [tilespmem:v10+s3+$0x0], $0xffff  }
0xac9: {  	[tilespmem:s18+$0xFFFFFFD0] =	vst v6;
	v12 =	vld.idx.msk [tilespmem:v12+s3+$0x0], $0xffff;
	v5 =	vxor.u32 v7, v5;
	v6 =	vsel vm0, $0xFFFFFFFF, v4;
	vm0 =	vgt.s32 v9, $0xFFFFFFFF  }
0xaca: {  	v10 =	vld.idx.msk [tilespmem:v16+s3+$0x0], $0xffff;
	[tilespmem:s18+$0xFFFFFFE0] =	vst v5;
	v5 =	vxor.u32 v8, v6;
	v6 =	vsel vm0, $0xFFFFFFFF, v4;
	vm0 =	vgt.s32 v13, $0xFFFFFFFF  }
0xacb: {  	v7 =	vld.idx.msk [tilespmem:v19+s3+$0x0], $0xffff;
	[tilespmem:s18+$0xFFFFFFF0] =	vst v5;
	v5 =	vxor.u32 v9, v6;
	v6 =	vsel vm0, $0xFFFFFFFF, v4;
	vm0 =	vgt.s32 v14, $0xFFFFFFFF  }
0xacc: {  	vm1 =	vgt.s32 v15, $0xFFFFFFFF;
	v9 =	vld.idx.msk [tilespmem:v17+s3+$0x0], $0xffff;
	[tilespmem:s18+$0x0] =	vst v5;
	v5 =	vxor.u32 v13, v6;
	v6 =	vsel vm0, $0xFFFFFFFF, v4  }
0xacd: {  	v8 =	vld.idx.msk [tilespmem:v18+s3+$0x0], $0xffff;
	[tilespmem:s18+$0x10] =	vst v5;
	v5 =	vsel vm1, $0xFFFFFFFF, v4;
	v6 =	vxor.u32 v14, v6  }
0xace: {  	vm1 =	vgt.s32 v11, $0xFFFFFFFF;
	v13 =	vxor.u32 v15, v5;
	[tilespmem:s18+$0x20] =	vst v6;
	v5 =	vld.idx.msk [tilespmem:v20+s3+$0x0], $0xffff  }
0xacf: {  	s20 =	simm.s32 $0x8140;
	s19 =	simm.s32 $0x8;
	vm0 =	vgt.s32 v12, $0xFFFFFFFF;
	v6 =	vld.idx.msk [tilespmem:v22+s3+$0x0], $0xffff;
	[tilespmem:s18+$0xFFFFFFC0] =	vst v13;
	v13 =	vsel vm1, $0xFFFFFFFF, v4  }
.LBB2_133:
0xad0: {  	v14 =	vld [tilespmem:s20+$0x30];
	s19 =	sadd.s32 $0x8, s19;
	v15 =	vsel vm0, $0xFFFFFFFF, v4;
	vm0 =	vgt.s32 v10, $0xFFFFFFFF;
	v11 =	vxor.u32 v11, v13;
	s18 =	sadd.s32 $0x80, s18  }
0xad1: {  	v13 =	vld [tilespmem:s20+$0xFFFFFFD0];
	p0 =	slt.u32 s19, $0x7F8;
	v12 =	vxor.u32 v12, v15;
	v15 =	vsel vm0, $0xFFFFFFFF, v4;
	vm0 =	vgt.s32 v9, $0xFFFFFFFF;
	[tilespmem:s18+$0x30] =	vst v11  }
0xad2: {  	v16 =	vld [tilespmem:s20+$0xFFFFFFE0];
	[tilespmem:s18+$0xFFFFFFD0] =	vst v12;
	v10 =	vxor.u32 v10, v15;
	v11 =	vsel vm0, $0xFFFFFFFF, v4;
	vm0 =	vgt.s32 v8, $0xFFFFFFFF  }
0xad3: {  	v15 =	vld [tilespmem:s20+$0xFFFFFFF0];
	[tilespmem:s18+$0xFFFFFFE0] =	vst v10;
	v9 =	vxor.u32 v9, v11;
	v10 =	vsel vm0, $0xFFFFFFFF, v4;
	vm0 =	vgt.s32 v7, $0xFFFFFFFF  }
0xad4: {  	v17 =	vld [tilespmem:s20+$0x0];
	[tilespmem:s18+$0xFFFFFFF0] =	vst v9;
	v8 =	vxor.u32 v8, v10;
	v9 =	vsel vm0, $0xFFFFFFFF, v4;
	vm0 =	vgt.s32 v5, $0xFFFFFFFF  }
0xad5: {  	vm1 =	vgt.s32 v6, $0xFFFFFFFF;
	v18 =	vld [tilespmem:s20+$0x10];
	[tilespmem:s18+$0x0] =	vst v8;
	v7 =	vxor.u32 v7, v9;
	v8 =	vsel vm0, $0xFFFFFFFF, v4  }
0xad6: {  	v9 =	vsel vm1, $0xFFFFFFFF, v4;
	v19 =	vld [tilespmem:s20+$0x20];
	[tilespmem:s18+$0x10] =	vst v7;
	v5 =	vxor.u32 v5, v8  }
0xad7: {  	v6 =	vxor.u32 v6, v9;
	v20 =	vld [tilespmem:s20+$0xFFFFFFC0];
	[tilespmem:s18+$0x20] =	vst v5  }
0xad8: {  	v11 =	vld.idx.msk [tilespmem:v14+s3+$0x0], $0xffff;
	[tilespmem:s18+$0xFFFFFFC0] =	vst v6  }
0xad9: {  	v12 =	vld.idx.msk [tilespmem:v13+s3+$0x0], $0xffff  }
0xada: {  	v10 =	vld.idx.msk [tilespmem:v16+s3+$0x0], $0xffff  }
.Ltmp69:
0xadb: {  	v9 =	vld.idx.msk [tilespmem:v15+s3+$0x0], $0xffff;
	(pc) =	sbr.rel @p0 .LBB2_133-.Ltmp69, $4  }
0xadc: {  	v8 =	vld.idx.msk [tilespmem:v17+s3+$0x0], $0xffff  }
0xadd: {  	v7 =	vld.idx.msk [tilespmem:v18+s3+$0x0], $0xffff  }
0xade: {  	vm1 =	vgt.s32 v11, $0xFFFFFFFF;
	v5 =	vld.idx.msk [tilespmem:v19+s3+$0x0], $0xffff  }
0xadf: {  	s20 =	sadd.s32 $0x80, s20;
	vm0 =	vgt.s32 v12, $0xFFFFFFFF;
	v13 =	vsel vm1, $0xFFFFFFFF, v4;
	v6 =	vld.idx.msk [tilespmem:v20+s3+$0x0], $0xffff  }
0xae0: {  	v14 =	vsel vm0, $0xFFFFFFFF, v4;
	vm11 =	vgt.s32 v10, $0xFFFFFFFF;
	v11 =	vxor.u32 v11, v13;
	s18 =	sadd.s32 $0x80, s18  }
0xae1: {  	vm12 =	vgt.s32 v9, $0xFFFFFFFF;
	v12 =	vxor.u32 v12, v14;
	v55 =	vsel vm11, $0xFFFFFFFF, v4;
	[tilespmem:s18+$0x30] =	vst v11  }
0xae2: {  	v57 =	vsel vm12, $0xFFFFFFFF, v4;
	vm13 =	vgt.s32 v8, $0xFFFFFFFF;
	[tilespmem:s18+$0xFFFFFFD0] =	vst v12;
	v56 =	vxor.u32 v10, v55  }
0xae3: {  	v58 =	vxor.u32 v9, v57;
	v59 =	vsel vm13, $0xFFFFFFFF, v4;
	vm14 =	vgt.s32 v7, $0xFFFFFFFF;
	[tilespmem:s18+$0xFFFFFFE0] =	vst v56  }
0xae4: {  	[tilespmem:s18+$0xFFFFFFF0] =	vst v58;
	v60 =	vxor.u32 v8, v59;
	v61 =	vsel vm14, $0xFFFFFFFF, v4;
	vm15 =	vgt.s32 v5, $0xFFFFFFFF  }
0xae5: {  	vm1 =	vgt.s32 v6, $0xFFFFFFFF;
	[tilespmem:s18+$0x0] =	vst v60;
	v7 =	vxor.u32 v7, v61;
	v62 =	vsel vm15, $0xFFFFFFFF, v4  }
0xae6: {  	v63 =	vsel vm1, $0xFFFFFFFF, v4;
	[tilespmem:s18+$0x10] =	vst v7;
	v5 =	vxor.u32 v5, v62  }
0xae7: {  	v6 =	vxor.u32 v6, v63;
	[tilespmem:s18+$0x20] =	vst v5  }
0xae8: {  	[tilespmem:s18+$0xFFFFFFC0] =	vst v6  }
0xae9: {  	_ =	swait.ge [sflag:s14], $0x8000  }
0xaea: {  	s16 =	sadd.s32 $0x1, s16;
	[sflag:s14] =	ssyncset.done $0x0  }
0xaeb: {  	s17 =	sadd.s32 s5, s17;
	p0 =	sne.s32 s16, $0x4;
	[sflag:s14] =	ssyncadd.s32 $0xFFFF8000  }
0xaec: {  	[hbm4b:s17+s8] =	stream.strided.scatter [tilespmem:s12], [sflag:$0x2], $0x8000, s9, s8, $0x38;
	[tilespmem:$0x1F000] =	vst v63  }
.Ltmp70:
0xaed: {  	_ = 	snop;
	(pc) =	sbr.rel @p0 .LBB2_2-.Ltmp70, $4  }
.Ltmp71:
0xaee: {  	_ = 	snop;
	(pc) =	sbr.rel @!p0 .LBB2_135-.Ltmp71, $4  }
0xaef: {  	_ =	swait.ge [sflag:s10], $0x8000  }
0xaf0: {  	[sflag:s10] =	ssyncset.done $0x0  }
0xaf1: {  	[sflag:s10] =	ssyncadd.s32 $0xFFFF8000  }
0xaf2: {  	_ = 	snop  }
.LBB2_13:
.Ltmp72:
0xaf3: {  	(pc) =	sbr.rel .LBB2_20-.Ltmp72, $2  }
0xaf4: {  	_ =	sdelay $0x2  }
0xaf5: {  	s22 =	simm.s32 $0x0;
	s21 =	simm.s32 $0x19040;
	p2 =	por $0x0, $0x0  }
.LBB2_21:
.Ltmp73:
0xaf6: {  	(pc) =	sbr.rel .LBB2_26-.Ltmp73, $2  }
0xaf7: {  	_ =	sdelay $0x2  }
0xaf8: {  	_ = 	snop  }
.LBB2_29:
.Ltmp74:
0xaf9: {  	(pc) =	sbr.rel .LBB2_34-.Ltmp74, $2  }
0xafa: {  	_ =	sdelay $0x2  }
0xafb: {  	s20 =	simm.s32 $0x19040;
	p1 =	por $0x0, $0x0  }
.LBB2_35:
.Ltmp75:
0xafc: {  	(pc) =	sbr.rel .LBB2_40-.Ltmp75, $2  }
0xafd: {  	_ =	sdelay $0x2  }
0xafe: {  	_ = 	snop  }
.LBB2_49:
.Ltmp76:
0xaff: {  	(pc) =	sbr.rel .LBB2_58-.Ltmp76, $2  }
0xb00: {  	_ =	sdelay $0x2  }
0xb01: {  	s19 =	smov.u32 s18  }
.LBB2_63:
.Ltmp77:
0xb02: {  	(pc) =	sbr.rel .LBB2_68-.Ltmp77, $2  }
0xb03: {  	_ =	sdelay $0x2  }
0xb04: {  	_ = 	snop  }
.LBB2_83:
.Ltmp78:
0xb05: {  	(pc) =	sbr.rel .LBB2_92-.Ltmp78, $2  }
0xb06: {  	_ =	sdelay $0x2  }
0xb07: {  	s19 =	smov.u32 s18  }
.LBB2_97:
.Ltmp79:
0xb08: {  	(pc) =	sbr.rel .LBB2_102-.Ltmp79, $2  }
0xb09: {  	_ =	sdelay $0x2  }
0xb0a: {  	_ = 	snop  }
.LBB2_15:
.Ltmp80:
0xb0b: {  	(pc) =	sbr.rel .LBB2_20-.Ltmp80, $2  }
0xb0c: {  	_ =	sdelay $0x2  }
0xb0d: {  	v18 =	vmov v7;
	v7 =	vmov v11;
	s21 =	simm.s32 $0x19040;
	p2 =	por $0x0, $0x0  }
.LBB2_23:
.Ltmp81:
0xb0e: {  	(pc) =	sbr.rel .LBB2_26-.Ltmp81, $2  }
0xb0f: {  	_ =	sdelay $0x2  }
0xb10: {  	s19 =	simm.s32 $0x0;
	s18 =	simm.s32 $0x80  }
.LBB2_31:
.Ltmp82:
0xb11: {  	(pc) =	sbr.rel .LBB2_34-.Ltmp82, $2  }
0xb12: {  	_ =	sdelay $0x2  }
0xb13: {  	s20 =	simm.s32 $0x19040;
	v16 =	vmov v9;
	v15 =	vmov v11;
	v14 =	vmov v12  }
.LBB2_37:
.Ltmp83:
0xb14: {  	(pc) =	sbr.rel .LBB2_40-.Ltmp83, $2  }
0xb15: {  	_ =	sdelay $0x2  }
0xb16: {  	s19 =	smov.u32 s18;
	s18 =	smov.u32 s21  }
.LBB2_51:
.Ltmp84:
0xb17: {  	(pc) =	sbr.rel .LBB2_58-.Ltmp84, $2  }
0xb18: {  	_ =	sdelay $0x2  }
0xb19: {  	s19 =	smov.u32 s18  }
.LBB2_65:
.Ltmp85:
0xb1a: {  	(pc) =	sbr.rel .LBB2_68-.Ltmp85, $2  }
0xb1b: {  	_ =	sdelay $0x2  }
0xb1c: {  	s19 =	simm.s32 $0x0;
	s18 =	simm.s32 $0x80  }
.LBB2_85:
.Ltmp86:
0xb1d: {  	(pc) =	sbr.rel .LBB2_92-.Ltmp86, $2  }
0xb1e: {  	_ =	sdelay $0x2  }
0xb1f: {  	s19 =	smov.u32 s18  }
.LBB2_99:
.Ltmp87:
0xb20: {  	(pc) =	sbr.rel .LBB2_102-.Ltmp87, $2  }
0xb21: {  	_ =	sdelay $0x2  }
0xb22: {  	s19 =	simm.s32 $0x0;
	s18 =	simm.s32 $0x80  }
.LBB2_17:
.Ltmp88:
0xb23: {  	(pc) =	sbr.rel .LBB2_20-.Ltmp88, $2  }
0xb24: {  	_ =	sdelay $0x2  }
0xb25: {  	s22 =	simm.s32 $0x10;
	v18 =	vmov v11;
	s21 =	simm.s32 $0x19040  }
.LBB2_53:
.Ltmp89:
0xb26: {  	(pc) =	sbr.rel .LBB2_58-.Ltmp89, $2  }
0xb27: {  	_ =	sdelay $0x2  }
0xb28: {  	s19 =	smov.u32 s18  }
.LBB2_87:
.Ltmp90:
0xb29: {  	(pc) =	sbr.rel .LBB2_92-.Ltmp90, $2  }
0xb2a: {  	_ =	sdelay $0x2  }
0xb2b: {  	s19 =	smov.u32 s18  }
.LBB2_55:
.Ltmp91:
0xb2c: {  	(pc) =	sbr.rel .LBB2_58-.Ltmp91, $2  }
0xb2d: {  	_ =	sdelay $0x2  }
0xb2e: {  	s19 =	smov.u32 s18  }
.LBB2_89:
.Ltmp92:
0xb2f: {  	(pc) =	sbr.rel .LBB2_92-.Ltmp92, $2  }
0xb30: {  	_ =	sdelay $0x2  }
0xb31: {  	s19 =	smov.u32 s18  }
.LBB2_136:
0xb32: {  	_ =	sfence.sel $0x180000  }
0xb33: {  	[bflag:$0x0] =	sbarrier.arrive $0xFFFF  }
0xb34: {  	p0 =	sne.s32 s4, $0x0;
	_ =	strace $0x90000047  }
0xb35: {  	s0 =	sadd.s32 @!p0 $0x100000, s0;
	[bflag:$0x2] =	sbarrier.arrive $0xFFFF  }
0xb36: {  	[sflag:s0] =	ssyncadd.tile.s32 @!p0 $0x1;
	_ =	shalt  }
.Lfunc_end2:
_tile_overlayer_lowered:
.L_overlay_start_2:
0xb37: {  	(tag) =	ssettag $0x2  }
0xb38: {  	s0 =	rddreg [dreg:$0x0];
	s2 =	stileid.u32  }
0xb39: {  	s1 =	rddreg [dreg:$0x1];
	p0 =	sne.s32 s2, $0x0  }
0xb3a: {  	s3 =	rddreg [dreg:$0x2];
	[bflag:$0x3] =	sbarrier.arrive $0xFFFF;
	s2 =	simm.s32 @!p0 $0x1C02  }
0xb3b: {  	[timem:s3], [sflag:s2] =	dma.local @!p0 [hbm:s0], s1  }
0xb3c: {  	s0 =	simm.s32 @!p0 $0x2  }
0xb3d: {  	_ =	swait.ge @!p0 [sflag:s0], s1  }
0xb3e: {  	s1 =	ssub.s32 @!p0 $0x0, s1;
	[sflag:s0] =	ssyncset.done @!p0 $0x0  }
0xb3f: {  	[sflag:s0] =	ssyncadd.s32 @!p0 s1  }
0xb40: {  	[bflag:$0x3] =	sbarrier.arrive $0xFFFF  }
0xb41: {  	_ =	shalt  }

</sc_bundles>
